<compile_context>
chip_gen: v7x
topology: tpu7x:2x2x1
jax: 0.10.2.dev20260603
libtpu: 0.0.44.dev20260713+nightly
codegen_flags: <defaults>
</compile_context>

<pallas_src>
import functools

import jax
import jax.numpy as jnp
from jax import lax
from jax.experimental import pallas as pl
from jax.experimental.pallas import tpu as pltpu
from jax.experimental.pallas import tpu_sc as plsc

N_USERS = 4000
N_ITEMS = 6000
N = N_USERS + N_ITEMS
D = 128
E = 320000
N_LAYERS = 3

NC = 2
NS = 16
NW = NC * NS
CHUNK = 128
CHUNKS_PW = 80
E_PAD = NW * CHUNK * CHUNKS_PW
N_PAD = 10240
RPT = N_PAD // NS
NBUF = 2


def _sc_mesh():
    return plsc.VectorSubcoreMesh(core_axis_name="c", subcore_axis_name="s")


def _deg_body(edges_hbm, out_hbm, dsrc_sh, ddst_sh, ibuf, ones_v,
              sa0, sa1, sa2, sa3, sb0, sb1, sb2, sb3, isem):
    c = lax.axis_index("c")
    s = lax.axis_index("s")
    wid = c * NS + s
    sa = (sa0, sa1, sa2, sa3)
    sb = (sb0, sb1, sb2, sb3)

    idesc = pltpu.async_copy(edges_hbm.at[:, wid], ibuf, isem)

    def _zfill(i, _):
        ones_v[pl.ds(i * 16, 16)] = jnp.zeros((16,), jnp.float32)
        return 0
    lax.fori_loop(0, CHUNK // 16, _zfill, 0)
    for off in range(0, RPT, CHUNK):
        w = min(CHUNK, RPT - off)
        pltpu.sync_copy(ones_v.at[pl.ds(0, w)],
                        dsrc_sh.at[pl.ds(s * RPT + off, w)])
        pltpu.sync_copy(ones_v.at[pl.ds(0, w)],
                        ddst_sh.at[pl.ds(s * RPT + off, w)])

    def _fill(i, _):
        ones_v[pl.ds(i * 16, 16)] = jnp.ones((16,), jnp.float32)
        return 0
    lax.fori_loop(0, CHUNK // 16, _fill, 0)
    idesc.wait()
    plsc.subcore_barrier()

    def _quad(t, _):
        for kk in range(4):
            j = 4 * t + kk

            def _wait_prev():
                pltpu.make_async_copy(ones_v, dsrc_sh.at[ibuf.at[0, j]],
                                      sa[kk]).wait()
                pltpu.make_async_copy(ones_v, ddst_sh.at[ibuf.at[1, j]],
                                      sb[kk]).wait()
            pl.when(t >= 1)(_wait_prev)
            pltpu.async_copy(ones_v, dsrc_sh.at[ibuf.at[0, j]], sa[kk],
                             add=True)
            pltpu.async_copy(ones_v, ddst_sh.at[ibuf.at[1, j]], sb[kk],
                             add=True)
        return 0
    lax.fori_loop(0, CHUNKS_PW // 4, _quad, 0)
    for kk in range(4):
        j = CHUNKS_PW - 4 + kk
        pltpu.make_async_copy(ones_v, dsrc_sh.at[ibuf.at[0, j]], sa[kk]).wait()
        pltpu.make_async_copy(ones_v, ddst_sh.at[ibuf.at[1, j]], sb[kk]).wait()
    plsc.subcore_barrier()

    pltpu.sync_copy(dsrc_sh.at[pl.ds(s * RPT, RPT)],
                    out_hbm.at[pl.ds((c * 2 + 0) * N_PAD + s * RPT, RPT)])
    pltpu.sync_copy(ddst_sh.at[pl.ds(s * RPT, RPT)],
                    out_hbm.at[pl.ds((c * 2 + 1) * N_PAD + s * RPT, RPT)])


@functools.lru_cache(maxsize=None)
def _deg_call():
    return pl.kernel(
        _deg_body,
        out_type=jax.ShapeDtypeStruct((4 * N_PAD,), jnp.float32),
        mesh=_sc_mesh(),
        scratch_types=[
            pltpu.VMEM_SHARED((N_PAD,), jnp.float32),
            pltpu.VMEM_SHARED((N_PAD,), jnp.float32),
            pltpu.VMEM((2, CHUNKS_PW, CHUNK), jnp.int32),
            pltpu.VMEM((CHUNK,), jnp.float32),
        ] + [pltpu.SemaphoreType.DMA] * 9,
    )


def _layer_body(u_hbm, edges_hbm, zeros_hbm, out_hbm, zsh,
                r0, r1, i0, i1, i2, i3,
                g0, g1, s0, s1, is0, is1, is2, is3, zsem):
    c = lax.axis_index("c")
    s = lax.axis_index("s")
    wid = c * NS + s
    rows = (r0, r1)
    ib = (i0, i1, i2, i3)
    gsem = (g0, g1)
    ssem = (s0, s1)
    isem = (is0, is1, is2, is3)

    zdesc = pltpu.async_copy(zeros_hbm.at[pl.ds(s * RPT, RPT)],
                             zsh.at[pl.ds(s * RPT, RPT)], zsem)
    base = wid * CHUNKS_PW

    pltpu.async_copy(edges_hbm.at[:, pl.ds(base, 1)], ib[0], isem[0])
    pltpu.async_copy(edges_hbm.at[:, pl.ds(base + 1, 1)], ib[1], isem[1])
    zdesc.wait()
    plsc.subcore_barrier()

    def _quad(t, _):
        for kk in range(4):
            j = 4 * t + kk
            kr = kk % 2
            kp = (kk - 1) % 4

            def _wait_rows_free():
                pltpu.make_async_copy(rows[kr], zsh.at[ib[kk].at[0, 0]],
                                      ssem[kr]).wait()
            if kk < 2:
                pl.when(t >= 1)(_wait_rows_free)
            else:
                _wait_rows_free()
            pltpu.make_async_copy(
                edges_hbm.at[:, pl.ds(base + j, 1)], ib[kk],
                isem[kk]).wait()
            pltpu.async_copy(u_hbm.at[ib[kk].at[0, 0]], rows[kr], gsem[kr])

            def _prefetch():
                jn = j + 2
                kn = (kk + 2) % 4
                pltpu.async_copy(edges_hbm.at[:, pl.ds(base + jn, 1)],
                                 ib[kn], isem[kn])
            if kk < 2:
                _prefetch()
            else:
                pl.when(t < CHUNKS_PW // 4 - 1)(_prefetch)

            def _emit_prev_scatter():
                pltpu.make_async_copy(u_hbm.at[ib[kp].at[0, 0]], rows[1 - kr],
                                      gsem[1 - kr]).wait()
                pltpu.async_copy(rows[1 - kr], zsh.at[ib[kp].at[1, 0]],
                                 ssem[1 - kr], add=True)
            if kk == 0:
                pl.when(t >= 1)(_emit_prev_scatter)
            else:
                _emit_prev_scatter()
        return 0
    lax.fori_loop(0, CHUNKS_PW // 4, _quad, 0)

    pltpu.make_async_copy(u_hbm.at[ib[3].at[0, 0]], rows[1], gsem[1]).wait()
    pltpu.async_copy(rows[1], zsh.at[ib[3].at[1, 0]], ssem[1], add=True)
    pltpu.make_async_copy(rows[0], zsh.at[ib[2].at[1, 0]], ssem[0]).wait()
    pltpu.make_async_copy(rows[1], zsh.at[ib[3].at[1, 0]], ssem[1]).wait()
    plsc.subcore_barrier()

    pltpu.sync_copy(zsh.at[pl.ds(s * RPT, RPT)],
                    out_hbm.at[pl.ds(c * N_PAD + s * RPT, RPT)])


@functools.lru_cache(maxsize=None)
def _layer_call():
    return pl.kernel(
        _layer_body,
        out_type=jax.ShapeDtypeStruct((2 * N_PAD, D), jnp.float32),
        mesh=_sc_mesh(),
        scratch_types=(
            [pltpu.VMEM_SHARED((N_PAD, D), jnp.float32)]
            + [pltpu.VMEM((CHUNK, D), jnp.float32)] * 2
            + [pltpu.VMEM((2, 1, CHUNK), jnp.int32)] * 4
            + [pltpu.SemaphoreType.DMA] * 9
        ),
    )


_ROWS_BLK = 512


def _prep_body(dp_ref, x0_ref, u0_ref, scl_ref):
    dp = dp_ref[...]
    degs = dp[0:1, :] + dp[2:3, :]
    degd = dp[1:2, :] + dp[3:4, :]
    dis = jnp.where(degs > 0, lax.rsqrt(jnp.maximum(degs, 1.0)), 0.0)
    did = jnp.where(degd > 0, lax.rsqrt(jnp.maximum(degd, 1.0)), 0.0)
    t = jnp.transpose(jnp.concatenate([dis, did], axis=0), (1, 0))
    disc = t[:, 0:1]
    didc = t[:, 1:2]
    u0_ref[...] = x0_ref[...] * disc
    scl_ref[...] = jnp.concatenate([disc * didc, didc], axis=1)


@functools.lru_cache(maxsize=None)
def _prep_call():
    nblk = N_PAD // _ROWS_BLK
    return pl.pallas_call(
        _prep_body,
        grid=(nblk,),
        in_specs=[
            pl.BlockSpec((4, _ROWS_BLK), lambda i: (0, i)),
            pl.BlockSpec((_ROWS_BLK, D), lambda i: (i, 0)),
        ],
        out_specs=[
            pl.BlockSpec((_ROWS_BLK, D), lambda i: (i, 0)),
            pl.BlockSpec((_ROWS_BLK, 2), lambda i: (i, 0)),
        ],
        out_shape=[
            jax.ShapeDtypeStruct((N_PAD, D), jnp.float32),
            jax.ShapeDtypeStruct((N_PAD, 2), jnp.float32),
        ],
    )


def _mergeu_body(zp_ref, scl_ref, unext_ref):
    unext_ref[...] = (zp_ref[0] + zp_ref[1]) * scl_ref[:, 0:1]


def _acc_body(zp_ref, scl_ref, acc_ref, accout_ref):
    accout_ref[...] = acc_ref[...] + (zp_ref[0] + zp_ref[1]) * scl_ref[:, 1:2]


def _final_body(zp_ref, scl_ref, acc_ref, out_ref):
    z = zp_ref[0] + zp_ref[1]
    out_ref[...] = (acc_ref[...] + z * scl_ref[:, 1:2]) * 0.25


_FBLK = 400


@functools.lru_cache(maxsize=None)
def _final_slice_call(nrows, row0):
    nblk = nrows // _FBLK
    off = row0 // _FBLK
    return pl.pallas_call(
        _final_body,
        grid=(nblk,),
        in_specs=[
            pl.BlockSpec((2, _FBLK, D), lambda i: (0, i + off, 0)),
            pl.BlockSpec((_FBLK, 2), lambda i: (i + off, 0)),
            pl.BlockSpec((_FBLK, D), lambda i: (i + off, 0)),
        ],
        out_specs=pl.BlockSpec((_FBLK, D), lambda i: (i, 0)),
        out_shape=jax.ShapeDtypeStruct((nrows, D), jnp.float32),
    )


@functools.lru_cache(maxsize=None)
def _mergeu_call():
    nblk = N_PAD // _ROWS_BLK
    return pl.pallas_call(
        _mergeu_body,
        grid=(nblk,),
        in_specs=[
            pl.BlockSpec((2, _ROWS_BLK, D), lambda i: (0, i, 0)),
            pl.BlockSpec((_ROWS_BLK, 2), lambda i: (i, 0)),
        ],
        out_specs=pl.BlockSpec((_ROWS_BLK, D), lambda i: (i, 0)),
        out_shape=jax.ShapeDtypeStruct((N_PAD, D), jnp.float32),
    )


@functools.lru_cache(maxsize=None)
def _acc_call():
    nblk = N_PAD // _ROWS_BLK
    return pl.pallas_call(
        _acc_body,
        grid=(nblk,),
        in_specs=[
            pl.BlockSpec((2, _ROWS_BLK, D), lambda i: (0, i, 0)),
            pl.BlockSpec((_ROWS_BLK, 2), lambda i: (i, 0)),
            pl.BlockSpec((_ROWS_BLK, D), lambda i: (i, 0)),
        ],
        out_specs=pl.BlockSpec((_ROWS_BLK, D), lambda i: (i, 0)),
        out_shape=jax.ShapeDtypeStruct((N_PAD, D), jnp.float32),
    )


def kernel(user_emb, item_emb, edge_index):
    x0 = jnp.concatenate([user_emb, item_emb], axis=0)
    x0p = jnp.pad(x0, ((0, N_PAD - N), (0, 0)))
    pad_idx = (N + (jnp.arange(E_PAD - E, dtype=jnp.int32) % (N_PAD - N))
               ).astype(jnp.int32)
    pad2 = jnp.stack([pad_idx, pad_idx])
    edges = jnp.concatenate([edge_index, pad2], axis=1)
    edges4 = edges.reshape(2, NW, CHUNKS_PW, CHUNK)
    edges3 = edges.reshape(2, NW * CHUNKS_PW, CHUNK)
    zeros = jnp.zeros((N_PAD, D), jnp.float32)

    degpart = _deg_call()(edges4)
    dp = degpart.reshape(4, N_PAD)
    u, scl = _prep_call()(dp, x0p)

    acc = x0p
    out = None
    for l in range(N_LAYERS):
        zp = _layer_call()(u, edges3, zeros).reshape(2, N_PAD, D)
        if l < N_LAYERS - 1:
            u = _mergeu_call()(zp, scl)
            acc = _acc_call()(zp, scl, acc)
        else:
            users = _final_slice_call(N_USERS, 0)(zp, scl, acc)
            items = _final_slice_call(N_ITEMS, N_USERS)(zp, scl, acc)
    return users, items

# --- scband reference (transcript-rebuilt; emitter-appended) ---
"""Pipeline reference for scband-light-gcn-74380243632513 (READ-ONLY COPY).

The authoritative reference and input builder live on the scoring server;
editing this copy changes nothing except your own understanding.
"""

import jax, jax.numpy as jnp
import numpy as np

N_USERS = 4000
N_ITEMS = 6000
D = 128
E = 320000
N_LAYERS = 3


def setup_inputs(seed: int = 0) -> dict:
    key = jax.random.key(seed)
    k1, k2, k3 = jax.random.split(key, 3)
    user_emb = jax.random.normal(k1, (N_USERS, D), dtype=jnp.float32) * 0.1
    item_emb = jax.random.normal(k2, (N_ITEMS, D), dtype=jnp.float32) * 0.1
    edge_index = jax.random.randint(k3, (2, E), 0, N_USERS + N_ITEMS, dtype=jnp.int32)
    return {"user_emb": user_emb, "item_emb": item_emb, "edge_index": edge_index}


def reference(user_emb, item_emb, edge_index):
    # LightGCN.computer(): propagate E = [U; I] through normalized adjacency
    # n_layers times and average all layer outputs (no feature transform,
    # no nonlinearity -- pure graph smoothing).
    N = user_emb.shape[0] + item_emb.shape[0]
    x0 = jnp.concatenate([user_emb, item_emb], axis=0)
    src = edge_index[0]
    dst = edge_index[1]
    # symmetric normalization D^{-1/2} A D^{-1/2}
    deg_src = jnp.bincount(src, length=N).astype(jnp.float32)
    deg_dst = jnp.bincount(dst, length=N).astype(jnp.float32)
    dinv_src = jnp.where(deg_src > 0, 1.0 / jnp.sqrt(deg_src), 0.0)
    dinv_dst = jnp.where(deg_dst > 0, 1.0 / jnp.sqrt(deg_dst), 0.0)
    norm = dinv_src[src] * dinv_dst[dst]
    x = x0
    acc = x0
    for _ in range(N_LAYERS):
        msgs = jnp.take(x, src, axis=0) * norm[:, None]
        x = jax.ops.segment_sum(msgs, dst, num_segments=N)
        acc = acc + x
    light_out = acc / float(N_LAYERS + 1)
    users = light_out[:N_USERS]
    items = light_out[N_USERS:]
    return users, items

if __name__ == "__main__":
    import jax
    _d = setup_inputs()
    print(jax.jit(kernel)(*tuple(_d.values())))

</pallas_src>

<mosaic_0001>
#map = affine_map<(d0, d1) -> (0, 0)>
#map1 = affine_map<(d0, d1) -> (0, 0, 0)>
module attributes {stable_mosaic.version = 14 : i64} {
  func.func @_layer_body(%arg0: i32, %arg1: i32, %arg2: memref<10240x128xf32, #tpu.memory_space<hbm>>, %arg3: memref<2x2560x128xi32, #tpu.memory_space<hbm>>, %arg4: memref<10240x128xf32, #tpu.memory_space<hbm>>, %arg5: memref<20480x128xf32, #tpu.memory_space<hbm>>, %arg6: memref<10240x128xf32, #tpu.memory_space<vmem_shared>>, %arg7: memref<128x128xf32, #tpu.memory_space<vmem>>, %arg8: memref<128x128xf32, #tpu.memory_space<vmem>>, %arg9: memref<2x1x128xi32, #tpu.memory_space<vmem>>, %arg10: memref<2x1x128xi32, #tpu.memory_space<vmem>>, %arg11: memref<2x1x128xi32, #tpu.memory_space<vmem>>, %arg12: memref<2x1x128xi32, #tpu.memory_space<vmem>>, %arg13: memref<!tpu.dma_semaphore, #tpu.memory_space<semaphore_mem>>, %arg14: memref<!tpu.dma_semaphore, #tpu.memory_space<semaphore_mem>>, %arg15: memref<!tpu.dma_semaphore, #tpu.memory_space<semaphore_mem>>, %arg16: memref<!tpu.dma_semaphore, #tpu.memory_space<semaphore_mem>>, %arg17: memref<!tpu.dma_semaphore, #tpu.memory_space<semaphore_mem>>, %arg18: memref<!tpu.dma_semaphore, #tpu.memory_space<semaphore_mem>>, %arg19: memref<!tpu.dma_semaphore, #tpu.memory_space<semaphore_mem>>, %arg20: memref<!tpu.dma_semaphore, #tpu.memory_space<semaphore_mem>>, %arg21: memref<!tpu.dma_semaphore, #tpu.memory_space<semaphore_mem>>) attributes {dimension_semantics = [#tpu.dimension_semantics<core_parallel>, #tpu.dimension_semantics<subcore_parallel>], iteration_bounds = array<i64: 2, 16>, scalar_prefetch = 0 : i64, scratch_operands = 16 : i64, tpu.core_type = #tpu.core_type<sc_vector_subcore>, window_params = [{transform_indices = #map}, {transform_indices = #map1}, {transform_indices = #map}, {transform_indices = #map}]} {
    %mul3A = arith.constant 16 : i32
    %mul3A_0 = arith.muli %arg0, %mul3A : i32
    %add3A = arith.addi %mul3A_0, %arg1 : i32
    %mul3A_1 = arith.constant 640 : i32
    %mul3A_2 = arith.muli %arg1, %mul3A_1 : i32
    %mul3A_3 = arith.constant 640 : i32
    %mul3A_4 = arith.muli %arg1, %mul3A_3 : i32
    %dma_start3A = arith.constant 0 : i32
    %dma_start3A_5 = tpu.memref_slice %arg6[%mul3A_4, %dma_start3A] : memref<10240x128xf32, #tpu.memory_space<vmem_shared>> -> memref<640x128xf32, #tpu.memory_space<vmem_shared>>
    %dma_start3A_6 = arith.constant 0 : i32
    %dma_start3A_7 = tpu.memref_slice %arg4[%mul3A_2, %dma_start3A_6] : memref<10240x128xf32, #tpu.memory_space<hbm>> -> memref<640x128xf32, #tpu.memory_space<hbm>>
    tpu.enqueue_dma source(%dma_start3A_7 : memref<640x128xf32, #tpu.memory_space<hbm>>) target(%dma_start3A_5 : memref<640x128xf32, #tpu.memory_space<vmem_shared>>) target_semaphore(%arg21 : memref<!tpu.dma_semaphore, #tpu.memory_space<semaphore_mem>>)
    %mul3A_8 = arith.constant 80 : i32
    %mul3A_9 = arith.muli %add3A, %mul3A_8 : i32
    %dma_start3A_10 = arith.constant 0 : i32
    %dma_start3A_11 = arith.constant 0 : i32
    %dma_start3A_12 = tpu.memref_slice %arg3[%dma_start3A_10, %mul3A_9, %dma_start3A_11] : memref<2x2560x128xi32, #tpu.memory_space<hbm>> -> memref<2x1x128xi32, #tpu.memory_space<hbm>>
    %dma_start3A_13 = arith.constant 0 : i32
    %dma_start3A_14 = arith.constant 0 : i32
    %dma_start3A_15 = tpu.memref_slice %arg3[%dma_start3A_13, %mul3A_9, %dma_start3A_14] : memref<2x2560x128xi32, #tpu.memory_space<hbm>> -> memref<2x1x128xi32, #tpu.memory_space<hbm>>
    tpu.enqueue_dma source(%dma_start3A_15 : memref<2x1x128xi32, #tpu.memory_space<hbm>>) target(%arg9 : memref<2x1x128xi32, #tpu.memory_space<vmem>>) target_semaphore(%arg17 : memref<!tpu.dma_semaphore, #tpu.memory_space<semaphore_mem>>)
    %add3A_16 = arith.constant 1 : i32
    %add3A_17 = arith.addi %mul3A_9, %add3A_16 : i32
    %dma_start3A_18 = arith.constant 0 : i32
    %dma_start3A_19 = arith.constant 0 : i32
    %dma_start3A_20 = tpu.memref_slice %arg3[%dma_start3A_18, %add3A_17, %dma_start3A_19] : memref<2x2560x128xi32, #tpu.memory_space<hbm>> -> memref<2x1x128xi32, #tpu.memory_space<hbm>>
    %dma_start3A_21 = arith.constant 0 : i32
    %dma_start3A_22 = arith.constant 0 : i32
    %dma_start3A_23 = tpu.memref_slice %arg3[%dma_start3A_21, %add3A_17, %dma_start3A_22] : memref<2x2560x128xi32, #tpu.memory_space<hbm>> -> memref<2x1x128xi32, #tpu.memory_space<hbm>>
    tpu.enqueue_dma source(%dma_start3A_23 : memref<2x1x128xi32, #tpu.memory_space<hbm>>) target(%arg10 : memref<2x1x128xi32, #tpu.memory_space<vmem>>) target_semaphore(%arg18 : memref<!tpu.dma_semaphore, #tpu.memory_space<semaphore_mem>>)
    %dma_wait3A = arith.constant 0 : i32
    %dma_wait3A_24 = tpu.memref_slice %arg6[%mul3A_4, %dma_wait3A] : memref<10240x128xf32, #tpu.memory_space<vmem_shared>> -> memref<640x128xf32, #tpu.memory_space<vmem_shared>>
    %dma_wait3A_25 = arith.constant 0 : i32
    %dma_wait3A_26 = tpu.memref_slice %arg4[%mul3A_2, %dma_wait3A_25] : memref<10240x128xf32, #tpu.memory_space<hbm>> -> memref<640x128xf32, #tpu.memory_space<hbm>>
    tpu.wait_dma2 semaphore(%arg21 : memref<!tpu.dma_semaphore, #tpu.memory_space<semaphore_mem>>) src(%dma_wait3A_26 : memref<640x128xf32, #tpu.memory_space<hbm>>) dst(%dma_wait3A_24 : memref<640x128xf32, #tpu.memory_space<vmem_shared>>)
    %barrier3A = arith.constant 0 : index
    tpu.barrier barrier_id(%barrier3A)
    %scan3A = arith.constant 0 : i32
    %scan3A_27 = arith.constant 0 : i32
    %scan3A_28 = arith.constant 20 : i32
    %scan3A_29 = arith.addi %scan3A_27, %scan3A_28 : i32
    %scan3A_30 = arith.constant 1 : i32
    %scan3A_31 = scf.for %scan3A_73 = %scan3A_27 to %scan3A_29 step %scan3A_30 iter_args(%scan3A_74 = %scan3A) -> (i32)  : i32 {
      %mul3A_75 = arith.constant 4 : i32
      %mul3A_76 = arith.muli %mul3A_75, %scan3A_73 : i32
      %add3A_77 = arith.constant 0 : i32
      %add3A_78 = arith.addi %mul3A_76, %add3A_77 : i32
      %ge3A = arith.constant 1 : i32
      %ge3A_79 = arith.cmpi sge, %scan3A_73, %ge3A : i32
      %convert_element_type3A = arith.extui %ge3A_79 : i1 to i32
      %cond3A = arith.constant 0 : i32
      %cond3A_80 = arith.cmpi ne, %convert_element_type3A, %cond3A : i32
      scf.if %cond3A_80 {
        %dma_wait3A_255 = arith.constant 0 : i32
        %dma_wait3A_256 = arith.constant 0 : i32
        %dma_wait3A_257 = arith.constant 0 : i32
        %dma_wait3A_258 = tpu.memref_slice %arg9[%dma_wait3A_255, %dma_wait3A_256, %dma_wait3A_257] : memref<2x1x128xi32, #tpu.memory_space<vmem>> -> memref<1x1x128xi32, #tpu.memory_space<vmem>>
        %dma_wait3A_259 = tpu.memref_squeeze %dma_wait3A_258 : memref<1x1x128xi32, #tpu.memory_space<vmem>> -> memref<128xi32, #tpu.memory_space<vmem>>
        %dma_wait3A_260 = arith.constant 0 : i32
        %dma_wait3A_261 = arith.constant 0 : i32
        %dma_wait3A_262 = tpu.memref_slice %arg6[%dma_wait3A_260, %dma_wait3A_261] : memref<10240x128xf32, #tpu.memory_space<vmem_shared>> -> memref<10240x128xf32, #tpu.memory_space<vmem_shared>>
        tpu.wait_indirect_dma semaphore(%arg15 : memref<!tpu.dma_semaphore, #tpu.memory_space<semaphore_mem>>) src(%arg7 : memref<128x128xf32, #tpu.memory_space<vmem>>) dst(%dma_wait3A_262 : memref<10240x128xf32, #tpu.memory_space<vmem_shared>>)
      } else {
      }
      %add3A_81 = arith.addi %mul3A_9, %add3A_78 : i32
      %dma_wait3A_82 = arith.constant 0 : i32
      %dma_wait3A_83 = arith.constant 0 : i32
      %dma_wait3A_84 = tpu.memref_slice %arg3[%dma_wait3A_82, %add3A_81, %dma_wait3A_83] : memref<2x2560x128xi32, #tpu.memory_space<hbm>> -> memref<2x1x128xi32, #tpu.memory_space<hbm>>
      %dma_wait3A_85 = arith.constant 0 : i32
      %dma_wait3A_86 = arith.constant 0 : i32
      %dma_wait3A_87 = tpu.memref_slice %arg3[%dma_wait3A_85, %add3A_81, %dma_wait3A_86] : memref<2x2560x128xi32, #tpu.memory_space<hbm>> -> memref<2x1x128xi32, #tpu.memory_space<hbm>>
      tpu.wait_dma2 semaphore(%arg17 : memref<!tpu.dma_semaphore, #tpu.memory_space<semaphore_mem>>) src(%dma_wait3A_87 : memref<2x1x128xi32, #tpu.memory_space<hbm>>) dst(%arg9 : memref<2x1x128xi32, #tpu.memory_space<vmem>>)
      %dma_start3A_88 = arith.constant 0 : i32
      %dma_start3A_89 = arith.constant 0 : i32
      %dma_start3A_90 = arith.constant 0 : i32
      %dma_start3A_91 = tpu.memref_slice %arg9[%dma_start3A_88, %dma_start3A_89, %dma_start3A_90] : memref<2x1x128xi32, #tpu.memory_space<vmem>> -> memref<1x1x128xi32, #tpu.memory_space<vmem>>
      %dma_start3A_92 = tpu.memref_squeeze %dma_start3A_91 : memref<1x1x128xi32, #tpu.memory_space<vmem>> -> memref<128xi32, #tpu.memory_space<vmem>>
      %dma_start3A_93 = arith.constant 0 : i32
      %dma_start3A_94 = arith.constant 0 : i32
      %dma_start3A_95 = tpu.memref_slice %arg2[%dma_start3A_93, %dma_start3A_94] : memref<10240x128xf32, #tpu.memory_space<hbm>> -> memref<10240x128xf32, #tpu.memory_space<hbm>>
      tpu.enqueue_indirect_dma source(%dma_start3A_95 : memref<10240x128xf32, #tpu.memory_space<hbm>>) target(%arg7 : memref<128x128xf32, #tpu.memory_space<vmem>>) offsets(%dma_start3A_92 : memref<128xi32, #tpu.memory_space<vmem>>) semaphore(%arg13 : memref<!tpu.dma_semaphore, #tpu.memory_space<semaphore_mem>>)
      %add3A_96 = arith.constant 2 : i32
      %add3A_97 = arith.addi %add3A_78, %add3A_96 : i32
      %add3A_98 = arith.addi %mul3A_9, %add3A_97 : i32
      %dma_start3A_99 = arith.constant 0 : i32
      %dma_start3A_100 = arith.constant 0 : i32
      %dma_start3A_101 = tpu.memref_slice %arg3[%dma_start3A_99, %add3A_98, %dma_start3A_100] : memref<2x2560x128xi32, #tpu.memory_space<hbm>> -> memref<2x1x128xi32, #tpu.memory_space<hbm>>
      %dma_start3A_102 = arith.constant 0 : i32
      %dma_start3A_103 = arith.constant 0 : i32
      %dma_start3A_104 = tpu.memref_slice %arg3[%dma_start3A_102, %add3A_98, %dma_start3A_103] : memref<2x2560x128xi32, #tpu.memory_space<hbm>> -> memref<2x1x128xi32, #tpu.memory_space<hbm>>
      tpu.enqueue_dma source(%dma_start3A_104 : memref<2x1x128xi32, #tpu.memory_space<hbm>>) target(%arg11 : memref<2x1x128xi32, #tpu.memory_space<vmem>>) target_semaphore(%arg19 : memref<!tpu.dma_semaphore, #tpu.memory_space<semaphore_mem>>)
      %ge3A_105 = arith.constant 1 : i32
      %ge3A_106 = arith.cmpi sge, %scan3A_73, %ge3A_105 : i32
      %convert_element_type3A_107 = arith.extui %ge3A_106 : i1 to i32
      %cond3A_108 = arith.constant 0 : i32
      %cond3A_109 = arith.cmpi ne, %convert_element_type3A_107, %cond3A_108 : i32
      scf.if %cond3A_109 {
        %dma_wait3A_255 = arith.constant 0 : i32
        %dma_wait3A_256 = arith.constant 0 : i32
        %dma_wait3A_257 = arith.constant 0 : i32
        %dma_wait3A_258 = tpu.memref_slice %arg12[%dma_wait3A_255, %dma_wait3A_256, %dma_wait3A_257] : memref<2x1x128xi32, #tpu.memory_space<vmem>> -> memref<1x1x128xi32, #tpu.memory_space<vmem>>
        %dma_wait3A_259 = tpu.memref_squeeze %dma_wait3A_258 : memref<1x1x128xi32, #tpu.memory_space<vmem>> -> memref<128xi32, #tpu.memory_space<vmem>>
        %dma_wait3A_260 = arith.constant 0 : i32
        %dma_wait3A_261 = arith.constant 0 : i32
        %dma_wait3A_262 = tpu.memref_slice %arg2[%dma_wait3A_260, %dma_wait3A_261] : memref<10240x128xf32, #tpu.memory_space<hbm>> -> memref<10240x128xf32, #tpu.memory_space<hbm>>
        tpu.wait_indirect_dma semaphore(%arg14 : memref<!tpu.dma_semaphore, #tpu.memory_space<semaphore_mem>>) src(%dma_wait3A_262 : memref<10240x128xf32, #tpu.memory_space<hbm>>) dst(%arg8 : memref<128x128xf32, #tpu.memory_space<vmem>>)
        %dma_start3A_263 = arith.constant 1 : i32
        %dma_start3A_264 = arith.constant 0 : i32
        %dma_start3A_265 = arith.constant 0 : i32
        %dma_start3A_266 = tpu.memref_slice %arg12[%dma_start3A_263, %dma_start3A_264, %dma_start3A_265] : memref<2x1x128xi32, #tpu.memory_space<vmem>> -> memref<1x1x128xi32, #tpu.memory_space<vmem>>
        %dma_start3A_267 = tpu.memref_squeeze %dma_start3A_266 : memref<1x1x128xi32, #tpu.memory_space<vmem>> -> memref<128xi32, #tpu.memory_space<vmem>>
        %dma_start3A_268 = arith.constant 0 : i32
        %dma_start3A_269 = arith.constant 0 : i32
        %dma_start3A_270 = tpu.memref_slice %arg6[%dma_start3A_268, %dma_start3A_269] : memref<10240x128xf32, #tpu.memory_space<vmem_shared>> -> memref<10240x128xf32, #tpu.memory_space<vmem_shared>>
        tpu.enqueue_indirect_dma source(%arg8 : memref<128x128xf32, #tpu.memory_space<vmem>>) target(%dma_start3A_270 : memref<10240x128xf32, #tpu.memory_space<vmem_shared>>) offsets(%dma_start3A_267 : memref<128xi32, #tpu.memory_space<vmem>>) semaphore(%arg16 : memref<!tpu.dma_semaphore, #tpu.memory_space<semaphore_mem>>) {add = true}
      } else {
      }
      %mul3A_110 = arith.constant 4 : i32
      %mul3A_111 = arith.muli %mul3A_110, %scan3A_73 : i32
      %add3A_112 = arith.constant 1 : i32
      %add3A_113 = arith.addi %mul3A_111, %add3A_112 : i32
      %ge3A_114 = arith.constant 1 : i32
      %ge3A_115 = arith.cmpi sge, %scan3A_73, %ge3A_114 : i32
      %convert_element_type3A_116 = arith.extui %ge3A_115 : i1 to i32
      %cond3A_117 = arith.constant 0 : i32
      %cond3A_118 = arith.cmpi ne, %convert_element_type3A_116, %cond3A_117 : i32
      scf.if %cond3A_118 {
        %dma_wait3A_255 = arith.constant 0 : i32
        %dma_wait3A_256 = arith.constant 0 : i32
        %dma_wait3A_257 = arith.constant 0 : i32
        %dma_wait3A_258 = tpu.memref_slice %arg10[%dma_wait3A_255, %dma_wait3A_256, %dma_wait3A_257] : memref<2x1x128xi32, #tpu.memory_space<vmem>> -> memref<1x1x128xi32, #tpu.memory_space<vmem>>
        %dma_wait3A_259 = tpu.memref_squeeze %dma_wait3A_258 : memref<1x1x128xi32, #tpu.memory_space<vmem>> -> memref<128xi32, #tpu.memory_space<vmem>>
        %dma_wait3A_260 = arith.constant 0 : i32
        %dma_wait3A_261 = arith.constant 0 : i32
        %dma_wait3A_262 = tpu.memref_slice %arg6[%dma_wait3A_260, %dma_wait3A_261] : memref<10240x128xf32, #tpu.memory_space<vmem_shared>> -> memref<10240x128xf32, #tpu.memory_space<vmem_shared>>
        tpu.wait_indirect_dma semaphore(%arg16 : memref<!tpu.dma_semaphore, #tpu.memory_space<semaphore_mem>>) src(%arg8 : memref<128x128xf32, #tpu.memory_space<vmem>>) dst(%dma_wait3A_262 : memref<10240x128xf32, #tpu.memory_space<vmem_shared>>)
      } else {
      }
      %add3A_119 = arith.addi %mul3A_9, %add3A_113 : i32
      %dma_wait3A_120 = arith.constant 0 : i32
      %dma_wait3A_121 = arith.constant 0 : i32
      %dma_wait3A_122 = tpu.memref_slice %arg3[%dma_wait3A_120, %add3A_119, %dma_wait3A_121] : memref<2x2560x128xi32, #tpu.memory_space<hbm>> -> memref<2x1x128xi32, #tpu.memory_space<hbm>>
      %dma_wait3A_123 = arith.constant 0 : i32
      %dma_wait3A_124 = arith.constant 0 : i32
      %dma_wait3A_125 = tpu.memref_slice %arg3[%dma_wait3A_123, %add3A_119, %dma_wait3A_124] : memref<2x2560x128xi32, #tpu.memory_space<hbm>> -> memref<2x1x128xi32, #tpu.memory_space<hbm>>
      tpu.wait_dma2 semaphore(%arg18 : memref<!tpu.dma_semaphore, #tpu.memory_space<semaphore_mem>>) src(%dma_wait3A_125 : memref<2x1x128xi32, #tpu.memory_space<hbm>>) dst(%arg10 : memref<2x1x128xi32, #tpu.memory_space<vmem>>)
      %dma_start3A_126 = arith.constant 0 : i32
      %dma_start3A_127 = arith.constant 0 : i32
      %dma_start3A_128 = arith.constant 0 : i32
      %dma_start3A_129 = tpu.memref_slice %arg10[%dma_start3A_126, %dma_start3A_127, %dma_start3A_128] : memref<2x1x128xi32, #tpu.memory_space<vmem>> -> memref<1x1x128xi32, #tpu.memory_space<vmem>>
      %dma_start3A_130 = tpu.memref_squeeze %dma_start3A_129 : memref<1x1x128xi32, #tpu.memory_space<vmem>> -> memref<128xi32, #tpu.memory_space<vmem>>
      %dma_start3A_131 = arith.constant 0 : i32
      %dma_start3A_132 = arith.constant 0 : i32
      %dma_start3A_133 = tpu.memref_slice %arg2[%dma_start3A_131, %dma_start3A_132] : memref<10240x128xf32, #tpu.memory_space<hbm>> -> memref<10240x128xf32, #tpu.memory_space<hbm>>
      tpu.enqueue_indirect_dma source(%dma_start3A_133 : memref<10240x128xf32, #tpu.memory_space<hbm>>) target(%arg8 : memref<128x128xf32, #tpu.memory_space<vmem>>) offsets(%dma_start3A_130 : memref<128xi32, #tpu.memory_space<vmem>>) semaphore(%arg14 : memref<!tpu.dma_semaphore, #tpu.memory_space<semaphore_mem>>)
      %add3A_134 = arith.constant 2 : i32
      %add3A_135 = arith.addi %add3A_113, %add3A_134 : i32
      %add3A_136 = arith.addi %mul3A_9, %add3A_135 : i32
      %dma_start3A_137 = arith.constant 0 : i32
      %dma_start3A_138 = arith.constant 0 : i32
      %dma_start3A_139 = tpu.memref_slice %arg3[%dma_start3A_137, %add3A_136, %dma_start3A_138] : memref<2x2560x128xi32, #tpu.memory_space<hbm>> -> memref<2x1x128xi32, #tpu.memory_space<hbm>>
      %dma_start3A_140 = arith.constant 0 : i32
      %dma_start3A_141 = arith.constant 0 : i32
      %dma_start3A_142 = tpu.memref_slice %arg3[%dma_start3A_140, %add3A_136, %dma_start3A_141] : memref<2x2560x128xi32, #tpu.memory_space<hbm>> -> memref<2x1x128xi32, #tpu.memory_space<hbm>>
      tpu.enqueue_dma source(%dma_start3A_142 : memref<2x1x128xi32, #tpu.memory_space<hbm>>) target(%arg12 : memref<2x1x128xi32, #tpu.memory_space<vmem>>) target_semaphore(%arg20 : memref<!tpu.dma_semaphore, #tpu.memory_space<semaphore_mem>>)
      %dma_wait3A_143 = arith.constant 0 : i32
      %dma_wait3A_144 = arith.constant 0 : i32
      %dma_wait3A_145 = arith.constant 0 : i32
      %dma_wait3A_146 = tpu.memref_slice %arg9[%dma_wait3A_143, %dma_wait3A_144, %dma_wait3A_145] : memref<2x1x128xi32, #tpu.memory_space<vmem>> -> memref<1x1x128xi32, #tpu.memory_space<vmem>>
      %dma_wait3A_147 = tpu.memref_squeeze %dma_wait3A_146 : memref<1x1x128xi32, #tpu.memory_space<vmem>> -> memref<128xi32, #tpu.memory_space<vmem>>
      %dma_wait3A_148 = arith.constant 0 : i32
      %dma_wait3A_149 = arith.constant 0 : i32
      %dma_wait3A_150 = tpu.memref_slice %arg2[%dma_wait3A_148, %dma_wait3A_149] : memref<10240x128xf32, #tpu.memory_space<hbm>> -> memref<10240x128xf32, #tpu.memory_space<hbm>>
      tpu.wait_indirect_dma semaphore(%arg13 : memref<!tpu.dma_semaphore, #tpu.memory_space<semaphore_mem>>) src(%dma_wait3A_150 : memref<10240x128xf32, #tpu.memory_space<hbm>>) dst(%arg7 : memref<128x128xf32, #tpu.memory_space<vmem>>)
      %dma_start3A_151 = arith.constant 1 : i32
      %dma_start3A_152 = arith.constant 0 : i32
      %dma_start3A_153 = arith.constant 0 : i32
      %dma_start3A_154 = tpu.memref_slice %arg9[%dma_start3A_151, %dma_start3A_152, %dma_start3A_153] : memref<2x1x128xi32, #tpu.memory_space<vmem>> -> memref<1x1x128xi32, #tpu.memory_space<vmem>>
      %dma_start3A_155 = tpu.memref_squeeze %dma_start3A_154 : memref<1x1x128xi32, #tpu.memory_space<vmem>> -> memref<128xi32, #tpu.memory_space<vmem>>
      %dma_start3A_156 = arith.constant 0 : i32
      %dma_start3A_157 = arith.constant 0 : i32
      %dma_start3A_158 = tpu.memref_slice %arg6[%dma_start3A_156, %dma_start3A_157] : memref<10240x128xf32, #tpu.memory_space<vmem_shared>> -> memref<10240x128xf32, #tpu.memory_space<vmem_shared>>
      tpu.enqueue_indirect_dma source(%arg7 : memref<128x128xf32, #tpu.memory_space<vmem>>) target(%dma_start3A_158 : memref<10240x128xf32, #tpu.memory_space<vmem_shared>>) offsets(%dma_start3A_155 : memref<128xi32, #tpu.memory_space<vmem>>) semaphore(%arg15 : memref<!tpu.dma_semaphore, #tpu.memory_space<semaphore_mem>>) {add = true}
      %mul3A_159 = arith.constant 4 : i32
      %mul3A_160 = arith.muli %mul3A_159, %scan3A_73 : i32
      %add3A_161 = arith.constant 2 : i32
      %add3A_162 = arith.addi %mul3A_160, %add3A_161 : i32
      %dma_wait3A_163 = arith.constant 0 : i32
      %dma_wait3A_164 = arith.constant 0 : i32
      %dma_wait3A_165 = arith.constant 0 : i32
      %dma_wait3A_166 = tpu.memref_slice %arg11[%dma_wait3A_163, %dma_wait3A_164, %dma_wait3A_165] : memref<2x1x128xi32, #tpu.memory_space<vmem>> -> memref<1x1x128xi32, #tpu.memory_space<vmem>>
      %dma_wait3A_167 = tpu.memref_squeeze %dma_wait3A_166 : memref<1x1x128xi32, #tpu.memory_space<vmem>> -> memref<128xi32, #tpu.memory_space<vmem>>
      %dma_wait3A_168 = arith.constant 0 : i32
      %dma_wait3A_169 = arith.constant 0 : i32
      %dma_wait3A_170 = tpu.memref_slice %arg6[%dma_wait3A_168, %dma_wait3A_169] : memref<10240x128xf32, #tpu.memory_space<vmem_shared>> -> memref<10240x128xf32, #tpu.memory_space<vmem_shared>>
      tpu.wait_indirect_dma semaphore(%arg15 : memref<!tpu.dma_semaphore, #tpu.memory_space<semaphore_mem>>) src(%arg7 : memref<128x128xf32, #tpu.memory_space<vmem>>) dst(%dma_wait3A_170 : memref<10240x128xf32, #tpu.memory_space<vmem_shared>>)
      %add3A_171 = arith.addi %mul3A_9, %add3A_162 : i32
      %dma_wait3A_172 = arith.constant 0 : i32
      %dma_wait3A_173 = arith.constant 0 : i32
      %dma_wait3A_174 = tpu.memref_slice %arg3[%dma_wait3A_172, %add3A_171, %dma_wait3A_173] : memref<2x2560x128xi32, #tpu.memory_space<hbm>> -> memref<2x1x128xi32, #tpu.memory_space<hbm>>
      %dma_wait3A_175 = arith.constant 0 : i32
      %dma_wait3A_176 = arith.constant 0 : i32
      %dma_wait3A_177 = tpu.memref_slice %arg3[%dma_wait3A_175, %add3A_171, %dma_wait3A_176] : memref<2x2560x128xi32, #tpu.memory_space<hbm>> -> memref<2x1x128xi32, #tpu.memory_space<hbm>>
      tpu.wait_dma2 semaphore(%arg19 : memref<!tpu.dma_semaphore, #tpu.memory_space<semaphore_mem>>) src(%dma_wait3A_177 : memref<2x1x128xi32, #tpu.memory_space<hbm>>) dst(%arg11 : memref<2x1x128xi32, #tpu.memory_space<vmem>>)
      %dma_start3A_178 = arith.constant 0 : i32
      %dma_start3A_179 = arith.constant 0 : i32
      %dma_start3A_180 = arith.constant 0 : i32
      %dma_start3A_181 = tpu.memref_slice %arg11[%dma_start3A_178, %dma_start3A_179, %dma_start3A_180] : memref<2x1x128xi32, #tpu.memory_space<vmem>> -> memref<1x1x128xi32, #tpu.memory_space<vmem>>
      %dma_start3A_182 = tpu.memref_squeeze %dma_start3A_181 : memref<1x1x128xi32, #tpu.memory_space<vmem>> -> memref<128xi32, #tpu.memory_space<vmem>>
      %dma_start3A_183 = arith.constant 0 : i32
      %dma_start3A_184 = arith.constant 0 : i32
      %dma_start3A_185 = tpu.memref_slice %arg2[%dma_start3A_183, %dma_start3A_184] : memref<10240x128xf32, #tpu.memory_space<hbm>> -> memref<10240x128xf32, #tpu.memory_space<hbm>>
      tpu.enqueue_indirect_dma source(%dma_start3A_185 : memref<10240x128xf32, #tpu.memory_space<hbm>>) target(%arg7 : memref<128x128xf32, #tpu.memory_space<vmem>>) offsets(%dma_start3A_182 : memref<128xi32, #tpu.memory_space<vmem>>) semaphore(%arg13 : memref<!tpu.dma_semaphore, #tpu.memory_space<semaphore_mem>>)
      %lt3A = arith.constant 19 : i32
      %lt3A_186 = arith.cmpi slt, %scan3A_73, %lt3A : i32
      %convert_element_type3A_187 = arith.extui %lt3A_186 : i1 to i32
      %cond3A_188 = arith.constant 0 : i32
      %cond3A_189 = arith.cmpi ne, %convert_element_type3A_187, %cond3A_188 : i32
      scf.if %cond3A_189 {
        %add3A_255 = arith.constant 2 : i32
        %add3A_256 = arith.addi %add3A_162, %add3A_255 : i32
        %add3A_257 = arith.addi %mul3A_9, %add3A_256 : i32
        %dma_start3A_258 = arith.constant 0 : i32
        %dma_start3A_259 = arith.constant 0 : i32
        %dma_start3A_260 = tpu.memref_slice %arg3[%dma_start3A_258, %add3A_257, %dma_start3A_259] : memref<2x2560x128xi32, #tpu.memory_space<hbm>> -> memref<2x1x128xi32, #tpu.memory_space<hbm>>
        %dma_start3A_261 = arith.constant 0 : i32
        %dma_start3A_262 = arith.constant 0 : i32
        %dma_start3A_263 = tpu.memref_slice %arg3[%dma_start3A_261, %add3A_257, %dma_start3A_262] : memref<2x2560x128xi32, #tpu.memory_space<hbm>> -> memref<2x1x128xi32, #tpu.memory_space<hbm>>
        tpu.enqueue_dma source(%dma_start3A_263 : memref<2x1x128xi32, #tpu.memory_space<hbm>>) target(%arg9 : memref<2x1x128xi32, #tpu.memory_space<vmem>>) target_semaphore(%arg17 : memref<!tpu.dma_semaphore, #tpu.memory_space<semaphore_mem>>)
      } else {
      }
      %dma_wait3A_190 = arith.constant 0 : i32
      %dma_wait3A_191 = arith.constant 0 : i32
      %dma_wait3A_192 = arith.constant 0 : i32
      %dma_wait3A_193 = tpu.memref_slice %arg10[%dma_wait3A_190, %dma_wait3A_191, %dma_wait3A_192] : memref<2x1x128xi32, #tpu.memory_space<vmem>> -> memref<1x1x128xi32, #tpu.memory_space<vmem>>
      %dma_wait3A_194 = tpu.memref_squeeze %dma_wait3A_193 : memref<1x1x128xi32, #tpu.memory_space<vmem>> -> memref<128xi32, #tpu.memory_space<vmem>>
      %dma_wait3A_195 = arith.constant 0 : i32
      %dma_wait3A_196 = arith.constant 0 : i32
      %dma_wait3A_197 = tpu.memref_slice %arg2[%dma_wait3A_195, %dma_wait3A_196] : memref<10240x128xf32, #tpu.memory_space<hbm>> -> memref<10240x128xf32, #tpu.memory_space<hbm>>
      tpu.wait_indirect_dma semaphore(%arg14 : memref<!tpu.dma_semaphore, #tpu.memory_space<semaphore_mem>>) src(%dma_wait3A_197 : memref<10240x128xf32, #tpu.memory_space<hbm>>) dst(%arg8 : memref<128x128xf32, #tpu.memory_space<vmem>>)
      %dma_start3A_198 = arith.constant 1 : i32
      %dma_start3A_199 = arith.constant 0 : i32
      %dma_start3A_200 = arith.constant 0 : i32
      %dma_start3A_201 = tpu.memref_slice %arg10[%dma_start3A_198, %dma_start3A_199, %dma_start3A_200] : memref<2x1x128xi32, #tpu.memory_space<vmem>> -> memref<1x1x128xi32, #tpu.memory_space<vmem>>
      %dma_start3A_202 = tpu.memref_squeeze %dma_start3A_201 : memref<1x1x128xi32, #tpu.memory_space<vmem>> -> memref<128xi32, #tpu.memory_space<vmem>>
      %dma_start3A_203 = arith.constant 0 : i32
      %dma_start3A_204 = arith.constant 0 : i32
      %dma_start3A_205 = tpu.memref_slice %arg6[%dma_start3A_203, %dma_start3A_204] : memref<10240x128xf32, #tpu.memory_space<vmem_shared>> -> memref<10240x128xf32, #tpu.memory_space<vmem_shared>>
      tpu.enqueue_indirect_dma source(%arg8 : memref<128x128xf32, #tpu.memory_space<vmem>>) target(%dma_start3A_205 : memref<10240x128xf32, #tpu.memory_space<vmem_shared>>) offsets(%dma_start3A_202 : memref<128xi32, #tpu.memory_space<vmem>>) semaphore(%arg16 : memref<!tpu.dma_semaphore, #tpu.memory_space<semaphore_mem>>) {add = true}
      %mul3A_206 = arith.constant 4 : i32
      %mul3A_207 = arith.muli %mul3A_206, %scan3A_73 : i32
      %add3A_208 = arith.constant 3 : i32
      %add3A_209 = arith.addi %mul3A_207, %add3A_208 : i32
      %dma_wait3A_210 = arith.constant 0 : i32
      %dma_wait3A_211 = arith.constant 0 : i32
      %dma_wait3A_212 = arith.constant 0 : i32
      %dma_wait3A_213 = tpu.memref_slice %arg12[%dma_wait3A_210, %dma_wait3A_211, %dma_wait3A_212] : memref<2x1x128xi32, #tpu.memory_space<vmem>> -> memref<1x1x128xi32, #tpu.memory_space<vmem>>
      %dma_wait3A_214 = tpu.memref_squeeze %dma_wait3A_213 : memref<1x1x128xi32, #tpu.memory_space<vmem>> -> memref<128xi32, #tpu.memory_space<vmem>>
      %dma_wait3A_215 = arith.constant 0 : i32
      %dma_wait3A_216 = arith.constant 0 : i32
      %dma_wait3A_217 = tpu.memref_slice %arg6[%dma_wait3A_215, %dma_wait3A_216] : memref<10240x128xf32, #tpu.memory_space<vmem_shared>> -> memref<10240x128xf32, #tpu.memory_space<vmem_shared>>
      tpu.wait_indirect_dma semaphore(%arg16 : memref<!tpu.dma_semaphore, #tpu.memory_space<semaphore_mem>>) src(%arg8 : memref<128x128xf32, #tpu.memory_space<vmem>>) dst(%dma_wait3A_217 : memref<10240x128xf32, #tpu.memory_space<vmem_shared>>)
      %add3A_218 = arith.addi %mul3A_9, %add3A_209 : i32
      %dma_wait3A_219 = arith.constant 0 : i32
      %dma_wait3A_220 = arith.constant 0 : i32
      %dma_wait3A_221 = tpu.memref_slice %arg3[%dma_wait3A_219, %add3A_218, %dma_wait3A_220] : memref<2x2560x128xi32, #tpu.memory_space<hbm>> -> memref<2x1x128xi32, #tpu.memory_space<hbm>>
      %dma_wait3A_222 = arith.constant 0 : i32
      %dma_wait3A_223 = arith.constant 0 : i32
      %dma_wait3A_224 = tpu.memref_slice %arg3[%dma_wait3A_222, %add3A_218, %dma_wait3A_223] : memref<2x2560x128xi32, #tpu.memory_space<hbm>> -> memref<2x1x128xi32, #tpu.memory_space<hbm>>
      tpu.wait_dma2 semaphore(%arg20 : memref<!tpu.dma_semaphore, #tpu.memory_space<semaphore_mem>>) src(%dma_wait3A_224 : memref<2x1x128xi32, #tpu.memory_space<hbm>>) dst(%arg12 : memref<2x1x128xi32, #tpu.memory_space<vmem>>)
      %dma_start3A_225 = arith.constant 0 : i32
      %dma_start3A_226 = arith.constant 0 : i32
      %dma_start3A_227 = arith.constant 0 : i32
      %dma_start3A_228 = tpu.memref_slice %arg12[%dma_start3A_225, %dma_start3A_226, %dma_start3A_227] : memref<2x1x128xi32, #tpu.memory_space<vmem>> -> memref<1x1x128xi32, #tpu.memory_space<vmem>>
      %dma_start3A_229 = tpu.memref_squeeze %dma_start3A_228 : memref<1x1x128xi32, #tpu.memory_space<vmem>> -> memref<128xi32, #tpu.memory_space<vmem>>
      %dma_start3A_230 = arith.constant 0 : i32
      %dma_start3A_231 = arith.constant 0 : i32
      %dma_start3A_232 = tpu.memref_slice %arg2[%dma_start3A_230, %dma_start3A_231] : memref<10240x128xf32, #tpu.memory_space<hbm>> -> memref<10240x128xf32, #tpu.memory_space<hbm>>
      tpu.enqueue_indirect_dma source(%dma_start3A_232 : memref<10240x128xf32, #tpu.memory_space<hbm>>) target(%arg8 : memref<128x128xf32, #tpu.memory_space<vmem>>) offsets(%dma_start3A_229 : memref<128xi32, #tpu.memory_space<vmem>>) semaphore(%arg14 : memref<!tpu.dma_semaphore, #tpu.memory_space<semaphore_mem>>)
      %lt3A_233 = arith.constant 19 : i32
      %lt3A_234 = arith.cmpi slt, %scan3A_73, %lt3A_233 : i32
      %convert_element_type3A_235 = arith.extui %lt3A_234 : i1 to i32
      %cond3A_236 = arith.constant 0 : i32
      %cond3A_237 = arith.cmpi ne, %convert_element_type3A_235, %cond3A_236 : i32
      scf.if %cond3A_237 {
        %add3A_255 = arith.constant 2 : i32
        %add3A_256 = arith.addi %add3A_209, %add3A_255 : i32
        %add3A_257 = arith.addi %mul3A_9, %add3A_256 : i32
        %dma_start3A_258 = arith.constant 0 : i32
        %dma_start3A_259 = arith.constant 0 : i32
        %dma_start3A_260 = tpu.memref_slice %arg3[%dma_start3A_258, %add3A_257, %dma_start3A_259] : memref<2x2560x128xi32, #tpu.memory_space<hbm>> -> memref<2x1x128xi32, #tpu.memory_space<hbm>>
        %dma_start3A_261 = arith.constant 0 : i32
        %dma_start3A_262 = arith.constant 0 : i32
        %dma_start3A_263 = tpu.memref_slice %arg3[%dma_start3A_261, %add3A_257, %dma_start3A_262] : memref<2x2560x128xi32, #tpu.memory_space<hbm>> -> memref<2x1x128xi32, #tpu.memory_space<hbm>>
        tpu.enqueue_dma source(%dma_start3A_263 : memref<2x1x128xi32, #tpu.memory_space<hbm>>) target(%arg10 : memref<2x1x128xi32, #tpu.memory_space<vmem>>) target_semaphore(%arg18 : memref<!tpu.dma_semaphore, #tpu.memory_space<semaphore_mem>>)
      } else {
      }
      %dma_wait3A_238 = arith.constant 0 : i32
      %dma_wait3A_239 = arith.constant 0 : i32
      %dma_wait3A_240 = arith.constant 0 : i32
      %dma_wait3A_241 = tpu.memref_slice %arg11[%dma_wait3A_238, %dma_wait3A_239, %dma_wait3A_240] : memref<2x1x128xi32, #tpu.memory_space<vmem>> -> memref<1x1x128xi32, #tpu.memory_space<vmem>>
      %dma_wait3A_242 = tpu.memref_squeeze %dma_wait3A_241 : memref<1x1x128xi32, #tpu.memory_space<vmem>> -> memref<128xi32, #tpu.memory_space<vmem>>
      %dma_wait3A_243 = arith.constant 0 : i32
      %dma_wait3A_244 = arith.constant 0 : i32
      %dma_wait3A_245 = tpu.memref_slice %arg2[%dma_wait3A_243, %dma_wait3A_244] : memref<10240x128xf32, #tpu.memory_space<hbm>> -> memref<10240x128xf32, #tpu.memory_space<hbm>>
      tpu.wait_indirect_dma semaphore(%arg13 : memref<!tpu.dma_semaphore, #tpu.memory_space<semaphore_mem>>) src(%dma_wait3A_245 : memref<10240x128xf32, #tpu.memory_space<hbm>>) dst(%arg7 : memref<128x128xf32, #tpu.memory_space<vmem>>)
      %dma_start3A_246 = arith.constant 1 : i32
      %dma_start3A_247 = arith.constant 0 : i32
      %dma_start3A_248 = arith.constant 0 : i32
      %dma_start3A_249 = tpu.memref_slice %arg11[%dma_start3A_246, %dma_start3A_247, %dma_start3A_248] : memref<2x1x128xi32, #tpu.memory_space<vmem>> -> memref<1x1x128xi32, #tpu.memory_space<vmem>>
      %dma_start3A_250 = tpu.memref_squeeze %dma_start3A_249 : memref<1x1x128xi32, #tpu.memory_space<vmem>> -> memref<128xi32, #tpu.memory_space<vmem>>
      %dma_start3A_251 = arith.constant 0 : i32
      %dma_start3A_252 = arith.constant 0 : i32
      %dma_start3A_253 = tpu.memref_slice %arg6[%dma_start3A_251, %dma_start3A_252] : memref<10240x128xf32, #tpu.memory_space<vmem_shared>> -> memref<10240x128xf32, #tpu.memory_space<vmem_shared>>
      tpu.enqueue_indirect_dma source(%arg7 : memref<128x128xf32, #tpu.memory_space<vmem>>) target(%dma_start3A_253 : memref<10240x128xf32, #tpu.memory_space<vmem_shared>>) offsets(%dma_start3A_250 : memref<128xi32, #tpu.memory_space<vmem>>) semaphore(%arg15 : memref<!tpu.dma_semaphore, #tpu.memory_space<semaphore_mem>>) {add = true}
      %scan3A_254 = arith.constant 0 : i32
      scf.yield %scan3A_254 : i32
    }
    %scan3A_32 = arith.constant 20 : i32
    %dma_wait3A_33 = arith.constant 0 : i32
    %dma_wait3A_34 = arith.constant 0 : i32
    %dma_wait3A_35 = arith.constant 0 : i32
    %dma_wait3A_36 = tpu.memref_slice %arg12[%dma_wait3A_33, %dma_wait3A_34, %dma_wait3A_35] : memref<2x1x128xi32, #tpu.memory_space<vmem>> -> memref<1x1x128xi32, #tpu.memory_space<vmem>>
    %dma_wait3A_37 = tpu.memref_squeeze %dma_wait3A_36 : memref<1x1x128xi32, #tpu.memory_space<vmem>> -> memref<128xi32, #tpu.memory_space<vmem>>
    %dma_wait3A_38 = arith.constant 0 : i32
    %dma_wait3A_39 = arith.constant 0 : i32
    %dma_wait3A_40 = tpu.memref_slice %arg2[%dma_wait3A_38, %dma_wait3A_39] : memref<10240x128xf32, #tpu.memory_space<hbm>> -> memref<10240x128xf32, #tpu.memory_space<hbm>>
    tpu.wait_indirect_dma semaphore(%arg14 : memref<!tpu.dma_semaphore, #tpu.memory_space<semaphore_mem>>) src(%dma_wait3A_40 : memref<10240x128xf32, #tpu.memory_space<hbm>>) dst(%arg8 : memref<128x128xf32, #tpu.memory_space<vmem>>)
    %dma_start3A_41 = arith.constant 1 : i32
    %dma_start3A_42 = arith.constant 0 : i32
    %dma_start3A_43 = arith.constant 0 : i32
    %dma_start3A_44 = tpu.memref_slice %arg12[%dma_start3A_41, %dma_start3A_42, %dma_start3A_43] : memref<2x1x128xi32, #tpu.memory_space<vmem>> -> memref<1x1x128xi32, #tpu.memory_space<vmem>>
    %dma_start3A_45 = tpu.memref_squeeze %dma_start3A_44 : memref<1x1x128xi32, #tpu.memory_space<vmem>> -> memref<128xi32, #tpu.memory_space<vmem>>
    %dma_start3A_46 = arith.constant 0 : i32
    %dma_start3A_47 = arith.constant 0 : i32
    %dma_start3A_48 = tpu.memref_slice %arg6[%dma_start3A_46, %dma_start3A_47] : memref<10240x128xf32, #tpu.memory_space<vmem_shared>> -> memref<10240x128xf32, #tpu.memory_space<vmem_shared>>
    tpu.enqueue_indirect_dma source(%arg8 : memref<128x128xf32, #tpu.memory_space<vmem>>) target(%dma_start3A_48 : memref<10240x128xf32, #tpu.memory_space<vmem_shared>>) offsets(%dma_start3A_45 : memref<128xi32, #tpu.memory_space<vmem>>) semaphore(%arg16 : memref<!tpu.dma_semaphore, #tpu.memory_space<semaphore_mem>>) {add = true}
    %dma_wait3A_49 = arith.constant 1 : i32
    %dma_wait3A_50 = arith.constant 0 : i32
    %dma_wait3A_51 = arith.constant 0 : i32
    %dma_wait3A_52 = tpu.memref_slice %arg11[%dma_wait3A_49, %dma_wait3A_50, %dma_wait3A_51] : memref<2x1x128xi32, #tpu.memory_space<vmem>> -> memref<1x1x128xi32, #tpu.memory_space<vmem>>
    %dma_wait3A_53 = tpu.memref_squeeze %dma_wait3A_52 : memref<1x1x128xi32, #tpu.memory_space<vmem>> -> memref<128xi32, #tpu.memory_space<vmem>>
    %dma_wait3A_54 = arith.constant 0 : i32
    %dma_wait3A_55 = arith.constant 0 : i32
    %dma_wait3A_56 = tpu.memref_slice %arg6[%dma_wait3A_54, %dma_wait3A_55] : memref<10240x128xf32, #tpu.memory_space<vmem_shared>> -> memref<10240x128xf32, #tpu.memory_space<vmem_shared>>
    tpu.wait_indirect_dma semaphore(%arg15 : memref<!tpu.dma_semaphore, #tpu.memory_space<semaphore_mem>>) src(%arg7 : memref<128x128xf32, #tpu.memory_space<vmem>>) dst(%dma_wait3A_56 : memref<10240x128xf32, #tpu.memory_space<vmem_shared>>)
    %dma_wait3A_57 = arith.constant 1 : i32
    %dma_wait3A_58 = arith.constant 0 : i32
    %dma_wait3A_59 = arith.constant 0 : i32
    %dma_wait3A_60 = tpu.memref_slice %arg12[%dma_wait3A_57, %dma_wait3A_58, %dma_wait3A_59] : memref<2x1x128xi32, #tpu.memory_space<vmem>> -> memref<1x1x128xi32, #tpu.memory_space<vmem>>
    %dma_wait3A_61 = tpu.memref_squeeze %dma_wait3A_60 : memref<1x1x128xi32, #tpu.memory_space<vmem>> -> memref<128xi32, #tpu.memory_space<vmem>>
    %dma_wait3A_62 = arith.constant 0 : i32
    %dma_wait3A_63 = arith.constant 0 : i32
    %dma_wait3A_64 = tpu.memref_slice %arg6[%dma_wait3A_62, %dma_wait3A_63] : memref<10240x128xf32, #tpu.memory_space<vmem_shared>> -> memref<10240x128xf32, #tpu.memory_space<vmem_shared>>
    tpu.wait_indirect_dma semaphore(%arg16 : memref<!tpu.dma_semaphore, #tpu.memory_space<semaphore_mem>>) src(%arg8 : memref<128x128xf32, #tpu.memory_space<vmem>>) dst(%dma_wait3A_64 : memref<10240x128xf32, #tpu.memory_space<vmem_shared>>)
    %barrier3A_65 = arith.constant 0 : index
    tpu.barrier barrier_id(%barrier3A_65)
    %mul3A_66 = arith.constant 640 : i32
    %mul3A_67 = arith.muli %arg1, %mul3A_66 : i32
    %mul3A_68 = arith.constant 10240 : i32
    %mul3A_69 = arith.muli %arg0, %mul3A_68 : i32
    %mul3A_70 = arith.constant 640 : i32
    %mul3A_71 = arith.muli %arg1, %mul3A_70 : i32
    %add3A_72 = arith.addi %mul3A_69, %mul3A_71 : i32
    "tpu.region"() ({
      %run_scoped3A = tpu.sem_alloc : memref<!tpu.dma_semaphore, #tpu.memory_space<semaphore_mem>>
      %dma_start3A_73 = arith.constant 0 : i32
      %dma_start3A_74 = tpu.memref_slice %arg5[%add3A_72, %dma_start3A_73] : memref<20480x128xf32, #tpu.memory_space<hbm>> -> memref<640x128xf32, #tpu.memory_space<hbm>>
      %dma_start3A_75 = arith.constant 0 : i32
      %dma_start3A_76 = tpu.memref_slice %arg6[%mul3A_67, %dma_start3A_75] : memref<10240x128xf32, #tpu.memory_space<vmem_shared>> -> memref<640x128xf32, #tpu.memory_space<vmem_shared>>
      tpu.enqueue_dma source(%dma_start3A_76 : memref<640x128xf32, #tpu.memory_space<vmem_shared>>) target(%dma_start3A_74 : memref<640x128xf32, #tpu.memory_space<hbm>>) target_semaphore(%run_scoped3A : memref<!tpu.dma_semaphore, #tpu.memory_space<semaphore_mem>>)
      %dma_wait3A_77 = arith.constant 0 : i32
      %dma_wait3A_78 = tpu.memref_slice %arg5[%add3A_72, %dma_wait3A_77] : memref<20480x128xf32, #tpu.memory_space<hbm>> -> memref<640x128xf32, #tpu.memory_space<hbm>>
      %dma_wait3A_79 = arith.constant 0 : i32
      %dma_wait3A_80 = tpu.memref_slice %arg6[%mul3A_67, %dma_wait3A_79] : memref<10240x128xf32, #tpu.memory_space<vmem_shared>> -> memref<640x128xf32, #tpu.memory_space<vmem_shared>>
      tpu.wait_dma2 semaphore(%run_scoped3A : memref<!tpu.dma_semaphore, #tpu.memory_space<semaphore_mem>>) src(%dma_wait3A_80 : memref<640x128xf32, #tpu.memory_space<vmem_shared>>) dst(%dma_wait3A_78 : memref<640x128xf32, #tpu.memory_space<hbm>>)
      tpu.yield
    }) : () -> ()
    return
  }
}

#map = affine_map<(d0, d1) -> (0, 0)>
#map1 = affine_map<(d0, d1) -> (0, 0, 0)>
module attributes {stable_mosaic.version = 14 : i64} {
  func.func @_layer_body(%arg0: i32, %arg1: i32, %arg2: memref<10240x128xf32, #tpu.memory_space<hbm>>, %arg3: memref<2x2560x128xi32, #tpu.memory_space<hbm>>, %arg4: memref<10240x128xf32, #tpu.memory_space<hbm>>, %arg5: memref<20480x128xf32, #tpu.memory_space<hbm>>, %arg6: memref<10240x128xf32, #tpu.memory_space<vmem_shared>>, %arg7: memref<128x128xf32, #tpu.memory_space<vmem>>, %arg8: memref<128x128xf32, #tpu.memory_space<vmem>>, %arg9: memref<2x1x128xi32, #tpu.memory_space<vmem>>, %arg10: memref<2x1x128xi32, #tpu.memory_space<vmem>>, %arg11: memref<2x1x128xi32, #tpu.memory_space<vmem>>, %arg12: memref<2x1x128xi32, #tpu.memory_space<vmem>>, %arg13: memref<!tpu.dma_semaphore, #tpu.memory_space<semaphore_mem>>, %arg14: memref<!tpu.dma_semaphore, #tpu.memory_space<semaphore_mem>>, %arg15: memref<!tpu.dma_semaphore, #tpu.memory_space<semaphore_mem>>, %arg16: memref<!tpu.dma_semaphore, #tpu.memory_space<semaphore_mem>>, %arg17: memref<!tpu.dma_semaphore, #tpu.memory_space<semaphore_mem>>, %arg18: memref<!tpu.dma_semaphore, #tpu.memory_space<semaphore_mem>>, %arg19: memref<!tpu.dma_semaphore, #tpu.memory_space<semaphore_mem>>, %arg20: memref<!tpu.dma_semaphore, #tpu.memory_space<semaphore_mem>>, %arg21: memref<!tpu.dma_semaphore, #tpu.memory_space<semaphore_mem>>) attributes {dimension_semantics = [#tpu.dimension_semantics<core_parallel>, #tpu.dimension_semantics<subcore_parallel>], iteration_bounds = array<i64: 2, 16>, scalar_prefetch = 0 : i64, scratch_operands = 16 : i64, tpu.core_type = #tpu.core_type<sc_vector_subcore>, window_params = [{transform_indices = #map}, {transform_indices = #map1}, {transform_indices = #map}, {transform_indices = #map}]} {
    %mul3A = arith.constant 16 : i32
    %mul3A_0 = arith.muli %arg0, %mul3A : i32
    %add3A = arith.addi %mul3A_0, %arg1 : i32
    %mul3A_1 = arith.constant 640 : i32
    %mul3A_2 = arith.muli %arg1, %mul3A_1 : i32
    %mul3A_3 = arith.constant 640 : i32
    %mul3A_4 = arith.muli %arg1, %mul3A_3 : i32
    %dma_start3A = arith.constant 0 : i32
    %dma_start3A_5 = tpu.memref_slice %arg6[%mul3A_4, %dma_start3A] : memref<10240x128xf32, #tpu.memory_space<vmem_shared>> -> memref<640x128xf32, #tpu.memory_space<vmem_shared>>
    %dma_start3A_6 = arith.constant 0 : i32
    %dma_start3A_7 = tpu.memref_slice %arg4[%mul3A_2, %dma_start3A_6] : memref<10240x128xf32, #tpu.memory_space<hbm>> -> memref<640x128xf32, #tpu.memory_space<hbm>>
    tpu.enqueue_dma source(%dma_start3A_7 : memref<640x128xf32, #tpu.memory_space<hbm>>) target(%dma_start3A_5 : memref<640x128xf32, #tpu.memory_space<vmem_shared>>) target_semaphore(%arg21 : memref<!tpu.dma_semaphore, #tpu.memory_space<semaphore_mem>>)
    %mul3A_8 = arith.constant 80 : i32
    %mul3A_9 = arith.muli %add3A, %mul3A_8 : i32
    %dma_start3A_10 = arith.constant 0 : i32
    %dma_start3A_11 = arith.constant 0 : i32
    %dma_start3A_12 = tpu.memref_slice %arg3[%dma_start3A_10, %mul3A_9, %dma_start3A_11] : memref<2x2560x128xi32, #tpu.memory_space<hbm>> -> memref<2x1x128xi32, #tpu.memory_space<hbm>>
    %dma_start3A_13 = arith.constant 0 : i32
    %dma_start3A_14 = arith.constant 0 : i32
    %dma_start3A_15 = tpu.memref_slice %arg3[%dma_start3A_13, %mul3A_9, %dma_start3A_14] : memref<2x2560x128xi32, #tpu.memory_space<hbm>> -> memref<2x1x128xi32, #tpu.memory_space<hbm>>
    tpu.enqueue_dma source(%dma_start3A_15 : memref<2x1x128xi32, #tpu.memory_space<hbm>>) target(%arg9 : memref<2x1x128xi32, #tpu.memory_space<vmem>>) target_semaphore(%arg17 : memref<!tpu.dma_semaphore, #tpu.memory_space<semaphore_mem>>)
    %add3A_16 = arith.constant 1 : i32
    %add3A_17 = arith.addi %mul3A_9, %add3A_16 : i32
    %dma_start3A_18 = arith.constant 0 : i32
    %dma_start3A_19 = arith.constant 0 : i32
    %dma_start3A_20 = tpu.memref_slice %arg3[%dma_start3A_18, %add3A_17, %dma_start3A_19] : memref<2x2560x128xi32, #tpu.memory_space<hbm>> -> memref<2x1x128xi32, #tpu.memory_space<hbm>>
    %dma_start3A_21 = arith.constant 0 : i32
    %dma_start3A_22 = arith.constant 0 : i32
    %dma_start3A_23 = tpu.memref_slice %arg3[%dma_start3A_21, %add3A_17, %dma_start3A_22] : memref<2x2560x128xi32, #tpu.memory_space<hbm>> -> memref<2x1x128xi32, #tpu.memory_space<hbm>>
    tpu.enqueue_dma source(%dma_start3A_23 : memref<2x1x128xi32, #tpu.memory_space<hbm>>) target(%arg10 : memref<2x1x128xi32, #tpu.memory_space<vmem>>) target_semaphore(%arg18 : memref<!tpu.dma_semaphore, #tpu.memory_space<semaphore_mem>>)
    %dma_wait3A = arith.constant 0 : i32
    %dma_wait3A_24 = tpu.memref_slice %arg6[%mul3A_4, %dma_wait3A] : memref<10240x128xf32, #tpu.memory_space<vmem_shared>> -> memref<640x128xf32, #tpu.memory_space<vmem_shared>>
    %dma_wait3A_25 = arith.constant 0 : i32
    %dma_wait3A_26 = tpu.memref_slice %arg4[%mul3A_2, %dma_wait3A_25] : memref<10240x128xf32, #tpu.memory_space<hbm>> -> memref<640x128xf32, #tpu.memory_space<hbm>>
    tpu.wait_dma2 semaphore(%arg21 : memref<!tpu.dma_semaphore, #tpu.memory_space<semaphore_mem>>) src(%dma_wait3A_26 : memref<640x128xf32, #tpu.memory_space<hbm>>) dst(%dma_wait3A_24 : memref<640x128xf32, #tpu.memory_space<vmem_shared>>)
    %barrier3A = arith.constant 0 : index
    tpu.barrier barrier_id(%barrier3A)
    %scan3A = arith.constant 0 : i32
    %scan3A_27 = arith.constant 0 : i32
    %scan3A_28 = arith.constant 20 : i32
    %scan3A_29 = arith.addi %scan3A_27, %scan3A_28 : i32
    %scan3A_30 = arith.constant 1 : i32
    %scan3A_31 = scf.for %scan3A_73 = %scan3A_27 to %scan3A_29 step %scan3A_30 iter_args(%scan3A_74 = %scan3A) -> (i32)  : i32 {
      %mul3A_75 = arith.constant 4 : i32
      %mul3A_76 = arith.muli %mul3A_75, %scan3A_73 : i32
      %add3A_77 = arith.constant 0 : i32
      %add3A_78 = arith.addi %mul3A_76, %add3A_77 : i32
      %ge3A = arith.constant 1 : i32
      %ge3A_79 = arith.cmpi sge, %scan3A_73, %ge3A : i32
      %convert_element_type3A = arith.extui %ge3A_79 : i1 to i32
      %cond3A = arith.constant 0 : i32
      %cond3A_80 = arith.cmpi ne, %convert_element_type3A, %cond3A : i32
      scf.if %cond3A_80 {
        %dma_wait3A_255 = arith.constant 0 : i32
        %dma_wait3A_256 = arith.constant 0 : i32
        %dma_wait3A_257 = arith.constant 0 : i32
        %dma_wait3A_258 = tpu.memref_slice %arg9[%dma_wait3A_255, %dma_wait3A_256, %dma_wait3A_257] : memref<2x1x128xi32, #tpu.memory_space<vmem>> -> memref<1x1x128xi32, #tpu.memory_space<vmem>>
        %dma_wait3A_259 = tpu.memref_squeeze %dma_wait3A_258 : memref<1x1x128xi32, #tpu.memory_space<vmem>> -> memref<128xi32, #tpu.memory_space<vmem>>
        %dma_wait3A_260 = arith.constant 0 : i32
        %dma_wait3A_261 = arith.constant 0 : i32
        %dma_wait3A_262 = tpu.memref_slice %arg6[%dma_wait3A_260, %dma_wait3A_261] : memref<10240x128xf32, #tpu.memory_space<vmem_shared>> -> memref<10240x128xf32, #tpu.memory_space<vmem_shared>>
        tpu.wait_indirect_dma semaphore(%arg15 : memref<!tpu.dma_semaphore, #tpu.memory_space<semaphore_mem>>) src(%arg7 : memref<128x128xf32, #tpu.memory_space<vmem>>) dst(%dma_wait3A_262 : memref<10240x128xf32, #tpu.memory_space<vmem_shared>>)
      } else {
      }
      %add3A_81 = arith.addi %mul3A_9, %add3A_78 : i32
      %dma_wait3A_82 = arith.constant 0 : i32
      %dma_wait3A_83 = arith.constant 0 : i32
      %dma_wait3A_84 = tpu.memref_slice %arg3[%dma_wait3A_82, %add3A_81, %dma_wait3A_83] : memref<2x2560x128xi32, #tpu.memory_space<hbm>> -> memref<2x1x128xi32, #tpu.memory_space<hbm>>
      %dma_wait3A_85 = arith.constant 0 : i32
      %dma_wait3A_86 = arith.constant 0 : i32
      %dma_wait3A_87 = tpu.memref_slice %arg3[%dma_wait3A_85, %add3A_81, %dma_wait3A_86] : memref<2x2560x128xi32, #tpu.memory_space<hbm>> -> memref<2x1x128xi32, #tpu.memory_space<hbm>>
      tpu.wait_dma2 semaphore(%arg17 : memref<!tpu.dma_semaphore, #tpu.memory_space<semaphore_mem>>) src(%dma_wait3A_87 : memref<2x1x128xi32, #tpu.memory_space<hbm>>) dst(%arg9 : memref<2x1x128xi32, #tpu.memory_space<vmem>>)
      %dma_start3A_88 = arith.constant 0 : i32
      %dma_start3A_89 = arith.constant 0 : i32
      %dma_start3A_90 = arith.constant 0 : i32
      %dma_start3A_91 = tpu.memref_slice %arg9[%dma_start3A_88, %dma_start3A_89, %dma_start3A_90] : memref<2x1x128xi32, #tpu.memory_space<vmem>> -> memref<1x1x128xi32, #tpu.memory_space<vmem>>
      %dma_start3A_92 = tpu.memref_squeeze %dma_start3A_91 : memref<1x1x128xi32, #tpu.memory_space<vmem>> -> memref<128xi32, #tpu.memory_space<vmem>>
      %dma_start3A_93 = arith.constant 0 : i32
      %dma_start3A_94 = arith.constant 0 : i32
      %dma_start3A_95 = tpu.memref_slice %arg2[%dma_start3A_93, %dma_start3A_94] : memref<10240x128xf32, #tpu.memory_space<hbm>> -> memref<10240x128xf32, #tpu.memory_space<hbm>>
      tpu.enqueue_indirect_dma source(%dma_start3A_95 : memref<10240x128xf32, #tpu.memory_space<hbm>>) target(%arg7 : memref<128x128xf32, #tpu.memory_space<vmem>>) offsets(%dma_start3A_92 : memref<128xi32, #tpu.memory_space<vmem>>) semaphore(%arg13 : memref<!tpu.dma_semaphore, #tpu.memory_space<semaphore_mem>>)
      %add3A_96 = arith.constant 2 : i32
      %add3A_97 = arith.addi %add3A_78, %add3A_96 : i32
      %add3A_98 = arith.addi %mul3A_9, %add3A_97 : i32
      %dma_start3A_99 = arith.constant 0 : i32
      %dma_start3A_100 = arith.constant 0 : i32
      %dma_start3A_101 = tpu.memref_slice %arg3[%dma_start3A_99, %add3A_98, %dma_start3A_100] : memref<2x2560x128xi32, #tpu.memory_space<hbm>> -> memref<2x1x128xi32, #tpu.memory_space<hbm>>
      %dma_start3A_102 = arith.constant 0 : i32
      %dma_start3A_103 = arith.constant 0 : i32
      %dma_start3A_104 = tpu.memref_slice %arg3[%dma_start3A_102, %add3A_98, %dma_start3A_103] : memref<2x2560x128xi32, #tpu.memory_space<hbm>> -> memref<2x1x128xi32, #tpu.memory_space<hbm>>
      tpu.enqueue_dma source(%dma_start3A_104 : memref<2x1x128xi32, #tpu.memory_space<hbm>>) target(%arg11 : memref<2x1x128xi32, #tpu.memory_space<vmem>>) target_semaphore(%arg19 : memref<!tpu.dma_semaphore, #tpu.memory_space<semaphore_mem>>)
      %ge3A_105 = arith.constant 1 : i32
      %ge3A_106 = arith.cmpi sge, %scan3A_73, %ge3A_105 : i32
      %convert_element_type3A_107 = arith.extui %ge3A_106 : i1 to i32
      %cond3A_108 = arith.constant 0 : i32
      %cond3A_109 = arith.cmpi ne, %convert_element_type3A_107, %cond3A_108 : i32
      scf.if %cond3A_109 {
        %dma_wait3A_255 = arith.constant 0 : i32
        %dma_wait3A_256 = arith.constant 0 : i32
        %dma_wait3A_257 = arith.constant 0 : i32
        %dma_wait3A_258 = tpu.memref_slice %arg12[%dma_wait3A_255, %dma_wait3A_256, %dma_wait3A_257] : memref<2x1x128xi32, #tpu.memory_space<vmem>> -> memref<1x1x128xi32, #tpu.memory_space<vmem>>
        %dma_wait3A_259 = tpu.memref_squeeze %dma_wait3A_258 : memref<1x1x128xi32, #tpu.memory_space<vmem>> -> memref<128xi32, #tpu.memory_space<vmem>>
        %dma_wait3A_260 = arith.constant 0 : i32
        %dma_wait3A_261 = arith.constant 0 : i32
        %dma_wait3A_262 = tpu.memref_slice %arg2[%dma_wait3A_260, %dma_wait3A_261] : memref<10240x128xf32, #tpu.memory_space<hbm>> -> memref<10240x128xf32, #tpu.memory_space<hbm>>
        tpu.wait_indirect_dma semaphore(%arg14 : memref<!tpu.dma_semaphore, #tpu.memory_space<semaphore_mem>>) src(%dma_wait3A_262 : memref<10240x128xf32, #tpu.memory_space<hbm>>) dst(%arg8 : memref<128x128xf32, #tpu.memory_space<vmem>>)
        %dma_start3A_263 = arith.constant 1 : i32
        %dma_start3A_264 = arith.constant 0 : i32
        %dma_start3A_265 = arith.constant 0 : i32
        %dma_start3A_266 = tpu.memref_slice %arg12[%dma_start3A_263, %dma_start3A_264, %dma_start3A_265] : memref<2x1x128xi32, #tpu.memory_space<vmem>> -> memref<1x1x128xi32, #tpu.memory_space<vmem>>
        %dma_start3A_267 = tpu.memref_squeeze %dma_start3A_266 : memref<1x1x128xi32, #tpu.memory_space<vmem>> -> memref<128xi32, #tpu.memory_space<vmem>>
        %dma_start3A_268 = arith.constant 0 : i32
        %dma_start3A_269 = arith.constant 0 : i32
        %dma_start3A_270 = tpu.memref_slice %arg6[%dma_start3A_268, %dma_start3A_269] : memref<10240x128xf32, #tpu.memory_space<vmem_shared>> -> memref<10240x128xf32, #tpu.memory_space<vmem_shared>>
        tpu.enqueue_indirect_dma source(%arg8 : memref<128x128xf32, #tpu.memory_space<vmem>>) target(%dma_start3A_270 : memref<10240x128xf32, #tpu.memory_space<vmem_shared>>) offsets(%dma_start3A_267 : memref<128xi32, #tpu.memory_space<vmem>>) semaphore(%arg16 : memref<!tpu.dma_semaphore, #tpu.memory_space<semaphore_mem>>) {add = true}
      } else {
      }
      %mul3A_110 = arith.constant 4 : i32
      %mul3A_111 = arith.muli %mul3A_110, %scan3A_73 : i32
      %add3A_112 = arith.constant 1 : i32
      %add3A_113 = arith.addi %mul3A_111, %add3A_112 : i32
      %ge3A_114 = arith.constant 1 : i32
      %ge3A_115 = arith.cmpi sge, %scan3A_73, %ge3A_114 : i32
      %convert_element_type3A_116 = arith.extui %ge3A_115 : i1 to i32
      %cond3A_117 = arith.constant 0 : i32
      %cond3A_118 = arith.cmpi ne, %convert_element_type3A_116, %cond3A_117 : i32
      scf.if %cond3A_118 {
        %dma_wait3A_255 = arith.constant 0 : i32
        %dma_wait3A_256 = arith.constant 0 : i32
        %dma_wait3A_257 = arith.constant 0 : i32
        %dma_wait3A_258 = tpu.memref_slice %arg10[%dma_wait3A_255, %dma_wait3A_256, %dma_wait3A_257] : memref<2x1x128xi32, #tpu.memory_space<vmem>> -> memref<1x1x128xi32, #tpu.memory_space<vmem>>
        %dma_wait3A_259 = tpu.memref_squeeze %dma_wait3A_258 : memref<1x1x128xi32, #tpu.memory_space<vmem>> -> memref<128xi32, #tpu.memory_space<vmem>>
        %dma_wait3A_260 = arith.constant 0 : i32
        %dma_wait3A_261 = arith.constant 0 : i32
        %dma_wait3A_262 = tpu.memref_slice %arg6[%dma_wait3A_260, %dma_wait3A_261] : memref<10240x128xf32, #tpu.memory_space<vmem_shared>> -> memref<10240x128xf32, #tpu.memory_space<vmem_shared>>
        tpu.wait_indirect_dma semaphore(%arg16 : memref<!tpu.dma_semaphore, #tpu.memory_space<semaphore_mem>>) src(%arg8 : memref<128x128xf32, #tpu.memory_space<vmem>>) dst(%dma_wait3A_262 : memref<10240x128xf32, #tpu.memory_space<vmem_shared>>)
      } else {
      }
      %add3A_119 = arith.addi %mul3A_9, %add3A_113 : i32
      %dma_wait3A_120 = arith.constant 0 : i32
      %dma_wait3A_121 = arith.constant 0 : i32
      %dma_wait3A_122 = tpu.memref_slice %arg3[%dma_wait3A_120, %add3A_119, %dma_wait3A_121] : memref<2x2560x128xi32, #tpu.memory_space<hbm>> -> memref<2x1x128xi32, #tpu.memory_space<hbm>>
      %dma_wait3A_123 = arith.constant 0 : i32
      %dma_wait3A_124 = arith.constant 0 : i32
      %dma_wait3A_125 = tpu.memref_slice %arg3[%dma_wait3A_123, %add3A_119, %dma_wait3A_124] : memref<2x2560x128xi32, #tpu.memory_space<hbm>> -> memref<2x1x128xi32, #tpu.memory_space<hbm>>
      tpu.wait_dma2 semaphore(%arg18 : memref<!tpu.dma_semaphore, #tpu.memory_space<semaphore_mem>>) src(%dma_wait3A_125 : memref<2x1x128xi32, #tpu.memory_space<hbm>>) dst(%arg10 : memref<2x1x128xi32, #tpu.memory_space<vmem>>)
      %dma_start3A_126 = arith.constant 0 : i32
      %dma_start3A_127 = arith.constant 0 : i32
      %dma_start3A_128 = arith.constant 0 : i32
      %dma_start3A_129 = tpu.memref_slice %arg10[%dma_start3A_126, %dma_start3A_127, %dma_start3A_128] : memref<2x1x128xi32, #tpu.memory_space<vmem>> -> memref<1x1x128xi32, #tpu.memory_space<vmem>>
      %dma_start3A_130 = tpu.memref_squeeze %dma_start3A_129 : memref<1x1x128xi32, #tpu.memory_space<vmem>> -> memref<128xi32, #tpu.memory_space<vmem>>
      %dma_start3A_131 = arith.constant 0 : i32
      %dma_start3A_132 = arith.constant 0 : i32
      %dma_start3A_133 = tpu.memref_slice %arg2[%dma_start3A_131, %dma_start3A_132] : memref<10240x128xf32, #tpu.memory_space<hbm>> -> memref<10240x128xf32, #tpu.memory_space<hbm>>
      tpu.enqueue_indirect_dma source(%dma_start3A_133 : memref<10240x128xf32, #tpu.memory_space<hbm>>) target(%arg8 : memref<128x128xf32, #tpu.memory_space<vmem>>) offsets(%dma_start3A_130 : memref<128xi32, #tpu.memory_space<vmem>>) semaphore(%arg14 : memref<!tpu.dma_semaphore, #tpu.memory_space<semaphore_mem>>)
      %add3A_134 = arith.constant 2 : i32
      %add3A_135 = arith.addi %add3A_113, %add3A_134 : i32
      %add3A_136 = arith.addi %mul3A_9, %add3A_135 : i32
      %dma_start3A_137 = arith.constant 0 : i32
      %dma_start3A_138 = arith.constant 0 : i32
      %dma_start3A_139 = tpu.memref_slice %arg3[%dma_start3A_137, %add3A_136, %dma_start3A_138] : memref<2x2560x128xi32, #tpu.memory_space<hbm>> -> memref<2x1x128xi32, #tpu.memory_space<hbm>>
      %dma_start3A_140 = arith.constant 0 : i32
      %dma_start3A_141 = arith.constant 0 : i32
      %dma_start3A_142 = tpu.memref_slice %arg3[%dma_start3A_140, %add3A_136, %dma_start3A_141] : memref<2x2560x128xi32, #tpu.memory_space<hbm>> -> memref<2x1x128xi32, #tpu.memory_space<hbm>>
      tpu.enqueue_dma source(%dma_start3A_142 : memref<2x1x128xi32, #tpu.memory_space<hbm>>) target(%arg12 : memref<2x1x128xi32, #tpu.memory_space<vmem>>) target_semaphore(%arg20 : memref<!tpu.dma_semaphore, #tpu.memory_space<semaphore_mem>>)
      %dma_wait3A_143 = arith.constant 0 : i32
      %dma_wait3A_144 = arith.constant 0 : i32
      %dma_wait3A_145 = arith.constant 0 : i32
      %dma_wait3A_146 = tpu.memref_slice %arg9[%dma_wait3A_143, %dma_wait3A_144, %dma_wait3A_145] : memref<2x1x128xi32, #tpu.memory_space<vmem>> -> memref<1x1x128xi32, #tpu.memory_space<vmem>>
      %dma_wait3A_147 = tpu.memref_squeeze %dma_wait3A_146 : memref<1x1x128xi32, #tpu.memory_space<vmem>> -> memref<128xi32, #tpu.memory_space<vmem>>
      %dma_wait3A_148 = arith.constant 0 : i32
      %dma_wait3A_149 = arith.constant 0 : i32
      %dma_wait3A_150 = tpu.memref_slice %arg2[%dma_wait3A_148, %dma_wait3A_149] : memref<10240x128xf32, #tpu.memory_space<hbm>> -> memref<10240x128xf32, #tpu.memory_space<hbm>>
      tpu.wait_indirect_dma semaphore(%arg13 : memref<!tpu.dma_semaphore, #tpu.memory_space<semaphore_mem>>) src(%dma_wait3A_150 : memref<10240x128xf32, #tpu.memory_space<hbm>>) dst(%arg7 : memref<128x128xf32, #tpu.memory_space<vmem>>)
      %dma_start3A_151 = arith.constant 1 : i32
      %dma_start3A_152 = arith.constant 0 : i32
      %dma_start3A_153 = arith.constant 0 : i32
      %dma_start3A_154 = tpu.memref_slice %arg9[%dma_start3A_151, %dma_start3A_152, %dma_start3A_153] : memref<2x1x128xi32, #tpu.memory_space<vmem>> -> memref<1x1x128xi32, #tpu.memory_space<vmem>>
      %dma_start3A_155 = tpu.memref_squeeze %dma_start3A_154 : memref<1x1x128xi32, #tpu.memory_space<vmem>> -> memref<128xi32, #tpu.memory_space<vmem>>
      %dma_start3A_156 = arith.constant 0 : i32
      %dma_start3A_157 = arith.constant 0 : i32
      %dma_start3A_158 = tpu.memref_slice %arg6[%dma_start3A_156, %dma_start3A_157] : memref<10240x128xf32, #tpu.memory_space<vmem_shared>> -> memref<10240x128xf32, #tpu.memory_space<vmem_shared>>
      tpu.enqueue_indirect_dma source(%arg7 : memref<128x128xf32, #tpu.memory_space<vmem>>) target(%dma_start3A_158 : memref<10240x128xf32, #tpu.memory_space<vmem_shared>>) offsets(%dma_start3A_155 : memref<128xi32, #tpu.memory_space<vmem>>) semaphore(%arg15 : memref<!tpu.dma_semaphore, #tpu.memory_space<semaphore_mem>>) {add = true}
      %mul3A_159 = arith.constant 4 : i32
      %mul3A_160 = arith.muli %mul3A_159, %scan3A_73 : i32
      %add3A_161 = arith.constant 2 : i32
      %add3A_162 = arith.addi %mul3A_160, %add3A_161 : i32
      %dma_wait3A_163 = arith.constant 0 : i32
      %dma_wait3A_164 = arith.constant 0 : i32
      %dma_wait3A_165 = arith.constant 0 : i32
      %dma_wait3A_166 = tpu.memref_slice %arg11[%dma_wait3A_163, %dma_wait3A_164, %dma_wait3A_165] : memref<2x1x128xi32, #tpu.memory_space<vmem>> -> memref<1x1x128xi32, #tpu.memory_space<vmem>>
      %dma_wait3A_167 = tpu.memref_squeeze %dma_wait3A_166 : memref<1x1x128xi32, #tpu.memory_space<vmem>> -> memref<128xi32, #tpu.memory_space<vmem>>
      %dma_wait3A_168 = arith.constant 0 : i32
      %dma_wait3A_169 = arith.constant 0 : i32
      %dma_wait3A_170 = tpu.memref_slice %arg6[%dma_wait3A_168, %dma_wait3A_169] : memref<10240x128xf32, #tpu.memory_space<vmem_shared>> -> memref<10240x128xf32, #tpu.memory_space<vmem_shared>>
      tpu.wait_indirect_dma semaphore(%arg15 : memref<!tpu.dma_semaphore, #tpu.memory_space<semaphore_mem>>) src(%arg7 : memref<128x128xf32, #tpu.memory_space<vmem>>) dst(%dma_wait3A_170 : memref<10240x128xf32, #tpu.memory_space<vmem_shared>>)
      %add3A_171 = arith.addi %mul3A_9, %add3A_162 : i32
      %dma_wait3A_172 = arith.constant 0 : i32
      %dma_wait3A_173 = arith.constant 0 : i32
      %dma_wait3A_174 = tpu.memref_slice %arg3[%dma_wait3A_172, %add3A_171, %dma_wait3A_173] : memref<2x2560x128xi32, #tpu.memory_space<hbm>> -> memref<2x1x128xi32, #tpu.memory_space<hbm>>
      %dma_wait3A_175 = arith.constant 0 : i32
      %dma_wait3A_176 = arith.constant 0 : i32
      %dma_wait3A_177 = tpu.memref_slice %arg3[%dma_wait3A_175, %add3A_171, %dma_wait3A_176] : memref<2x2560x128xi32, #tpu.memory_space<hbm>> -> memref<2x1x128xi32, #tpu.memory_space<hbm>>
      tpu.wait_dma2 semaphore(%arg19 : memref<!tpu.dma_semaphore, #tpu.memory_space<semaphore_mem>>) src(%dma_wait3A_177 : memref<2x1x128xi32, #tpu.memory_space<hbm>>) dst(%arg11 : memref<2x1x128xi32, #tpu.memory_space<vmem>>)
      %dma_start3A_178 = arith.constant 0 : i32
      %dma_start3A_179 = arith.constant 0 : i32
      %dma_start3A_180 = arith.constant 0 : i32
      %dma_start3A_181 = tpu.memref_slice %arg11[%dma_start3A_178, %dma_start3A_179, %dma_start3A_180] : memref<2x1x128xi32, #tpu.memory_space<vmem>> -> memref<1x1x128xi32, #tpu.memory_space<vmem>>
      %dma_start3A_182 = tpu.memref_squeeze %dma_start3A_181 : memref<1x1x128xi32, #tpu.memory_space<vmem>> -> memref<128xi32, #tpu.memory_space<vmem>>
      %dma_start3A_183 = arith.constant 0 : i32
      %dma_start3A_184 = arith.constant 0 : i32
      %dma_start3A_185 = tpu.memref_slice %arg2[%dma_start3A_183, %dma_start3A_184] : memref<10240x128xf32, #tpu.memory_space<hbm>> -> memref<10240x128xf32, #tpu.memory_space<hbm>>
      tpu.enqueue_indirect_dma source(%dma_start3A_185 : memref<10240x128xf32, #tpu.memory_space<hbm>>) target(%arg7 : memref<128x128xf32, #tpu.memory_space<vmem>>) offsets(%dma_start3A_182 : memref<128xi32, #tpu.memory_space<vmem>>) semaphore(%arg13 : memref<!tpu.dma_semaphore, #tpu.memory_space<semaphore_mem>>)
      %lt3A = arith.constant 19 : i32
      %lt3A_186 = arith.cmpi slt, %scan3A_73, %lt3A : i32
      %convert_element_type3A_187 = arith.extui %lt3A_186 : i1 to i32
      %cond3A_188 = arith.constant 0 : i32
      %cond3A_189 = arith.cmpi ne, %convert_element_type3A_187, %cond3A_188 : i32
      scf.if %cond3A_189 {
        %add3A_255 = arith.constant 2 : i32
        %add3A_256 = arith.addi %add3A_162, %add3A_255 : i32
        %add3A_257 = arith.addi %mul3A_9, %add3A_256 : i32
        %dma_start3A_258 = arith.constant 0 : i32
        %dma_start3A_259 = arith.constant 0 : i32
        %dma_start3A_260 = tpu.memref_slice %arg3[%dma_start3A_258, %add3A_257, %dma_start3A_259] : memref<2x2560x128xi32, #tpu.memory_space<hbm>> -> memref<2x1x128xi32, #tpu.memory_space<hbm>>
        %dma_start3A_261 = arith.constant 0 : i32
        %dma_start3A_262 = arith.constant 0 : i32
        %dma_start3A_263 = tpu.memref_slice %arg3[%dma_start3A_261, %add3A_257, %dma_start3A_262] : memref<2x2560x128xi32, #tpu.memory_space<hbm>> -> memref<2x1x128xi32, #tpu.memory_space<hbm>>
        tpu.enqueue_dma source(%dma_start3A_263 : memref<2x1x128xi32, #tpu.memory_space<hbm>>) target(%arg9 : memref<2x1x128xi32, #tpu.memory_space<vmem>>) target_semaphore(%arg17 : memref<!tpu.dma_semaphore, #tpu.memory_space<semaphore_mem>>)
      } else {
      }
      %dma_wait3A_190 = arith.constant 0 : i32
      %dma_wait3A_191 = arith.constant 0 : i32
      %dma_wait3A_192 = arith.constant 0 : i32
      %dma_wait3A_193 = tpu.memref_slice %arg10[%dma_wait3A_190, %dma_wait3A_191, %dma_wait3A_192] : memref<2x1x128xi32, #tpu.memory_space<vmem>> -> memref<1x1x128xi32, #tpu.memory_space<vmem>>
      %dma_wait3A_194 = tpu.memref_squeeze %dma_wait3A_193 : memref<1x1x128xi32, #tpu.memory_space<vmem>> -> memref<128xi32, #tpu.memory_space<vmem>>
      %dma_wait3A_195 = arith.constant 0 : i32
      %dma_wait3A_196 = arith.constant 0 : i32
      %dma_wait3A_197 = tpu.memref_slice %arg2[%dma_wait3A_195, %dma_wait3A_196] : memref<10240x128xf32, #tpu.memory_space<hbm>> -> memref<10240x128xf32, #tpu.memory_space<hbm>>
      tpu.wait_indirect_dma semaphore(%arg14 : memref<!tpu.dma_semaphore, #tpu.memory_space<semaphore_mem>>) src(%dma_wait3A_197 : memref<10240x128xf32, #tpu.memory_space<hbm>>) dst(%arg8 : memref<128x128xf32, #tpu.memory_space<vmem>>)
      %dma_start3A_198 = arith.constant 1 : i32
      %dma_start3A_199 = arith.constant 0 : i32
      %dma_start3A_200 = arith.constant 0 : i32
      %dma_start3A_201 = tpu.memref_slice %arg10[%dma_start3A_198, %dma_start3A_199, %dma_start3A_200] : memref<2x1x128xi32, #tpu.memory_space<vmem>> -> memref<1x1x128xi32, #tpu.memory_space<vmem>>
      %dma_start3A_202 = tpu.memref_squeeze %dma_start3A_201 : memref<1x1x128xi32, #tpu.memory_space<vmem>> -> memref<128xi32, #tpu.memory_space<vmem>>
      %dma_start3A_203 = arith.constant 0 : i32
      %dma_start3A_204 = arith.constant 0 : i32
      %dma_start3A_205 = tpu.memref_slice %arg6[%dma_start3A_203, %dma_start3A_204] : memref<10240x128xf32, #tpu.memory_space<vmem_shared>> -> memref<10240x128xf32, #tpu.memory_space<vmem_shared>>
      tpu.enqueue_indirect_dma source(%arg8 : memref<128x128xf32, #tpu.memory_space<vmem>>) target(%dma_start3A_205 : memref<10240x128xf32, #tpu.memory_space<vmem_shared>>) offsets(%dma_start3A_202 : memref<128xi32, #tpu.memory_space<vmem>>) semaphore(%arg16 : memref<!tpu.dma_semaphore, #tpu.memory_space<semaphore_mem>>) {add = true}
      %mul3A_206 = arith.constant 4 : i32
      %mul3A_207 = arith.muli %mul3A_206, %scan3A_73 : i32
      %add3A_208 = arith.constant 3 : i32
      %add3A_209 = arith.addi %mul3A_207, %add3A_208 : i32
      %dma_wait3A_210 = arith.constant 0 : i32
      %dma_wait3A_211 = arith.constant 0 : i32
      %dma_wait3A_212 = arith.constant 0 : i32
      %dma_wait3A_213 = tpu.memref_slice %arg12[%dma_wait3A_210, %dma_wait3A_211, %dma_wait3A_212] : memref<2x1x128xi32, #tpu.memory_space<vmem>> -> memref<1x1x128xi32, #tpu.memory_space<vmem>>
      %dma_wait3A_214 = tpu.memref_squeeze %dma_wait3A_213 : memref<1x1x128xi32, #tpu.memory_space<vmem>> -> memref<128xi32, #tpu.memory_space<vmem>>
      %dma_wait3A_215 = arith.constant 0 : i32
      %dma_wait3A_216 = arith.constant 0 : i32
      %dma_wait3A_217 = tpu.memref_slice %arg6[%dma_wait3A_215, %dma_wait3A_216] : memref<10240x128xf32, #tpu.memory_space<vmem_shared>> -> memref<10240x128xf32, #tpu.memory_space<vmem_shared>>
      tpu.wait_indirect_dma semaphore(%arg16 : memref<!tpu.dma_semaphore, #tpu.memory_space<semaphore_mem>>) src(%arg8 : memref<128x128xf32, #tpu.memory_space<vmem>>) dst(%dma_wait3A_217 : memref<10240x128xf32, #tpu.memory_space<vmem_shared>>)
      %add3A_218 = arith.addi %mul3A_9, %add3A_209 : i32
      %dma_wait3A_219 = arith.constant 0 : i32
      %dma_wait3A_220 = arith.constant 0 : i32
      %dma_wait3A_221 = tpu.memref_slice %arg3[%dma_wait3A_219, %add3A_218, %dma_wait3A_220] : memref<2x2560x128xi32, #tpu.memory_space<hbm>> -> memref<2x1x128xi32, #tpu.memory_space<hbm>>
      %dma_wait3A_222 = arith.constant 0 : i32
      %dma_wait3A_223 = arith.constant 0 : i32
      %dma_wait3A_224 = tpu.memref_slice %arg3[%dma_wait3A_222, %add3A_218, %dma_wait3A_223] : memref<2x2560x128xi32, #tpu.memory_space<hbm>> -> memref<2x1x128xi32, #tpu.memory_space<hbm>>
      tpu.wait_dma2 semaphore(%arg20 : memref<!tpu.dma_semaphore, #tpu.memory_space<semaphore_mem>>) src(%dma_wait3A_224 : memref<2x1x128xi32, #tpu.memory_space<hbm>>) dst(%arg12 : memref<2x1x128xi32, #tpu.memory_space<vmem>>)
      %dma_start3A_225 = arith.constant 0 : i32
      %dma_start3A_226 = arith.constant 0 : i32
      %dma_start3A_227 = arith.constant 0 : i32
      %dma_start3A_228 = tpu.memref_slice %arg12[%dma_start3A_225, %dma_start3A_226, %dma_start3A_227] : memref<2x1x128xi32, #tpu.memory_space<vmem>> -> memref<1x1x128xi32, #tpu.memory_space<vmem>>
      %dma_start3A_229 = tpu.memref_squeeze %dma_start3A_228 : memref<1x1x128xi32, #tpu.memory_space<vmem>> -> memref<128xi32, #tpu.memory_space<vmem>>
      %dma_start3A_230 = arith.constant 0 : i32
      %dma_start3A_231 = arith.constant 0 : i32
      %dma_start3A_232 = tpu.memref_slice %arg2[%dma_start3A_230, %dma_start3A_231] : memref<10240x128xf32, #tpu.memory_space<hbm>> -> memref<10240x128xf32, #tpu.memory_space<hbm>>
      tpu.enqueue_indirect_dma source(%dma_start3A_232 : memref<10240x128xf32, #tpu.memory_space<hbm>>) target(%arg8 : memref<128x128xf32, #tpu.memory_space<vmem>>) offsets(%dma_start3A_229 : memref<128xi32, #tpu.memory_space<vmem>>) semaphore(%arg14 : memref<!tpu.dma_semaphore, #tpu.memory_space<semaphore_mem>>)
      %lt3A_233 = arith.constant 19 : i32
      %lt3A_234 = arith.cmpi slt, %scan3A_73, %lt3A_233 : i32
      %convert_element_type3A_235 = arith.extui %lt3A_234 : i1 to i32
      %cond3A_236 = arith.constant 0 : i32
      %cond3A_237 = arith.cmpi ne, %convert_element_type3A_235, %cond3A_236 : i32
      scf.if %cond3A_237 {
        %add3A_255 = arith.constant 2 : i32
        %add3A_256 = arith.addi %add3A_209, %add3A_255 : i32
        %add3A_257 = arith.addi %mul3A_9, %add3A_256 : i32
        %dma_start3A_258 = arith.constant 0 : i32
        %dma_start3A_259 = arith.constant 0 : i32
        %dma_start3A_260 = tpu.memref_slice %arg3[%dma_start3A_258, %add3A_257, %dma_start3A_259] : memref<2x2560x128xi32, #tpu.memory_space<hbm>> -> memref<2x1x128xi32, #tpu.memory_space<hbm>>
        %dma_start3A_261 = arith.constant 0 : i32
        %dma_start3A_262 = arith.constant 0 : i32
        %dma_start3A_263 = tpu.memref_slice %arg3[%dma_start3A_261, %add3A_257, %dma_start3A_262] : memref<2x2560x128xi32, #tpu.memory_space<hbm>> -> memref<2x1x128xi32, #tpu.memory_space<hbm>>
        tpu.enqueue_dma source(%dma_start3A_263 : memref<2x1x128xi32, #tpu.memory_space<hbm>>) target(%arg10 : memref<2x1x128xi32, #tpu.memory_space<vmem>>) target_semaphore(%arg18 : memref<!tpu.dma_semaphore, #tpu.memory_space<semaphore_mem>>)
      } else {
      }
      %dma_wait3A_238 = arith.constant 0 : i32
      %dma_wait3A_239 = arith.constant 0 : i32
      %dma_wait3A_240 = arith.constant 0 : i32
      %dma_wait3A_241 = tpu.memref_slice %arg11[%dma_wait3A_238, %dma_wait3A_239, %dma_wait3A_240] : memref<2x1x128xi32, #tpu.memory_space<vmem>> -> memref<1x1x128xi32, #tpu.memory_space<vmem>>
      %dma_wait3A_242 = tpu.memref_squeeze %dma_wait3A_241 : memref<1x1x128xi32, #tpu.memory_space<vmem>> -> memref<128xi32, #tpu.memory_space<vmem>>
      %dma_wait3A_243 = arith.constant 0 : i32
      %dma_wait3A_244 = arith.constant 0 : i32
      %dma_wait3A_245 = tpu.memref_slice %arg2[%dma_wait3A_243, %dma_wait3A_244] : memref<10240x128xf32, #tpu.memory_space<hbm>> -> memref<10240x128xf32, #tpu.memory_space<hbm>>
      tpu.wait_indirect_dma semaphore(%arg13 : memref<!tpu.dma_semaphore, #tpu.memory_space<semaphore_mem>>) src(%dma_wait3A_245 : memref<10240x128xf32, #tpu.memory_space<hbm>>) dst(%arg7 : memref<128x128xf32, #tpu.memory_space<vmem>>)
      %dma_start3A_246 = arith.constant 1 : i32
      %dma_start3A_247 = arith.constant 0 : i32
      %dma_start3A_248 = arith.constant 0 : i32
      %dma_start3A_249 = tpu.memref_slice %arg11[%dma_start3A_246, %dma_start3A_247, %dma_start3A_248] : memref<2x1x128xi32, #tpu.memory_space<vmem>> -> memref<1x1x128xi32, #tpu.memory_space<vmem>>
      %dma_start3A_250 = tpu.memref_squeeze %dma_start3A_249 : memref<1x1x128xi32, #tpu.memory_space<vmem>> -> memref<128xi32, #tpu.memory_space<vmem>>
      %dma_start3A_251 = arith.constant 0 : i32
      %dma_start3A_252 = arith.constant 0 : i32
      %dma_start3A_253 = tpu.memref_slice %arg6[%dma_start3A_251, %dma_start3A_252] : memref<10240x128xf32, #tpu.memory_space<vmem_shared>> -> memref<10240x128xf32, #tpu.memory_space<vmem_shared>>
      tpu.enqueue_indirect_dma source(%arg7 : memref<128x128xf32, #tpu.memory_space<vmem>>) target(%dma_start3A_253 : memref<10240x128xf32, #tpu.memory_space<vmem_shared>>) offsets(%dma_start3A_250 : memref<128xi32, #tpu.memory_space<vmem>>) semaphore(%arg15 : memref<!tpu.dma_semaphore, #tpu.memory_space<semaphore_mem>>) {add = true}
      %scan3A_254 = arith.constant 0 : i32
      scf.yield %scan3A_254 : i32
    }
    %scan3A_32 = arith.constant 20 : i32
    %dma_wait3A_33 = arith.constant 0 : i32
    %dma_wait3A_34 = arith.constant 0 : i32
    %dma_wait3A_35 = arith.constant 0 : i32
    %dma_wait3A_36 = tpu.memref_slice %arg12[%dma_wait3A_33, %dma_wait3A_34, %dma_wait3A_35] : memref<2x1x128xi32, #tpu.memory_space<vmem>> -> memref<1x1x128xi32, #tpu.memory_space<vmem>>
    %dma_wait3A_37 = tpu.memref_squeeze %dma_wait3A_36 : memref<1x1x128xi32, #tpu.memory_space<vmem>> -> memref<128xi32, #tpu.memory_space<vmem>>
    %dma_wait3A_38 = arith.constant 0 : i32
    %dma_wait3A_39 = arith.constant 0 : i32
    %dma_wait3A_40 = tpu.memref_slice %arg2[%dma_wait3A_38, %dma_wait3A_39] : memref<10240x128xf32, #tpu.memory_space<hbm>> -> memref<10240x128xf32, #tpu.memory_space<hbm>>
    tpu.wait_indirect_dma semaphore(%arg14 : memref<!tpu.dma_semaphore, #tpu.memory_space<semaphore_mem>>) src(%dma_wait3A_40 : memref<10240x128xf32, #tpu.memory_space<hbm>>) dst(%arg8 : memref<128x128xf32, #tpu.memory_space<vmem>>)
    %dma_start3A_41 = arith.constant 1 : i32
    %dma_start3A_42 = arith.constant 0 : i32
    %dma_start3A_43 = arith.constant 0 : i32
    %dma_start3A_44 = tpu.memref_slice %arg12[%dma_start3A_41, %dma_start3A_42, %dma_start3A_43] : memref<2x1x128xi32, #tpu.memory_space<vmem>> -> memref<1x1x128xi32, #tpu.memory_space<vmem>>
    %dma_start3A_45 = tpu.memref_squeeze %dma_start3A_44 : memref<1x1x128xi32, #tpu.memory_space<vmem>> -> memref<128xi32, #tpu.memory_space<vmem>>
    %dma_start3A_46 = arith.constant 0 : i32
    %dma_start3A_47 = arith.constant 0 : i32
    %dma_start3A_48 = tpu.memref_slice %arg6[%dma_start3A_46, %dma_start3A_47] : memref<10240x128xf32, #tpu.memory_space<vmem_shared>> -> memref<10240x128xf32, #tpu.memory_space<vmem_shared>>
    tpu.enqueue_indirect_dma source(%arg8 : memref<128x128xf32, #tpu.memory_space<vmem>>) target(%dma_start3A_48 : memref<10240x128xf32, #tpu.memory_space<vmem_shared>>) offsets(%dma_start3A_45 : memref<128xi32, #tpu.memory_space<vmem>>) semaphore(%arg16 : memref<!tpu.dma_semaphore, #tpu.memory_space<semaphore_mem>>) {add = true}
    %dma_wait3A_49 = arith.constant 1 : i32
    %dma_wait3A_50 = arith.constant 0 : i32
    %dma_wait3A_51 = arith.constant 0 : i32
    %dma_wait3A_52 = tpu.memref_slice %arg11[%dma_wait3A_49, %dma_wait3A_50, %dma_wait3A_51] : memref<2x1x128xi32, #tpu.memory_space<vmem>> -> memref<1x1x128xi32, #tpu.memory_space<vmem>>
    %dma_wait3A_53 = tpu.memref_squeeze %dma_wait3A_52 : memref<1x1x128xi32, #tpu.memory_space<vmem>> -> memref<128xi32, #tpu.memory_space<vmem>>
    %dma_wait3A_54 = arith.constant 0 : i32
    %dma_wait3A_55 = arith.constant 0 : i32
    %dma_wait3A_56 = tpu.memref_slice %arg6[%dma_wait3A_54, %dma_wait3A_55] : memref<10240x128xf32, #tpu.memory_space<vmem_shared>> -> memref<10240x128xf32, #tpu.memory_space<vmem_shared>>
    tpu.wait_indirect_dma semaphore(%arg15 : memref<!tpu.dma_semaphore, #tpu.memory_space<semaphore_mem>>) src(%arg7 : memref<128x128xf32, #tpu.memory_space<vmem>>) dst(%dma_wait3A_56 : memref<10240x128xf32, #tpu.memory_space<vmem_shared>>)
    %dma_wait3A_57 = arith.constant 1 : i32
    %dma_wait3A_58 = arith.constant 0 : i32
    %dma_wait3A_59 = arith.constant 0 : i32
    %dma_wait3A_60 = tpu.memref_slice %arg12[%dma_wait3A_57, %dma_wait3A_58, %dma_wait3A_59] : memref<2x1x128xi32, #tpu.memory_space<vmem>> -> memref<1x1x128xi32, #tpu.memory_space<vmem>>
    %dma_wait3A_61 = tpu.memref_squeeze %dma_wait3A_60 : memref<1x1x128xi32, #tpu.memory_space<vmem>> -> memref<128xi32, #tpu.memory_space<vmem>>
    %dma_wait3A_62 = arith.constant 0 : i32
    %dma_wait3A_63 = arith.constant 0 : i32
    %dma_wait3A_64 = tpu.memref_slice %arg6[%dma_wait3A_62, %dma_wait3A_63] : memref<10240x128xf32, #tpu.memory_space<vmem_shared>> -> memref<10240x128xf32, #tpu.memory_space<vmem_shared>>
    tpu.wait_indirect_dma semaphore(%arg16 : memref<!tpu.dma_semaphore, #tpu.memory_space<semaphore_mem>>) src(%arg8 : memref<128x128xf32, #tpu.memory_space<vmem>>) dst(%dma_wait3A_64 : memref<10240x128xf32, #tpu.memory_space<vmem_shared>>)
    %barrier3A_65 = arith.constant 0 : index
    tpu.barrier barrier_id(%barrier3A_65)
    %mul3A_66 = arith.constant 640 : i32
    %mul3A_67 = arith.muli %arg1, %mul3A_66 : i32
    %mul3A_68 = arith.constant 10240 : i32
    %mul3A_69 = arith.muli %arg0, %mul3A_68 : i32
    %mul3A_70 = arith.constant 640 : i32
    %mul3A_71 = arith.muli %arg1, %mul3A_70 : i32
    %add3A_72 = arith.addi %mul3A_69, %mul3A_71 : i32
    "tpu.region"() ({
      %run_scoped3A = tpu.sem_alloc : memref<!tpu.dma_semaphore, #tpu.memory_space<semaphore_mem>>
      %dma_start3A_73 = arith.constant 0 : i32
      %dma_start3A_74 = tpu.memref_slice %arg5[%add3A_72, %dma_start3A_73] : memref<20480x128xf32, #tpu.memory_space<hbm>> -> memref<640x128xf32, #tpu.memory_space<hbm>>
      %dma_start3A_75 = arith.constant 0 : i32
      %dma_start3A_76 = tpu.memref_slice %arg6[%mul3A_67, %dma_start3A_75] : memref<10240x128xf32, #tpu.memory_space<vmem_shared>> -> memref<640x128xf32, #tpu.memory_space<vmem_shared>>
      tpu.enqueue_dma source(%dma_start3A_76 : memref<640x128xf32, #tpu.memory_space<vmem_shared>>) target(%dma_start3A_74 : memref<640x128xf32, #tpu.memory_space<hbm>>) target_semaphore(%run_scoped3A : memref<!tpu.dma_semaphore, #tpu.memory_space<semaphore_mem>>)
      %dma_wait3A_77 = arith.constant 0 : i32
      %dma_wait3A_78 = tpu.memref_slice %arg5[%add3A_72, %dma_wait3A_77] : memref<20480x128xf32, #tpu.memory_space<hbm>> -> memref<640x128xf32, #tpu.memory_space<hbm>>
      %dma_wait3A_79 = arith.constant 0 : i32
      %dma_wait3A_80 = tpu.memref_slice %arg6[%mul3A_67, %dma_wait3A_79] : memref<10240x128xf32, #tpu.memory_space<vmem_shared>> -> memref<640x128xf32, #tpu.memory_space<vmem_shared>>
      tpu.wait_dma2 semaphore(%run_scoped3A : memref<!tpu.dma_semaphore, #tpu.memory_space<semaphore_mem>>) src(%dma_wait3A_80 : memref<640x128xf32, #tpu.memory_space<vmem_shared>>) dst(%dma_wait3A_78 : memref<640x128xf32, #tpu.memory_space<hbm>>)
      tpu.yield
    }) : () -> ()
    return
  }
}

#map = affine_map<(d0, d1) -> (0, 0, 0, 0)>
#map1 = affine_map<(d0, d1) -> (0)>
module attributes {stable_mosaic.version = 14 : i64} {
  func.func @_deg_body(%arg0: i32, %arg1: i32, %arg2: memref<2x32x80x128xi32, #tpu.memory_space<hbm>>, %arg3: memref<40960xf32, #tpu.memory_space<hbm>>, %arg4: memref<10240xf32, #tpu.memory_space<vmem_shared>>, %arg5: memref<10240xf32, #tpu.memory_space<vmem_shared>>, %arg6: memref<2x80x128xi32, #tpu.memory_space<vmem>>, %arg7: memref<128xf32, #tpu.memory_space<vmem>>, %arg8: memref<!tpu.dma_semaphore, #tpu.memory_space<semaphore_mem>>, %arg9: memref<!tpu.dma_semaphore, #tpu.memory_space<semaphore_mem>>, %arg10: memref<!tpu.dma_semaphore, #tpu.memory_space<semaphore_mem>>, %arg11: memref<!tpu.dma_semaphore, #tpu.memory_space<semaphore_mem>>, %arg12: memref<!tpu.dma_semaphore, #tpu.memory_space<semaphore_mem>>, %arg13: memref<!tpu.dma_semaphore, #tpu.memory_space<semaphore_mem>>, %arg14: memref<!tpu.dma_semaphore, #tpu.memory_space<semaphore_mem>>, %arg15: memref<!tpu.dma_semaphore, #tpu.memory_space<semaphore_mem>>, %arg16: memref<!tpu.dma_semaphore, #tpu.memory_space<semaphore_mem>>) attributes {dimension_semantics = [#tpu.dimension_semantics<core_parallel>, #tpu.dimension_semantics<subcore_parallel>], iteration_bounds = array<i64: 2, 16>, scalar_prefetch = 0 : i64, scratch_operands = 13 : i64, tpu.core_type = #tpu.core_type<sc_vector_subcore>, window_params = [{transform_indices = #map}, {transform_indices = #map1}]} {
    %mul3A = arith.constant 16 : i32
    %mul3A_0 = arith.muli %arg0, %mul3A : i32
    %add3A = arith.addi %mul3A_0, %arg1 : i32
    %dma_start3A = arith.constant 0 : i32
    %dma_start3A_1 = arith.constant 0 : i32
    %dma_start3A_2 = arith.constant 0 : i32
    %dma_start3A_3 = tpu.memref_slice %arg2[%dma_start3A, %add3A, %dma_start3A_1, %dma_start3A_2] : memref<2x32x80x128xi32, #tpu.memory_space<hbm>> -> memref<2x1x80x128xi32, #tpu.memory_space<hbm>>
    %dma_start3A_4 = tpu.memref_squeeze %dma_start3A_3 : memref<2x1x80x128xi32, #tpu.memory_space<hbm>> -> memref<2x80x128xi32, #tpu.memory_space<hbm>>
    %dma_start3A_5 = arith.constant 0 : i32
    %dma_start3A_6 = arith.constant 0 : i32
    %dma_start3A_7 = arith.constant 0 : i32
    %dma_start3A_8 = tpu.memref_slice %arg2[%dma_start3A_5, %add3A, %dma_start3A_6, %dma_start3A_7] : memref<2x32x80x128xi32, #tpu.memory_space<hbm>> -> memref<2x1x80x128xi32, #tpu.memory_space<hbm>>
    %dma_start3A_9 = tpu.memref_squeeze %dma_start3A_8 : memref<2x1x80x128xi32, #tpu.memory_space<hbm>> -> memref<2x80x128xi32, #tpu.memory_space<hbm>>
    tpu.enqueue_dma source(%dma_start3A_9 : memref<2x80x128xi32, #tpu.memory_space<hbm>>) target(%arg6 : memref<2x80x128xi32, #tpu.memory_space<vmem>>) target_semaphore(%arg16 : memref<!tpu.dma_semaphore, #tpu.memory_space<semaphore_mem>>)
    %scan3A = arith.constant 0 : i32
    %scan3A_10 = arith.constant 0 : i32
    %scan3A_11 = arith.constant 8 : i32
    %scan3A_12 = arith.addi %scan3A_10, %scan3A_11 : i32
    %scan3A_13 = arith.constant 1 : i32
    %scan3A_14 = scf.for %scan3A_158 = %scan3A_10 to %scan3A_12 step %scan3A_13 iter_args(%scan3A_159 = %scan3A) -> (i32)  : i32 {
      %broadcast_in_dim3A = arith.constant 0.000000e+00 : f32
      %broadcast_in_dim3A_160 = vector.broadcast %broadcast_in_dim3A : f32 to vector<16xf32>
      %mul3A_161 = arith.constant 16 : i32
      %mul3A_162 = arith.muli %scan3A_158, %mul3A_161 : i32
      %swap3A = arith.index_cast %mul3A_162 : i32 to index
      %swap3A_163 = tpu.vector_load %arg7[%swap3A] {strides = array<i32>} : memref<128xf32, #tpu.memory_space<vmem>>, vector<16xf32>,
      %swap3A_164 = vector.shape_cast %swap3A_163 : vector<16xf32> to vector<16xf32>
      %swap3A_165 = vector.shape_cast %broadcast_in_dim3A_160 : vector<16xf32> to vector<16xf32>
      tpu.vector_store %arg7[%swap3A], %swap3A_165 {strides = array<i32>} : memref<128xf32, #tpu.memory_space<vmem>>, vector<16xf32>,
      %scan3A_166 = arith.constant 0 : i32
      scf.yield %scan3A_166 : i32
    }
    %scan3A_15 = arith.constant 8 : i32
    %mul3A_16 = arith.constant 640 : i32
    %mul3A_17 = arith.muli %arg1, %mul3A_16 : i32
    %add3A_18 = arith.constant 0 : i32
    %add3A_19 = arith.addi %mul3A_17, %add3A_18 : i32
    "tpu.region"() ({
      %run_scoped3A = tpu.sem_alloc : memref<!tpu.dma_semaphore, #tpu.memory_space<semaphore_mem>>
      %dma_start3A_158 = arith.constant 0 : i32
      %dma_start3A_159 = tpu.memref_slice %arg7[%dma_start3A_158] : memref<128xf32, #tpu.memory_space<vmem>> -> memref<128xf32, #tpu.memory_space<vmem>>
      %dma_start3A_160 = tpu.memref_slice %arg4[%add3A_19] : memref<10240xf32, #tpu.memory_space<vmem_shared>> -> memref<128xf32, #tpu.memory_space<vmem_shared>>
      %dma_start3A_161 = tpu.memref_slice %arg4[%add3A_19] : memref<10240xf32, #tpu.memory_space<vmem_shared>> -> memref<128xf32, #tpu.memory_space<vmem_shared>>
      %dma_start3A_162 = arith.constant 0 : i32
      %dma_start3A_163 = tpu.memref_slice %arg7[%dma_start3A_162] : memref<128xf32, #tpu.memory_space<vmem>> -> memref<128xf32, #tpu.memory_space<vmem>>
      tpu.enqueue_dma source(%dma_start3A_163 : memref<128xf32, #tpu.memory_space<vmem>>) target(%dma_start3A_161 : memref<128xf32, #tpu.memory_space<vmem_shared>>) target_semaphore(%run_scoped3A : memref<!tpu.dma_semaphore, #tpu.memory_space<semaphore_mem>>)
      %dma_wait3A_164 = arith.constant 0 : i32
      %dma_wait3A_165 = tpu.memref_slice %arg7[%dma_wait3A_164] : memref<128xf32, #tpu.memory_space<vmem>> -> memref<128xf32, #tpu.memory_space<vmem>>
      %dma_wait3A_166 = tpu.memref_slice %arg4[%add3A_19] : memref<10240xf32, #tpu.memory_space<vmem_shared>> -> memref<128xf32, #tpu.memory_space<vmem_shared>>
      %dma_wait3A_167 = tpu.memref_slice %arg4[%add3A_19] : memref<10240xf32, #tpu.memory_space<vmem_shared>> -> memref<128xf32, #tpu.memory_space<vmem_shared>>
      %dma_wait3A_168 = arith.constant 0 : i32
      %dma_wait3A_169 = tpu.memref_slice %arg7[%dma_wait3A_168] : memref<128xf32, #tpu.memory_space<vmem>> -> memref<128xf32, #tpu.memory_space<vmem>>
      tpu.wait_dma2 semaphore(%run_scoped3A : memref<!tpu.dma_semaphore, #tpu.memory_space<semaphore_mem>>) src(%dma_wait3A_169 : memref<128xf32, #tpu.memory_space<vmem>>) dst(%dma_wait3A_167 : memref<128xf32, #tpu.memory_space<vmem_shared>>)
      tpu.yield
    }) : () -> ()
    %mul3A_20 = arith.constant 640 : i32
    %mul3A_21 = arith.muli %arg1, %mul3A_20 : i32
    %add3A_22 = arith.constant 0 : i32
    %add3A_23 = arith.addi %mul3A_21, %add3A_22 : i32
    "tpu.region"() ({
      %run_scoped3A = tpu.sem_alloc : memref<!tpu.dma_semaphore, #tpu.memory_space<semaphore_mem>>
      %dma_start3A_158 = arith.constant 0 : i32
      %dma_start3A_159 = tpu.memref_slice %arg7[%dma_start3A_158] : memref<128xf32, #tpu.memory_space<vmem>> -> memref<128xf32, #tpu.memory_space<vmem>>
      %dma_start3A_160 = tpu.memref_slice %arg5[%add3A_23] : memref<10240xf32, #tpu.memory_space<vmem_shared>> -> memref<128xf32, #tpu.memory_space<vmem_shared>>
      %dma_start3A_161 = tpu.memref_slice %arg5[%add3A_23] : memref<10240xf32, #tpu.memory_space<vmem_shared>> -> memref<128xf32, #tpu.memory_space<vmem_shared>>
      %dma_start3A_162 = arith.constant 0 : i32
      %dma_start3A_163 = tpu.memref_slice %arg7[%dma_start3A_162] : memref<128xf32, #tpu.memory_space<vmem>> -> memref<128xf32, #tpu.memory_space<vmem>>
      tpu.enqueue_dma source(%dma_start3A_163 : memref<128xf32, #tpu.memory_space<vmem>>) target(%dma_start3A_161 : memref<128xf32, #tpu.memory_space<vmem_shared>>) target_semaphore(%run_scoped3A : memref<!tpu.dma_semaphore, #tpu.memory_space<semaphore_mem>>)
      %dma_wait3A_164 = arith.constant 0 : i32
      %dma_wait3A_165 = tpu.memref_slice %arg7[%dma_wait3A_164] : memref<128xf32, #tpu.memory_space<vmem>> -> memref<128xf32, #tpu.memory_space<vmem>>
      %dma_wait3A_166 = tpu.memref_slice %arg5[%add3A_23] : memref<10240xf32, #tpu.memory_space<vmem_shared>> -> memref<128xf32, #tpu.memory_space<vmem_shared>>
      %dma_wait3A_167 = tpu.memref_slice %arg5[%add3A_23] : memref<10240xf32, #tpu.memory_space<vmem_shared>> -> memref<128xf32, #tpu.memory_space<vmem_shared>>
      %dma_wait3A_168 = arith.constant 0 : i32
      %dma_wait3A_169 = tpu.memref_slice %arg7[%dma_wait3A_168] : memref<128xf32, #tpu.memory_space<vmem>> -> memref<128xf32, #tpu.memory_space<vmem>>
      tpu.wait_dma2 semaphore(%run_scoped3A : memref<!tpu.dma_semaphore, #tpu.memory_space<semaphore_mem>>) src(%dma_wait3A_169 : memref<128xf32, #tpu.memory_space<vmem>>) dst(%dma_wait3A_167 : memref<128xf32, #tpu.memory_space<vmem_shared>>)
      tpu.yield
    }) : () -> ()
    %mul3A_24 = arith.constant 640 : i32
    %mul3A_25 = arith.muli %arg1, %mul3A_24 : i32
    %add3A_26 = arith.constant 128 : i32
    %add3A_27 = arith.addi %mul3A_25, %add3A_26 : i32
    "tpu.region"() ({
      %run_scoped3A = tpu.sem_alloc : memref<!tpu.dma_semaphore, #tpu.memory_space<semaphore_mem>>
      %dma_start3A_158 = arith.constant 0 : i32
      %dma_start3A_159 = tpu.memref_slice %arg7[%dma_start3A_158] : memref<128xf32, #tpu.memory_space<vmem>> -> memref<128xf32, #tpu.memory_space<vmem>>
      %dma_start3A_160 = tpu.memref_slice %arg4[%add3A_27] : memref<10240xf32, #tpu.memory_space<vmem_shared>> -> memref<128xf32, #tpu.memory_space<vmem_shared>>
      %dma_start3A_161 = tpu.memref_slice %arg4[%add3A_27] : memref<10240xf32, #tpu.memory_space<vmem_shared>> -> memref<128xf32, #tpu.memory_space<vmem_shared>>
      %dma_start3A_162 = arith.constant 0 : i32
      %dma_start3A_163 = tpu.memref_slice %arg7[%dma_start3A_162] : memref<128xf32, #tpu.memory_space<vmem>> -> memref<128xf32, #tpu.memory_space<vmem>>
      tpu.enqueue_dma source(%dma_start3A_163 : memref<128xf32, #tpu.memory_space<vmem>>) target(%dma_start3A_161 : memref<128xf32, #tpu.memory_space<vmem_shared>>) target_semaphore(%run_scoped3A : memref<!tpu.dma_semaphore, #tpu.memory_space<semaphore_mem>>)
      %dma_wait3A_164 = arith.constant 0 : i32
      %dma_wait3A_165 = tpu.memref_slice %arg7[%dma_wait3A_164] : memref<128xf32, #tpu.memory_space<vmem>> -> memref<128xf32, #tpu.memory_space<vmem>>
      %dma_wait3A_166 = tpu.memref_slice %arg4[%add3A_27] : memref<10240xf32, #tpu.memory_space<vmem_shared>> -> memref<128xf32, #tpu.memory_space<vmem_shared>>
      %dma_wait3A_167 = tpu.memref_slice %arg4[%add3A_27] : memref<10240xf32, #tpu.memory_space<vmem_shared>> -> memref<128xf32, #tpu.memory_space<vmem_shared>>
      %dma_wait3A_168 = arith.constant 0 : i32
      %dma_wait3A_169 = tpu.memref_slice %arg7[%dma_wait3A_168] : memref<128xf32, #tpu.memory_space<vmem>> -> memref<128xf32, #tpu.memory_space<vmem>>
      tpu.wait_dma2 semaphore(%run_scoped3A : memref<!tpu.dma_semaphore, #tpu.memory_space<semaphore_mem>>) src(%dma_wait3A_169 : memref<128xf32, #tpu.memory_space<vmem>>) dst(%dma_wait3A_167 : memref<128xf32, #tpu.memory_space<vmem_shared>>)
      tpu.yield
    }) : () -> ()
    %mul3A_28 = arith.constant 640 : i32
    %mul3A_29 = arith.muli %arg1, %mul3A_28 : i32
    %add3A_30 = arith.constant 128 : i32
    %add3A_31 = arith.addi %mul3A_29, %add3A_30 : i32
    "tpu.region"() ({
      %run_scoped3A = tpu.sem_alloc : memref<!tpu.dma_semaphore, #tpu.memory_space<semaphore_mem>>
      %dma_start3A_158 = arith.constant 0 : i32
      %dma_start3A_159 = tpu.memref_slice %arg7[%dma_start3A_158] : memref<128xf32, #tpu.memory_space<vmem>> -> memref<128xf32, #tpu.memory_space<vmem>>
      %dma_start3A_160 = tpu.memref_slice %arg5[%add3A_31] : memref<10240xf32, #tpu.memory_space<vmem_shared>> -> memref<128xf32, #tpu.memory_space<vmem_shared>>
      %dma_start3A_161 = tpu.memref_slice %arg5[%add3A_31] : memref<10240xf32, #tpu.memory_space<vmem_shared>> -> memref<128xf32, #tpu.memory_space<vmem_shared>>
      %dma_start3A_162 = arith.constant 0 : i32
      %dma_start3A_163 = tpu.memref_slice %arg7[%dma_start3A_162] : memref<128xf32, #tpu.memory_space<vmem>> -> memref<128xf32, #tpu.memory_space<vmem>>
      tpu.enqueue_dma source(%dma_start3A_163 : memref<128xf32, #tpu.memory_space<vmem>>) target(%dma_start3A_161 : memref<128xf32, #tpu.memory_space<vmem_shared>>) target_semaphore(%run_scoped3A : memref<!tpu.dma_semaphore, #tpu.memory_space<semaphore_mem>>)
      %dma_wait3A_164 = arith.constant 0 : i32
      %dma_wait3A_165 = tpu.memref_slice %arg7[%dma_wait3A_164] : memref<128xf32, #tpu.memory_space<vmem>> -> memref<128xf32, #tpu.memory_space<vmem>>
      %dma_wait3A_166 = tpu.memref_slice %arg5[%add3A_31] : memref<10240xf32, #tpu.memory_space<vmem_shared>> -> memref<128xf32, #tpu.memory_space<vmem_shared>>
      %dma_wait3A_167 = tpu.memref_slice %arg5[%add3A_31] : memref<10240xf32, #tpu.memory_space<vmem_shared>> -> memref<128xf32, #tpu.memory_space<vmem_shared>>
      %dma_wait3A_168 = arith.constant 0 : i32
      %dma_wait3A_169 = tpu.memref_slice %arg7[%dma_wait3A_168] : memref<128xf32, #tpu.memory_space<vmem>> -> memref<128xf32, #tpu.memory_space<vmem>>
      tpu.wait_dma2 semaphore(%run_scoped3A : memref<!tpu.dma_semaphore, #tpu.memory_space<semaphore_mem>>) src(%dma_wait3A_169 : memref<128xf32, #tpu.memory_space<vmem>>) dst(%dma_wait3A_167 : memref<128xf32, #tpu.memory_space<vmem_shared>>)
      tpu.yield
    }) : () -> ()
    %mul3A_32 = arith.constant 640 : i32
    %mul3A_33 = arith.muli %arg1, %mul3A_32 : i32
    %add3A_34 = arith.constant 256 : i32
    %add3A_35 = arith.addi %mul3A_33, %add3A_34 : i32
    "tpu.region"() ({
      %run_scoped3A = tpu.sem_alloc : memref<!tpu.dma_semaphore, #tpu.memory_space<semaphore_mem>>
      %dma_start3A_158 = arith.constant 0 : i32
      %dma_start3A_159 = tpu.memref_slice %arg7[%dma_start3A_158] : memref<128xf32, #tpu.memory_space<vmem>> -> memref<128xf32, #tpu.memory_space<vmem>>
      %dma_start3A_160 = tpu.memref_slice %arg4[%add3A_35] : memref<10240xf32, #tpu.memory_space<vmem_shared>> -> memref<128xf32, #tpu.memory_space<vmem_shared>>
      %dma_start3A_161 = tpu.memref_slice %arg4[%add3A_35] : memref<10240xf32, #tpu.memory_space<vmem_shared>> -> memref<128xf32, #tpu.memory_space<vmem_shared>>
      %dma_start3A_162 = arith.constant 0 : i32
      %dma_start3A_163 = tpu.memref_slice %arg7[%dma_start3A_162] : memref<128xf32, #tpu.memory_space<vmem>> -> memref<128xf32, #tpu.memory_space<vmem>>
      tpu.enqueue_dma source(%dma_start3A_163 : memref<128xf32, #tpu.memory_space<vmem>>) target(%dma_start3A_161 : memref<128xf32, #tpu.memory_space<vmem_shared>>) target_semaphore(%run_scoped3A : memref<!tpu.dma_semaphore, #tpu.memory_space<semaphore_mem>>)
      %dma_wait3A_164 = arith.constant 0 : i32
      %dma_wait3A_165 = tpu.memref_slice %arg7[%dma_wait3A_164] : memref<128xf32, #tpu.memory_space<vmem>> -> memref<128xf32, #tpu.memory_space<vmem>>
      %dma_wait3A_166 = tpu.memref_slice %arg4[%add3A_35] : memref<10240xf32, #tpu.memory_space<vmem_shared>> -> memref<128xf32, #tpu.memory_space<vmem_shared>>
      %dma_wait3A_167 = tpu.memref_slice %arg4[%add3A_35] : memref<10240xf32, #tpu.memory_space<vmem_shared>> -> memref<128xf32, #tpu.memory_space<vmem_shared>>
      %dma_wait3A_168 = arith.constant 0 : i32
      %dma_wait3A_169 = tpu.memref_slice %arg7[%dma_wait3A_168] : memref<128xf32, #tpu.memory_space<vmem>> -> memref<128xf32, #tpu.memory_space<vmem>>
      tpu.wait_dma2 semaphore(%run_scoped3A : memref<!tpu.dma_semaphore, #tpu.memory_space<semaphore_mem>>) src(%dma_wait3A_169 : memref<128xf32, #tpu.memory_space<vmem>>) dst(%dma_wait3A_167 : memref<128xf32, #tpu.memory_space<vmem_shared>>)
      tpu.yield
    }) : () -> ()
    %mul3A_36 = arith.constant 640 : i32
    %mul3A_37 = arith.muli %arg1, %mul3A_36 : i32
    %add3A_38 = arith.constant 256 : i32
    %add3A_39 = arith.addi %mul3A_37, %add3A_38 : i32
    "tpu.region"() ({
      %run_scoped3A = tpu.sem_alloc : memref<!tpu.dma_semaphore, #tpu.memory_space<semaphore_mem>>
      %dma_start3A_158 = arith.constant 0 : i32
      %dma_start3A_159 = tpu.memref_slice %arg7[%dma_start3A_158] : memref<128xf32, #tpu.memory_space<vmem>> -> memref<128xf32, #tpu.memory_space<vmem>>
      %dma_start3A_160 = tpu.memref_slice %arg5[%add3A_39] : memref<10240xf32, #tpu.memory_space<vmem_shared>> -> memref<128xf32, #tpu.memory_space<vmem_shared>>
      %dma_start3A_161 = tpu.memref_slice %arg5[%add3A_39] : memref<10240xf32, #tpu.memory_space<vmem_shared>> -> memref<128xf32, #tpu.memory_space<vmem_shared>>
      %dma_start3A_162 = arith.constant 0 : i32
      %dma_start3A_163 = tpu.memref_slice %arg7[%dma_start3A_162] : memref<128xf32, #tpu.memory_space<vmem>> -> memref<128xf32, #tpu.memory_space<vmem>>
      tpu.enqueue_dma source(%dma_start3A_163 : memref<128xf32, #tpu.memory_space<vmem>>) target(%dma_start3A_161 : memref<128xf32, #tpu.memory_space<vmem_shared>>) target_semaphore(%run_scoped3A : memref<!tpu.dma_semaphore, #tpu.memory_space<semaphore_mem>>)
      %dma_wait3A_164 = arith.constant 0 : i32
      %dma_wait3A_165 = tpu.memref_slice %arg7[%dma_wait3A_164] : memref<128xf32, #tpu.memory_space<vmem>> -> memref<128xf32, #tpu.memory_space<vmem>>
      %dma_wait3A_166 = tpu.memref_slice %arg5[%add3A_39] : memref<10240xf32, #tpu.memory_space<vmem_shared>> -> memref<128xf32, #tpu.memory_space<vmem_shared>>
      %dma_wait3A_167 = tpu.memref_slice %arg5[%add3A_39] : memref<10240xf32, #tpu.memory_space<vmem_shared>> -> memref<128xf32, #tpu.memory_space<vmem_shared>>
      %dma_wait3A_168 = arith.constant 0 : i32
      %dma_wait3A_169 = tpu.memref_slice %arg7[%dma_wait3A_168] : memref<128xf32, #tpu.memory_space<vmem>> -> memref<128xf32, #tpu.memory_space<vmem>>
      tpu.wait_dma2 semaphore(%run_scoped3A : memref<!tpu.dma_semaphore, #tpu.memory_space<semaphore_mem>>) src(%dma_wait3A_169 : memref<128xf32, #tpu.memory_space<vmem>>) dst(%dma_wait3A_167 : memref<128xf32, #tpu.memory_space<vmem_shared>>)
      tpu.yield
    }) : () -> ()
    %mul3A_40 = arith.constant 640 : i32
    %mul3A_41 = arith.muli %arg1, %mul3A_40 : i32
    %add3A_42 = arith.constant 384 : i32
    %add3A_43 = arith.addi %mul3A_41, %add3A_42 : i32
    "tpu.region"() ({
      %run_scoped3A = tpu.sem_alloc : memref<!tpu.dma_semaphore, #tpu.memory_space<semaphore_mem>>
      %dma_start3A_158 = arith.constant 0 : i32
      %dma_start3A_159 = tpu.memref_slice %arg7[%dma_start3A_158] : memref<128xf32, #tpu.memory_space<vmem>> -> memref<128xf32, #tpu.memory_space<vmem>>
      %dma_start3A_160 = tpu.memref_slice %arg4[%add3A_43] : memref<10240xf32, #tpu.memory_space<vmem_shared>> -> memref<128xf32, #tpu.memory_space<vmem_shared>>
      %dma_start3A_161 = tpu.memref_slice %arg4[%add3A_43] : memref<10240xf32, #tpu.memory_space<vmem_shared>> -> memref<128xf32, #tpu.memory_space<vmem_shared>>
      %dma_start3A_162 = arith.constant 0 : i32
      %dma_start3A_163 = tpu.memref_slice %arg7[%dma_start3A_162] : memref<128xf32, #tpu.memory_space<vmem>> -> memref<128xf32, #tpu.memory_space<vmem>>
      tpu.enqueue_dma source(%dma_start3A_163 : memref<128xf32, #tpu.memory_space<vmem>>) target(%dma_start3A_161 : memref<128xf32, #tpu.memory_space<vmem_shared>>) target_semaphore(%run_scoped3A : memref<!tpu.dma_semaphore, #tpu.memory_space<semaphore_mem>>)
      %dma_wait3A_164 = arith.constant 0 : i32
      %dma_wait3A_165 = tpu.memref_slice %arg7[%dma_wait3A_164] : memref<128xf32, #tpu.memory_space<vmem>> -> memref<128xf32, #tpu.memory_space<vmem>>
      %dma_wait3A_166 = tpu.memref_slice %arg4[%add3A_43] : memref<10240xf32, #tpu.memory_space<vmem_shared>> -> memref<128xf32, #tpu.memory_space<vmem_shared>>
      %dma_wait3A_167 = tpu.memref_slice %arg4[%add3A_43] : memref<10240xf32, #tpu.memory_space<vmem_shared>> -> memref<128xf32, #tpu.memory_space<vmem_shared>>
      %dma_wait3A_168 = arith.constant 0 : i32
      %dma_wait3A_169 = tpu.memref_slice %arg7[%dma_wait3A_168] : memref<128xf32, #tpu.memory_space<vmem>> -> memref<128xf32, #tpu.memory_space<vmem>>
      tpu.wait_dma2 semaphore(%run_scoped3A : memref<!tpu.dma_semaphore, #tpu.memory_space<semaphore_mem>>) src(%dma_wait3A_169 : memref<128xf32, #tpu.memory_space<vmem>>) dst(%dma_wait3A_167 : memref<128xf32, #tpu.memory_space<vmem_shared>>)
      tpu.yield
    }) : () -> ()
    %mul3A_44 = arith.constant 640 : i32
    %mul3A_45 = arith.muli %arg1, %mul3A_44 : i32
    %add3A_46 = arith.constant 384 : i32
    %add3A_47 = arith.addi %mul3A_45, %add3A_46 : i32
    "tpu.region"() ({
      %run_scoped3A = tpu.sem_alloc : memref<!tpu.dma_semaphore, #tpu.memory_space<semaphore_mem>>
      %dma_start3A_158 = arith.constant 0 : i32
      %dma_start3A_159 = tpu.memref_slice %arg7[%dma_start3A_158] : memref<128xf32, #tpu.memory_space<vmem>> -> memref<128xf32, #tpu.memory_space<vmem>>
      %dma_start3A_160 = tpu.memref_slice %arg5[%add3A_47] : memref<10240xf32, #tpu.memory_space<vmem_shared>> -> memref<128xf32, #tpu.memory_space<vmem_shared>>
      %dma_start3A_161 = tpu.memref_slice %arg5[%add3A_47] : memref<10240xf32, #tpu.memory_space<vmem_shared>> -> memref<128xf32, #tpu.memory_space<vmem_shared>>
      %dma_start3A_162 = arith.constant 0 : i32
      %dma_start3A_163 = tpu.memref_slice %arg7[%dma_start3A_162] : memref<128xf32, #tpu.memory_space<vmem>> -> memref<128xf32, #tpu.memory_space<vmem>>
      tpu.enqueue_dma source(%dma_start3A_163 : memref<128xf32, #tpu.memory_space<vmem>>) target(%dma_start3A_161 : memref<128xf32, #tpu.memory_space<vmem_shared>>) target_semaphore(%run_scoped3A : memref<!tpu.dma_semaphore, #tpu.memory_space<semaphore_mem>>)
      %dma_wait3A_164 = arith.constant 0 : i32
      %dma_wait3A_165 = tpu.memref_slice %arg7[%dma_wait3A_164] : memref<128xf32, #tpu.memory_space<vmem>> -> memref<128xf32, #tpu.memory_space<vmem>>
      %dma_wait3A_166 = tpu.memref_slice %arg5[%add3A_47] : memref<10240xf32, #tpu.memory_space<vmem_shared>> -> memref<128xf32, #tpu.memory_space<vmem_shared>>
      %dma_wait3A_167 = tpu.memref_slice %arg5[%add3A_47] : memref<10240xf32, #tpu.memory_space<vmem_shared>> -> memref<128xf32, #tpu.memory_space<vmem_shared>>
      %dma_wait3A_168 = arith.constant 0 : i32
      %dma_wait3A_169 = tpu.memref_slice %arg7[%dma_wait3A_168] : memref<128xf32, #tpu.memory_space<vmem>> -> memref<128xf32, #tpu.memory_space<vmem>>
      tpu.wait_dma2 semaphore(%run_scoped3A : memref<!tpu.dma_semaphore, #tpu.memory_space<semaphore_mem>>) src(%dma_wait3A_169 : memref<128xf32, #tpu.memory_space<vmem>>) dst(%dma_wait3A_167 : memref<128xf32, #tpu.memory_space<vmem_shared>>)
      tpu.yield
    }) : () -> ()
    %mul3A_48 = arith.constant 640 : i32
    %mul3A_49 = arith.muli %arg1, %mul3A_48 : i32
    %add3A_50 = arith.constant 512 : i32
    %add3A_51 = arith.addi %mul3A_49, %add3A_50 : i32
    "tpu.region"() ({
      %run_scoped3A = tpu.sem_alloc : memref<!tpu.dma_semaphore, #tpu.memory_space<semaphore_mem>>
      %dma_start3A_158 = arith.constant 0 : i32
      %dma_start3A_159 = tpu.memref_slice %arg7[%dma_start3A_158] : memref<128xf32, #tpu.memory_space<vmem>> -> memref<128xf32, #tpu.memory_space<vmem>>
      %dma_start3A_160 = tpu.memref_slice %arg4[%add3A_51] : memref<10240xf32, #tpu.memory_space<vmem_shared>> -> memref<128xf32, #tpu.memory_space<vmem_shared>>
      %dma_start3A_161 = tpu.memref_slice %arg4[%add3A_51] : memref<10240xf32, #tpu.memory_space<vmem_shared>> -> memref<128xf32, #tpu.memory_space<vmem_shared>>
      %dma_start3A_162 = arith.constant 0 : i32
      %dma_start3A_163 = tpu.memref_slice %arg7[%dma_start3A_162] : memref<128xf32, #tpu.memory_space<vmem>> -> memref<128xf32, #tpu.memory_space<vmem>>
      tpu.enqueue_dma source(%dma_start3A_163 : memref<128xf32, #tpu.memory_space<vmem>>) target(%dma_start3A_161 : memref<128xf32, #tpu.memory_space<vmem_shared>>) target_semaphore(%run_scoped3A : memref<!tpu.dma_semaphore, #tpu.memory_space<semaphore_mem>>)
      %dma_wait3A_164 = arith.constant 0 : i32
      %dma_wait3A_165 = tpu.memref_slice %arg7[%dma_wait3A_164] : memref<128xf32, #tpu.memory_space<vmem>> -> memref<128xf32, #tpu.memory_space<vmem>>
      %dma_wait3A_166 = tpu.memref_slice %arg4[%add3A_51] : memref<10240xf32, #tpu.memory_space<vmem_shared>> -> memref<128xf32, #tpu.memory_space<vmem_shared>>
      %dma_wait3A_167 = tpu.memref_slice %arg4[%add3A_51] : memref<10240xf32, #tpu.memory_space<vmem_shared>> -> memref<128xf32, #tpu.memory_space<vmem_shared>>
      %dma_wait3A_168 = arith.constant 0 : i32
      %dma_wait3A_169 = tpu.memref_slice %arg7[%dma_wait3A_168] : memref<128xf32, #tpu.memory_space<vmem>> -> memref<128xf32, #tpu.memory_space<vmem>>
      tpu.wait_dma2 semaphore(%run_scoped3A : memref<!tpu.dma_semaphore, #tpu.memory_space<semaphore_mem>>) src(%dma_wait3A_169 : memref<128xf32, #tpu.memory_space<vmem>>) dst(%dma_wait3A_167 : memref<128xf32, #tpu.memory_space<vmem_shared>>)
      tpu.yield
    }) : () -> ()
    %mul3A_52 = arith.constant 640 : i32
    %mul3A_53 = arith.muli %arg1, %mul3A_52 : i32
    %add3A_54 = arith.constant 512 : i32
    %add3A_55 = arith.addi %mul3A_53, %add3A_54 : i32
    "tpu.region"() ({
      %run_scoped3A = tpu.sem_alloc : memref<!tpu.dma_semaphore, #tpu.memory_space<semaphore_mem>>
      %dma_start3A_158 = arith.constant 0 : i32
      %dma_start3A_159 = tpu.memref_slice %arg7[%dma_start3A_158] : memref<128xf32, #tpu.memory_space<vmem>> -> memref<128xf32, #tpu.memory_space<vmem>>
      %dma_start3A_160 = tpu.memref_slice %arg5[%add3A_55] : memref<10240xf32, #tpu.memory_space<vmem_shared>> -> memref<128xf32, #tpu.memory_space<vmem_shared>>
      %dma_start3A_161 = tpu.memref_slice %arg5[%add3A_55] : memref<10240xf32, #tpu.memory_space<vmem_shared>> -> memref<128xf32, #tpu.memory_space<vmem_shared>>
      %dma_start3A_162 = arith.constant 0 : i32
      %dma_start3A_163 = tpu.memref_slice %arg7[%dma_start3A_162] : memref<128xf32, #tpu.memory_space<vmem>> -> memref<128xf32, #tpu.memory_space<vmem>>
      tpu.enqueue_dma source(%dma_start3A_163 : memref<128xf32, #tpu.memory_space<vmem>>) target(%dma_start3A_161 : memref<128xf32, #tpu.memory_space<vmem_shared>>) target_semaphore(%run_scoped3A : memref<!tpu.dma_semaphore, #tpu.memory_space<semaphore_mem>>)
      %dma_wait3A_164 = arith.constant 0 : i32
      %dma_wait3A_165 = tpu.memref_slice %arg7[%dma_wait3A_164] : memref<128xf32, #tpu.memory_space<vmem>> -> memref<128xf32, #tpu.memory_space<vmem>>
      %dma_wait3A_166 = tpu.memref_slice %arg5[%add3A_55] : memref<10240xf32, #tpu.memory_space<vmem_shared>> -> memref<128xf32, #tpu.memory_space<vmem_shared>>
      %dma_wait3A_167 = tpu.memref_slice %arg5[%add3A_55] : memref<10240xf32, #tpu.memory_space<vmem_shared>> -> memref<128xf32, #tpu.memory_space<vmem_shared>>
      %dma_wait3A_168 = arith.constant 0 : i32
      %dma_wait3A_169 = tpu.memref_slice %arg7[%dma_wait3A_168] : memref<128xf32, #tpu.memory_space<vmem>> -> memref<128xf32, #tpu.memory_space<vmem>>
      tpu.wait_dma2 semaphore(%run_scoped3A : memref<!tpu.dma_semaphore, #tpu.memory_space<semaphore_mem>>) src(%dma_wait3A_169 : memref<128xf32, #tpu.memory_space<vmem>>) dst(%dma_wait3A_167 : memref<128xf32, #tpu.memory_space<vmem_shared>>)
      tpu.yield
    }) : () -> ()
    %scan3A_56 = arith.constant 0 : i32
    %scan3A_57 = arith.constant 0 : i32
    %scan3A_58 = arith.constant 8 : i32
    %scan3A_59 = arith.addi %scan3A_57, %scan3A_58 : i32
    %scan3A_60 = arith.constant 1 : i32
    %scan3A_61 = scf.for %scan3A_158 = %scan3A_57 to %scan3A_59 step %scan3A_60 iter_args(%scan3A_159 = %scan3A_56) -> (i32)  : i32 {
      %broadcast_in_dim3A = arith.constant 1.000000e+00 : f32
      %broadcast_in_dim3A_160 = vector.broadcast %broadcast_in_dim3A : f32 to vector<16xf32>
      %mul3A_161 = arith.constant 16 : i32
      %mul3A_162 = arith.muli %scan3A_158, %mul3A_161 : i32
      %swap3A = arith.index_cast %mul3A_162 : i32 to index
      %swap3A_163 = tpu.vector_load %arg7[%swap3A] {strides = array<i32>} : memref<128xf32, #tpu.memory_space<vmem>>, vector<16xf32>,
      %swap3A_164 = vector.shape_cast %swap3A_163 : vector<16xf32> to vector<16xf32>
      %swap3A_165 = vector.shape_cast %broadcast_in_dim3A_160 : vector<16xf32> to vector<16xf32>
      tpu.vector_store %arg7[%swap3A], %swap3A_165 {strides = array<i32>} : memref<128xf32, #tpu.memory_space<vmem>>, vector<16xf32>,
      %scan3A_166 = arith.constant 0 : i32
      scf.yield %scan3A_166 : i32
    }
    %scan3A_62 = arith.constant 8 : i32
    %dma_wait3A = arith.constant 0 : i32
    %dma_wait3A_63 = arith.constant 0 : i32
    %dma_wait3A_64 = arith.constant 0 : i32
    %dma_wait3A_65 = tpu.memref_slice %arg2[%dma_wait3A, %add3A, %dma_wait3A_63, %dma_wait3A_64] : memref<2x32x80x128xi32, #tpu.memory_space<hbm>> -> memref<2x1x80x128xi32, #tpu.memory_space<hbm>>
    %dma_wait3A_66 = tpu.memref_squeeze %dma_wait3A_65 : memref<2x1x80x128xi32, #tpu.memory_space<hbm>> -> memref<2x80x128xi32, #tpu.memory_space<hbm>>
    %dma_wait3A_67 = arith.constant 0 : i32
    %dma_wait3A_68 = arith.constant 0 : i32
    %dma_wait3A_69 = arith.constant 0 : i32
    %dma_wait3A_70 = tpu.memref_slice %arg2[%dma_wait3A_67, %add3A, %dma_wait3A_68, %dma_wait3A_69] : memref<2x32x80x128xi32, #tpu.memory_space<hbm>> -> memref<2x1x80x128xi32, #tpu.memory_space<hbm>>
    %dma_wait3A_71 = tpu.memref_squeeze %dma_wait3A_70 : memref<2x1x80x128xi32, #tpu.memory_space<hbm>> -> memref<2x80x128xi32, #tpu.memory_space<hbm>>
    tpu.wait_dma2 semaphore(%arg16 : memref<!tpu.dma_semaphore, #tpu.memory_space<semaphore_mem>>) src(%dma_wait3A_71 : memref<2x80x128xi32, #tpu.memory_space<hbm>>) dst(%arg6 : memref<2x80x128xi32, #tpu.memory_space<vmem>>)
    %barrier3A = arith.constant 0 : index
    tpu.barrier barrier_id(%barrier3A)
    %scan3A_72 = arith.constant 0 : i32
    %scan3A_73 = arith.constant 0 : i32
    %scan3A_74 = arith.constant 20 : i32
    %scan3A_75 = arith.addi %scan3A_73, %scan3A_74 : i32
    %scan3A_76 = arith.constant 1 : i32
    %scan3A_77 = scf.for %scan3A_158 = %scan3A_73 to %scan3A_75 step %scan3A_76 iter_args(%scan3A_159 = %scan3A_72) -> (i32)  : i32 {
      %mul3A_160 = arith.constant 4 : i32
      %mul3A_161 = arith.muli %mul3A_160, %scan3A_158 : i32
      %add3A_162 = arith.constant 0 : i32
      %add3A_163 = arith.addi %mul3A_161, %add3A_162 : i32
      %ge3A = arith.constant 1 : i32
      %ge3A_164 = arith.cmpi sge, %scan3A_158, %ge3A : i32
      %convert_element_type3A = arith.extui %ge3A_164 : i1 to i32
      %cond3A = arith.constant 0 : i32
      %cond3A_165 = arith.cmpi ne, %convert_element_type3A, %cond3A : i32
      scf.if %cond3A_165 {
        %dma_wait3A_242 = arith.constant 0 : i32
        %dma_wait3A_243 = arith.constant 0 : i32
        %dma_wait3A_244 = tpu.memref_slice %arg6[%dma_wait3A_242, %add3A_163, %dma_wait3A_243] : memref<2x80x128xi32, #tpu.memory_space<vmem>> -> memref<1x1x128xi32, #tpu.memory_space<vmem>>
        %dma_wait3A_245 = tpu.memref_squeeze %dma_wait3A_244 : memref<1x1x128xi32, #tpu.memory_space<vmem>> -> memref<128xi32, #tpu.memory_space<vmem>>
        %dma_wait3A_246 = arith.constant 0 : i32
        %dma_wait3A_247 = tpu.memref_slice %arg4[%dma_wait3A_246] : memref<10240xf32, #tpu.memory_space<vmem_shared>> -> memref<10240xf32, #tpu.memory_space<vmem_shared>>
        tpu.wait_indirect_dma semaphore(%arg8 : memref<!tpu.dma_semaphore, #tpu.memory_space<semaphore_mem>>) src(%arg7 : memref<128xf32, #tpu.memory_space<vmem>>) dst(%dma_wait3A_247 : memref<10240xf32, #tpu.memory_space<vmem_shared>>)
        %dma_wait3A_248 = arith.constant 1 : i32
        %dma_wait3A_249 = arith.constant 0 : i32
        %dma_wait3A_250 = tpu.memref_slice %arg6[%dma_wait3A_248, %add3A_163, %dma_wait3A_249] : memref<2x80x128xi32, #tpu.memory_space<vmem>> -> memref<1x1x128xi32, #tpu.memory_space<vmem>>
        %dma_wait3A_251 = tpu.memref_squeeze %dma_wait3A_250 : memref<1x1x128xi32, #tpu.memory_space<vmem>> -> memref<128xi32, #tpu.memory_space<vmem>>
        %dma_wait3A_252 = arith.constant 0 : i32
        %dma_wait3A_253 = tpu.memref_slice %arg5[%dma_wait3A_252] : memref<10240xf32, #tpu.memory_space<vmem_shared>> -> memref<10240xf32, #tpu.memory_space<vmem_shared>>
        tpu.wait_indirect_dma semaphore(%arg12 : memref<!tpu.dma_semaphore, #tpu.memory_space<semaphore_mem>>) src(%arg7 : memref<128xf32, #tpu.memory_space<vmem>>) dst(%dma_wait3A_253 : memref<10240xf32, #tpu.memory_space<vmem_shared>>)
      } else {
      }
      %dma_start3A_166 = arith.constant 0 : i32
      %dma_start3A_167 = arith.constant 0 : i32
      %dma_start3A_168 = tpu.memref_slice %arg6[%dma_start3A_166, %add3A_163, %dma_start3A_167] : memref<2x80x128xi32, #tpu.memory_space<vmem>> -> memref<1x1x128xi32, #tpu.memory_space<vmem>>
      %dma_start3A_169 = tpu.memref_squeeze %dma_start3A_168 : memref<1x1x128xi32, #tpu.memory_space<vmem>> -> memref<128xi32, #tpu.memory_space<vmem>>
      %dma_start3A_170 = arith.constant 0 : i32
      %dma_start3A_171 = tpu.memref_slice %arg4[%dma_start3A_170] : memref<10240xf32, #tpu.memory_space<vmem_shared>> -> memref<10240xf32, #tpu.memory_space<vmem_shared>>
      tpu.enqueue_indirect_dma source(%arg7 : memref<128xf32, #tpu.memory_space<vmem>>) target(%dma_start3A_171 : memref<10240xf32, #tpu.memory_space<vmem_shared>>) offsets(%dma_start3A_169 : memref<128xi32, #tpu.memory_space<vmem>>) semaphore(%arg8 : memref<!tpu.dma_semaphore, #tpu.memory_space<semaphore_mem>>) {add = true}
      %dma_start3A_172 = arith.constant 1 : i32
      %dma_start3A_173 = arith.constant 0 : i32
      %dma_start3A_174 = tpu.memref_slice %arg6[%dma_start3A_172, %add3A_163, %dma_start3A_173] : memref<2x80x128xi32, #tpu.memory_space<vmem>> -> memref<1x1x128xi32, #tpu.memory_space<vmem>>
      %dma_start3A_175 = tpu.memref_squeeze %dma_start3A_174 : memref<1x1x128xi32, #tpu.memory_space<vmem>> -> memref<128xi32, #tpu.memory_space<vmem>>
      %dma_start3A_176 = arith.constant 0 : i32
      %dma_start3A_177 = tpu.memref_slice %arg5[%dma_start3A_176] : memref<10240xf32, #tpu.memory_space<vmem_shared>> -> memref<10240xf32, #tpu.memory_space<vmem_shared>>
      tpu.enqueue_indirect_dma source(%arg7 : memref<128xf32, #tpu.memory_space<vmem>>) target(%dma_start3A_177 : memref<10240xf32, #tpu.memory_space<vmem_shared>>) offsets(%dma_start3A_175 : memref<128xi32, #tpu.memory_space<vmem>>) semaphore(%arg12 : memref<!tpu.dma_semaphore, #tpu.memory_space<semaphore_mem>>) {add = true}
      %mul3A_178 = arith.constant 4 : i32
      %mul3A_179 = arith.muli %mul3A_178, %scan3A_158 : i32
      %add3A_180 = arith.constant 1 : i32
      %add3A_181 = arith.addi %mul3A_179, %add3A_180 : i32
      %ge3A_182 = arith.constant 1 : i32
      %ge3A_183 = arith.cmpi sge, %scan3A_158, %ge3A_182 : i32
      %convert_element_type3A_184 = arith.extui %ge3A_183 : i1 to i32
      %cond3A_185 = arith.constant 0 : i32
      %cond3A_186 = arith.cmpi ne, %convert_element_type3A_184, %cond3A_185 : i32
      scf.if %cond3A_186 {
        %dma_wait3A_242 = arith.constant 0 : i32
        %dma_wait3A_243 = arith.constant 0 : i32
        %dma_wait3A_244 = tpu.memref_slice %arg6[%dma_wait3A_242, %add3A_181, %dma_wait3A_243] : memref<2x80x128xi32, #tpu.memory_space<vmem>> -> memref<1x1x128xi32, #tpu.memory_space<vmem>>
        %dma_wait3A_245 = tpu.memref_squeeze %dma_wait3A_244 : memref<1x1x128xi32, #tpu.memory_space<vmem>> -> memref<128xi32, #tpu.memory_space<vmem>>
        %dma_wait3A_246 = arith.constant 0 : i32
        %dma_wait3A_247 = tpu.memref_slice %arg4[%dma_wait3A_246] : memref<10240xf32, #tpu.memory_space<vmem_shared>> -> memref<10240xf32, #tpu.memory_space<vmem_shared>>
        tpu.wait_indirect_dma semaphore(%arg9 : memref<!tpu.dma_semaphore, #tpu.memory_space<semaphore_mem>>) src(%arg7 : memref<128xf32, #tpu.memory_space<vmem>>) dst(%dma_wait3A_247 : memref<10240xf32, #tpu.memory_space<vmem_shared>>)
        %dma_wait3A_248 = arith.constant 1 : i32
        %dma_wait3A_249 = arith.constant 0 : i32
        %dma_wait3A_250 = tpu.memref_slice %arg6[%dma_wait3A_248, %add3A_181, %dma_wait3A_249] : memref<2x80x128xi32, #tpu.memory_space<vmem>> -> memref<1x1x128xi32, #tpu.memory_space<vmem>>
        %dma_wait3A_251 = tpu.memref_squeeze %dma_wait3A_250 : memref<1x1x128xi32, #tpu.memory_space<vmem>> -> memref<128xi32, #tpu.memory_space<vmem>>
        %dma_wait3A_252 = arith.constant 0 : i32
        %dma_wait3A_253 = tpu.memref_slice %arg5[%dma_wait3A_252] : memref<10240xf32, #tpu.memory_space<vmem_shared>> -> memref<10240xf32, #tpu.memory_space<vmem_shared>>
        tpu.wait_indirect_dma semaphore(%arg13 : memref<!tpu.dma_semaphore, #tpu.memory_space<semaphore_mem>>) src(%arg7 : memref<128xf32, #tpu.memory_space<vmem>>) dst(%dma_wait3A_253 : memref<10240xf32, #tpu.memory_space<vmem_shared>>)
      } else {
      }
      %dma_start3A_187 = arith.constant 0 : i32
      %dma_start3A_188 = arith.constant 0 : i32
      %dma_start3A_189 = tpu.memref_slice %arg6[%dma_start3A_187, %add3A_181, %dma_start3A_188] : memref<2x80x128xi32, #tpu.memory_space<vmem>> -> memref<1x1x128xi32, #tpu.memory_space<vmem>>
      %dma_start3A_190 = tpu.memref_squeeze %dma_start3A_189 : memref<1x1x128xi32, #tpu.memory_space<vmem>> -> memref<128xi32, #tpu.memory_space<vmem>>
      %dma_start3A_191 = arith.constant 0 : i32
      %dma_start3A_192 = tpu.memref_slice %arg4[%dma_start3A_191] : memref<10240xf32, #tpu.memory_space<vmem_shared>> -> memref<10240xf32, #tpu.memory_space<vmem_shared>>
      tpu.enqueue_indirect_dma source(%arg7 : memref<128xf32, #tpu.memory_space<vmem>>) target(%dma_start3A_192 : memref<10240xf32, #tpu.memory_space<vmem_shared>>) offsets(%dma_start3A_190 : memref<128xi32, #tpu.memory_space<vmem>>) semaphore(%arg9 : memref<!tpu.dma_semaphore, #tpu.memory_space<semaphore_mem>>) {add = true}
      %dma_start3A_193 = arith.constant 1 : i32
      %dma_start3A_194 = arith.constant 0 : i32
      %dma_start3A_195 = tpu.memref_slice %arg6[%dma_start3A_193, %add3A_181, %dma_start3A_194] : memref<2x80x128xi32, #tpu.memory_space<vmem>> -> memref<1x1x128xi32, #tpu.memory_space<vmem>>
      %dma_start3A_196 = tpu.memref_squeeze %dma_start3A_195 : memref<1x1x128xi32, #tpu.memory_space<vmem>> -> memref<128xi32, #tpu.memory_space<vmem>>
      %dma_start3A_197 = arith.constant 0 : i32
      %dma_start3A_198 = tpu.memref_slice %arg5[%dma_start3A_197] : memref<10240xf32, #tpu.memory_space<vmem_shared>> -> memref<10240xf32, #tpu.memory_space<vmem_shared>>
      tpu.enqueue_indirect_dma source(%arg7 : memref<128xf32, #tpu.memory_space<vmem>>) target(%dma_start3A_198 : memref<10240xf32, #tpu.memory_space<vmem_shared>>) offsets(%dma_start3A_196 : memref<128xi32, #tpu.memory_space<vmem>>) semaphore(%arg13 : memref<!tpu.dma_semaphore, #tpu.memory_space<semaphore_mem>>) {add = true}
      %mul3A_199 = arith.constant 4 : i32
      %mul3A_200 = arith.muli %mul3A_199, %scan3A_158 : i32
      %add3A_201 = arith.constant 2 : i32
      %add3A_202 = arith.addi %mul3A_200, %add3A_201 : i32
      %ge3A_203 = arith.constant 1 : i32
      %ge3A_204 = arith.cmpi sge, %scan3A_158, %ge3A_203 : i32
      %convert_element_type3A_205 = arith.extui %ge3A_204 : i1 to i32
      %cond3A_206 = arith.constant 0 : i32
      %cond3A_207 = arith.cmpi ne, %convert_element_type3A_205, %cond3A_206 : i32
      scf.if %cond3A_207 {
        %dma_wait3A_242 = arith.constant 0 : i32
        %dma_wait3A_243 = arith.constant 0 : i32
        %dma_wait3A_244 = tpu.memref_slice %arg6[%dma_wait3A_242, %add3A_202, %dma_wait3A_243] : memref<2x80x128xi32, #tpu.memory_space<vmem>> -> memref<1x1x128xi32, #tpu.memory_space<vmem>>
        %dma_wait3A_245 = tpu.memref_squeeze %dma_wait3A_244 : memref<1x1x128xi32, #tpu.memory_space<vmem>> -> memref<128xi32, #tpu.memory_space<vmem>>
        %dma_wait3A_246 = arith.constant 0 : i32
        %dma_wait3A_247 = tpu.memref_slice %arg4[%dma_wait3A_246] : memref<10240xf32, #tpu.memory_space<vmem_shared>> -> memref<10240xf32, #tpu.memory_space<vmem_shared>>
        tpu.wait_indirect_dma semaphore(%arg10 : memref<!tpu.dma_semaphore, #tpu.memory_space<semaphore_mem>>) src(%arg7 : memref<128xf32, #tpu.memory_space<vmem>>) dst(%dma_wait3A_247 : memref<10240xf32, #tpu.memory_space<vmem_shared>>)
        %dma_wait3A_248 = arith.constant 1 : i32
        %dma_wait3A_249 = arith.constant 0 : i32
        %dma_wait3A_250 = tpu.memref_slice %arg6[%dma_wait3A_248, %add3A_202, %dma_wait3A_249] : memref<2x80x128xi32, #tpu.memory_space<vmem>> -> memref<1x1x128xi32, #tpu.memory_space<vmem>>
        %dma_wait3A_251 = tpu.memref_squeeze %dma_wait3A_250 : memref<1x1x128xi32, #tpu.memory_space<vmem>> -> memref<128xi32, #tpu.memory_space<vmem>>
        %dma_wait3A_252 = arith.constant 0 : i32
        %dma_wait3A_253 = tpu.memref_slice %arg5[%dma_wait3A_252] : memref<10240xf32, #tpu.memory_space<vmem_shared>> -> memref<10240xf32, #tpu.memory_space<vmem_shared>>
        tpu.wait_indirect_dma semaphore(%arg14 : memref<!tpu.dma_semaphore, #tpu.memory_space<semaphore_mem>>) src(%arg7 : memref<128xf32, #tpu.memory_space<vmem>>) dst(%dma_wait3A_253 : memref<10240xf32, #tpu.memory_space<vmem_shared>>)
      } else {
      }
      %dma_start3A_208 = arith.constant 0 : i32
      %dma_start3A_209 = arith.constant 0 : i32
      %dma_start3A_210 = tpu.memref_slice %arg6[%dma_start3A_208, %add3A_202, %dma_start3A_209] : memref<2x80x128xi32, #tpu.memory_space<vmem>> -> memref<1x1x128xi32, #tpu.memory_space<vmem>>
      %dma_start3A_211 = tpu.memref_squeeze %dma_start3A_210 : memref<1x1x128xi32, #tpu.memory_space<vmem>> -> memref<128xi32, #tpu.memory_space<vmem>>
      %dma_start3A_212 = arith.constant 0 : i32
      %dma_start3A_213 = tpu.memref_slice %arg4[%dma_start3A_212] : memref<10240xf32, #tpu.memory_space<vmem_shared>> -> memref<10240xf32, #tpu.memory_space<vmem_shared>>
      tpu.enqueue_indirect_dma source(%arg7 : memref<128xf32, #tpu.memory_space<vmem>>) target(%dma_start3A_213 : memref<10240xf32, #tpu.memory_space<vmem_shared>>) offsets(%dma_start3A_211 : memref<128xi32, #tpu.memory_space<vmem>>) semaphore(%arg10 : memref<!tpu.dma_semaphore, #tpu.memory_space<semaphore_mem>>) {add = true}
      %dma_start3A_214 = arith.constant 1 : i32
      %dma_start3A_215 = arith.constant 0 : i32
      %dma_start3A_216 = tpu.memref_slice %arg6[%dma_start3A_214, %add3A_202, %dma_start3A_215] : memref<2x80x128xi32, #tpu.memory_space<vmem>> -> memref<1x1x128xi32, #tpu.memory_space<vmem>>
      %dma_start3A_217 = tpu.memref_squeeze %dma_start3A_216 : memref<1x1x128xi32, #tpu.memory_space<vmem>> -> memref<128xi32, #tpu.memory_space<vmem>>
      %dma_start3A_218 = arith.constant 0 : i32
      %dma_start3A_219 = tpu.memref_slice %arg5[%dma_start3A_218] : memref<10240xf32, #tpu.memory_space<vmem_shared>> -> memref<10240xf32, #tpu.memory_space<vmem_shared>>
      tpu.enqueue_indirect_dma source(%arg7 : memref<128xf32, #tpu.memory_space<vmem>>) target(%dma_start3A_219 : memref<10240xf32, #tpu.memory_space<vmem_shared>>) offsets(%dma_start3A_217 : memref<128xi32, #tpu.memory_space<vmem>>) semaphore(%arg14 : memref<!tpu.dma_semaphore, #tpu.memory_space<semaphore_mem>>) {add = true}
      %mul3A_220 = arith.constant 4 : i32
      %mul3A_221 = arith.muli %mul3A_220, %scan3A_158 : i32
      %add3A_222 = arith.constant 3 : i32
      %add3A_223 = arith.addi %mul3A_221, %add3A_222 : i32
      %ge3A_224 = arith.constant 1 : i32
      %ge3A_225 = arith.cmpi sge, %scan3A_158, %ge3A_224 : i32
      %convert_element_type3A_226 = arith.extui %ge3A_225 : i1 to i32
      %cond3A_227 = arith.constant 0 : i32
      %cond3A_228 = arith.cmpi ne, %convert_element_type3A_226, %cond3A_227 : i32
      scf.if %cond3A_228 {
        %dma_wait3A_242 = arith.constant 0 : i32
        %dma_wait3A_243 = arith.constant 0 : i32
        %dma_wait3A_244 = tpu.memref_slice %arg6[%dma_wait3A_242, %add3A_223, %dma_wait3A_243] : memref<2x80x128xi32, #tpu.memory_space<vmem>> -> memref<1x1x128xi32, #tpu.memory_space<vmem>>
        %dma_wait3A_245 = tpu.memref_squeeze %dma_wait3A_244 : memref<1x1x128xi32, #tpu.memory_space<vmem>> -> memref<128xi32, #tpu.memory_space<vmem>>
        %dma_wait3A_246 = arith.constant 0 : i32
        %dma_wait3A_247 = tpu.memref_slice %arg4[%dma_wait3A_246] : memref<10240xf32, #tpu.memory_space<vmem_shared>> -> memref<10240xf32, #tpu.memory_space<vmem_shared>>
        tpu.wait_indirect_dma semaphore(%arg11 : memref<!tpu.dma_semaphore, #tpu.memory_space<semaphore_mem>>) src(%arg7 : memref<128xf32, #tpu.memory_space<vmem>>) dst(%dma_wait3A_247 : memref<10240xf32, #tpu.memory_space<vmem_shared>>)
        %dma_wait3A_248 = arith.constant 1 : i32
        %dma_wait3A_249 = arith.constant 0 : i32
        %dma_wait3A_250 = tpu.memref_slice %arg6[%dma_wait3A_248, %add3A_223, %dma_wait3A_249] : memref<2x80x128xi32, #tpu.memory_space<vmem>> -> memref<1x1x128xi32, #tpu.memory_space<vmem>>
        %dma_wait3A_251 = tpu.memref_squeeze %dma_wait3A_250 : memref<1x1x128xi32, #tpu.memory_space<vmem>> -> memref<128xi32, #tpu.memory_space<vmem>>
        %dma_wait3A_252 = arith.constant 0 : i32
        %dma_wait3A_253 = tpu.memref_slice %arg5[%dma_wait3A_252] : memref<10240xf32, #tpu.memory_space<vmem_shared>> -> memref<10240xf32, #tpu.memory_space<vmem_shared>>
        tpu.wait_indirect_dma semaphore(%arg15 : memref<!tpu.dma_semaphore, #tpu.memory_space<semaphore_mem>>) src(%arg7 : memref<128xf32, #tpu.memory_space<vmem>>) dst(%dma_wait3A_253 : memref<10240xf32, #tpu.memory_space<vmem_shared>>)
      } else {
      }
      %dma_start3A_229 = arith.constant 0 : i32
      %dma_start3A_230 = arith.constant 0 : i32
      %dma_start3A_231 = tpu.memref_slice %arg6[%dma_start3A_229, %add3A_223, %dma_start3A_230] : memref<2x80x128xi32, #tpu.memory_space<vmem>> -> memref<1x1x128xi32, #tpu.memory_space<vmem>>
      %dma_start3A_232 = tpu.memref_squeeze %dma_start3A_231 : memref<1x1x128xi32, #tpu.memory_space<vmem>> -> memref<128xi32, #tpu.memory_space<vmem>>
      %dma_start3A_233 = arith.constant 0 : i32
      %dma_start3A_234 = tpu.memref_slice %arg4[%dma_start3A_233] : memref<10240xf32, #tpu.memory_space<vmem_shared>> -> memref<10240xf32, #tpu.memory_space<vmem_shared>>
      tpu.enqueue_indirect_dma source(%arg7 : memref<128xf32, #tpu.memory_space<vmem>>) target(%dma_start3A_234 : memref<10240xf32, #tpu.memory_space<vmem_shared>>) offsets(%dma_start3A_232 : memref<128xi32, #tpu.memory_space<vmem>>) semaphore(%arg11 : memref<!tpu.dma_semaphore, #tpu.memory_space<semaphore_mem>>) {add = true}
      %dma_start3A_235 = arith.constant 1 : i32
      %dma_start3A_236 = arith.constant 0 : i32
      %dma_start3A_237 = tpu.memref_slice %arg6[%dma_start3A_235, %add3A_223, %dma_start3A_236] : memref<2x80x128xi32, #tpu.memory_space<vmem>> -> memref<1x1x128xi32, #tpu.memory_space<vmem>>
      %dma_start3A_238 = tpu.memref_squeeze %dma_start3A_237 : memref<1x1x128xi32, #tpu.memory_space<vmem>> -> memref<128xi32, #tpu.memory_space<vmem>>
      %dma_start3A_239 = arith.constant 0 : i32
      %dma_start3A_240 = tpu.memref_slice %arg5[%dma_start3A_239] : memref<10240xf32, #tpu.memory_space<vmem_shared>> -> memref<10240xf32, #tpu.memory_space<vmem_shared>>
      tpu.enqueue_indirect_dma source(%arg7 : memref<128xf32, #tpu.memory_space<vmem>>) target(%dma_start3A_240 : memref<10240xf32, #tpu.memory_space<vmem_shared>>) offsets(%dma_start3A_238 : memref<128xi32, #tpu.memory_space<vmem>>) semaphore(%arg15 : memref<!tpu.dma_semaphore, #tpu.memory_space<semaphore_mem>>) {add = true}
      %scan3A_241 = arith.constant 0 : i32
      scf.yield %scan3A_241 : i32
    }
    %scan3A_78 = arith.constant 20 : i32
    %dma_wait3A_79 = arith.constant 0 : i32
    %dma_wait3A_80 = arith.constant 76 : i32
    %dma_wait3A_81 = arith.constant 0 : i32
    %dma_wait3A_82 = tpu.memref_slice %arg6[%dma_wait3A_79, %dma_wait3A_80, %dma_wait3A_81] : memref<2x80x128xi32, #tpu.memory_space<vmem>> -> memref<1x1x128xi32, #tpu.memory_space<vmem>>
    %dma_wait3A_83 = tpu.memref_squeeze %dma_wait3A_82 : memref<1x1x128xi32, #tpu.memory_space<vmem>> -> memref<128xi32, #tpu.memory_space<vmem>>
    %dma_wait3A_84 = arith.constant 0 : i32
    %dma_wait3A_85 = tpu.memref_slice %arg4[%dma_wait3A_84] : memref<10240xf32, #tpu.memory_space<vmem_shared>> -> memref<10240xf32, #tpu.memory_space<vmem_shared>>
    tpu.wait_indirect_dma semaphore(%arg8 : memref<!tpu.dma_semaphore, #tpu.memory_space<semaphore_mem>>) src(%arg7 : memref<128xf32, #tpu.memory_space<vmem>>) dst(%dma_wait3A_85 : memref<10240xf32, #tpu.memory_space<vmem_shared>>)
    %dma_wait3A_86 = arith.constant 1 : i32
    %dma_wait3A_87 = arith.constant 76 : i32
    %dma_wait3A_88 = arith.constant 0 : i32
    %dma_wait3A_89 = tpu.memref_slice %arg6[%dma_wait3A_86, %dma_wait3A_87, %dma_wait3A_88] : memref<2x80x128xi32, #tpu.memory_space<vmem>> -> memref<1x1x128xi32, #tpu.memory_space<vmem>>
    %dma_wait3A_90 = tpu.memref_squeeze %dma_wait3A_89 : memref<1x1x128xi32, #tpu.memory_space<vmem>> -> memref<128xi32, #tpu.memory_space<vmem>>
    %dma_wait3A_91 = arith.constant 0 : i32
    %dma_wait3A_92 = tpu.memref_slice %arg5[%dma_wait3A_91] : memref<10240xf32, #tpu.memory_space<vmem_shared>> -> memref<10240xf32, #tpu.memory_space<vmem_shared>>
    tpu.wait_indirect_dma semaphore(%arg12 : memref<!tpu.dma_semaphore, #tpu.memory_space<semaphore_mem>>) src(%arg7 : memref<128xf32, #tpu.memory_space<vmem>>) dst(%dma_wait3A_92 : memref<10240xf32, #tpu.memory_space<vmem_shared>>)
    %dma_wait3A_93 = arith.constant 0 : i32
    %dma_wait3A_94 = arith.constant 77 : i32
    %dma_wait3A_95 = arith.constant 0 : i32
    %dma_wait3A_96 = tpu.memref_slice %arg6[%dma_wait3A_93, %dma_wait3A_94, %dma_wait3A_95] : memref<2x80x128xi32, #tpu.memory_space<vmem>> -> memref<1x1x128xi32, #tpu.memory_space<vmem>>
    %dma_wait3A_97 = tpu.memref_squeeze %dma_wait3A_96 : memref<1x1x128xi32, #tpu.memory_space<vmem>> -> memref<128xi32, #tpu.memory_space<vmem>>
    %dma_wait3A_98 = arith.constant 0 : i32
    %dma_wait3A_99 = tpu.memref_slice %arg4[%dma_wait3A_98] : memref<10240xf32, #tpu.memory_space<vmem_shared>> -> memref<10240xf32, #tpu.memory_space<vmem_shared>>
    tpu.wait_indirect_dma semaphore(%arg9 : memref<!tpu.dma_semaphore, #tpu.memory_space<semaphore_mem>>) src(%arg7 : memref<128xf32, #tpu.memory_space<vmem>>) dst(%dma_wait3A_99 : memref<10240xf32, #tpu.memory_space<vmem_shared>>)
    %dma_wait3A_100 = arith.constant 1 : i32
    %dma_wait3A_101 = arith.constant 77 : i32
    %dma_wait3A_102 = arith.constant 0 : i32
    %dma_wait3A_103 = tpu.memref_slice %arg6[%dma_wait3A_100, %dma_wait3A_101, %dma_wait3A_102] : memref<2x80x128xi32, #tpu.memory_space<vmem>> -> memref<1x1x128xi32, #tpu.memory_space<vmem>>
    %dma_wait3A_104 = tpu.memref_squeeze %dma_wait3A_103 : memref<1x1x128xi32, #tpu.memory_space<vmem>> -> memref<128xi32, #tpu.memory_space<vmem>>
    %dma_wait3A_105 = arith.constant 0 : i32
    %dma_wait3A_106 = tpu.memref_slice %arg5[%dma_wait3A_105] : memref<10240xf32, #tpu.memory_space<vmem_shared>> -> memref<10240xf32, #tpu.memory_space<vmem_shared>>
    tpu.wait_indirect_dma semaphore(%arg13 : memref<!tpu.dma_semaphore, #tpu.memory_space<semaphore_mem>>) src(%arg7 : memref<128xf32, #tpu.memory_space<vmem>>) dst(%dma_wait3A_106 : memref<10240xf32, #tpu.memory_space<vmem_shared>>)
    %dma_wait3A_107 = arith.constant 0 : i32
    %dma_wait3A_108 = arith.constant 78 : i32
    %dma_wait3A_109 = arith.constant 0 : i32
    %dma_wait3A_110 = tpu.memref_slice %arg6[%dma_wait3A_107, %dma_wait3A_108, %dma_wait3A_109] : memref<2x80x128xi32, #tpu.memory_space<vmem>> -> memref<1x1x128xi32, #tpu.memory_space<vmem>>
    %dma_wait3A_111 = tpu.memref_squeeze %dma_wait3A_110 : memref<1x1x128xi32, #tpu.memory_space<vmem>> -> memref<128xi32, #tpu.memory_space<vmem>>
    %dma_wait3A_112 = arith.constant 0 : i32
    %dma_wait3A_113 = tpu.memref_slice %arg4[%dma_wait3A_112] : memref<10240xf32, #tpu.memory_space<vmem_shared>> -> memref<10240xf32, #tpu.memory_space<vmem_shared>>
    tpu.wait_indirect_dma semaphore(%arg10 : memref<!tpu.dma_semaphore, #tpu.memory_space<semaphore_mem>>) src(%arg7 : memref<128xf32, #tpu.memory_space<vmem>>) dst(%dma_wait3A_113 : memref<10240xf32, #tpu.memory_space<vmem_shared>>)
    %dma_wait3A_114 = arith.constant 1 : i32
    %dma_wait3A_115 = arith.constant 78 : i32
    %dma_wait3A_116 = arith.constant 0 : i32
    %dma_wait3A_117 = tpu.memref_slice %arg6[%dma_wait3A_114, %dma_wait3A_115, %dma_wait3A_116] : memref<2x80x128xi32, #tpu.memory_space<vmem>> -> memref<1x1x128xi32, #tpu.memory_space<vmem>>
    %dma_wait3A_118 = tpu.memref_squeeze %dma_wait3A_117 : memref<1x1x128xi32, #tpu.memory_space<vmem>> -> memref<128xi32, #tpu.memory_space<vmem>>
    %dma_wait3A_119 = arith.constant 0 : i32
    %dma_wait3A_120 = tpu.memref_slice %arg5[%dma_wait3A_119] : memref<10240xf32, #tpu.memory_space<vmem_shared>> -> memref<10240xf32, #tpu.memory_space<vmem_shared>>
    tpu.wait_indirect_dma semaphore(%arg14 : memref<!tpu.dma_semaphore, #tpu.memory_space<semaphore_mem>>) src(%arg7 : memref<128xf32, #tpu.memory_space<vmem>>) dst(%dma_wait3A_120 : memref<10240xf32, #tpu.memory_space<vmem_shared>>)
    %dma_wait3A_121 = arith.constant 0 : i32
    %dma_wait3A_122 = arith.constant 79 : i32
    %dma_wait3A_123 = arith.constant 0 : i32
    %dma_wait3A_124 = tpu.memref_slice %arg6[%dma_wait3A_121, %dma_wait3A_122, %dma_wait3A_123] : memref<2x80x128xi32, #tpu.memory_space<vmem>> -> memref<1x1x128xi32, #tpu.memory_space<vmem>>
    %dma_wait3A_125 = tpu.memref_squeeze %dma_wait3A_124 : memref<1x1x128xi32, #tpu.memory_space<vmem>> -> memref<128xi32, #tpu.memory_space<vmem>>
    %dma_wait3A_126 = arith.constant 0 : i32
    %dma_wait3A_127 = tpu.memref_slice %arg4[%dma_wait3A_126] : memref<10240xf32, #tpu.memory_space<vmem_shared>> -> memref<10240xf32, #tpu.memory_space<vmem_shared>>
    tpu.wait_indirect_dma semaphore(%arg11 : memref<!tpu.dma_semaphore, #tpu.memory_space<semaphore_mem>>) src(%arg7 : memref<128xf32, #tpu.memory_space<vmem>>) dst(%dma_wait3A_127 : memref<10240xf32, #tpu.memory_space<vmem_shared>>)
    %dma_wait3A_128 = arith.constant 1 : i32
    %dma_wait3A_129 = arith.constant 79 : i32
    %dma_wait3A_130 = arith.constant 0 : i32
    %dma_wait3A_131 = tpu.memref_slice %arg6[%dma_wait3A_128, %dma_wait3A_129, %dma_wait3A_130] : memref<2x80x128xi32, #tpu.memory_space<vmem>> -> memref<1x1x128xi32, #tpu.memory_space<vmem>>
    %dma_wait3A_132 = tpu.memref_squeeze %dma_wait3A_131 : memref<1x1x128xi32, #tpu.memory_space<vmem>> -> memref<128xi32, #tpu.memory_space<vmem>>
    %dma_wait3A_133 = arith.constant 0 : i32
    %dma_wait3A_134 = tpu.memref_slice %arg5[%dma_wait3A_133] : memref<10240xf32, #tpu.memory_space<vmem_shared>> -> memref<10240xf32, #tpu.memory_space<vmem_shared>>
    tpu.wait_indirect_dma semaphore(%arg15 : memref<!tpu.dma_semaphore, #tpu.memory_space<semaphore_mem>>) src(%arg7 : memref<128xf32, #tpu.memory_space<vmem>>) dst(%dma_wait3A_134 : memref<10240xf32, #tpu.memory_space<vmem_shared>>)
    %barrier3A_135 = arith.constant 0 : index
    tpu.barrier barrier_id(%barrier3A_135)
    %mul3A_136 = arith.constant 640 : i32
    %mul3A_137 = arith.muli %arg1, %mul3A_136 : i32
    %mul3A_138 = arith.constant 2 : i32
    %mul3A_139 = arith.muli %arg0, %mul3A_138 : i32
    %add3A_140 = arith.constant 0 : i32
    %add3A_141 = arith.addi %mul3A_139, %add3A_140 : i32
    %mul3A_142 = arith.constant 10240 : i32
    %mul3A_143 = arith.muli %add3A_141, %mul3A_142 : i32
    %mul3A_144 = arith.constant 640 : i32
    %mul3A_145 = arith.muli %arg1, %mul3A_144 : i32
    %add3A_146 = arith.addi %mul3A_143, %mul3A_145 : i32
    "tpu.region"() ({
      %run_scoped3A = tpu.sem_alloc : memref<!tpu.dma_semaphore, #tpu.memory_space<semaphore_mem>>
      %dma_start3A_158 = tpu.memref_slice %arg3[%add3A_146] : memref<40960xf32, #tpu.memory_space<hbm>> -> memref<640xf32, #tpu.memory_space<hbm>>
      %dma_start3A_159 = tpu.memref_slice %arg4[%mul3A_137] : memref<10240xf32, #tpu.memory_space<vmem_shared>> -> memref<640xf32, #tpu.memory_space<vmem_shared>>
      tpu.enqueue_dma source(%dma_start3A_159 : memref<640xf32, #tpu.memory_space<vmem_shared>>) target(%dma_start3A_158 : memref<640xf32, #tpu.memory_space<hbm>>) target_semaphore(%run_scoped3A : memref<!tpu.dma_semaphore, #tpu.memory_space<semaphore_mem>>)
      %dma_wait3A_160 = tpu.memref_slice %arg3[%add3A_146] : memref<40960xf32, #tpu.memory_space<hbm>> -> memref<640xf32, #tpu.memory_space<hbm>>
      %dma_wait3A_161 = tpu.memref_slice %arg4[%mul3A_137] : memref<10240xf32, #tpu.memory_space<vmem_shared>> -> memref<640xf32, #tpu.memory_space<vmem_shared>>
      tpu.wait_dma2 semaphore(%run_scoped3A : memref<!tpu.dma_semaphore, #tpu.memory_space<semaphore_mem>>) src(%dma_wait3A_161 : memref<640xf32, #tpu.memory_space<vmem_shared>>) dst(%dma_wait3A_160 : memref<640xf32, #tpu.memory_space<hbm>>)
      tpu.yield
    }) : () -> ()
    %mul3A_147 = arith.constant 640 : i32
    %mul3A_148 = arith.muli %arg1, %mul3A_147 : i32
    %mul3A_149 = arith.constant 2 : i32
    %mul3A_150 = arith.muli %arg0, %mul3A_149 : i32
    %add3A_151 = arith.constant 1 : i32
    %add3A_152 = arith.addi %mul3A_150, %add3A_151 : i32
    %mul3A_153 = arith.constant 10240 : i32
    %mul3A_154 = arith.muli %add3A_152, %mul3A_153 : i32
    %mul3A_155 = arith.constant 640 : i32
    %mul3A_156 = arith.muli %arg1, %mul3A_155 : i32
    %add3A_157 = arith.addi %mul3A_154, %mul3A_156 : i32
    "tpu.region"() ({
      %run_scoped3A = tpu.sem_alloc : memref<!tpu.dma_semaphore, #tpu.memory_space<semaphore_mem>>
      %dma_start3A_158 = tpu.memref_slice %arg3[%add3A_157] : memref<40960xf32, #tpu.memory_space<hbm>> -> memref<640xf32, #tpu.memory_space<hbm>>
      %dma_start3A_159 = tpu.memref_slice %arg5[%mul3A_148] : memref<10240xf32, #tpu.memory_space<vmem_shared>> -> memref<640xf32, #tpu.memory_space<vmem_shared>>
      tpu.enqueue_dma source(%dma_start3A_159 : memref<640xf32, #tpu.memory_space<vmem_shared>>) target(%dma_start3A_158 : memref<640xf32, #tpu.memory_space<hbm>>) target_semaphore(%run_scoped3A : memref<!tpu.dma_semaphore, #tpu.memory_space<semaphore_mem>>)
      %dma_wait3A_160 = tpu.memref_slice %arg3[%add3A_157] : memref<40960xf32, #tpu.memory_space<hbm>> -> memref<640xf32, #tpu.memory_space<hbm>>
      %dma_wait3A_161 = tpu.memref_slice %arg5[%mul3A_148] : memref<10240xf32, #tpu.memory_space<vmem_shared>> -> memref<640xf32, #tpu.memory_space<vmem_shared>>
      tpu.wait_dma2 semaphore(%run_scoped3A : memref<!tpu.dma_semaphore, #tpu.memory_space<semaphore_mem>>) src(%dma_wait3A_161 : memref<640xf32, #tpu.memory_space<vmem_shared>>) dst(%dma_wait3A_160 : memref<640xf32, #tpu.memory_space<hbm>>)
      tpu.yield
    }) : () -> ()
    return
  }
}

#map = affine_map<(d0, d1) -> (0, 0)>
#map1 = affine_map<(d0, d1) -> (0, 0, 0)>
module attributes {stable_mosaic.version = 14 : i64} {
  func.func @_layer_body(%arg0: i32, %arg1: i32, %arg2: memref<10240x128xf32, #tpu.memory_space<hbm>>, %arg3: memref<2x2560x128xi32, #tpu.memory_space<hbm>>, %arg4: memref<10240x128xf32, #tpu.memory_space<hbm>>, %arg5: memref<20480x128xf32, #tpu.memory_space<hbm>>, %arg6: memref<10240x128xf32, #tpu.memory_space<vmem_shared>>, %arg7: memref<128x128xf32, #tpu.memory_space<vmem>>, %arg8: memref<128x128xf32, #tpu.memory_space<vmem>>, %arg9: memref<2x1x128xi32, #tpu.memory_space<vmem>>, %arg10: memref<2x1x128xi32, #tpu.memory_space<vmem>>, %arg11: memref<2x1x128xi32, #tpu.memory_space<vmem>>, %arg12: memref<2x1x128xi32, #tpu.memory_space<vmem>>, %arg13: memref<!tpu.dma_semaphore, #tpu.memory_space<semaphore_mem>>, %arg14: memref<!tpu.dma_semaphore, #tpu.memory_space<semaphore_mem>>, %arg15: memref<!tpu.dma_semaphore, #tpu.memory_space<semaphore_mem>>, %arg16: memref<!tpu.dma_semaphore, #tpu.memory_space<semaphore_mem>>, %arg17: memref<!tpu.dma_semaphore, #tpu.memory_space<semaphore_mem>>, %arg18: memref<!tpu.dma_semaphore, #tpu.memory_space<semaphore_mem>>, %arg19: memref<!tpu.dma_semaphore, #tpu.memory_space<semaphore_mem>>, %arg20: memref<!tpu.dma_semaphore, #tpu.memory_space<semaphore_mem>>, %arg21: memref<!tpu.dma_semaphore, #tpu.memory_space<semaphore_mem>>) attributes {dimension_semantics = [#tpu.dimension_semantics<core_parallel>, #tpu.dimension_semantics<subcore_parallel>], iteration_bounds = array<i64: 2, 16>, scalar_prefetch = 0 : i64, scratch_operands = 16 : i64, tpu.core_type = #tpu.core_type<sc_vector_subcore>, window_params = [{transform_indices = #map}, {transform_indices = #map1}, {transform_indices = #map}, {transform_indices = #map}]} {
    %mul3A = arith.constant 16 : i32
    %mul3A_0 = arith.muli %arg0, %mul3A : i32
    %add3A = arith.addi %mul3A_0, %arg1 : i32
    %mul3A_1 = arith.constant 640 : i32
    %mul3A_2 = arith.muli %arg1, %mul3A_1 : i32
    %mul3A_3 = arith.constant 640 : i32
    %mul3A_4 = arith.muli %arg1, %mul3A_3 : i32
    %dma_start3A = arith.constant 0 : i32
    %dma_start3A_5 = tpu.memref_slice %arg6[%mul3A_4, %dma_start3A] : memref<10240x128xf32, #tpu.memory_space<vmem_shared>> -> memref<640x128xf32, #tpu.memory_space<vmem_shared>>
    %dma_start3A_6 = arith.constant 0 : i32
    %dma_start3A_7 = tpu.memref_slice %arg4[%mul3A_2, %dma_start3A_6] : memref<10240x128xf32, #tpu.memory_space<hbm>> -> memref<640x128xf32, #tpu.memory_space<hbm>>
    tpu.enqueue_dma source(%dma_start3A_7 : memref<640x128xf32, #tpu.memory_space<hbm>>) target(%dma_start3A_5 : memref<640x128xf32, #tpu.memory_space<vmem_shared>>) target_semaphore(%arg21 : memref<!tpu.dma_semaphore, #tpu.memory_space<semaphore_mem>>)
    %mul3A_8 = arith.constant 80 : i32
    %mul3A_9 = arith.muli %add3A, %mul3A_8 : i32
    %dma_start3A_10 = arith.constant 0 : i32
    %dma_start3A_11 = arith.constant 0 : i32
    %dma_start3A_12 = tpu.memref_slice %arg3[%dma_start3A_10, %mul3A_9, %dma_start3A_11] : memref<2x2560x128xi32, #tpu.memory_space<hbm>> -> memref<2x1x128xi32, #tpu.memory_space<hbm>>
    %dma_start3A_13 = arith.constant 0 : i32
    %dma_start3A_14 = arith.constant 0 : i32
    %dma_start3A_15 = tpu.memref_slice %arg3[%dma_start3A_13, %mul3A_9, %dma_start3A_14] : memref<2x2560x128xi32, #tpu.memory_space<hbm>> -> memref<2x1x128xi32, #tpu.memory_space<hbm>>
    tpu.enqueue_dma source(%dma_start3A_15 : memref<2x1x128xi32, #tpu.memory_space<hbm>>) target(%arg9 : memref<2x1x128xi32, #tpu.memory_space<vmem>>) target_semaphore(%arg17 : memref<!tpu.dma_semaphore, #tpu.memory_space<semaphore_mem>>)
    %add3A_16 = arith.constant 1 : i32
    %add3A_17 = arith.addi %mul3A_9, %add3A_16 : i32
    %dma_start3A_18 = arith.constant 0 : i32
    %dma_start3A_19 = arith.constant 0 : i32
    %dma_start3A_20 = tpu.memref_slice %arg3[%dma_start3A_18, %add3A_17, %dma_start3A_19] : memref<2x2560x128xi32, #tpu.memory_space<hbm>> -> memref<2x1x128xi32, #tpu.memory_space<hbm>>
    %dma_start3A_21 = arith.constant 0 : i32
    %dma_start3A_22 = arith.constant 0 : i32
    %dma_start3A_23 = tpu.memref_slice %arg3[%dma_start3A_21, %add3A_17, %dma_start3A_22] : memref<2x2560x128xi32, #tpu.memory_space<hbm>> -> memref<2x1x128xi32, #tpu.memory_space<hbm>>
    tpu.enqueue_dma source(%dma_start3A_23 : memref<2x1x128xi32, #tpu.memory_space<hbm>>) target(%arg10 : memref<2x1x128xi32, #tpu.memory_space<vmem>>) target_semaphore(%arg18 : memref<!tpu.dma_semaphore, #tpu.memory_space<semaphore_mem>>)
    %dma_wait3A = arith.constant 0 : i32
    %dma_wait3A_24 = tpu.memref_slice %arg6[%mul3A_4, %dma_wait3A] : memref<10240x128xf32, #tpu.memory_space<vmem_shared>> -> memref<640x128xf32, #tpu.memory_space<vmem_shared>>
    %dma_wait3A_25 = arith.constant 0 : i32
    %dma_wait3A_26 = tpu.memref_slice %arg4[%mul3A_2, %dma_wait3A_25] : memref<10240x128xf32, #tpu.memory_space<hbm>> -> memref<640x128xf32, #tpu.memory_space<hbm>>
    tpu.wait_dma2 semaphore(%arg21 : memref<!tpu.dma_semaphore, #tpu.memory_space<semaphore_mem>>) src(%dma_wait3A_26 : memref<640x128xf32, #tpu.memory_space<hbm>>) dst(%dma_wait3A_24 : memref<640x128xf32, #tpu.memory_space<vmem_shared>>)
    %barrier3A = arith.constant 0 : index
    tpu.barrier barrier_id(%barrier3A)
    %scan3A = arith.constant 0 : i32
    %scan3A_27 = arith.constant 0 : i32
    %scan3A_28 = arith.constant 20 : i32
    %scan3A_29 = arith.addi %scan3A_27, %scan3A_28 : i32
    %scan3A_30 = arith.constant 1 : i32
    %scan3A_31 = scf.for %scan3A_73 = %scan3A_27 to %scan3A_29 step %scan3A_30 iter_args(%scan3A_74 = %scan3A) -> (i32)  : i32 {
      %mul3A_75 = arith.constant 4 : i32
      %mul3A_76 = arith.muli %mul3A_75, %scan3A_73 : i32
      %add3A_77 = arith.constant 0 : i32
      %add3A_78 = arith.addi %mul3A_76, %add3A_77 : i32
      %ge3A = arith.constant 1 : i32
      %ge3A_79 = arith.cmpi sge, %scan3A_73, %ge3A : i32
      %convert_element_type3A = arith.extui %ge3A_79 : i1 to i32
      %cond3A = arith.constant 0 : i32
      %cond3A_80 = arith.cmpi ne, %convert_element_type3A, %cond3A : i32
      scf.if %cond3A_80 {
        %dma_wait3A_255 = arith.constant 0 : i32
        %dma_wait3A_256 = arith.constant 0 : i32
        %dma_wait3A_257 = arith.constant 0 : i32
        %dma_wait3A_258 = tpu.memref_slice %arg9[%dma_wait3A_255, %dma_wait3A_256, %dma_wait3A_257] : memref<2x1x128xi32, #tpu.memory_space<vmem>> -> memref<1x1x128xi32, #tpu.memory_space<vmem>>
        %dma_wait3A_259 = tpu.memref_squeeze %dma_wait3A_258 : memref<1x1x128xi32, #tpu.memory_space<vmem>> -> memref<128xi32, #tpu.memory_space<vmem>>
        %dma_wait3A_260 = arith.constant 0 : i32
        %dma_wait3A_261 = arith.constant 0 : i32
        %dma_wait3A_262 = tpu.memref_slice %arg6[%dma_wait3A_260, %dma_wait3A_261] : memref<10240x128xf32, #tpu.memory_space<vmem_shared>> -> memref<10240x128xf32, #tpu.memory_space<vmem_shared>>
        tpu.wait_indirect_dma semaphore(%arg15 : memref<!tpu.dma_semaphore, #tpu.memory_space<semaphore_mem>>) src(%arg7 : memref<128x128xf32, #tpu.memory_space<vmem>>) dst(%dma_wait3A_262 : memref<10240x128xf32, #tpu.memory_space<vmem_shared>>)
      } else {
      }
      %add3A_81 = arith.addi %mul3A_9, %add3A_78 : i32
      %dma_wait3A_82 = arith.constant 0 : i32
      %dma_wait3A_83 = arith.constant 0 : i32
      %dma_wait3A_84 = tpu.memref_slice %arg3[%dma_wait3A_82, %add3A_81, %dma_wait3A_83] : memref<2x2560x128xi32, #tpu.memory_space<hbm>> -> memref<2x1x128xi32, #tpu.memory_space<hbm>>
      %dma_wait3A_85 = arith.constant 0 : i32
      %dma_wait3A_86 = arith.constant 0 : i32
      %dma_wait3A_87 = tpu.memref_slice %arg3[%dma_wait3A_85, %add3A_81, %dma_wait3A_86] : memref<2x2560x128xi32, #tpu.memory_space<hbm>> -> memref<2x1x128xi32, #tpu.memory_space<hbm>>
      tpu.wait_dma2 semaphore(%arg17 : memref<!tpu.dma_semaphore, #tpu.memory_space<semaphore_mem>>) src(%dma_wait3A_87 : memref<2x1x128xi32, #tpu.memory_space<hbm>>) dst(%arg9 : memref<2x1x128xi32, #tpu.memory_space<vmem>>)
      %dma_start3A_88 = arith.constant 0 : i32
      %dma_start3A_89 = arith.constant 0 : i32
      %dma_start3A_90 = arith.constant 0 : i32
      %dma_start3A_91 = tpu.memref_slice %arg9[%dma_start3A_88, %dma_start3A_89, %dma_start3A_90] : memref<2x1x128xi32, #tpu.memory_space<vmem>> -> memref<1x1x128xi32, #tpu.memory_space<vmem>>
      %dma_start3A_92 = tpu.memref_squeeze %dma_start3A_91 : memref<1x1x128xi32, #tpu.memory_space<vmem>> -> memref<128xi32, #tpu.memory_space<vmem>>
      %dma_start3A_93 = arith.constant 0 : i32
      %dma_start3A_94 = arith.constant 0 : i32
      %dma_start3A_95 = tpu.memref_slice %arg2[%dma_start3A_93, %dma_start3A_94] : memref<10240x128xf32, #tpu.memory_space<hbm>> -> memref<10240x128xf32, #tpu.memory_space<hbm>>
      tpu.enqueue_indirect_dma source(%dma_start3A_95 : memref<10240x128xf32, #tpu.memory_space<hbm>>) target(%arg7 : memref<128x128xf32, #tpu.memory_space<vmem>>) offsets(%dma_start3A_92 : memref<128xi32, #tpu.memory_space<vmem>>) semaphore(%arg13 : memref<!tpu.dma_semaphore, #tpu.memory_space<semaphore_mem>>)
      %add3A_96 = arith.constant 2 : i32
      %add3A_97 = arith.addi %add3A_78, %add3A_96 : i32
      %add3A_98 = arith.addi %mul3A_9, %add3A_97 : i32
      %dma_start3A_99 = arith.constant 0 : i32
      %dma_start3A_100 = arith.constant 0 : i32
      %dma_start3A_101 = tpu.memref_slice %arg3[%dma_start3A_99, %add3A_98, %dma_start3A_100] : memref<2x2560x128xi32, #tpu.memory_space<hbm>> -> memref<2x1x128xi32, #tpu.memory_space<hbm>>
      %dma_start3A_102 = arith.constant 0 : i32
      %dma_start3A_103 = arith.constant 0 : i32
      %dma_start3A_104 = tpu.memref_slice %arg3[%dma_start3A_102, %add3A_98, %dma_start3A_103] : memref<2x2560x128xi32, #tpu.memory_space<hbm>> -> memref<2x1x128xi32, #tpu.memory_space<hbm>>
      tpu.enqueue_dma source(%dma_start3A_104 : memref<2x1x128xi32, #tpu.memory_space<hbm>>) target(%arg11 : memref<2x1x128xi32, #tpu.memory_space<vmem>>) target_semaphore(%arg19 : memref<!tpu.dma_semaphore, #tpu.memory_space<semaphore_mem>>)
      %ge3A_105 = arith.constant 1 : i32
      %ge3A_106 = arith.cmpi sge, %scan3A_73, %ge3A_105 : i32
      %convert_element_type3A_107 = arith.extui %ge3A_106 : i1 to i32
      %cond3A_108 = arith.constant 0 : i32
      %cond3A_109 = arith.cmpi ne, %convert_element_type3A_107, %cond3A_108 : i32
      scf.if %cond3A_109 {
        %dma_wait3A_255 = arith.constant 0 : i32
        %dma_wait3A_256 = arith.constant 0 : i32
        %dma_wait3A_257 = arith.constant 0 : i32
        %dma_wait3A_258 = tpu.memref_slice %arg12[%dma_wait3A_255, %dma_wait3A_256, %dma_wait3A_257] : memref<2x1x128xi32, #tpu.memory_space<vmem>> -> memref<1x1x128xi32, #tpu.memory_space<vmem>>
        %dma_wait3A_259 = tpu.memref_squeeze %dma_wait3A_258 : memref<1x1x128xi32, #tpu.memory_space<vmem>> -> memref<128xi32, #tpu.memory_space<vmem>>
        %dma_wait3A_260 = arith.constant 0 : i32
        %dma_wait3A_261 = arith.constant 0 : i32
        %dma_wait3A_262 = tpu.memref_slice %arg2[%dma_wait3A_260, %dma_wait3A_261] : memref<10240x128xf32, #tpu.memory_space<hbm>> -> memref<10240x128xf32, #tpu.memory_space<hbm>>
        tpu.wait_indirect_dma semaphore(%arg14 : memref<!tpu.dma_semaphore, #tpu.memory_space<semaphore_mem>>) src(%dma_wait3A_262 : memref<10240x128xf32, #tpu.memory_space<hbm>>) dst(%arg8 : memref<128x128xf32, #tpu.memory_space<vmem>>)
        %dma_start3A_263 = arith.constant 1 : i32
        %dma_start3A_264 = arith.constant 0 : i32
        %dma_start3A_265 = arith.constant 0 : i32
        %dma_start3A_266 = tpu.memref_slice %arg12[%dma_start3A_263, %dma_start3A_264, %dma_start3A_265] : memref<2x1x128xi32, #tpu.memory_space<vmem>> -> memref<1x1x128xi32, #tpu.memory_space<vmem>>
        %dma_start3A_267 = tpu.memref_squeeze %dma_start3A_266 : memref<1x1x128xi32, #tpu.memory_space<vmem>> -> memref<128xi32, #tpu.memory_space<vmem>>
        %dma_start3A_268 = arith.constant 0 : i32
        %dma_start3A_269 = arith.constant 0 : i32
        %dma_start3A_270 = tpu.memref_slice %arg6[%dma_start3A_268, %dma_start3A_269] : memref<10240x128xf32, #tpu.memory_space<vmem_shared>> -> memref<10240x128xf32, #tpu.memory_space<vmem_shared>>
        tpu.enqueue_indirect_dma source(%arg8 : memref<128x128xf32, #tpu.memory_space<vmem>>) target(%dma_start3A_270 : memref<10240x128xf32, #tpu.memory_space<vmem_shared>>) offsets(%dma_start3A_267 : memref<128xi32, #tpu.memory_space<vmem>>) semaphore(%arg16 : memref<!tpu.dma_semaphore, #tpu.memory_space<semaphore_mem>>) {add = true}
      } else {
      }
      %mul3A_110 = arith.constant 4 : i32
      %mul3A_111 = arith.muli %mul3A_110, %scan3A_73 : i32
      %add3A_112 = arith.constant 1 : i32
      %add3A_113 = arith.addi %mul3A_111, %add3A_112 : i32
      %ge3A_114 = arith.constant 1 : i32
      %ge3A_115 = arith.cmpi sge, %scan3A_73, %ge3A_114 : i32
      %convert_element_type3A_116 = arith.extui %ge3A_115 : i1 to i32
      %cond3A_117 = arith.constant 0 : i32
      %cond3A_118 = arith.cmpi ne, %convert_element_type3A_116, %cond3A_117 : i32
      scf.if %cond3A_118 {
        %dma_wait3A_255 = arith.constant 0 : i32
        %dma_wait3A_256 = arith.constant 0 : i32
        %dma_wait3A_257 = arith.constant 0 : i32
        %dma_wait3A_258 = tpu.memref_slice %arg10[%dma_wait3A_255, %dma_wait3A_256, %dma_wait3A_257] : memref<2x1x128xi32, #tpu.memory_space<vmem>> -> memref<1x1x128xi32, #tpu.memory_space<vmem>>
        %dma_wait3A_259 = tpu.memref_squeeze %dma_wait3A_258 : memref<1x1x128xi32, #tpu.memory_space<vmem>> -> memref<128xi32, #tpu.memory_space<vmem>>
        %dma_wait3A_260 = arith.constant 0 : i32
        %dma_wait3A_261 = arith.constant 0 : i32
        %dma_wait3A_262 = tpu.memref_slice %arg6[%dma_wait3A_260, %dma_wait3A_261] : memref<10240x128xf32, #tpu.memory_space<vmem_shared>> -> memref<10240x128xf32, #tpu.memory_space<vmem_shared>>
        tpu.wait_indirect_dma semaphore(%arg16 : memref<!tpu.dma_semaphore, #tpu.memory_space<semaphore_mem>>) src(%arg8 : memref<128x128xf32, #tpu.memory_space<vmem>>) dst(%dma_wait3A_262 : memref<10240x128xf32, #tpu.memory_space<vmem_shared>>)
      } else {
      }
      %add3A_119 = arith.addi %mul3A_9, %add3A_113 : i32
      %dma_wait3A_120 = arith.constant 0 : i32
      %dma_wait3A_121 = arith.constant 0 : i32
      %dma_wait3A_122 = tpu.memref_slice %arg3[%dma_wait3A_120, %add3A_119, %dma_wait3A_121] : memref<2x2560x128xi32, #tpu.memory_space<hbm>> -> memref<2x1x128xi32, #tpu.memory_space<hbm>>
      %dma_wait3A_123 = arith.constant 0 : i32
      %dma_wait3A_124 = arith.constant 0 : i32
      %dma_wait3A_125 = tpu.memref_slice %arg3[%dma_wait3A_123, %add3A_119, %dma_wait3A_124] : memref<2x2560x128xi32, #tpu.memory_space<hbm>> -> memref<2x1x128xi32, #tpu.memory_space<hbm>>
      tpu.wait_dma2 semaphore(%arg18 : memref<!tpu.dma_semaphore, #tpu.memory_space<semaphore_mem>>) src(%dma_wait3A_125 : memref<2x1x128xi32, #tpu.memory_space<hbm>>) dst(%arg10 : memref<2x1x128xi32, #tpu.memory_space<vmem>>)
      %dma_start3A_126 = arith.constant 0 : i32
      %dma_start3A_127 = arith.constant 0 : i32
      %dma_start3A_128 = arith.constant 0 : i32
      %dma_start3A_129 = tpu.memref_slice %arg10[%dma_start3A_126, %dma_start3A_127, %dma_start3A_128] : memref<2x1x128xi32, #tpu.memory_space<vmem>> -> memref<1x1x128xi32, #tpu.memory_space<vmem>>
      %dma_start3A_130 = tpu.memref_squeeze %dma_start3A_129 : memref<1x1x128xi32, #tpu.memory_space<vmem>> -> memref<128xi32, #tpu.memory_space<vmem>>
      %dma_start3A_131 = arith.constant 0 : i32
      %dma_start3A_132 = arith.constant 0 : i32
      %dma_start3A_133 = tpu.memref_slice %arg2[%dma_start3A_131, %dma_start3A_132] : memref<10240x128xf32, #tpu.memory_space<hbm>> -> memref<10240x128xf32, #tpu.memory_space<hbm>>
      tpu.enqueue_indirect_dma source(%dma_start3A_133 : memref<10240x128xf32, #tpu.memory_space<hbm>>) target(%arg8 : memref<128x128xf32, #tpu.memory_space<vmem>>) offsets(%dma_start3A_130 : memref<128xi32, #tpu.memory_space<vmem>>) semaphore(%arg14 : memref<!tpu.dma_semaphore, #tpu.memory_space<semaphore_mem>>)
      %add3A_134 = arith.constant 2 : i32
      %add3A_135 = arith.addi %add3A_113, %add3A_134 : i32
      %add3A_136 = arith.addi %mul3A_9, %add3A_135 : i32
      %dma_start3A_137 = arith.constant 0 : i32
      %dma_start3A_138 = arith.constant 0 : i32
      %dma_start3A_139 = tpu.memref_slice %arg3[%dma_start3A_137, %add3A_136, %dma_start3A_138] : memref<2x2560x128xi32, #tpu.memory_space<hbm>> -> memref<2x1x128xi32, #tpu.memory_space<hbm>>
      %dma_start3A_140 = arith.constant 0 : i32
      %dma_start3A_141 = arith.constant 0 : i32
      %dma_start3A_142 = tpu.memref_slice %arg3[%dma_start3A_140, %add3A_136, %dma_start3A_141] : memref<2x2560x128xi32, #tpu.memory_space<hbm>> -> memref<2x1x128xi32, #tpu.memory_space<hbm>>
      tpu.enqueue_dma source(%dma_start3A_142 : memref<2x1x128xi32, #tpu.memory_space<hbm>>) target(%arg12 : memref<2x1x128xi32, #tpu.memory_space<vmem>>) target_semaphore(%arg20 : memref<!tpu.dma_semaphore, #tpu.memory_space<semaphore_mem>>)
      %dma_wait3A_143 = arith.constant 0 : i32
      %dma_wait3A_144 = arith.constant 0 : i32
      %dma_wait3A_145 = arith.constant 0 : i32
      %dma_wait3A_146 = tpu.memref_slice %arg9[%dma_wait3A_143, %dma_wait3A_144, %dma_wait3A_145] : memref<2x1x128xi32, #tpu.memory_space<vmem>> -> memref<1x1x128xi32, #tpu.memory_space<vmem>>
      %dma_wait3A_147 = tpu.memref_squeeze %dma_wait3A_146 : memref<1x1x128xi32, #tpu.memory_space<vmem>> -> memref<128xi32, #tpu.memory_space<vmem>>
      %dma_wait3A_148 = arith.constant 0 : i32
      %dma_wait3A_149 = arith.constant 0 : i32
      %dma_wait3A_150 = tpu.memref_slice %arg2[%dma_wait3A_148, %dma_wait3A_149] : memref<10240x128xf32, #tpu.memory_space<hbm>> -> memref<10240x128xf32, #tpu.memory_space<hbm>>
      tpu.wait_indirect_dma semaphore(%arg13 : memref<!tpu.dma_semaphore, #tpu.memory_space<semaphore_mem>>) src(%dma_wait3A_150 : memref<10240x128xf32, #tpu.memory_space<hbm>>) dst(%arg7 : memref<128x128xf32, #tpu.memory_space<vmem>>)
      %dma_start3A_151 = arith.constant 1 : i32
      %dma_start3A_152 = arith.constant 0 : i32
      %dma_start3A_153 = arith.constant 0 : i32
      %dma_start3A_154 = tpu.memref_slice %arg9[%dma_start3A_151, %dma_start3A_152, %dma_start3A_153] : memref<2x1x128xi32, #tpu.memory_space<vmem>> -> memref<1x1x128xi32, #tpu.memory_space<vmem>>
      %dma_start3A_155 = tpu.memref_squeeze %dma_start3A_154 : memref<1x1x128xi32, #tpu.memory_space<vmem>> -> memref<128xi32, #tpu.memory_space<vmem>>
      %dma_start3A_156 = arith.constant 0 : i32
      %dma_start3A_157 = arith.constant 0 : i32
      %dma_start3A_158 = tpu.memref_slice %arg6[%dma_start3A_156, %dma_start3A_157] : memref<10240x128xf32, #tpu.memory_space<vmem_shared>> -> memref<10240x128xf32, #tpu.memory_space<vmem_shared>>
      tpu.enqueue_indirect_dma source(%arg7 : memref<128x128xf32, #tpu.memory_space<vmem>>) target(%dma_start3A_158 : memref<10240x128xf32, #tpu.memory_space<vmem_shared>>) offsets(%dma_start3A_155 : memref<128xi32, #tpu.memory_space<vmem>>) semaphore(%arg15 : memref<!tpu.dma_semaphore, #tpu.memory_space<semaphore_mem>>) {add = true}
      %mul3A_159 = arith.constant 4 : i32
      %mul3A_160 = arith.muli %mul3A_159, %scan3A_73 : i32
      %add3A_161 = arith.constant 2 : i32
      %add3A_162 = arith.addi %mul3A_160, %add3A_161 : i32
      %dma_wait3A_163 = arith.constant 0 : i32
      %dma_wait3A_164 = arith.constant 0 : i32
      %dma_wait3A_165 = arith.constant 0 : i32
      %dma_wait3A_166 = tpu.memref_slice %arg11[%dma_wait3A_163, %dma_wait3A_164, %dma_wait3A_165] : memref<2x1x128xi32, #tpu.memory_space<vmem>> -> memref<1x1x128xi32, #tpu.memory_space<vmem>>
      %dma_wait3A_167 = tpu.memref_squeeze %dma_wait3A_166 : memref<1x1x128xi32, #tpu.memory_space<vmem>> -> memref<128xi32, #tpu.memory_space<vmem>>
      %dma_wait3A_168 = arith.constant 0 : i32
      %dma_wait3A_169 = arith.constant 0 : i32
      %dma_wait3A_170 = tpu.memref_slice %arg6[%dma_wait3A_168, %dma_wait3A_169] : memref<10240x128xf32, #tpu.memory_space<vmem_shared>> -> memref<10240x128xf32, #tpu.memory_space<vmem_shared>>
      tpu.wait_indirect_dma semaphore(%arg15 : memref<!tpu.dma_semaphore, #tpu.memory_space<semaphore_mem>>) src(%arg7 : memref<128x128xf32, #tpu.memory_space<vmem>>) dst(%dma_wait3A_170 : memref<10240x128xf32, #tpu.memory_space<vmem_shared>>)
      %add3A_171 = arith.addi %mul3A_9, %add3A_162 : i32
      %dma_wait3A_172 = arith.constant 0 : i32
      %dma_wait3A_173 = arith.constant 0 : i32
      %dma_wait3A_174 = tpu.memref_slice %arg3[%dma_wait3A_172, %add3A_171, %dma_wait3A_173] : memref<2x2560x128xi32, #tpu.memory_space<hbm>> -> memref<2x1x128xi32, #tpu.memory_space<hbm>>
      %dma_wait3A_175 = arith.constant 0 : i32
      %dma_wait3A_176 = arith.constant 0 : i32
      %dma_wait3A_177 = tpu.memref_slice %arg3[%dma_wait3A_175, %add3A_171, %dma_wait3A_176] : memref<2x2560x128xi32, #tpu.memory_space<hbm>> -> memref<2x1x128xi32, #tpu.memory_space<hbm>>
      tpu.wait_dma2 semaphore(%arg19 : memref<!tpu.dma_semaphore, #tpu.memory_space<semaphore_mem>>) src(%dma_wait3A_177 : memref<2x1x128xi32, #tpu.memory_space<hbm>>) dst(%arg11 : memref<2x1x128xi32, #tpu.memory_space<vmem>>)
      %dma_start3A_178 = arith.constant 0 : i32
      %dma_start3A_179 = arith.constant 0 : i32
      %dma_start3A_180 = arith.constant 0 : i32
      %dma_start3A_181 = tpu.memref_slice %arg11[%dma_start3A_178, %dma_start3A_179, %dma_start3A_180] : memref<2x1x128xi32, #tpu.memory_space<vmem>> -> memref<1x1x128xi32, #tpu.memory_space<vmem>>
      %dma_start3A_182 = tpu.memref_squeeze %dma_start3A_181 : memref<1x1x128xi32, #tpu.memory_space<vmem>> -> memref<128xi32, #tpu.memory_space<vmem>>
      %dma_start3A_183 = arith.constant 0 : i32
      %dma_start3A_184 = arith.constant 0 : i32
      %dma_start3A_185 = tpu.memref_slice %arg2[%dma_start3A_183, %dma_start3A_184] : memref<10240x128xf32, #tpu.memory_space<hbm>> -> memref<10240x128xf32, #tpu.memory_space<hbm>>
      tpu.enqueue_indirect_dma source(%dma_start3A_185 : memref<10240x128xf32, #tpu.memory_space<hbm>>) target(%arg7 : memref<128x128xf32, #tpu.memory_space<vmem>>) offsets(%dma_start3A_182 : memref<128xi32, #tpu.memory_space<vmem>>) semaphore(%arg13 : memref<!tpu.dma_semaphore, #tpu.memory_space<semaphore_mem>>)
      %lt3A = arith.constant 19 : i32
      %lt3A_186 = arith.cmpi slt, %scan3A_73, %lt3A : i32
      %convert_element_type3A_187 = arith.extui %lt3A_186 : i1 to i32
      %cond3A_188 = arith.constant 0 : i32
      %cond3A_189 = arith.cmpi ne, %convert_element_type3A_187, %cond3A_188 : i32
      scf.if %cond3A_189 {
        %add3A_255 = arith.constant 2 : i32
        %add3A_256 = arith.addi %add3A_162, %add3A_255 : i32
        %add3A_257 = arith.addi %mul3A_9, %add3A_256 : i32
        %dma_start3A_258 = arith.constant 0 : i32
        %dma_start3A_259 = arith.constant 0 : i32
        %dma_start3A_260 = tpu.memref_slice %arg3[%dma_start3A_258, %add3A_257, %dma_start3A_259] : memref<2x2560x128xi32, #tpu.memory_space<hbm>> -> memref<2x1x128xi32, #tpu.memory_space<hbm>>
        %dma_start3A_261 = arith.constant 0 : i32
        %dma_start3A_262 = arith.constant 0 : i32
        %dma_start3A_263 = tpu.memref_slice %arg3[%dma_start3A_261, %add3A_257, %dma_start3A_262] : memref<2x2560x128xi32, #tpu.memory_space<hbm>> -> memref<2x1x128xi32, #tpu.memory_space<hbm>>
        tpu.enqueue_dma source(%dma_start3A_263 : memref<2x1x128xi32, #tpu.memory_space<hbm>>) target(%arg9 : memref<2x1x128xi32, #tpu.memory_space<vmem>>) target_semaphore(%arg17 : memref<!tpu.dma_semaphore, #tpu.memory_space<semaphore_mem>>)
      } else {
      }
      %dma_wait3A_190 = arith.constant 0 : i32
      %dma_wait3A_191 = arith.constant 0 : i32
      %dma_wait3A_192 = arith.constant 0 : i32
      %dma_wait3A_193 = tpu.memref_slice %arg10[%dma_wait3A_190, %dma_wait3A_191, %dma_wait3A_192] : memref<2x1x128xi32, #tpu.memory_space<vmem>> -> memref<1x1x128xi32, #tpu.memory_space<vmem>>
      %dma_wait3A_194 = tpu.memref_squeeze %dma_wait3A_193 : memref<1x1x128xi32, #tpu.memory_space<vmem>> -> memref<128xi32, #tpu.memory_space<vmem>>
      %dma_wait3A_195 = arith.constant 0 : i32
      %dma_wait3A_196 = arith.constant 0 : i32
      %dma_wait3A_197 = tpu.memref_slice %arg2[%dma_wait3A_195, %dma_wait3A_196] : memref<10240x128xf32, #tpu.memory_space<hbm>> -> memref<10240x128xf32, #tpu.memory_space<hbm>>
      tpu.wait_indirect_dma semaphore(%arg14 : memref<!tpu.dma_semaphore, #tpu.memory_space<semaphore_mem>>) src(%dma_wait3A_197 : memref<10240x128xf32, #tpu.memory_space<hbm>>) dst(%arg8 : memref<128x128xf32, #tpu.memory_space<vmem>>)
      %dma_start3A_198 = arith.constant 1 : i32
      %dma_start3A_199 = arith.constant 0 : i32
      %dma_start3A_200 = arith.constant 0 : i32
      %dma_start3A_201 = tpu.memref_slice %arg10[%dma_start3A_198, %dma_start3A_199, %dma_start3A_200] : memref<2x1x128xi32, #tpu.memory_space<vmem>> -> memref<1x1x128xi32, #tpu.memory_space<vmem>>
      %dma_start3A_202 = tpu.memref_squeeze %dma_start3A_201 : memref<1x1x128xi32, #tpu.memory_space<vmem>> -> memref<128xi32, #tpu.memory_space<vmem>>
      %dma_start3A_203 = arith.constant 0 : i32
      %dma_start3A_204 = arith.constant 0 : i32
      %dma_start3A_205 = tpu.memref_slice %arg6[%dma_start3A_203, %dma_start3A_204] : memref<10240x128xf32, #tpu.memory_space<vmem_shared>> -> memref<10240x128xf32, #tpu.memory_space<vmem_shared>>
      tpu.enqueue_indirect_dma source(%arg8 : memref<128x128xf32, #tpu.memory_space<vmem>>) target(%dma_start3A_205 : memref<10240x128xf32, #tpu.memory_space<vmem_shared>>) offsets(%dma_start3A_202 : memref<128xi32, #tpu.memory_space<vmem>>) semaphore(%arg16 : memref<!tpu.dma_semaphore, #tpu.memory_space<semaphore_mem>>) {add = true}
      %mul3A_206 = arith.constant 4 : i32
      %mul3A_207 = arith.muli %mul3A_206, %scan3A_73 : i32
      %add3A_208 = arith.constant 3 : i32
      %add3A_209 = arith.addi %mul3A_207, %add3A_208 : i32
      %dma_wait3A_210 = arith.constant 0 : i32
      %dma_wait3A_211 = arith.constant 0 : i32
      %dma_wait3A_212 = arith.constant 0 : i32
      %dma_wait3A_213 = tpu.memref_slice %arg12[%dma_wait3A_210, %dma_wait3A_211, %dma_wait3A_212] : memref<2x1x128xi32, #tpu.memory_space<vmem>> -> memref<1x1x128xi32, #tpu.memory_space<vmem>>
      %dma_wait3A_214 = tpu.memref_squeeze %dma_wait3A_213 : memref<1x1x128xi32, #tpu.memory_space<vmem>> -> memref<128xi32, #tpu.memory_space<vmem>>
      %dma_wait3A_215 = arith.constant 0 : i32
      %dma_wait3A_216 = arith.constant 0 : i32
      %dma_wait3A_217 = tpu.memref_slice %arg6[%dma_wait3A_215, %dma_wait3A_216] : memref<10240x128xf32, #tpu.memory_space<vmem_shared>> -> memref<10240x128xf32, #tpu.memory_space<vmem_shared>>
      tpu.wait_indirect_dma semaphore(%arg16 : memref<!tpu.dma_semaphore, #tpu.memory_space<semaphore_mem>>) src(%arg8 : memref<128x128xf32, #tpu.memory_space<vmem>>) dst(%dma_wait3A_217 : memref<10240x128xf32, #tpu.memory_space<vmem_shared>>)
      %add3A_218 = arith.addi %mul3A_9, %add3A_209 : i32
      %dma_wait3A_219 = arith.constant 0 : i32
      %dma_wait3A_220 = arith.constant 0 : i32
      %dma_wait3A_221 = tpu.memref_slice %arg3[%dma_wait3A_219, %add3A_218, %dma_wait3A_220] : memref<2x2560x128xi32, #tpu.memory_space<hbm>> -> memref<2x1x128xi32, #tpu.memory_space<hbm>>
      %dma_wait3A_222 = arith.constant 0 : i32
      %dma_wait3A_223 = arith.constant 0 : i32
      %dma_wait3A_224 = tpu.memref_slice %arg3[%dma_wait3A_222, %add3A_218, %dma_wait3A_223] : memref<2x2560x128xi32, #tpu.memory_space<hbm>> -> memref<2x1x128xi32, #tpu.memory_space<hbm>>
      tpu.wait_dma2 semaphore(%arg20 : memref<!tpu.dma_semaphore, #tpu.memory_space<semaphore_mem>>) src(%dma_wait3A_224 : memref<2x1x128xi32, #tpu.memory_space<hbm>>) dst(%arg12 : memref<2x1x128xi32, #tpu.memory_space<vmem>>)
      %dma_start3A_225 = arith.constant 0 : i32
      %dma_start3A_226 = arith.constant 0 : i32
      %dma_start3A_227 = arith.constant 0 : i32
      %dma_start3A_228 = tpu.memref_slice %arg12[%dma_start3A_225, %dma_start3A_226, %dma_start3A_227] : memref<2x1x128xi32, #tpu.memory_space<vmem>> -> memref<1x1x128xi32, #tpu.memory_space<vmem>>
      %dma_start3A_229 = tpu.memref_squeeze %dma_start3A_228 : memref<1x1x128xi32, #tpu.memory_space<vmem>> -> memref<128xi32, #tpu.memory_space<vmem>>
      %dma_start3A_230 = arith.constant 0 : i32
      %dma_start3A_231 = arith.constant 0 : i32
      %dma_start3A_232 = tpu.memref_slice %arg2[%dma_start3A_230, %dma_start3A_231] : memref<10240x128xf32, #tpu.memory_space<hbm>> -> memref<10240x128xf32, #tpu.memory_space<hbm>>
      tpu.enqueue_indirect_dma source(%dma_start3A_232 : memref<10240x128xf32, #tpu.memory_space<hbm>>) target(%arg8 : memref<128x128xf32, #tpu.memory_space<vmem>>) offsets(%dma_start3A_229 : memref<128xi32, #tpu.memory_space<vmem>>) semaphore(%arg14 : memref<!tpu.dma_semaphore, #tpu.memory_space<semaphore_mem>>)
      %lt3A_233 = arith.constant 19 : i32
      %lt3A_234 = arith.cmpi slt, %scan3A_73, %lt3A_233 : i32
      %convert_element_type3A_235 = arith.extui %lt3A_234 : i1 to i32
      %cond3A_236 = arith.constant 0 : i32
      %cond3A_237 = arith.cmpi ne, %convert_element_type3A_235, %cond3A_236 : i32
      scf.if %cond3A_237 {
        %add3A_255 = arith.constant 2 : i32
        %add3A_256 = arith.addi %add3A_209, %add3A_255 : i32
        %add3A_257 = arith.addi %mul3A_9, %add3A_256 : i32
        %dma_start3A_258 = arith.constant 0 : i32
        %dma_start3A_259 = arith.constant 0 : i32
        %dma_start3A_260 = tpu.memref_slice %arg3[%dma_start3A_258, %add3A_257, %dma_start3A_259] : memref<2x2560x128xi32, #tpu.memory_space<hbm>> -> memref<2x1x128xi32, #tpu.memory_space<hbm>>
        %dma_start3A_261 = arith.constant 0 : i32
        %dma_start3A_262 = arith.constant 0 : i32
        %dma_start3A_263 = tpu.memref_slice %arg3[%dma_start3A_261, %add3A_257, %dma_start3A_262] : memref<2x2560x128xi32, #tpu.memory_space<hbm>> -> memref<2x1x128xi32, #tpu.memory_space<hbm>>
        tpu.enqueue_dma source(%dma_start3A_263 : memref<2x1x128xi32, #tpu.memory_space<hbm>>) target(%arg10 : memref<2x1x128xi32, #tpu.memory_space<vmem>>) target_semaphore(%arg18 : memref<!tpu.dma_semaphore, #tpu.memory_space<semaphore_mem>>)
      } else {
      }
      %dma_wait3A_238 = arith.constant 0 : i32
      %dma_wait3A_239 = arith.constant 0 : i32
      %dma_wait3A_240 = arith.constant 0 : i32
      %dma_wait3A_241 = tpu.memref_slice %arg11[%dma_wait3A_238, %dma_wait3A_239, %dma_wait3A_240] : memref<2x1x128xi32, #tpu.memory_space<vmem>> -> memref<1x1x128xi32, #tpu.memory_space<vmem>>
      %dma_wait3A_242 = tpu.memref_squeeze %dma_wait3A_241 : memref<1x1x128xi32, #tpu.memory_space<vmem>> -> memref<128xi32, #tpu.memory_space<vmem>>
      %dma_wait3A_243 = arith.constant 0 : i32
      %dma_wait3A_244 = arith.constant 0 : i32
      %dma_wait3A_245 = tpu.memref_slice %arg2[%dma_wait3A_243, %dma_wait3A_244] : memref<10240x128xf32, #tpu.memory_space<hbm>> -> memref<10240x128xf32, #tpu.memory_space<hbm>>
      tpu.wait_indirect_dma semaphore(%arg13 : memref<!tpu.dma_semaphore, #tpu.memory_space<semaphore_mem>>) src(%dma_wait3A_245 : memref<10240x128xf32, #tpu.memory_space<hbm>>) dst(%arg7 : memref<128x128xf32, #tpu.memory_space<vmem>>)
      %dma_start3A_246 = arith.constant 1 : i32
      %dma_start3A_247 = arith.constant 0 : i32
      %dma_start3A_248 = arith.constant 0 : i32
      %dma_start3A_249 = tpu.memref_slice %arg11[%dma_start3A_246, %dma_start3A_247, %dma_start3A_248] : memref<2x1x128xi32, #tpu.memory_space<vmem>> -> memref<1x1x128xi32, #tpu.memory_space<vmem>>
      %dma_start3A_250 = tpu.memref_squeeze %dma_start3A_249 : memref<1x1x128xi32, #tpu.memory_space<vmem>> -> memref<128xi32, #tpu.memory_space<vmem>>
      %dma_start3A_251 = arith.constant 0 : i32
      %dma_start3A_252 = arith.constant 0 : i32
      %dma_start3A_253 = tpu.memref_slice %arg6[%dma_start3A_251, %dma_start3A_252] : memref<10240x128xf32, #tpu.memory_space<vmem_shared>> -> memref<10240x128xf32, #tpu.memory_space<vmem_shared>>
      tpu.enqueue_indirect_dma source(%arg7 : memref<128x128xf32, #tpu.memory_space<vmem>>) target(%dma_start3A_253 : memref<10240x128xf32, #tpu.memory_space<vmem_shared>>) offsets(%dma_start3A_250 : memref<128xi32, #tpu.memory_space<vmem>>) semaphore(%arg15 : memref<!tpu.dma_semaphore, #tpu.memory_space<semaphore_mem>>) {add = true}
      %scan3A_254 = arith.constant 0 : i32
      scf.yield %scan3A_254 : i32
    }
    %scan3A_32 = arith.constant 20 : i32
    %dma_wait3A_33 = arith.constant 0 : i32
    %dma_wait3A_34 = arith.constant 0 : i32
    %dma_wait3A_35 = arith.constant 0 : i32
    %dma_wait3A_36 = tpu.memref_slice %arg12[%dma_wait3A_33, %dma_wait3A_34, %dma_wait3A_35] : memref<2x1x128xi32, #tpu.memory_space<vmem>> -> memref<1x1x128xi32, #tpu.memory_space<vmem>>
    %dma_wait3A_37 = tpu.memref_squeeze %dma_wait3A_36 : memref<1x1x128xi32, #tpu.memory_space<vmem>> -> memref<128xi32, #tpu.memory_space<vmem>>
    %dma_wait3A_38 = arith.constant 0 : i32
    %dma_wait3A_39 = arith.constant 0 : i32
    %dma_wait3A_40 = tpu.memref_slice %arg2[%dma_wait3A_38, %dma_wait3A_39] : memref<10240x128xf32, #tpu.memory_space<hbm>> -> memref<10240x128xf32, #tpu.memory_space<hbm>>
    tpu.wait_indirect_dma semaphore(%arg14 : memref<!tpu.dma_semaphore, #tpu.memory_space<semaphore_mem>>) src(%dma_wait3A_40 : memref<10240x128xf32, #tpu.memory_space<hbm>>) dst(%arg8 : memref<128x128xf32, #tpu.memory_space<vmem>>)
    %dma_start3A_41 = arith.constant 1 : i32
    %dma_start3A_42 = arith.constant 0 : i32
    %dma_start3A_43 = arith.constant 0 : i32
    %dma_start3A_44 = tpu.memref_slice %arg12[%dma_start3A_41, %dma_start3A_42, %dma_start3A_43] : memref<2x1x128xi32, #tpu.memory_space<vmem>> -> memref<1x1x128xi32, #tpu.memory_space<vmem>>
    %dma_start3A_45 = tpu.memref_squeeze %dma_start3A_44 : memref<1x1x128xi32, #tpu.memory_space<vmem>> -> memref<128xi32, #tpu.memory_space<vmem>>
    %dma_start3A_46 = arith.constant 0 : i32
    %dma_start3A_47 = arith.constant 0 : i32
    %dma_start3A_48 = tpu.memref_slice %arg6[%dma_start3A_46, %dma_start3A_47] : memref<10240x128xf32, #tpu.memory_space<vmem_shared>> -> memref<10240x128xf32, #tpu.memory_space<vmem_shared>>
    tpu.enqueue_indirect_dma source(%arg8 : memref<128x128xf32, #tpu.memory_space<vmem>>) target(%dma_start3A_48 : memref<10240x128xf32, #tpu.memory_space<vmem_shared>>) offsets(%dma_start3A_45 : memref<128xi32, #tpu.memory_space<vmem>>) semaphore(%arg16 : memref<!tpu.dma_semaphore, #tpu.memory_space<semaphore_mem>>) {add = true}
    %dma_wait3A_49 = arith.constant 1 : i32
    %dma_wait3A_50 = arith.constant 0 : i32
    %dma_wait3A_51 = arith.constant 0 : i32
    %dma_wait3A_52 = tpu.memref_slice %arg11[%dma_wait3A_49, %dma_wait3A_50, %dma_wait3A_51] : memref<2x1x128xi32, #tpu.memory_space<vmem>> -> memref<1x1x128xi32, #tpu.memory_space<vmem>>
    %dma_wait3A_53 = tpu.memref_squeeze %dma_wait3A_52 : memref<1x1x128xi32, #tpu.memory_space<vmem>> -> memref<128xi32, #tpu.memory_space<vmem>>
    %dma_wait3A_54 = arith.constant 0 : i32
    %dma_wait3A_55 = arith.constant 0 : i32
    %dma_wait3A_56 = tpu.memref_slice %arg6[%dma_wait3A_54, %dma_wait3A_55] : memref<10240x128xf32, #tpu.memory_space<vmem_shared>> -> memref<10240x128xf32, #tpu.memory_space<vmem_shared>>
    tpu.wait_indirect_dma semaphore(%arg15 : memref<!tpu.dma_semaphore, #tpu.memory_space<semaphore_mem>>) src(%arg7 : memref<128x128xf32, #tpu.memory_space<vmem>>) dst(%dma_wait3A_56 : memref<10240x128xf32, #tpu.memory_space<vmem_shared>>)
    %dma_wait3A_57 = arith.constant 1 : i32
    %dma_wait3A_58 = arith.constant 0 : i32
    %dma_wait3A_59 = arith.constant 0 : i32
    %dma_wait3A_60 = tpu.memref_slice %arg12[%dma_wait3A_57, %dma_wait3A_58, %dma_wait3A_59] : memref<2x1x128xi32, #tpu.memory_space<vmem>> -> memref<1x1x128xi32, #tpu.memory_space<vmem>>
    %dma_wait3A_61 = tpu.memref_squeeze %dma_wait3A_60 : memref<1x1x128xi32, #tpu.memory_space<vmem>> -> memref<128xi32, #tpu.memory_space<vmem>>
    %dma_wait3A_62 = arith.constant 0 : i32
    %dma_wait3A_63 = arith.constant 0 : i32
    %dma_wait3A_64 = tpu.memref_slice %arg6[%dma_wait3A_62, %dma_wait3A_63] : memref<10240x128xf32, #tpu.memory_space<vmem_shared>> -> memref<10240x128xf32, #tpu.memory_space<vmem_shared>>
    tpu.wait_indirect_dma semaphore(%arg16 : memref<!tpu.dma_semaphore, #tpu.memory_space<semaphore_mem>>) src(%arg8 : memref<128x128xf32, #tpu.memory_space<vmem>>) dst(%dma_wait3A_64 : memref<10240x128xf32, #tpu.memory_space<vmem_shared>>)
    %barrier3A_65 = arith.constant 0 : index
    tpu.barrier barrier_id(%barrier3A_65)
    %mul3A_66 = arith.constant 640 : i32
    %mul3A_67 = arith.muli %arg1, %mul3A_66 : i32
    %mul3A_68 = arith.constant 10240 : i32
    %mul3A_69 = arith.muli %arg0, %mul3A_68 : i32
    %mul3A_70 = arith.constant 640 : i32
    %mul3A_71 = arith.muli %arg1, %mul3A_70 : i32
    %add3A_72 = arith.addi %mul3A_69, %mul3A_71 : i32
    "tpu.region"() ({
      %run_scoped3A = tpu.sem_alloc : memref<!tpu.dma_semaphore, #tpu.memory_space<semaphore_mem>>
      %dma_start3A_73 = arith.constant 0 : i32
      %dma_start3A_74 = tpu.memref_slice %arg5[%add3A_72, %dma_start3A_73] : memref<20480x128xf32, #tpu.memory_space<hbm>> -> memref<640x128xf32, #tpu.memory_space<hbm>>
      %dma_start3A_75 = arith.constant 0 : i32
      %dma_start3A_76 = tpu.memref_slice %arg6[%mul3A_67, %dma_start3A_75] : memref<10240x128xf32, #tpu.memory_space<vmem_shared>> -> memref<640x128xf32, #tpu.memory_space<vmem_shared>>
      tpu.enqueue_dma source(%dma_start3A_76 : memref<640x128xf32, #tpu.memory_space<vmem_shared>>) target(%dma_start3A_74 : memref<640x128xf32, #tpu.memory_space<hbm>>) target_semaphore(%run_scoped3A : memref<!tpu.dma_semaphore, #tpu.memory_space<semaphore_mem>>)
      %dma_wait3A_77 = arith.constant 0 : i32
      %dma_wait3A_78 = tpu.memref_slice %arg5[%add3A_72, %dma_wait3A_77] : memref<20480x128xf32, #tpu.memory_space<hbm>> -> memref<640x128xf32, #tpu.memory_space<hbm>>
      %dma_wait3A_79 = arith.constant 0 : i32
      %dma_wait3A_80 = tpu.memref_slice %arg6[%mul3A_67, %dma_wait3A_79] : memref<10240x128xf32, #tpu.memory_space<vmem_shared>> -> memref<640x128xf32, #tpu.memory_space<vmem_shared>>
      tpu.wait_dma2 semaphore(%run_scoped3A : memref<!tpu.dma_semaphore, #tpu.memory_space<semaphore_mem>>) src(%dma_wait3A_80 : memref<640x128xf32, #tpu.memory_space<vmem_shared>>) dst(%dma_wait3A_78 : memref<640x128xf32, #tpu.memory_space<hbm>>)
      tpu.yield
    }) : () -> ()
    return
  }
}

module attributes {stable_mosaic.version = 14 : i64} {
  func.func @_prep_body(%arg0: i32, %arg1: memref<4x512xf32, #tpu.memory_space<vmem>>, %arg2: memref<512x128xf32, #tpu.memory_space<vmem>>, %arg3: memref<512x128xf32, #tpu.memory_space<vmem>>, %arg4: memref<512x2xf32, #tpu.memory_space<vmem>>) attributes {dimension_semantics = [#tpu.dimension_semantics<arbitrary>], iteration_bounds = array<i64: 20>, scalar_prefetch = 0 : i64, scratch_operands = 0 : i64, tpu.core_type = #tpu.core_type<tc>, window_params = [{transform_indices = @transform_0, window_bounds = array<i64: 4, 512>}, {transform_indices = @transform_1, window_bounds = array<i64: 512, 128>}, {transform_indices = @transform_2, window_bounds = array<i64: 512, 128>}, {transform_indices = @transform_3, window_bounds = array<i64: 512, 2>}]} {
    %get3A = arith.constant 0 : index
    %get3A_0 = arith.constant 0 : index
    %get3A_1 = vector.load %arg1[%get3A, %get3A_0] : memref<4x512xf32, #tpu.memory_space<vmem>>, vector<4x512xf32>
    %slice3A = vector.extract_strided_slice %get3A_1 {offsets = [0, 0], sizes = [1, 512], strides = [1, 1]} : vector<4x512xf32> to vector<1x512xf32>
    %slice3A_2 = vector.extract_strided_slice %get3A_1 {offsets = [2, 0], sizes = [1, 512], strides = [1, 1]} : vector<4x512xf32> to vector<1x512xf32>
    %add3A = arith.addf %slice3A, %slice3A_2 : vector<1x512xf32>
    %slice3A_3 = vector.extract_strided_slice %get3A_1 {offsets = [1, 0], sizes = [1, 512], strides = [1, 1]} : vector<4x512xf32> to vector<1x512xf32>
    %slice3A_4 = vector.extract_strided_slice %get3A_1 {offsets = [3, 0], sizes = [1, 512], strides = [1, 1]} : vector<4x512xf32> to vector<1x512xf32>
    %add3A_5 = arith.addf %slice3A_3, %slice3A_4 : vector<1x512xf32>
    %gt3A = arith.constant 0.000000e+00 : f32
    %gt3A_6 = vector.broadcast %gt3A : f32 to vector<1x512xf32>
    %gt3A_7 = arith.cmpf ogt, %add3A, %gt3A_6 : vector<1x512xf32>
    %max3A = arith.constant 1.000000e+00 : f32
    %max3A_8 = vector.broadcast %max3A : f32 to vector<1x512xf32>
    %max3A_9 = arith.maximumf %add3A, %max3A_8 : vector<1x512xf32>
    %rsqrt3A = math.rsqrt %max3A_9 : vector<1x512xf32>
    %jit3A = arith.constant 0.000000e+00 : f32
    %broadcast_in_dim3A = vector.broadcast %jit3A : f32 to vector<1x512xf32>
    %select_n3A = arith.select %gt3A_7, %rsqrt3A, %broadcast_in_dim3A : vector<1x512xi1>, vector<1x512xf32>
    %gt3A_10 = arith.constant 0.000000e+00 : f32
    %gt3A_11 = vector.broadcast %gt3A_10 : f32 to vector<1x512xf32>
    %gt3A_12 = arith.cmpf ogt, %add3A_5, %gt3A_11 : vector<1x512xf32>
    %max3A_13 = arith.constant 1.000000e+00 : f32
    %max3A_14 = vector.broadcast %max3A_13 : f32 to vector<1x512xf32>
    %max3A_15 = arith.maximumf %add3A_5, %max3A_14 : vector<1x512xf32>
    %rsqrt3A_16 = math.rsqrt %max3A_15 : vector<1x512xf32>
    %jit3A_17 = arith.constant 0.000000e+00 : f32
    %broadcast_in_dim3A_18 = vector.broadcast %jit3A_17 : f32 to vector<1x512xf32>
    %select_n3A_19 = arith.select %gt3A_12, %rsqrt3A_16, %broadcast_in_dim3A_18 : vector<1x512xi1>, vector<1x512xf32>
    %concatenate3A = tpu.concatenate %select_n3A, %select_n3A_19 in 0 : vector<1x512xf32>, vector<1x512xf32> -> vector<2x512xf32>
    %transpose3A = tpu.transpose %concatenate3A, [1, 0] : vector<2x512xf32> -> vector<512x2xf32>
    %slice3A_20 = vector.extract_strided_slice %transpose3A {offsets = [0, 0], sizes = [512, 1], strides = [1, 1]} : vector<512x2xf32> to vector<512x1xf32>
    %slice3A_21 = vector.extract_strided_slice %transpose3A {offsets = [0, 1], sizes = [512, 1], strides = [1, 1]} : vector<512x2xf32> to vector<512x1xf32>
    %get3A_22 = arith.constant 0 : index
    %get3A_23 = arith.constant 0 : index
    %get3A_24 = vector.load %arg2[%get3A_22, %get3A_23] : memref<512x128xf32, #tpu.memory_space<vmem>>, vector<512x128xf32>
    %mul3A = vector.broadcast %slice3A_20 : vector<512x1xf32> to vector<512x128xf32>
    %mul3A_25 = arith.mulf %get3A_24, %mul3A : vector<512x128xf32>
    %swap3A = arith.constant 0 : index
    %swap3A_26 = arith.constant 0 : index
    %swap3A_27 = vector.load %arg3[%swap3A, %swap3A_26] : memref<512x128xf32, #tpu.memory_space<vmem>>, vector<512x128xf32>
    tpu.vector_store %arg3[%swap3A, %swap3A_26], %mul3A_25 {strides = array<i32>} : memref<512x128xf32, #tpu.memory_space<vmem>>, vector<512x128xf32>,
    %mul3A_28 = arith.mulf %slice3A_20, %slice3A_21 : vector<512x1xf32>
    %concatenate3A_29 = tpu.concatenate %mul3A_28, %slice3A_21 in 1 : vector<512x1xf32>, vector<512x1xf32> -> vector<512x2xf32>
    %swap3A_30 = arith.constant 0 : index
    %swap3A_31 = arith.constant 0 : index
    %swap3A_32 = vector.load %arg4[%swap3A_30, %swap3A_31] : memref<512x2xf32, #tpu.memory_space<vmem>>, vector<512x2xf32>
    tpu.vector_store %arg4[%swap3A_30, %swap3A_31], %concatenate3A_29 {strides = array<i32>} : memref<512x2xf32, #tpu.memory_space<vmem>>, vector<512x2xf32>,
    return
  }
  func.func @transform_0(%arg0: i32) -> (i32, i32) {
    %c0_i32 = arith.constant 0 : i32
    %c0_i32_0 = arith.constant 0 : i32
    return %c0_i32, %arg0 : i32, i32
  }
  func.func @transform_1(%arg0: i32) -> (i32, i32) {
    %c0_i32 = arith.constant 0 : i32
    %c0_i32_0 = arith.constant 0 : i32
    return %arg0, %c0_i32 : i32, i32
  }
  func.func @transform_2(%arg0: i32) -> (i32, i32) {
    %c0_i32 = arith.constant 0 : i32
    %c0_i32_0 = arith.constant 0 : i32
    return %arg0, %c0_i32 : i32, i32
  }
  func.func @transform_3(%arg0: i32) -> (i32, i32) {
    %c0_i32 = arith.constant 0 : i32
    %c0_i32_0 = arith.constant 0 : i32
    return %arg0, %c0_i32 : i32, i32
  }
}

module attributes {stable_mosaic.version = 14 : i64} {
  func.func @_mergeu_body(%arg0: i32, %arg1: memref<2x512x128xf32, #tpu.memory_space<vmem>>, %arg2: memref<512x2xf32, #tpu.memory_space<vmem>>, %arg3: memref<512x128xf32, #tpu.memory_space<vmem>>) attributes {dimension_semantics = [#tpu.dimension_semantics<arbitrary>], iteration_bounds = array<i64: 20>, scalar_prefetch = 0 : i64, scratch_operands = 0 : i64, tpu.core_type = #tpu.core_type<tc>, window_params = [{transform_indices = @transform_0, window_bounds = array<i64: 2, 512, 128>}, {transform_indices = @transform_1, window_bounds = array<i64: 512, 2>}, {transform_indices = @transform_2, window_bounds = array<i64: 512, 128>}]} {
    %get3A = arith.constant 0 : index
    %get3A_0 = arith.constant 0 : index
    %get3A_1 = arith.constant 0 : index
    %get3A_2 = vector.load %arg1[%get3A, %get3A_0, %get3A_1] : memref<2x512x128xf32, #tpu.memory_space<vmem>>, vector<1x512x128xf32>
    %get3A_3 = vector.shape_cast %get3A_2 : vector<1x512x128xf32> to vector<512x128xf32>
    %get3A_4 = arith.constant 1 : index
    %get3A_5 = arith.constant 0 : index
    %get3A_6 = arith.constant 0 : index
    %get3A_7 = vector.load %arg1[%get3A_4, %get3A_5, %get3A_6] : memref<2x512x128xf32, #tpu.memory_space<vmem>>, vector<1x512x128xf32>
    %get3A_8 = vector.shape_cast %get3A_7 : vector<1x512x128xf32> to vector<512x128xf32>
    %add3A = arith.addf %get3A_3, %get3A_8 : vector<512x128xf32>
    %get3A_9 = arith.constant 0 : index
    %get3A_10 = arith.constant 0 : index
    %get3A_11 = vector.load %arg2[%get3A_9, %get3A_10] : memref<512x2xf32, #tpu.memory_space<vmem>>, vector<512x1xf32>
    %mul3A = vector.broadcast %get3A_11 : vector<512x1xf32> to vector<512x128xf32>
    %mul3A_12 = arith.mulf %add3A, %mul3A : vector<512x128xf32>
    %swap3A = arith.constant 0 : index
    %swap3A_13 = arith.constant 0 : index
    %swap3A_14 = vector.load %arg3[%swap3A, %swap3A_13] : memref<512x128xf32, #tpu.memory_space<vmem>>, vector<512x128xf32>
    tpu.vector_store %arg3[%swap3A, %swap3A_13], %mul3A_12 {strides = array<i32>} : memref<512x128xf32, #tpu.memory_space<vmem>>, vector<512x128xf32>,
    return
  }
  func.func @transform_0(%arg0: i32) -> (i32, i32, i32) {
    %c0_i32 = arith.constant 0 : i32
    %c0_i32_0 = arith.constant 0 : i32
    %c0_i32_1 = arith.constant 0 : i32
    return %c0_i32, %arg0, %c0_i32_0 : i32, i32, i32
  }
  func.func @transform_1(%arg0: i32) -> (i32, i32) {
    %c0_i32 = arith.constant 0 : i32
    %c0_i32_0 = arith.constant 0 : i32
    return %arg0, %c0_i32 : i32, i32
  }
  func.func @transform_2(%arg0: i32) -> (i32, i32) {
    %c0_i32 = arith.constant 0 : i32
    %c0_i32_0 = arith.constant 0 : i32
    return %arg0, %c0_i32 : i32, i32
  }
}

module attributes {stable_mosaic.version = 14 : i64} {
  func.func @_acc_body(%arg0: i32, %arg1: memref<2x512x128xf32, #tpu.memory_space<vmem>>, %arg2: memref<512x2xf32, #tpu.memory_space<vmem>>, %arg3: memref<512x128xf32, #tpu.memory_space<vmem>>, %arg4: memref<512x128xf32, #tpu.memory_space<vmem>>) attributes {dimension_semantics = [#tpu.dimension_semantics<arbitrary>], iteration_bounds = array<i64: 20>, scalar_prefetch = 0 : i64, scratch_operands = 0 : i64, tpu.core_type = #tpu.core_type<tc>, window_params = [{transform_indices = @transform_0, window_bounds = array<i64: 2, 512, 128>}, {transform_indices = @transform_1, window_bounds = array<i64: 512, 2>}, {transform_indices = @transform_2, window_bounds = array<i64: 512, 128>}, {transform_indices = @transform_3, window_bounds = array<i64: 512, 128>}]} {
    %get3A = arith.constant 0 : index
    %get3A_0 = arith.constant 0 : index
    %get3A_1 = vector.load %arg3[%get3A, %get3A_0] : memref<512x128xf32, #tpu.memory_space<vmem>>, vector<512x128xf32>
    %get3A_2 = arith.constant 0 : index
    %get3A_3 = arith.constant 0 : index
    %get3A_4 = arith.constant 0 : index
    %get3A_5 = vector.load %arg1[%get3A_2, %get3A_3, %get3A_4] : memref<2x512x128xf32, #tpu.memory_space<vmem>>, vector<1x512x128xf32>
    %get3A_6 = vector.shape_cast %get3A_5 : vector<1x512x128xf32> to vector<512x128xf32>
    %get3A_7 = arith.constant 1 : index
    %get3A_8 = arith.constant 0 : index
    %get3A_9 = arith.constant 0 : index
    %get3A_10 = vector.load %arg1[%get3A_7, %get3A_8, %get3A_9] : memref<2x512x128xf32, #tpu.memory_space<vmem>>, vector<1x512x128xf32>
    %get3A_11 = vector.shape_cast %get3A_10 : vector<1x512x128xf32> to vector<512x128xf32>
    %add3A = arith.addf %get3A_6, %get3A_11 : vector<512x128xf32>
    %get3A_12 = arith.constant 0 : index
    %get3A_13 = arith.constant 1 : index
    %get3A_14 = vector.load %arg2[%get3A_12, %get3A_13] : memref<512x2xf32, #tpu.memory_space<vmem>>, vector<512x1xf32>
    %mul3A = vector.broadcast %get3A_14 : vector<512x1xf32> to vector<512x128xf32>
    %mul3A_15 = arith.mulf %add3A, %mul3A : vector<512x128xf32>
    %add3A_16 = arith.addf %get3A_1, %mul3A_15 : vector<512x128xf32>
    %swap3A = arith.constant 0 : index
    %swap3A_17 = arith.constant 0 : index
    %swap3A_18 = vector.load %arg4[%swap3A, %swap3A_17] : memref<512x128xf32, #tpu.memory_space<vmem>>, vector<512x128xf32>
    tpu.vector_store %arg4[%swap3A, %swap3A_17], %add3A_16 {strides = array<i32>} : memref<512x128xf32, #tpu.memory_space<vmem>>, vector<512x128xf32>,
    return
  }
  func.func @transform_0(%arg0: i32) -> (i32, i32, i32) {
    %c0_i32 = arith.constant 0 : i32
    %c0_i32_0 = arith.constant 0 : i32
    %c0_i32_1 = arith.constant 0 : i32
    return %c0_i32, %arg0, %c0_i32_0 : i32, i32, i32
  }
  func.func @transform_1(%arg0: i32) -> (i32, i32) {
    %c0_i32 = arith.constant 0 : i32
    %c0_i32_0 = arith.constant 0 : i32
    return %arg0, %c0_i32 : i32, i32
  }
  func.func @transform_2(%arg0: i32) -> (i32, i32) {
    %c0_i32 = arith.constant 0 : i32
    %c0_i32_0 = arith.constant 0 : i32
    return %arg0, %c0_i32 : i32, i32
  }
  func.func @transform_3(%arg0: i32) -> (i32, i32) {
    %c0_i32 = arith.constant 0 : i32
    %c0_i32_0 = arith.constant 0 : i32
    return %arg0, %c0_i32 : i32, i32
  }
}

module attributes {stable_mosaic.version = 14 : i64} {
  func.func @_final_body(%arg0: i32, %arg1: memref<2x400x128xf32, #tpu.memory_space<vmem>>, %arg2: memref<400x2xf32, #tpu.memory_space<vmem>>, %arg3: memref<400x128xf32, #tpu.memory_space<vmem>>, %arg4: memref<400x128xf32, #tpu.memory_space<vmem>>) attributes {dimension_semantics = [#tpu.dimension_semantics<arbitrary>], iteration_bounds = array<i64: 10>, scalar_prefetch = 0 : i64, scratch_operands = 0 : i64, tpu.core_type = #tpu.core_type<tc>, window_params = [{transform_indices = @transform_0, window_bounds = array<i64: 2, 400, 128>}, {transform_indices = @transform_1, window_bounds = array<i64: 400, 2>}, {transform_indices = @transform_2, window_bounds = array<i64: 400, 128>}, {transform_indices = @transform_3, window_bounds = array<i64: 400, 128>}]} {
    %get3A = arith.constant 0 : index
    %get3A_0 = arith.constant 0 : index
    %get3A_1 = arith.constant 0 : index
    %get3A_2 = vector.load %arg1[%get3A, %get3A_0, %get3A_1] : memref<2x400x128xf32, #tpu.memory_space<vmem>>, vector<1x400x128xf32>
    %get3A_3 = vector.shape_cast %get3A_2 : vector<1x400x128xf32> to vector<400x128xf32>
    %get3A_4 = arith.constant 1 : index
    %get3A_5 = arith.constant 0 : index
    %get3A_6 = arith.constant 0 : index
    %get3A_7 = vector.load %arg1[%get3A_4, %get3A_5, %get3A_6] : memref<2x400x128xf32, #tpu.memory_space<vmem>>, vector<1x400x128xf32>
    %get3A_8 = vector.shape_cast %get3A_7 : vector<1x400x128xf32> to vector<400x128xf32>
    %add3A = arith.addf %get3A_3, %get3A_8 : vector<400x128xf32>
    %get3A_9 = arith.constant 0 : index
    %get3A_10 = arith.constant 0 : index
    %get3A_11 = vector.load %arg3[%get3A_9, %get3A_10] : memref<400x128xf32, #tpu.memory_space<vmem>>, vector<400x128xf32>
    %get3A_12 = arith.constant 0 : index
    %get3A_13 = arith.constant 1 : index
    %get3A_14 = vector.load %arg2[%get3A_12, %get3A_13] : memref<400x2xf32, #tpu.memory_space<vmem>>, vector<400x1xf32>
    %mul3A = vector.broadcast %get3A_14 : vector<400x1xf32> to vector<400x128xf32>
    %mul3A_15 = arith.mulf %add3A, %mul3A : vector<400x128xf32>
    %add3A_16 = arith.addf %get3A_11, %mul3A_15 : vector<400x128xf32>
    %mul3A_17 = arith.constant 2.500000e-01 : f32
    %mul3A_18 = vector.broadcast %mul3A_17 : f32 to vector<400x128xf32>
    %mul3A_19 = arith.mulf %add3A_16, %mul3A_18 : vector<400x128xf32>
    %swap3A = arith.constant 0 : index
    %swap3A_20 = arith.constant 0 : index
    %swap3A_21 = vector.load %arg4[%swap3A, %swap3A_20] : memref<400x128xf32, #tpu.memory_space<vmem>>, vector<400x128xf32>
    tpu.vector_store %arg4[%swap3A, %swap3A_20], %mul3A_19 {strides = array<i32>} : memref<400x128xf32, #tpu.memory_space<vmem>>, vector<400x128xf32>,
    return
  }
  func.func @transform_0(%arg0: i32) -> (i32, i32, i32) {
    %add3A = arith.constant 0 : i32
    %add3A_0 = arith.addi %arg0, %add3A : i32
    %c0_i32 = arith.constant 0 : i32
    %c0_i32_1 = arith.constant 0 : i32
    %c0_i32_2 = arith.constant 0 : i32
    return %c0_i32, %add3A_0, %c0_i32_1 : i32, i32, i32
  }
  func.func @transform_1(%arg0: i32) -> (i32, i32) {
    %add3A = arith.constant 0 : i32
    %add3A_0 = arith.addi %arg0, %add3A : i32
    %c0_i32 = arith.constant 0 : i32
    %c0_i32_1 = arith.constant 0 : i32
    return %add3A_0, %c0_i32 : i32, i32
  }
  func.func @transform_2(%arg0: i32) -> (i32, i32) {
    %add3A = arith.constant 0 : i32
    %add3A_0 = arith.addi %arg0, %add3A : i32
    %c0_i32 = arith.constant 0 : i32
    %c0_i32_1 = arith.constant 0 : i32
    return %add3A_0, %c0_i32 : i32, i32
  }
  func.func @transform_3(%arg0: i32) -> (i32, i32) {
    %c0_i32 = arith.constant 0 : i32
    %c0_i32_0 = arith.constant 0 : i32
    return %arg0, %c0_i32 : i32, i32
  }
}

module attributes {stable_mosaic.version = 14 : i64} {
  func.func @_final_body(%arg0: i32, %arg1: memref<2x400x128xf32, #tpu.memory_space<vmem>>, %arg2: memref<400x2xf32, #tpu.memory_space<vmem>>, %arg3: memref<400x128xf32, #tpu.memory_space<vmem>>, %arg4: memref<400x128xf32, #tpu.memory_space<vmem>>) attributes {dimension_semantics = [#tpu.dimension_semantics<arbitrary>], iteration_bounds = array<i64: 15>, scalar_prefetch = 0 : i64, scratch_operands = 0 : i64, tpu.core_type = #tpu.core_type<tc>, window_params = [{transform_indices = @transform_0, window_bounds = array<i64: 2, 400, 128>}, {transform_indices = @transform_1, window_bounds = array<i64: 400, 2>}, {transform_indices = @transform_2, window_bounds = array<i64: 400, 128>}, {transform_indices = @transform_3, window_bounds = array<i64: 400, 128>}]} {
    %get3A = arith.constant 0 : index
    %get3A_0 = arith.constant 0 : index
    %get3A_1 = arith.constant 0 : index
    %get3A_2 = vector.load %arg1[%get3A, %get3A_0, %get3A_1] : memref<2x400x128xf32, #tpu.memory_space<vmem>>, vector<1x400x128xf32>
    %get3A_3 = vector.shape_cast %get3A_2 : vector<1x400x128xf32> to vector<400x128xf32>
    %get3A_4 = arith.constant 1 : index
    %get3A_5 = arith.constant 0 : index
    %get3A_6 = arith.constant 0 : index
    %get3A_7 = vector.load %arg1[%get3A_4, %get3A_5, %get3A_6] : memref<2x400x128xf32, #tpu.memory_space<vmem>>, vector<1x400x128xf32>
    %get3A_8 = vector.shape_cast %get3A_7 : vector<1x400x128xf32> to vector<400x128xf32>
    %add3A = arith.addf %get3A_3, %get3A_8 : vector<400x128xf32>
    %get3A_9 = arith.constant 0 : index
    %get3A_10 = arith.constant 0 : index
    %get3A_11 = vector.load %arg3[%get3A_9, %get3A_10] : memref<400x128xf32, #tpu.memory_space<vmem>>, vector<400x128xf32>
    %get3A_12 = arith.constant 0 : index
    %get3A_13 = arith.constant 1 : index
    %get3A_14 = vector.load %arg2[%get3A_12, %get3A_13] : memref<400x2xf32, #tpu.memory_space<vmem>>, vector<400x1xf32>
    %mul3A = vector.broadcast %get3A_14 : vector<400x1xf32> to vector<400x128xf32>
    %mul3A_15 = arith.mulf %add3A, %mul3A : vector<400x128xf32>
    %add3A_16 = arith.addf %get3A_11, %mul3A_15 : vector<400x128xf32>
    %mul3A_17 = arith.constant 2.500000e-01 : f32
    %mul3A_18 = vector.broadcast %mul3A_17 : f32 to vector<400x128xf32>
    %mul3A_19 = arith.mulf %add3A_16, %mul3A_18 : vector<400x128xf32>
    %swap3A = arith.constant 0 : index
    %swap3A_20 = arith.constant 0 : index
    %swap3A_21 = vector.load %arg4[%swap3A, %swap3A_20] : memref<400x128xf32, #tpu.memory_space<vmem>>, vector<400x128xf32>
    tpu.vector_store %arg4[%swap3A, %swap3A_20], %mul3A_19 {strides = array<i32>} : memref<400x128xf32, #tpu.memory_space<vmem>>, vector<400x128xf32>,
    return
  }
  func.func @transform_0(%arg0: i32) -> (i32, i32, i32) {
    %add3A = arith.constant 10 : i32
    %add3A_0 = arith.addi %arg0, %add3A : i32
    %c0_i32 = arith.constant 0 : i32
    %c0_i32_1 = arith.constant 0 : i32
    %c0_i32_2 = arith.constant 0 : i32
    return %c0_i32, %add3A_0, %c0_i32_1 : i32, i32, i32
  }
  func.func @transform_1(%arg0: i32) -> (i32, i32) {
    %add3A = arith.constant 10 : i32
    %add3A_0 = arith.addi %arg0, %add3A : i32
    %c0_i32 = arith.constant 0 : i32
    %c0_i32_1 = arith.constant 0 : i32
    return %add3A_0, %c0_i32 : i32, i32
  }
  func.func @transform_2(%arg0: i32) -> (i32, i32) {
    %add3A = arith.constant 10 : i32
    %add3A_0 = arith.addi %arg0, %add3A : i32
    %c0_i32 = arith.constant 0 : i32
    %c0_i32_1 = arith.constant 0 : i32
    return %add3A_0, %c0_i32 : i32, i32
  }
  func.func @transform_3(%arg0: i32) -> (i32, i32) {
    %c0_i32 = arith.constant 0 : i32
    %c0_i32_0 = arith.constant 0 : i32
    return %arg0, %c0_i32 : i32, i32
  }
}

</mosaic_0001>

<sc_bundles>
// kernel: kernel.13.cloned.1.call-start
scs
__scs_entry_jumppad:
0x0: {  	(pc) =	sbr.rel $0x88, $3  }
0x1: {  	(tag) =	ssettag $0x0;
	lr =	simm.s32 $0x1  }
0x2: {  	[smem:$0x3F9E] =	sst lr;
	_ =	strace $0xD0000000  }
0x3: {  	_ = 	snop  }
0x4: {  	_ = 	snop  }
0x5: {  	_ = 	snop  }
0x6: {  	_ = 	snop  }
0x7: {  	_ = 	snop  }
__scs_overlays_trampoline_lowered:
0x8: {  	[smem:$0x3FAD] =	sst s0  }
0x9: {  	[smem:$0x3FAE] =	sst s1  }
0xa: {  	[smem:$0x3FAF] =	sst s2  }
0xb: {  	[smem:$0x3FB0] =	sst s3  }
0xc: {  	[smem:$0x3FB1] =	sst s4  }
0xd: {  	[smem:$0x3FB2] =	sst s5  }
0xe: {  	[smem:$0x3FB3] =	sst s6  }
0xf: {  	[smem:$0x3FB4] =	sst s7  }
0x10: {  	[smem:$0x3FB5] =	sst s8  }
0x11: {  	[smem:$0x3FB6] =	sst s9;
	s0 =	simm.s32 @!p0 $0x0  }
0x12: {  	s1 =	sld [smem:$0x3F9C];
	s0 =	simm.s32 @p0 $0x1  }
0x13: {  	[smem:$0x3FB7] =	sst s0;
	s0 =	simm.s32 @!p1 $0x0  }
0x14: {  	s2 =	sld [smem:$0x3F9B];
	s0 =	simm.s32 @p1 $0x1  }
0x15: {  	[smem:$0x3FB8] =	sst s0;
	s0 =	simm.s32 @!p2 $0x0  }
0x16: {  	s3 =	sld [smem:$0x3FDB];
	s0 =	simm.s32 @p2 $0x1  }
0x17: {  	s4 =	simm.s32 $0x1BF5;
	[smem:$0x3FBA] =	sst s0  }
0x18: {  	s0 =	sld [smem:$0x3F9D];
	_ =	swait.ge [sflag:s4], $0x0  }
0x19: {  	s7 =	sld [smem:$0x3F9E]  }
0x1a: {  	s8 =	sadd.s32 $0xFFFFE003, lr  }
0x1b: {  	s9 =	sadd.s32 $0xFFFFFEF7, lr;
	s5 =	simm.s32 $0xFFFFFFFF;
	p2 =	slt.u32 s8, $0xFFFFF086  }
0x1c: {  	p1 =	slt.u32 s9, $0xF7A;
	s5 =	simm.s32 @!p2 $0x0  }
0x1d: {  	s5 =	simm.s32 @p1 $0x1;
	p0 =	seq.s32 s7, s2  }
0x1e: {  	s7 =	smul.u32 @!p0 $0xF7A, s2;
	p2 =	seq.s32 @!p0 s5, $0x0  }
0x1f: {  	s9 =	smul.u32 $0xF7A, s1;
	s8 =	simm.s32 @!p0 $0x1BF5;
	p2 =	por !p2, p0  }
0x20: {  	[sflag:s8] =	ssyncset.s32 @!p0 $0xFFFFF086;
	s6 =	sadd.s32 @!p0 s3, s7;
	s7 =	simm.s32 @!p0 $0x108  }
0x21: {  	s3 =	sadd.s32 s3, s9;
	s6 =	sadd.s32 @!p0 $0x88, s6;
	s7 =	simm.s32 @p2 $0x1082  }
0x22: {  	[simem:s7], [sflag:s8] =	dma.local @!p0 [hbm:s6], $0xF7A  }
0x23: {  	s9 =	sor.u32 $0xD0000000, s2;
	s6 =	simm.s32 $0x108;
	_ =	swait.ge @!p0 [sflag:s8], $0x0  }
0x24: {  	s3 =	sadd.s32 $0x88, s3;
	s6 =	simm.s32 @!p1 $0x1082;
	[sflag:s4] =	ssyncset.s32 $0xFFFFF086  }
0x25: {  	[simem:s6], [sflag:s4] =	dma.local [hbm:s3], $0xF7A  }
0x26: {  	[smem:$0x3F9E] =	sst s1;
	(tag) =	ssettag s2;
	_ =	strace s9  }
0x27: {  	s1 =	sld [smem:$0x3FAE]  }
0x28: {  	s2 =	sld [smem:$0x3FAF]  }
0x29: {  	s4 =	sld [smem:$0x3FB1]  }
0x2a: {  	p0 =	seq.s32 s5, $0x0;
	s5 =	sld [smem:$0x3FB2]  }
0x2b: {  	s6 =	sld [smem:$0x3FB3]  }
0x2c: {  	s7 =	sld [smem:$0x3FB4]  }
0x2d: {  	s3 =	simm.s32 $0x108;
	s8 =	sld [smem:$0x3FB5]  }
0x2e: {  	s3 =	simm.s32 @!p0 $0x1082;
	s9 =	sld [smem:$0x3FB6]  }
0x2f: {  	lr =	sadd.s32 s0, s3;
	s0 =	sld [smem:$0x3FAD]  }
0x30: {  	s3 =	sld [smem:$0x3FB0]  }
0x31: {  	[smem:$0x3FB9] =	sst s10  }
0x32: {  	s10 =	sld [smem:$0x3FB7];
	_ =	sdelay $0x3  }
0x33: {  	p0 =	seq.s32 s10, $0x1;
	s10 =	sld [smem:$0x3FB9];
	_ =	sdelay $0x3  }
0x34: {  	[smem:$0x3FB9] =	sst s10  }
0x35: {  	s10 =	sld [smem:$0x3FB8];
	_ =	sdelay $0x3  }
0x36: {  	p1 =	seq.s32 s10, $0x1;
	s10 =	sld [smem:$0x3FB9];
	_ =	sdelay $0x3  }
0x37: {  	[smem:$0x3FB9] =	sst s10  }
0x38: {  	s10 =	sld [smem:$0x3FBA]  }
0x39: {  	_ = 	snop;
	(pc) =	sbr.ind lr, $3  }
0x3a: {  	_ = 	snop  }
0x3b: {  	_ = 	snop  }
0x3c: {  	p2 =	seq.s32 s10, $0x1;
	s10 =	sld [smem:$0x3FB9]  }
0x3d: {  	_ =	shalt  }
0x3e: {  	_ =	shalt  }
0x3f: {  	_ =	shalt  }
0x40: {  	_ =	shalt  }
0x41: {  	_ =	shalt  }
0x42: {  	_ =	shalt  }
0x43: {  	_ =	shalt  }
0x44: {  	_ =	shalt  }
0x45: {  	_ =	shalt  }
0x46: {  	_ =	shalt  }
0x47: {  	_ =	shalt  }
0x48: {  	_ =	shalt  }
0x49: {  	_ =	shalt  }
0x4a: {  	_ =	shalt  }
0x4b: {  	_ =	shalt  }
0x4c: {  	_ =	shalt  }
0x4d: {  	_ =	shalt  }
0x4e: {  	_ =	shalt  }
0x4f: {  	_ =	shalt  }
0x50: {  	_ =	shalt  }
0x51: {  	_ =	shalt  }
0x52: {  	_ =	shalt  }
0x53: {  	_ =	shalt  }
0x54: {  	_ =	shalt  }
0x55: {  	_ =	shalt  }
0x56: {  	_ =	shalt  }
0x57: {  	_ =	shalt  }
0x58: {  	_ =	shalt  }
0x59: {  	_ =	shalt  }
0x5a: {  	_ =	shalt  }
0x5b: {  	_ =	shalt  }
0x5c: {  	_ =	shalt  }
0x5d: {  	_ =	shalt  }
0x5e: {  	_ =	shalt  }
0x5f: {  	_ =	shalt  }
0x60: {  	_ =	shalt  }
0x61: {  	_ =	shalt  }
0x62: {  	_ =	shalt  }
0x63: {  	_ =	shalt  }
0x64: {  	_ =	shalt  }
0x65: {  	_ =	shalt  }
0x66: {  	_ =	shalt  }
0x67: {  	_ =	shalt  }
0x68: {  	_ =	shalt  }
0x69: {  	_ =	shalt  }
0x6a: {  	_ =	shalt  }
0x6b: {  	_ =	shalt  }
0x6c: {  	_ =	shalt  }
0x6d: {  	_ =	shalt  }
0x6e: {  	_ =	shalt  }
0x6f: {  	_ =	shalt  }
0x70: {  	_ =	shalt  }
0x71: {  	_ =	shalt  }
0x72: {  	_ =	shalt  }
0x73: {  	_ =	shalt  }
0x74: {  	_ =	shalt  }
0x75: {  	_ =	shalt  }
0x76: {  	_ =	shalt  }
0x77: {  	_ =	shalt  }
0x78: {  	_ =	shalt  }
0x79: {  	_ =	shalt  }
0x7a: {  	_ =	shalt  }
0x7b: {  	_ =	shalt  }
0x7c: {  	_ =	shalt  }
0x7d: {  	_ =	shalt  }
0x7e: {  	_ =	shalt  }
0x7f: {  	_ =	shalt  }
0x80: {  	_ =	shalt  }
0x81: {  	_ =	shalt  }
0x82: {  	_ =	shalt  }
0x83: {  	_ =	shalt  }
0x84: {  	_ =	shalt  }
0x85: {  	_ =	shalt  }
0x86: {  	_ =	shalt  }
0x87: {  	_ =	shalt  }
.Lfunc_end0:
.L_simem_size_0:
called_computation_lowered:
.L_overlay_start_0:
0x88: {  	s2 =	sld [smem:$0x3FD9]  }
0x89: {  	s3 =	sld [smem:$0x3FFE];
	_ =	sdelay $0x1  }
0x8a: {  	s1 =	srdreg.scid  }
0x8b: {  	s0 =	sand.u32 $0x1, s1  }
0x8c: {  	s15 =	sshll.u32 s0, $0xA;
	s2 =	sadd.s32 s3, s2  }
0x8d: {  	s2 =	sadd.s32 s2, s15  }
0x8e: {  	[smem:$0x3FC5] =	sst s2  }
0x8f: {  	_ = 	snop  }
0x90: {  	s2 =	sld [smem:$0x3FD0];
	_ =	sdelay $0x2  }
0x91: {  	s16 =	simm.s32 $0xA;
	s4 =	simm.s32 $0x10  }
0x92: {  	[smem:s4], [sflag:s16] =	dma.local [hbm:s2], $0x1  }
0x93: {  	_ =	swait.eq [sflag:s16], $0x1  }
0x94: {  	[sflag:s16] =	ssyncset.done $0x0  }
0x95: {  	s17 =	sld [smem:$0x10];
	[sflag:s16] =	ssyncadd.s32 $0xFFFFFFFF  }
0x96: {  	s18 =	sld [smem:$0x11];
	(tm) =	ssettm $0x1  }
0x97: {  	s19 =	sld [smem:$0x3FFB];
	_ =	sdelay $0x3  }
0x98: {  	_ =	strace s19  }
0x99: {  	s4 =	sld [smem:$0x3FFC];
	_ =	sdelay $0x3  }
0x9a: {  	_ =	strace s4  }
0x9b: {  	s4 =	sld [smem:$0x3FFD];
	_ =	sdelay $0x3  }
0x9c: {  	_ =	strace s4  }
0x9d: {  	_ =	strace $0x8FFFFFFF  }
0x9e: {  	s20 =	sld [smem:$0x3FDB];
	_ =	sdelay $0x1  }
0x9f: {  	s5 =	simm.s32 $_scs_section_size  }
0xa0: {  	s6 =	simm.s32 $_size__tile_overlayer_lowered;
	s7 =	simm.s32 $_tile_overlayer_lowered  }
0xa1: {  	s23 =	simm.s32 $0x1BFF;
	s22 =	sshll.u32 s7, $0x1;
	s4 =	sadd.s32 s5, s20  }
0xa2: {  	s8 =	simm.s32 $0x0;
	s21 =	sshll.u32 s6, $0x1;
	s6 =	sadd.s32 s22, s4  }
0xa3: {  	[timem:s8], [sflag:s23] =	dma.local [hbm:s6], s21  }
0xa4: {  	_ =	swait.ge [sflag:s23], s21  }
0xa5: {  	s5 =	ssub.s32 $0x0, s21;
	[sflag:s23] =	ssyncset.done $0x0  }
0xa6: {  	[sflag:s23] =	ssyncadd.s32 s5;
	_ =	sdelay $0x1  }
0xa7: {  	s24 =	simm.s32 $0x1B8B  }
0xa8: {  	_ =	swait.ge [sflag:s24], $0x1  }
0xa9: {  	[sflag:s24] =	ssyncset.done $0x0  }
0xaa: {  	s25 =	simm.s32 $0x1B8E;
	[sflag:s24] =	ssyncadd.s32 $0xFFFFFFFF  }
0xab: {  	s26 =	simm.s32 $execute0_lowered;
	[smem:$0x3FD2] =	sst s25  }
0xac: {  	s5 =	sshll.u32 s26, $0x1;
	_ =	strace $0x80000046;
	[dreg:$0x1] =	wrdreg $0xFFFFFFFF  }
0xad: {  	s28 =	simm.s32 $_size_execute0_lowered;
	s4 =	sadd.s32 s4, s5;
	[dreg:$0x0] =	wrdreg $0x0  }
0xae: {  	s5 =	sshll.u32 s28, $0x1;
	[dreg:$0x2] =	wrdreg s4  }
0xaf: {  	[dreg:$0x3] =	wrdreg s5  }
0xb0: {  	[dreg:$0x4] =	wrdreg $0xC0  }
0xb1: {  	_ =	task [dreg:s8], $0x5FFFF  }
0xb2: {  	[dreg:$0x1] =	wrdreg $0xFFFFFFFF  }
0xb3: {  	[dreg:$0x0] =	wrdreg $0x60  }
0xb4: {  	[dreg:$0x2] =	wrdreg s18  }
0xb5: {  	[dreg:$0x3] =	wrdreg s17  }
0xb6: {  	[dreg:$0x4] =	wrdreg $0x0  }
0xb7: {  	[dreg:$0x5] =	wrdreg $0x2800  }
0xb8: {  	[dreg:$0x6] =	wrdreg $0x9  }
0xb9: {  	_ =	task.clear_ibuf [dreg:s8], $0x7FFFF;
	_ =	strace $0x90000046  }
0xba: {  	s29 =	simm.s32 $0x9;
	_ =	strace $0x80000048  }
0xbb: {  	_ =	swait.ge [sflag:s29], $0x1  }
0xbc: {  	[sflag:s29] =	ssyncadd.s32 $0xFFFFFFFF  }
0xbd: {  	_ =	strace $0x90000048  }
0xbe: {  	_ =	sfence  }
0xbf: {  	s30 =	sld [smem:$0x0];
	_ =	sdelay $0x2  }
0xc0: {  	s31 =	sshll.u32 s1, $0xD;
	s1 =	sshrl.u32 s1, $0x2  }
0xc1: {  	s3 =	sand.u32 $0x4000, s31;
	s1 =	sadd.s32 s1, s30  }
0xc2: {  	s0 =	sor.u32 s3, s0;
	s1 =	sshll.u32 s1, $0x11  }
0xc3: {  	s0 =	sor.u32 s1, s0  }
0xc4: {  	s0 =	sadd.s32 $0x8F2B, s0  }
0xc5: {  	[sflag:s0] =	ssyncadd.remote.s32 $0x1  }
0xc6: {  	_ =	sfence.sel $0xFFFF  }
0xc7: {  	[dreg:$0x0] =	wrdreg $0xFFFFFFFF;
	(pc) =	sbr.abs _section_cstart, $3  }
0xc8: {  	[dreg:$0x1] =	wrdreg $0xFFFFFFFF  }
0xc9: {  	_ =	task.clear_ibuf [dreg:s8], $0x2FFFF;
	_ =	strace $0x9FFFFFFF  }
0xca: {  	(tm) =	ssettm $0x7FFFFFFF  }
0xcb: {  	_ =	shalt  }
tec
execute0_lowered:
.L_overlay_start_1:
0x0: {  	(tag) =	ssettag $0x1  }
0x1: {  	s0 =	rddreg [dreg:$0x0]  }
0x2: {  	s1 =	rddreg [dreg:$0x1];
	s3 =	srdreg.scid  }
0x3: {  	s2 =	rddreg [dreg:$0x2];
	s9 =	stileid.u32  }
0x4: {  	s21 =	simm.s32 $0x500;
	s22 =	simm.s32 $0x5500;
	s19 =	simm.s32 $0x1  }
0x5: {  	s20 =	simm.s32 $0x5;
	s28 =	simm.s32 $0x6;
	s29 =	simm.s32 $0x3  }
0x6: {  	s30 =	simm.s32 $0x7;
	s31 =	simm.s32 $0x4;
	s5 =	sand.u32 $0x1, s3  }
0x7: {  	s3 =	rddreg [dreg:$0x3];
	s14 =	smul.u32 $0x280, s9;
	s4 =	sshll.u32 s5, $0x4  }
0x8: {  	s7 =	ssub.s32 $0x2, s5;
	s5 =	smul.u32 $0x5000, s5;
	s6 =	sor.u32 s9, s4  }
0x9: {  	s4 =	simm.s32 $0x0;
	s8 =	sshrl.u32 s7, $0x1;
	s23 =	sadd.s32 $0x80, s14  }
0xa: {  	s11 =	sadd.s32 $0x100, s14;
	s25 =	sadd.s32 $0x180, s14;
	s26 =	sadd.s32 $0x200, s14  }
0xb: {  	s6 =	smul.u32 $0x500, s6;
	[smem:$0x7FF] =	sst s4;
	s18 =	ssub.s32 s7, s8  }
0xc: {  	s7 =	sadd.s32 s14, s3;
	s24 =	sadd.s32 s23, s2;
	s9 =	sadd.s32 s23, s3  }
0xd: {  	s10 =	sadd.s32 s11, s2;
	s11 =	sadd.s32 s11, s3;
	s12 =	sadd.s32 s25, s2  }
0xe: {  	s5 =	sadd.s32 s14, s5;
	s13 =	sadd.s32 s25, s3;
	s15 =	sadd.s32 s26, s3  }
0xf: {  	s23 =	simm.s32 $0xA;
	s25 =	simm.s32 $0x80;
	_ =	strace $0x80000047  }
0x10: {  	[dreg:$0x6] =	wrdreg s24;
	s5 =	sshrl.u32 s5, $0x3;
	s18 =	smax.u32 s18, $0x1  }
0x11: {  	s24 =	simm.s32 $0x9;
	s0 =	sadd.s32 s0, s6;
	s6 =	sadd.s32 s14, s2  }
0x12: {  	s14 =	sadd.s32 s26, s2;
	s16 =	sadd.s32 s1, s5;
	s26 =	simm.s32 $0x2  }
0x13: {  	v0 =	vimm.f32 $0.0e+00;
	v1 =	vimm.f32 $1.000000000e+00;
	[dreg:$0x5] =	wrdreg s0;
	s17 =	sadd.s32 $0x500, s16;
	s0 =	simm.s32 $0x8  }
.LBB2_1:
0x14: {  	s1 =	rddreg [dreg:$0x5];
	s5 =	simm.s32 $0x2800;
	s8 =	simm.s32 $0x50000  }
0x15: {  	[tilespmem:s21], [sflag:$0x9] =	stream.strided.gather [hbm4b:s1+s5], $0x5000, s8, s5, $0x38;
	[tilespmem:$0x5580] =	vst v63  }
0x16: {  	[tilespmem:$0x5500] =	vst v0  }
0x17: {  	[tilespmem:$0x5510] =	vst v0  }
0x18: {  	[tilespmem:$0x5520] =	vst v0  }
0x19: {  	[tilespmem:$0x5530] =	vst v0  }
0x1a: {  	[tilespmem:$0x5540] =	vst v0  }
0x1b: {  	[tilespmem:$0x5550] =	vst v0  }
0x1c: {  	[tilespmem:$0x5560] =	vst v0  }
0x1d: {  	[tilespmem:$0x5570] =	vst v0  }
0x1e: {  	[spmem:s6] =	stream.linear.scatter [tilespmem:s22], [sflag:$0xA], $0x80, $0x38;
	[tilespmem:$0x5580] =	vst v63  }
0x1f: {  	_ =	swait.ge [sflag:s23], $0x80  }
0x20: {  	[sflag:s23] =	ssyncset.done $0x0  }
0x21: {  	[sflag:s23] =	ssyncadd.s32 $0xFFFFFF80  }
0x22: {  	[spmem:s7] =	stream.linear.scatter [tilespmem:s22], [sflag:$0xA], $0x80, $0x38;
	[tilespmem:$0x5580] =	vst v63  }
0x23: {  	_ =	swait.ge [sflag:s23], $0x80  }
0x24: {  	[sflag:s23] =	ssyncset.done $0x0  }
0x25: {  	s8 =	rddreg [dreg:$0x6];
	[sflag:s23] =	ssyncadd.s32 $0xFFFFFF80  }
0x26: {  	[spmem:s8] =	stream.linear.scatter [tilespmem:s22], [sflag:$0xA], $0x80, $0x38;
	[tilespmem:$0x5580] =	vst v63  }
0x27: {  	_ =	swait.ge [sflag:s23], $0x80  }
0x28: {  	[sflag:s23] =	ssyncset.done $0x0  }
0x29: {  	[sflag:s23] =	ssyncadd.s32 $0xFFFFFF80  }
0x2a: {  	[spmem:s9] =	stream.linear.scatter [tilespmem:s22], [sflag:$0xA], $0x80, $0x38;
	[tilespmem:$0x5580] =	vst v63  }
0x2b: {  	_ =	swait.ge [sflag:s23], $0x80  }
0x2c: {  	[sflag:s23] =	ssyncset.done $0x0  }
0x2d: {  	[sflag:s23] =	ssyncadd.s32 $0xFFFFFF80  }
0x2e: {  	[spmem:s10] =	stream.linear.scatter [tilespmem:s22], [sflag:$0xA], $0x80, $0x38;
	[tilespmem:$0x5580] =	vst v63  }
0x2f: {  	_ =	swait.ge [sflag:s23], $0x80  }
0x30: {  	[sflag:s23] =	ssyncset.done $0x0  }
0x31: {  	[sflag:s23] =	ssyncadd.s32 $0xFFFFFF80  }
0x32: {  	[spmem:s11] =	stream.linear.scatter [tilespmem:s22], [sflag:$0xA], $0x80, $0x38;
	[tilespmem:$0x5580] =	vst v63  }
0x33: {  	_ =	swait.ge [sflag:s23], $0x80  }
0x34: {  	[sflag:s23] =	ssyncset.done $0x0  }
0x35: {  	[sflag:s23] =	ssyncadd.s32 $0xFFFFFF80  }
0x36: {  	[spmem:s12] =	stream.linear.scatter [tilespmem:s22], [sflag:$0xA], $0x80, $0x38;
	[tilespmem:$0x5580] =	vst v63  }
0x37: {  	_ =	swait.ge [sflag:s23], $0x80  }
0x38: {  	[sflag:s23] =	ssyncset.done $0x0  }
0x39: {  	[sflag:s23] =	ssyncadd.s32 $0xFFFFFF80  }
0x3a: {  	[spmem:s13] =	stream.linear.scatter [tilespmem:s22], [sflag:$0xA], $0x80, $0x38;
	[tilespmem:$0x5580] =	vst v63  }
0x3b: {  	_ =	swait.ge [sflag:s23], $0x80  }
0x3c: {  	[sflag:s23] =	ssyncset.done $0x0  }
0x3d: {  	[sflag:s23] =	ssyncadd.s32 $0xFFFFFF80  }
0x3e: {  	[spmem:s14] =	stream.linear.scatter [tilespmem:s22], [sflag:$0xA], $0x80, $0x38;
	[tilespmem:$0x5580] =	vst v63  }
0x3f: {  	_ =	swait.ge [sflag:s23], $0x80  }
0x40: {  	[sflag:s23] =	ssyncset.done $0x0  }
0x41: {  	[sflag:s23] =	ssyncadd.s32 $0xFFFFFF80  }
0x42: {  	[spmem:s15] =	stream.linear.scatter [tilespmem:s22], [sflag:$0xA], $0x80, $0x38;
	[tilespmem:$0x5580] =	vst v63  }
0x43: {  	_ =	swait.ge [sflag:s23], $0x80  }
0x44: {  	[sflag:s23] =	ssyncset.done $0x0  }
0x45: {  	[sflag:s23] =	ssyncadd.s32 $0xFFFFFF80  }
0x46: {  	[tilespmem:$0x5500] =	vst v1  }
0x47: {  	[tilespmem:$0x5510] =	vst v1  }
0x48: {  	[tilespmem:$0x5520] =	vst v1  }
0x49: {  	[tilespmem:$0x5530] =	vst v1  }
0x4a: {  	[tilespmem:$0x5540] =	vst v1  }
0x4b: {  	[tilespmem:$0x5550] =	vst v1  }
0x4c: {  	[tilespmem:$0x5560] =	vst v1  }
0x4d: {  	[tilespmem:$0x5570] =	vst v1  }
0x4e: {  	_ =	swait.ge [sflag:s24], $0x5000  }
0x4f: {  	[sflag:s24] =	ssyncset.done $0x0  }
0x50: {  	[sflag:s24] =	ssyncadd.s32 $0xFFFFB000  }
0x51: {  	[bflag:$0x0] =	sbarrier.arrive $0xFFFF  }
0x52: {  	[spmem:s2] =	stream.indirect.scatter.add.f32 [tilespmem:s22], [sflag:$0x1], $0x1, s21, s25, $0xb8;
	[tilespmem:$0x5580] =	vst v63  }
0x53: {  	s5 =	simm.s32 $0x2D00  }
0x54: {  	[spmem:s3] =	stream.indirect.scatter.add.f32 [tilespmem:s22], [sflag:$0x5], $0x1, s5, s25, $0xb8;
	[tilespmem:$0x5580] =	vst v63  }
0x55: {  	s8 =	simm.s32 $0x580  }
0x56: {  	[spmem:s2] =	stream.indirect.scatter.add.f32 [tilespmem:s22], [sflag:$0x2], $0x1, s8, s25, $0xb8;
	[tilespmem:$0x5580] =	vst v63  }
0x57: {  	s5 =	simm.s32 $0x2D80  }
0x58: {  	[spmem:s3] =	stream.indirect.scatter.add.f32 [tilespmem:s22], [sflag:$0x6], $0x1, s5, s25, $0xb8;
	[tilespmem:$0x5580] =	vst v63  }
0x59: {  	s8 =	simm.s32 $0x600  }
0x5a: {  	[spmem:s2] =	stream.indirect.scatter.add.f32 [tilespmem:s22], [sflag:$0x3], $0x1, s8, s25, $0xb8;
	[tilespmem:$0x5580] =	vst v63  }
0x5b: {  	s5 =	simm.s32 $0x2E00  }
0x5c: {  	[spmem:s3] =	stream.indirect.scatter.add.f32 [tilespmem:s22], [sflag:$0x7], $0x1, s5, s25, $0xb8;
	[tilespmem:$0x5580] =	vst v63  }
0x5d: {  	s8 =	simm.s32 $0x680  }
0x5e: {  	[spmem:s2] =	stream.indirect.scatter.add.f32 [tilespmem:s22], [sflag:$0x4], $0x1, s8, s25, $0xb8;
	[tilespmem:$0x5580] =	vst v63  }
0x5f: {  	s5 =	simm.s32 $0x2E80  }
0x60: {  	[spmem:s3] =	stream.indirect.scatter.add.f32 [tilespmem:s22], [sflag:$0x8], $0x1, s5, s25, $0xb8;
	[tilespmem:$0x5580] =	vst v63  }
0x61: {  	_ =	swait.ge [sflag:s19], $0x80  }
0x62: {  	[sflag:s19] =	ssyncset.done $0x0  }
0x63: {  	[sflag:s19] =	ssyncadd.s32 $0xFFFFFF80  }
0x64: {  	_ =	swait.ge [sflag:s20], $0x80  }
0x65: {  	[sflag:s20] =	ssyncset.done $0x0  }
0x66: {  	s8 =	simm.s32 $0x700;
	[sflag:s20] =	ssyncadd.s32 $0xFFFFFF80  }
0x67: {  	[spmem:s2] =	stream.indirect.scatter.add.f32 [tilespmem:s22], [sflag:$0x1], $0x1, s8, s25, $0xb8;
	[tilespmem:$0x5580] =	vst v63  }
0x68: {  	s5 =	simm.s32 $0x2F00  }
0x69: {  	[spmem:s3] =	stream.indirect.scatter.add.f32 [tilespmem:s22], [sflag:$0x5], $0x1, s5, s25, $0xb8;
	[tilespmem:$0x5580] =	vst v63  }
0x6a: {  	_ =	swait.ge [sflag:s26], $0x80  }
0x6b: {  	[sflag:s26] =	ssyncset.done $0x0  }
0x6c: {  	[sflag:s26] =	ssyncadd.s32 $0xFFFFFF80  }
0x6d: {  	_ =	swait.ge [sflag:s28], $0x80  }
0x6e: {  	[sflag:s28] =	ssyncset.done $0x0  }
0x6f: {  	s8 =	simm.s32 $0x780;
	[sflag:s28] =	ssyncadd.s32 $0xFFFFFF80  }
0x70: {  	[spmem:s2] =	stream.indirect.scatter.add.f32 [tilespmem:s22], [sflag:$0x2], $0x1, s8, s25, $0xb8;
	[tilespmem:$0x5580] =	vst v63  }
0x71: {  	s5 =	simm.s32 $0x2F80  }
0x72: {  	[spmem:s3] =	stream.indirect.scatter.add.f32 [tilespmem:s22], [sflag:$0x6], $0x1, s5, s25, $0xb8;
	[tilespmem:$0x5580] =	vst v63  }
0x73: {  	_ =	swait.ge [sflag:s29], $0x80  }
0x74: {  	[sflag:s29] =	ssyncset.done $0x0  }
0x75: {  	[sflag:s29] =	ssyncadd.s32 $0xFFFFFF80  }
0x76: {  	_ =	swait.ge [sflag:s30], $0x80  }
0x77: {  	[sflag:s30] =	ssyncset.done $0x0  }
0x78: {  	s8 =	simm.s32 $0x800;
	[sflag:s30] =	ssyncadd.s32 $0xFFFFFF80  }
0x79: {  	[spmem:s2] =	stream.indirect.scatter.add.f32 [tilespmem:s22], [sflag:$0x3], $0x1, s8, s25, $0xb8;
	[tilespmem:$0x5580] =	vst v63  }
0x7a: {  	s5 =	simm.s32 $0x3000  }
0x7b: {  	[spmem:s3] =	stream.indirect.scatter.add.f32 [tilespmem:s22], [sflag:$0x7], $0x1, s5, s25, $0xb8;
	[tilespmem:$0x5580] =	vst v63  }
0x7c: {  	_ =	swait.ge [sflag:s31], $0x80  }
0x7d: {  	[sflag:s31] =	ssyncset.done $0x0  }
0x7e: {  	[sflag:s31] =	ssyncadd.s32 $0xFFFFFF80  }
0x7f: {  	_ =	swait.ge [sflag:s0], $0x80  }
0x80: {  	s1 =	simm.s32 $0x800;
	[sflag:s0] =	ssyncset.done $0x0  }
0x81: {  	s8 =	simm.s32 $0x880;
	s5 =	simm.s32 $0x3080;
	[sflag:s0] =	ssyncadd.s32 $0xFFFFFF80  }
0x82: {  	[spmem:s2] =	stream.indirect.scatter.add.f32 [tilespmem:s22], [sflag:$0x4], $0x1, s8, s25, $0xb8;
	[tilespmem:$0x5580] =	vst v63  }
.LBB2_2:
0x83: {  	[spmem:s3] =	stream.indirect.scatter.add.f32 [tilespmem:s22], [sflag:$0x8], $0x1, s5, s25, $0xb8;
	[tilespmem:$0x5580] =	vst v63  }
0x84: {  	s5 =	smov.u32 s1  }
0x85: {  	p0 =	sne.s32 s1, $0x9000;
	s1 =	sadd.s32 $0x800, s1;
	_ =	swait.ge [sflag:s19], $0x80  }
0x86: {  	[sflag:s19] =	ssyncset.done $0x0  }
0x87: {  	[sflag:s19] =	ssyncadd.s32 $0xFFFFFF80  }
0x88: {  	_ =	swait.ge [sflag:s20], $0x80  }
0x89: {  	s5 =	sshra.s32 s5, $0x2;
	[sflag:s20] =	ssyncset.done $0x0  }
0x8a: {  	s8 =	sadd.s32 $0x700, s5;
	[sflag:s20] =	ssyncadd.s32 $0xFFFFFF80  }
0x8b: {  	[spmem:s2] =	stream.indirect.scatter.add.f32 [tilespmem:s22], [sflag:$0x1], $0x1, s8, s25, $0xb8;
	[tilespmem:$0x5580] =	vst v63  }
0x8c: {  	s8 =	sadd.s32 $0x2F00, s5  }
0x8d: {  	[spmem:s3] =	stream.indirect.scatter.add.f32 [tilespmem:s22], [sflag:$0x5], $0x1, s8, s25, $0xb8;
	[tilespmem:$0x5580] =	vst v63  }
0x8e: {  	_ =	swait.ge [sflag:s26], $0x80  }
0x8f: {  	[sflag:s26] =	ssyncset.done $0x0  }
0x90: {  	[sflag:s26] =	ssyncadd.s32 $0xFFFFFF80  }
0x91: {  	_ =	swait.ge [sflag:s28], $0x80  }
0x92: {  	[sflag:s28] =	ssyncset.done $0x0  }
0x93: {  	s8 =	sadd.s32 $0x780, s5;
	[sflag:s28] =	ssyncadd.s32 $0xFFFFFF80  }
0x94: {  	[spmem:s2] =	stream.indirect.scatter.add.f32 [tilespmem:s22], [sflag:$0x2], $0x1, s8, s25, $0xb8;
	[tilespmem:$0x5580] =	vst v63  }
0x95: {  	s8 =	sadd.s32 $0x2F80, s5  }
0x96: {  	[spmem:s3] =	stream.indirect.scatter.add.f32 [tilespmem:s22], [sflag:$0x6], $0x1, s8, s25, $0xb8;
	[tilespmem:$0x5580] =	vst v63  }
0x97: {  	_ =	swait.ge [sflag:s29], $0x80  }
0x98: {  	[sflag:s29] =	ssyncset.done $0x0  }
0x99: {  	[sflag:s29] =	ssyncadd.s32 $0xFFFFFF80  }
0x9a: {  	_ =	swait.ge [sflag:s30], $0x80  }
0x9b: {  	[sflag:s30] =	ssyncset.done $0x0  }
0x9c: {  	s8 =	sadd.s32 $0x800, s5;
	[sflag:s30] =	ssyncadd.s32 $0xFFFFFF80  }
0x9d: {  	[spmem:s2] =	stream.indirect.scatter.add.f32 [tilespmem:s22], [sflag:$0x3], $0x1, s8, s25, $0xb8;
	[tilespmem:$0x5580] =	vst v63  }
0x9e: {  	s8 =	sadd.s32 $0x3000, s5  }
0x9f: {  	[spmem:s3] =	stream.indirect.scatter.add.f32 [tilespmem:s22], [sflag:$0x7], $0x1, s8, s25, $0xb8;
	[tilespmem:$0x5580] =	vst v63  }
0xa0: {  	_ =	swait.ge [sflag:s31], $0x80  }
0xa1: {  	[sflag:s31] =	ssyncset.done $0x0  }
0xa2: {  	[sflag:s31] =	ssyncadd.s32 $0xFFFFFF80  }
.Ltmp0:
0xa3: {  	_ =	swait.ge [sflag:s0], $0x80;
	(pc) =	sbr.rel @p0 .LBB2_2-.Ltmp0, $4  }
0xa4: {  	[sflag:s0] =	ssyncset.done $0x0  }
0xa5: {  	s8 =	sadd.s32 $0x880, s5;
	[sflag:s0] =	ssyncadd.s32 $0xFFFFFF80  }
0xa6: {  	[spmem:s2] =	stream.indirect.scatter.add.f32 [tilespmem:s22], [sflag:$0x4], $0x1, s8, s25, $0xb8;
	[tilespmem:$0x5580] =	vst v63  }
0xa7: {  	s5 =	sadd.s32 $0x3080, s5  }
0xa8: {  	[spmem:s3] =	stream.indirect.scatter.add.f32 [tilespmem:s22], [sflag:$0x8], $0x1, s5, s25, $0xb8;
	[tilespmem:$0x5580] =	vst v63  }
0xa9: {  	_ =	swait.ge [sflag:s19], $0x80  }
0xaa: {  	[sflag:s19] =	ssyncset.done $0x0  }
0xab: {  	[sflag:s19] =	ssyncadd.s32 $0xFFFFFF80  }
0xac: {  	_ =	swait.ge [sflag:s20], $0x80  }
0xad: {  	[sflag:s20] =	ssyncset.done $0x0  }
0xae: {  	[sflag:s20] =	ssyncadd.s32 $0xFFFFFF80  }
0xaf: {  	_ =	swait.ge [sflag:s26], $0x80  }
0xb0: {  	[sflag:s26] =	ssyncset.done $0x0  }
0xb1: {  	[sflag:s26] =	ssyncadd.s32 $0xFFFFFF80  }
0xb2: {  	_ =	swait.ge [sflag:s28], $0x80  }
0xb3: {  	[sflag:s28] =	ssyncset.done $0x0  }
0xb4: {  	[sflag:s28] =	ssyncadd.s32 $0xFFFFFF80  }
0xb5: {  	_ =	swait.ge [sflag:s29], $0x80  }
0xb6: {  	[sflag:s29] =	ssyncset.done $0x0  }
0xb7: {  	[sflag:s29] =	ssyncadd.s32 $0xFFFFFF80  }
0xb8: {  	_ =	swait.ge [sflag:s30], $0x80  }
0xb9: {  	[sflag:s30] =	ssyncset.done $0x0  }
0xba: {  	[sflag:s30] =	ssyncadd.s32 $0xFFFFFF80  }
0xbb: {  	_ =	swait.ge [sflag:s31], $0x80  }
0xbc: {  	[sflag:s31] =	ssyncset.done $0x0  }
0xbd: {  	[sflag:s31] =	ssyncadd.s32 $0xFFFFFF80  }
0xbe: {  	_ =	swait.ge [sflag:s0], $0x80  }
0xbf: {  	s1 =	stileid.u32;
	[sflag:s0] =	ssyncset.done $0x0  }
0xc0: {  	s1 =	sshll.u32 s1, $0x6;
	[sflag:s0] =	ssyncadd.s32 $0xFFFFFF80  }
0xc1: {  	s8 =	sshrl.u32 s6, $0x3;
	s1 =	sor.u32 $0x1C0A, s1;
	[bflag:$0x0] =	sbarrier.arrive $0xFFFF  }
0xc2: {  	[hbm:s16], [sflag:s1] =	dma.local [spmem:s8], $0x50  }
0xc3: {  	s4 =	sadd.s32 $0x1, s4;
	_ =	swait.ge [sflag:s23], $0x50  }
0xc4: {  	p0 =	sne.s32 s4, s18;
	[sflag:s23] =	ssyncset.done $0x0  }
.Ltmp1:
0xc5: {  	s8 =	sshrl.u32 s7, $0x3;
	[sflag:s23] =	ssyncadd.s32 $0xFFFFFFB0;
	(pc) =	sbr.rel @p0 .LBB2_1-.Ltmp1, $4  }
0xc6: {  	[hbm:s17], [sflag:s1] =	dma.local [spmem:s8], $0x50  }
0xc7: {  	_ =	swait.ge [sflag:s23], $0x50  }
0xc8: {  	[sflag:s23] =	ssyncset.done $0x0  }
0xc9: {  	[sflag:s23] =	ssyncadd.s32 $0xFFFFFFB0  }
0xca: {  	_ =	sfence.sel $0x180000  }
0xcb: {  	[bflag:$0x0] =	sbarrier.arrive $0xFFFF  }
0xcc: {  	_ =	strace $0x90000047  }
0xcd: {  	s0 =	stileid.u32;
	[bflag:$0x2] =	sbarrier.arrive $0xFFFF  }
0xce: {  	p0 =	sne.s32 s0, $0x0;
	s0 =	rddreg [dreg:$0x4]  }
0xcf: {  	s0 =	sadd.s32 @!p0 $0x100000, s0  }
0xd0: {  	[sflag:s0] =	ssyncadd.tile.s32 @!p0 $0x1;
	_ =	shalt  }
.Lfunc_end2:
_tile_overlayer_lowered:
.L_overlay_start_2:
0xd1: {  	(tag) =	ssettag $0x2  }
0xd2: {  	s0 =	rddreg [dreg:$0x0];
	s2 =	stileid.u32  }
0xd3: {  	s1 =	rddreg [dreg:$0x1];
	p0 =	sne.s32 s2, $0x0  }
0xd4: {  	s3 =	rddreg [dreg:$0x2];
	[bflag:$0x3] =	sbarrier.arrive $0xFFFF;
	s2 =	simm.s32 @!p0 $0x1C0A  }
0xd5: {  	[timem:s3], [sflag:s2] =	dma.local @!p0 [hbm:s0], s1  }
0xd6: {  	s0 =	simm.s32 @!p0 $0xA  }
0xd7: {  	_ =	swait.ge @!p0 [sflag:s0], s1  }
0xd8: {  	s1 =	ssub.s32 @!p0 $0x0, s1;
	[sflag:s0] =	ssyncset.done @!p0 $0x0  }
0xd9: {  	[sflag:s0] =	ssyncadd.s32 @!p0 s1  }
0xda: {  	[bflag:$0x3] =	sbarrier.arrive $0xFFFF  }
0xdb: {  	_ =	shalt  }

// kernel: kernel.16.cloned.1.call-start
scs
__scs_entry_jumppad:
0x0: {  	(pc) =	sbr.rel $0x88, $3  }
0x1: {  	(tag) =	ssettag $0x0;
	lr =	simm.s32 $0x1  }
0x2: {  	[smem:$0x3F9E] =	sst lr;
	_ =	strace $0xD0000000  }
0x3: {  	_ = 	snop  }
0x4: {  	_ = 	snop  }
0x5: {  	_ = 	snop  }
0x6: {  	_ = 	snop  }
0x7: {  	_ = 	snop  }
__scs_overlays_trampoline_lowered:
0x8: {  	[smem:$0x3FAD] =	sst s0  }
0x9: {  	[smem:$0x3FAE] =	sst s1  }
0xa: {  	[smem:$0x3FAF] =	sst s2  }
0xb: {  	[smem:$0x3FB0] =	sst s3  }
0xc: {  	[smem:$0x3FB1] =	sst s4  }
0xd: {  	[smem:$0x3FB2] =	sst s5  }
0xe: {  	[smem:$0x3FB3] =	sst s6  }
0xf: {  	[smem:$0x3FB4] =	sst s7  }
0x10: {  	[smem:$0x3FB5] =	sst s8  }
0x11: {  	[smem:$0x3FB6] =	sst s9;
	s0 =	simm.s32 @!p0 $0x0  }
0x12: {  	s1 =	sld [smem:$0x3F9C];
	s0 =	simm.s32 @p0 $0x1  }
0x13: {  	[smem:$0x3FB7] =	sst s0;
	s0 =	simm.s32 @!p1 $0x0  }
0x14: {  	s2 =	sld [smem:$0x3F9B];
	s0 =	simm.s32 @p1 $0x1  }
0x15: {  	[smem:$0x3FB8] =	sst s0;
	s0 =	simm.s32 @!p2 $0x0  }
0x16: {  	s3 =	sld [smem:$0x3FDB];
	s0 =	simm.s32 @p2 $0x1  }
0x17: {  	s4 =	simm.s32 $0x1BF5;
	[smem:$0x3FBA] =	sst s0  }
0x18: {  	s0 =	sld [smem:$0x3F9D];
	_ =	swait.ge [sflag:s4], $0x0  }
0x19: {  	s7 =	sld [smem:$0x3F9E]  }
0x1a: {  	s8 =	sadd.s32 $0xFFFFE003, lr  }
0x1b: {  	s9 =	sadd.s32 $0xFFFFFEF7, lr;
	s5 =	simm.s32 $0xFFFFFFFF;
	p2 =	slt.u32 s8, $0xFFFFF086  }
0x1c: {  	p1 =	slt.u32 s9, $0xF7A;
	s5 =	simm.s32 @!p2 $0x0  }
0x1d: {  	s5 =	simm.s32 @p1 $0x1;
	p0 =	seq.s32 s7, s2  }
0x1e: {  	s7 =	smul.u32 @!p0 $0xF7A, s2;
	p2 =	seq.s32 @!p0 s5, $0x0  }
0x1f: {  	s9 =	smul.u32 $0xF7A, s1;
	s8 =	simm.s32 @!p0 $0x1BF5;
	p2 =	por !p2, p0  }
0x20: {  	[sflag:s8] =	ssyncset.s32 @!p0 $0xFFFFF086;
	s6 =	sadd.s32 @!p0 s3, s7;
	s7 =	simm.s32 @!p0 $0x108  }
0x21: {  	s3 =	sadd.s32 s3, s9;
	s6 =	sadd.s32 @!p0 $0x88, s6;
	s7 =	simm.s32 @p2 $0x1082  }
0x22: {  	[simem:s7], [sflag:s8] =	dma.local @!p0 [hbm:s6], $0xF7A  }
0x23: {  	s9 =	sor.u32 $0xD0000000, s2;
	s6 =	simm.s32 $0x108;
	_ =	swait.ge @!p0 [sflag:s8], $0x0  }
0x24: {  	s3 =	sadd.s32 $0x88, s3;
	s6 =	simm.s32 @!p1 $0x1082;
	[sflag:s4] =	ssyncset.s32 $0xFFFFF086  }
0x25: {  	[simem:s6], [sflag:s4] =	dma.local [hbm:s3], $0xF7A  }
0x26: {  	[smem:$0x3F9E] =	sst s1;
	(tag) =	ssettag s2;
	_ =	strace s9  }
0x27: {  	s1 =	sld [smem:$0x3FAE]  }
0x28: {  	s2 =	sld [smem:$0x3FAF]  }
0x29: {  	s4 =	sld [smem:$0x3FB1]  }
0x2a: {  	p0 =	seq.s32 s5, $0x0;
	s5 =	sld [smem:$0x3FB2]  }
0x2b: {  	s6 =	sld [smem:$0x3FB3]  }
0x2c: {  	s7 =	sld [smem:$0x3FB4]  }
0x2d: {  	s3 =	simm.s32 $0x108;
	s8 =	sld [smem:$0x3FB5]  }
0x2e: {  	s3 =	simm.s32 @!p0 $0x1082;
	s9 =	sld [smem:$0x3FB6]  }
0x2f: {  	lr =	sadd.s32 s0, s3;
	s0 =	sld [smem:$0x3FAD]  }
0x30: {  	s3 =	sld [smem:$0x3FB0]  }
0x31: {  	[smem:$0x3FB9] =	sst s10  }
0x32: {  	s10 =	sld [smem:$0x3FB7];
	_ =	sdelay $0x3  }
0x33: {  	p0 =	seq.s32 s10, $0x1;
	s10 =	sld [smem:$0x3FB9];
	_ =	sdelay $0x3  }
0x34: {  	[smem:$0x3FB9] =	sst s10  }
0x35: {  	s10 =	sld [smem:$0x3FB8];
	_ =	sdelay $0x3  }
0x36: {  	p1 =	seq.s32 s10, $0x1;
	s10 =	sld [smem:$0x3FB9];
	_ =	sdelay $0x3  }
0x37: {  	[smem:$0x3FB9] =	sst s10  }
0x38: {  	s10 =	sld [smem:$0x3FBA]  }
0x39: {  	_ = 	snop;
	(pc) =	sbr.ind lr, $3  }
0x3a: {  	_ = 	snop  }
0x3b: {  	_ = 	snop  }
0x3c: {  	p2 =	seq.s32 s10, $0x1;
	s10 =	sld [smem:$0x3FB9]  }
0x3d: {  	_ =	shalt  }
0x3e: {  	_ =	shalt  }
0x3f: {  	_ =	shalt  }
0x40: {  	_ =	shalt  }
0x41: {  	_ =	shalt  }
0x42: {  	_ =	shalt  }
0x43: {  	_ =	shalt  }
0x44: {  	_ =	shalt  }
0x45: {  	_ =	shalt  }
0x46: {  	_ =	shalt  }
0x47: {  	_ =	shalt  }
0x48: {  	_ =	shalt  }
0x49: {  	_ =	shalt  }
0x4a: {  	_ =	shalt  }
0x4b: {  	_ =	shalt  }
0x4c: {  	_ =	shalt  }
0x4d: {  	_ =	shalt  }
0x4e: {  	_ =	shalt  }
0x4f: {  	_ =	shalt  }
0x50: {  	_ =	shalt  }
0x51: {  	_ =	shalt  }
0x52: {  	_ =	shalt  }
0x53: {  	_ =	shalt  }
0x54: {  	_ =	shalt  }
0x55: {  	_ =	shalt  }
0x56: {  	_ =	shalt  }
0x57: {  	_ =	shalt  }
0x58: {  	_ =	shalt  }
0x59: {  	_ =	shalt  }
0x5a: {  	_ =	shalt  }
0x5b: {  	_ =	shalt  }
0x5c: {  	_ =	shalt  }
0x5d: {  	_ =	shalt  }
0x5e: {  	_ =	shalt  }
0x5f: {  	_ =	shalt  }
0x60: {  	_ =	shalt  }
0x61: {  	_ =	shalt  }
0x62: {  	_ =	shalt  }
0x63: {  	_ =	shalt  }
0x64: {  	_ =	shalt  }
0x65: {  	_ =	shalt  }
0x66: {  	_ =	shalt  }
0x67: {  	_ =	shalt  }
0x68: {  	_ =	shalt  }
0x69: {  	_ =	shalt  }
0x6a: {  	_ =	shalt  }
0x6b: {  	_ =	shalt  }
0x6c: {  	_ =	shalt  }
0x6d: {  	_ =	shalt  }
0x6e: {  	_ =	shalt  }
0x6f: {  	_ =	shalt  }
0x70: {  	_ =	shalt  }
0x71: {  	_ =	shalt  }
0x72: {  	_ =	shalt  }
0x73: {  	_ =	shalt  }
0x74: {  	_ =	shalt  }
0x75: {  	_ =	shalt  }
0x76: {  	_ =	shalt  }
0x77: {  	_ =	shalt  }
0x78: {  	_ =	shalt  }
0x79: {  	_ =	shalt  }
0x7a: {  	_ =	shalt  }
0x7b: {  	_ =	shalt  }
0x7c: {  	_ =	shalt  }
0x7d: {  	_ =	shalt  }
0x7e: {  	_ =	shalt  }
0x7f: {  	_ =	shalt  }
0x80: {  	_ =	shalt  }
0x81: {  	_ =	shalt  }
0x82: {  	_ =	shalt  }
0x83: {  	_ =	shalt  }
0x84: {  	_ =	shalt  }
0x85: {  	_ =	shalt  }
0x86: {  	_ =	shalt  }
0x87: {  	_ =	shalt  }
.Lfunc_end0:
.L_simem_size_0:
called_computation.1_lowered:
.L_overlay_start_0:
0x88: {  	s2 =	sld [smem:$0x3FD9]  }
0x89: {  	s3 =	sld [smem:$0x3FFE];
	_ =	sdelay $0x1  }
0x8a: {  	s1 =	srdreg.scid  }
0x8b: {  	s0 =	sand.u32 $0x1, s1  }
0x8c: {  	s14 =	sshll.u32 s0, $0xA;
	s2 =	sadd.s32 s3, s2  }
0x8d: {  	s2 =	sadd.s32 s2, s14  }
0x8e: {  	[smem:$0x3FC5] =	sst s2  }
0x8f: {  	_ = 	snop  }
0x90: {  	s2 =	sld [smem:$0x3FD0];
	_ =	sdelay $0x2  }
0x91: {  	s15 =	simm.s32 $0xA;
	s4 =	simm.s32 $0x10  }
0x92: {  	[smem:s4], [sflag:s15] =	dma.local [hbm:s2], $0x1  }
0x93: {  	_ =	swait.eq [sflag:s15], $0x1  }
0x94: {  	[sflag:s15] =	ssyncset.done $0x0  }
0x95: {  	[sflag:s15] =	ssyncadd.s32 $0xFFFFFFFF  }
0x96: {  	s16 =	sld [smem:$0x11];
	(tm) =	ssettm $0x1  }
0x97: {  	s17 =	sld [smem:$0x3FFB];
	_ =	sdelay $0x3  }
0x98: {  	_ =	strace s17  }
0x99: {  	s3 =	sld [smem:$0x3FFC];
	_ =	sdelay $0x3  }
0x9a: {  	_ =	strace s3  }
0x9b: {  	s3 =	sld [smem:$0x3FFD];
	_ =	sdelay $0x3  }
0x9c: {  	_ =	strace s3  }
0x9d: {  	_ =	strace $0x8FFFFFFF  }
0x9e: {  	s18 =	sld [smem:$0x3FDB];
	_ =	sdelay $0x1  }
0x9f: {  	s19 =	simm.s32 $_scs_section_size  }
0xa0: {  	s5 =	simm.s32 $_size__tile_overlayer_lowered;
	s6 =	simm.s32 $_tile_overlayer_lowered  }
0xa1: {  	s22 =	simm.s32 $0x1BFF;
	s21 =	sshll.u32 s6, $0x1;
	s3 =	sadd.s32 s19, s18  }
0xa2: {  	s7 =	simm.s32 $0x0;
	s20 =	sshll.u32 s5, $0x1;
	s5 =	sadd.s32 s21, s3  }
0xa3: {  	[timem:s7], [sflag:s22] =	dma.local [hbm:s5], s20  }
0xa4: {  	_ =	swait.ge [sflag:s22], s20  }
0xa5: {  	s4 =	ssub.s32 $0x0, s20;
	[sflag:s22] =	ssyncset.done $0x0  }
0xa6: {  	[sflag:s22] =	ssyncadd.s32 s4;
	_ =	sdelay $0x1  }
0xa7: {  	s23 =	simm.s32 $0x1B8B  }
0xa8: {  	_ =	swait.ge [sflag:s23], $0x1  }
0xa9: {  	[sflag:s23] =	ssyncset.done $0x0  }
0xaa: {  	s25 =	simm.s32 $0x1B8E;
	s24 =	sld [smem:$0x3FFE];
	[sflag:s23] =	ssyncadd.s32 $0xFFFFFFFF  }
0xab: {  	s26 =	simm.s32 $execute0_lowered;
	[smem:$0x3FD2] =	sst s25  }
0xac: {  	s5 =	sshll.u32 s26, $0x1;
	_ =	strace $0x80000049;
	[dreg:$0x1] =	wrdreg $0xFFFFFFFF  }
0xad: {  	s28 =	simm.s32 $_size_execute0_lowered;
	s3 =	sadd.s32 s3, s5;
	[dreg:$0x0] =	wrdreg $0x0  }
0xae: {  	s5 =	sshll.u32 s28, $0x1;
	[dreg:$0x2] =	wrdreg s3  }
0xaf: {  	[dreg:$0x3] =	wrdreg s5  }
0xb0: {  	[dreg:$0x4] =	wrdreg $0xC0  }
0xb1: {  	_ =	task [dreg:s7], $0x5FFFF  }
0xb2: {  	[dreg:$0x1] =	wrdreg $0xFFFFFFFF  }
0xb3: {  	[dreg:$0x0] =	wrdreg $0x60  }
0xb4: {  	[dreg:$0x2] =	wrdreg s24  }
0xb5: {  	[dreg:$0x3] =	wrdreg s16  }
0xb6: {  	[dreg:$0x4] =	wrdreg $0x0  }
0xb7: {  	[dreg:$0x5] =	wrdreg $0x9  }
0xb8: {  	_ =	task.clear_ibuf [dreg:s7], $0x6FFFF;
	_ =	strace $0x90000049  }
0xb9: {  	s29 =	simm.s32 $0x9;
	_ =	strace $0x8000004B  }
0xba: {  	_ =	swait.ge [sflag:s29], $0x1  }
0xbb: {  	[sflag:s29] =	ssyncadd.s32 $0xFFFFFFFF  }
0xbc: {  	_ =	strace $0x9000004B  }
0xbd: {  	_ =	sfence  }
0xbe: {  	s30 =	sld [smem:$0x0];
	_ =	sdelay $0x2  }
0xbf: {  	s31 =	sshll.u32 s1, $0xD;
	s1 =	sshrl.u32 s1, $0x2  }
0xc0: {  	s3 =	sand.u32 $0x4000, s31;
	s1 =	sadd.s32 s1, s30  }
0xc1: {  	s0 =	sor.u32 s3, s0;
	s1 =	sshll.u32 s1, $0x11  }
0xc2: {  	s0 =	sor.u32 s1, s0  }
0xc3: {  	s0 =	sadd.s32 $0x8F2B, s0  }
0xc4: {  	[sflag:s0] =	ssyncadd.remote.s32 $0x1  }
0xc5: {  	_ =	sfence.sel $0xFFFF  }
0xc6: {  	[dreg:$0x0] =	wrdreg $0xFFFFFFFF;
	(pc) =	sbr.abs _section_cstart, $3  }
0xc7: {  	[dreg:$0x1] =	wrdreg $0xFFFFFFFF  }
0xc8: {  	_ =	task.clear_ibuf [dreg:s7], $0x2FFFF;
	_ =	strace $0x9FFFFFFF  }
0xc9: {  	(tm) =	ssettm $0x7FFFFFFF  }
tec
execute0_lowered:
.L_overlay_start_1:
0x0: {  	(tag) =	ssettag $0x1  }
0x1: {  	s0 =	rddreg [dreg:$0x0]  }
0x2: {  	s2 =	rddreg [dreg:$0x1]  }
0x3: {  	s3 =	rddreg [dreg:$0x2]  }
0x4: {  	s11 =	stileid.u32;
	s1 =	srdreg.scid;
	s5 =	simm.s32 $0x0  }
0x5: {  	s15 =	simm.s32 $0x80;
	s24 =	simm.s32 $0x1C080;
	s25 =	simm.s32 $0x1C180  }
0x6: {  	s26 =	simm.s32 $0x1C280;
	s28 =	simm.s32 $0x3;
	s29 =	simm.s32 $0x7  }
0x7: {  	s30 =	simm.s32 $0x2;
	s31 =	simm.s32 $0x4;
	s4 =	smul.u32 $0x2800, s11  }
0x8: {  	s1 =	sand.u32 $0x1, s1;
	[smem:$0x7FF] =	sst s5;
	s7 =	smul.u32 $0x50000, s11  }
0x9: {  	s5 =	sadd.s32 $0x2200, s0;
	s19 =	sshll.u32 s11, $0x6;
	s21 =	smul.u32 $0x500, s11  }
0xa: {  	s6 =	smul.u32 $0x28000, s1;
	_ =	strace $0x8000004A;
	[dreg:$0x7] =	wrdreg s19  }
0xb: {  	s16 =	sshll.u32 s1, $0x4;
	s17 =	ssub.s32 $0x2, s1;
	[dreg:$0x4] =	wrdreg s24  }
0xc: {  	s1 =	smul.u32 $0x5000, s1;
	[dreg:$0x5] =	wrdreg s25;
	s24 =	simm.s32 $0x18000  }
0xd: {  	[dreg:$0x6] =	wrdreg s26;
	s25 =	simm.s32 $0x1C300;
	s26 =	simm.s32 $0x1  }
0xe: {  	s8 =	sadd.s32 s4, s0;
	s9 =	sshrl.u32 s17, $0x1;
	s7 =	sshrl.u32 s7, $0x2  }
0xf: {  	s4 =	sadd.s32 s4, s6;
	s6 =	sor.u32 s11, s16;
	s18 =	sadd.s32 s7, s3  }
0x10: {  	s8 =	sadd.s32 $0x2A200, s8;
	s13 =	sadd.s32 s21, s1;
	s16 =	simm.s32 $0x50000  }
0x11: {  	s21 =	simm.s32 $0x14000;
	s1 =	simm.s32 $0xA;
	s0 =	sadd.s32 s4, s0  }
0x12: {  	s10 =	smul.u32 $0x500, s6;
	s4 =	ssub.s32 s17, s9;
	[dreg:$0x9] =	wrdreg s8  }
0x13: {  	s6 =	sor.u32 $0x1C09, s19;
	s14 =	sshrl.u32 s18, $0x3;
	s17 =	simm.s32 $0x1C000  }
0x14: {  	s18 =	simm.s32 $0x1C100;
	[dreg:$0xa] =	wrdreg s6;
	s0 =	sadd.s32 $0x52200, s0  }
0x15: {  	s23 =	smax.u32 s4, $0x1;
	s4 =	simm.s32 $0x0;
	[dreg:$0xc] =	wrdreg s0  }
0x16: {  	s20 =	sadd.s32 s2, s10;
	[dreg:$0xd] =	wrdreg s23;
	s23 =	simm.s32 $0x6  }
0x17: {  	s0 =	simm.s32 $0x8;
	[dreg:$0x8] =	wrdreg s20;
	s22 =	sadd.s32 $0x10, s20  }
0x18: {  	s20 =	simm.s32 $0x5;
	[dreg:$0xb] =	wrdreg s22;
	s22 =	simm.s32 $0x1C200  }
.LBB2_1:
0x19: {  	s6 =	rddreg [dreg:$0x9]  }
0x1a: {  	s7 =	rddreg [dreg:$0xa]  }
0x1b: {  	[spmem:s14], [sflag:s7] =	dma.local [hbm:s6], $0x2800  }
0x1c: {  	s6 =	rddreg [dreg:$0x8]  }
0x1d: {  	[tilespmem:s17], [sflag:$0x5] =	stream.strided.gather [hbm4b:s6+s15], $0x100, s16, s15, $0x38;
	[tilespmem:$0x1C400] =	vst v63  }
0x1e: {  	s10 =	simm.s32 $0x9;
	s9 =	rddreg [dreg:$0xb]  }
0x1f: {  	[tilespmem:s18], [sflag:$0x6] =	stream.strided.gather [hbm4b:s9+s15], $0x100, s16, s15, $0x38;
	[tilespmem:$0x1C400] =	vst v63  }
0x20: {  	_ =	swait.ge [sflag:s10], $0x2800  }
0x21: {  	p0 =	por $0x1, $0x1;
	[sflag:s10] =	ssyncset.done $0x0  }
0x22: {  	p0 =	por p0, p0;
	[sflag:s10] =	ssyncadd.s32 $0xFFFFD800  }
0x23: {  	s8 =	simm.s32 @!p0 $0x3;
	[bflag:$0x0] =	sbarrier.arrive $0xFFFF  }
0x24: {  	_ =	swait.ge @!p0 [sflag:s8], $0x4000  }
0x25: {  	[sflag:s8] =	ssyncset.done @!p0 $0x0  }
0x26: {  	s6 =	simm.s32 $0x0;
	[sflag:s8] =	ssyncadd.s32 @!p0 $0xFFFFC000  }
0x27: {  	s11 =	sadd.s32 $0x0, s13;
	s9 =	sand.u32 $0x40, s6;
	_ =	swait.ge [sflag:s20], $0x100  }
0x28: {  	s9 =	sadd.s32 s9, s2;
	s8 =	sand.u32 $0xFFFFF80, s11;
	[sflag:s20] =	ssyncset.done $0x0  }
0x29: {  	s8 =	sadd.s32 s8, s9;
	[sflag:s20] =	ssyncadd.s32 $0xFFFFFF00  }
0x2a: {  	[tilespmem:s21], [sflag:$0x1] =	stream.indirect.gather [hbm4b:s5+s15], $0x80, s17, s15, $0xb8;
	[tilespmem:$0x1C400] =	vst v63  }
0x2b: {  	s10 =	simm.s32 @!p0 $0x2;
	s9 =	sadd.s32 $0x20, s8  }
0x2c: {  	[tilespmem:s22], [sflag:$0x7] =	stream.strided.gather [hbm4b:s9+s15], $0x100, s16, s15, $0x38;
	[tilespmem:$0x1C400] =	vst v63  }
0x2d: {  	_ =	swait.ge @!p0 [sflag:s10], $0x4000  }
0x2e: {  	s11 =	simm.s32 @!p0 $0x1C380;
	[sflag:s10] =	ssyncset.done @!p0 $0x0  }
0x2f: {  	s9 =	simm.s32 @!p0 $0x18000;
	[sflag:s10] =	ssyncadd.s32 @!p0 $0xFFFFC000;
	s10 =	simm.s32 @!p0 $0x80  }
0x30: {  	[spmem:s3] =	stream.indirect.scatter.add.f32 @!p0 [tilespmem:s9], [sflag:$0x4], $0x80, s11, s10, $0xb8;
	[tilespmem:$0x1C400] =	vst v63  }
0x31: {  	s9 =	simm.s32 @!p0 $0x4  }
0x32: {  	_ =	swait.ge @!p0 [sflag:s9], $0x4000  }
0x33: {  	[sflag:s9] =	ssyncset.done @!p0 $0x0  }
0x34: {  	[sflag:s9] =	ssyncadd.s32 @!p0 $0xFFFFC000  }
0x35: {  	_ =	swait.ge [sflag:s23], $0x100  }
0x36: {  	[sflag:s23] =	ssyncset.done $0x0  }
0x37: {  	[sflag:s23] =	ssyncadd.s32 $0xFFFFFF00  }
0x38: {  	[tilespmem:s24], [sflag:$0x2] =	stream.indirect.gather [hbm4b:s5+s15], $0x80, s18, s15, $0xb8;
	[tilespmem:$0x1C400] =	vst v63  }
0x39: {  	s8 =	sadd.s32 $0x30, s8  }
0x3a: {  	[tilespmem:s25], [sflag:$0x8] =	stream.strided.gather [hbm4b:s8+s15], $0x100, s16, s15, $0x38;
	[tilespmem:$0x1C400] =	vst v63  }
0x3b: {  	_ =	swait.ge [sflag:s26], $0x4000  }
0x3c: {  	[sflag:s26] =	ssyncset.done $0x0  }
0x3d: {  	s12 =	rddreg [dreg:$0x4];
	[sflag:s26] =	ssyncadd.s32 $0xFFFFC000  }
0x3e: {  	[spmem:s3] =	stream.indirect.scatter.add.f32 [tilespmem:s21], [sflag:$0x3], $0x80, s12, s15, $0xb8;
	[tilespmem:$0x1C400] =	vst v63  }
0x3f: {  	_ =	swait.ge [sflag:s28], $0x4000  }
0x40: {  	p0 =	por $0x0, $0x0;
	[sflag:s28] =	ssyncset.done $0x0  }
0x41: {  	s9 =	simm.s32 @!p0 $0x50000;
	[sflag:s28] =	ssyncadd.s32 $0xFFFFC000  }
0x42: {  	s10 =	sxor.u32 @!p0 $0xFFFFFFFF, s6;
	s8 =	sadd.s32 @!p0 $0x0, s13;
	_ =	swait.ge [sflag:s29], $0x100  }
0x43: {  	s10 =	sand.u32 @!p0 $0x40, s10;
	s8 =	sadd.s32 @!p0 $0x40, s8;
	[sflag:s29] =	ssyncset.done $0x0  }
0x44: {  	s10 =	sadd.s32 @!p0 s2, s10;
	s8 =	sand.u32 @!p0 $0xFFFFF80, s8;
	[sflag:s29] =	ssyncadd.s32 $0xFFFFFF00  }
0x45: {  	[tilespmem:s21], [sflag:$0x1] =	stream.indirect.gather [hbm4b:s5+s15], $0x80, s22, s15, $0xb8;
	[tilespmem:$0x1C400] =	vst v63  }
0x46: {  	s11 =	simm.s32 @!p0 $0x1C000;
	s8 =	sadd.s32 @!p0 s8, s10;
	s10 =	simm.s32 @!p0 $0x80  }
0x47: {  	[tilespmem:s11], [sflag:$0x5] =	stream.strided.gather @!p0 [hbm4b:s8+s10], $0x100, s9, s10, $0x38;
	[tilespmem:$0x1C400] =	vst v63  }
0x48: {  	_ =	swait.ge [sflag:s30], $0x4000  }
0x49: {  	[sflag:s30] =	ssyncset.done $0x0  }
0x4a: {  	s19 =	rddreg [dreg:$0x5];
	[sflag:s30] =	ssyncadd.s32 $0xFFFFC000  }
0x4b: {  	[spmem:s3] =	stream.indirect.scatter.add.f32 [tilespmem:s24], [sflag:$0x4], $0x80, s19, s15, $0xb8;
	[tilespmem:$0x1C400] =	vst v63  }
0x4c: {  	_ =	swait.ge [sflag:s31], $0x4000  }
0x4d: {  	[sflag:s31] =	ssyncset.done $0x0  }
0x4e: {  	[sflag:s31] =	ssyncadd.s32 $0xFFFFC000  }
0x4f: {  	s8 =	simm.s32 @!p0 $0x50;
	_ =	swait.ge [sflag:s0], $0x100  }
0x50: {  	s11 =	sadd.s32 @!p0 $0x50, s13;
	s8 =	sand.u32 @!p0 $0x50, s8;
	[sflag:s0] =	ssyncset.done $0x0  }
0x51: {  	s11 =	sand.u32 @!p0 $0xFFFFF80, s11;
	s8 =	sadd.s32 @!p0 s2, s8;
	[sflag:s0] =	ssyncadd.s32 $0xFFFFFF00  }
0x52: {  	[tilespmem:s24], [sflag:$0x2] =	stream.indirect.gather [hbm4b:s5+s15], $0x80, s25, s15, $0xb8;
	[tilespmem:$0x1C400] =	vst v63  }
0x53: {  	s8 =	sadd.s32 @!p0 s11, s8;
	s11 =	simm.s32 @!p0 $0x1C100  }
0x54: {  	[tilespmem:s11], [sflag:$0x6] =	stream.strided.gather @!p0 [hbm4b:s8+s10], $0x100, s9, s10, $0x38;
	[tilespmem:$0x1C400] =	vst v63  }
0x55: {  	p6 =	por $0x0, $0x0;
	s8 =	simm.s32 $0x40  }
0x56: {  	s9 =	simm.s32 $0x80;
	p0 =	por p6, p6;
	_ =	swait.ge [sflag:s26], $0x4000  }
.LBB2_2:
0x57: {  	[sflag:s26] =	ssyncset.done $0x0  }
0x58: {  	s11 =	rddreg [dreg:$0x6];
	s12 =	simm.s32 @!p0 $0x3;
	[sflag:s26] =	ssyncadd.s32 $0xFFFFC000  }
0x59: {  	[spmem:s3] =	stream.indirect.scatter.add.f32 [tilespmem:s21], [sflag:$0x3], $0x80, s11, s15, $0xb8;
	[tilespmem:$0x1C400] =	vst v63  }
0x5a: {  	_ =	swait.ge @!p0 [sflag:s12], $0x4000  }
0x5b: {  	[sflag:s12] =	ssyncset.done @!p0 $0x0  }
0x5c: {  	[sflag:s12] =	ssyncadd.s32 @!p0 $0xFFFFC000  }
0x5d: {  	s6 =	sadd.s32 s8, s13;
	s7 =	sand.u32 $0x40, s8;
	_ =	swait.ge [sflag:s20], $0x100  }
0x5e: {  	s11 =	sand.u32 $0xFFFFF80, s6;
	s12 =	sadd.s32 s7, s2;
	[sflag:s20] =	ssyncset.done $0x0  }
0x5f: {  	s11 =	sadd.s32 s11, s12;
	[sflag:s20] =	ssyncadd.s32 $0xFFFFFF00  }
0x60: {  	[tilespmem:s21], [sflag:$0x1] =	stream.indirect.gather [hbm4b:s5+s15], $0x80, s17, s15, $0xb8;
	[tilespmem:$0x1C400] =	vst v63  }
0x61: {  	s6 =	simm.s32 @!p0 $0x2;
	s12 =	sadd.s32 $0x20, s11  }
0x62: {  	[tilespmem:s22], [sflag:$0x7] =	stream.strided.gather [hbm4b:s12+s15], $0x100, s16, s15, $0x38;
	[tilespmem:$0x1C400] =	vst v63  }
0x63: {  	_ =	swait.ge @!p0 [sflag:s6], $0x4000  }
0x64: {  	s19 =	simm.s32 @!p0 $0x1C380;
	s7 =	simm.s32 @!p0 $0x18000;
	[sflag:s6] =	ssyncset.done @!p0 $0x0  }
0x65: {  	s12 =	simm.s32 @!p0 $0x4;
	[sflag:s6] =	ssyncadd.s32 @!p0 $0xFFFFC000;
	s6 =	simm.s32 @!p0 $0x80  }
0x66: {  	[spmem:s3] =	stream.indirect.scatter.add.f32 @!p0 [tilespmem:s7], [sflag:$0x4], $0x80, s19, s6, $0xb8;
	[tilespmem:$0x1C400] =	vst v63  }
0x67: {  	_ =	swait.ge @!p0 [sflag:s12], $0x4000  }
0x68: {  	[sflag:s12] =	ssyncset.done @!p0 $0x0  }
0x69: {  	[sflag:s12] =	ssyncadd.s32 @!p0 $0xFFFFC000  }
0x6a: {  	_ =	swait.ge [sflag:s23], $0x100  }
0x6b: {  	[sflag:s23] =	ssyncset.done $0x0  }
0x6c: {  	[sflag:s23] =	ssyncadd.s32 $0xFFFFFF00  }
0x6d: {  	[tilespmem:s24], [sflag:$0x2] =	stream.indirect.gather [hbm4b:s5+s15], $0x80, s18, s15, $0xb8;
	[tilespmem:$0x1C400] =	vst v63  }
0x6e: {  	s11 =	sadd.s32 $0x30, s11  }
0x6f: {  	[tilespmem:s25], [sflag:$0x8] =	stream.strided.gather [hbm4b:s11+s15], $0x100, s16, s15, $0x38;
	[tilespmem:$0x1C400] =	vst v63  }
0x70: {  	_ =	swait.ge [sflag:s26], $0x4000  }
0x71: {  	[sflag:s26] =	ssyncset.done $0x0  }
0x72: {  	s12 =	rddreg [dreg:$0x4];
	[sflag:s26] =	ssyncadd.s32 $0xFFFFC000  }
0x73: {  	[spmem:s3] =	stream.indirect.scatter.add.f32 [tilespmem:s21], [sflag:$0x3], $0x80, s12, s15, $0xb8;
	[tilespmem:$0x1C400] =	vst v63  }
0x74: {  	p2 =	seq.s32 s9, $0x0;
	_ =	swait.ge [sflag:s28], $0x4000  }
0x75: {  	p0 =	por p2, p2;
	p2 =	seq.s32 s8, $0x4C0;
	[sflag:s28] =	ssyncset.done $0x0  }
0x76: {  	s6 =	sadd.s32 @!p2 s8, s13;
	[sflag:s28] =	ssyncadd.s32 $0xFFFFC000  }
0x77: {  	s7 =	simm.s32 @!p2 $0x50000;
	s11 =	sxor.u32 @!p2 $0xFFFFFFFF, s8;
	_ =	swait.ge [sflag:s29], $0x100  }
0x78: {  	s6 =	sadd.s32 @!p2 $0x40, s6;
	s11 =	sand.u32 @!p2 $0x40, s11;
	[sflag:s29] =	ssyncset.done $0x0  }
0x79: {  	s6 =	sand.u32 @!p2 $0xFFFFF80, s6;
	s11 =	sadd.s32 @!p2 s2, s11;
	[sflag:s29] =	ssyncadd.s32 $0xFFFFFF00  }
0x7a: {  	[tilespmem:s21], [sflag:$0x1] =	stream.indirect.gather [hbm4b:s5+s15], $0x80, s22, s15, $0xb8;
	[tilespmem:$0x1C400] =	vst v63  }
0x7b: {  	s6 =	sadd.s32 @!p2 s6, s11;
	s11 =	simm.s32 @!p2 $0x80;
	s12 =	simm.s32 @!p2 $0x1C000  }
0x7c: {  	[tilespmem:s12], [sflag:$0x5] =	stream.strided.gather @!p2 [hbm4b:s6+s11], $0x100, s7, s11, $0x38;
	[tilespmem:$0x1C400] =	vst v63  }
0x7d: {  	s10 =	smov.u32 s9;
	s19 =	sadd.s32 @!p2 $0x50, s8;
	_ =	swait.ge [sflag:s30], $0x4000  }
0x7e: {  	s8 =	smov.u32 s10;
	s10 =	sand.u32 @!p2 $0x50, s19;
	[sflag:s30] =	ssyncset.done $0x0  }
0x7f: {  	s6 =	sadd.s32 @!p2 s13, s19;
	s19 =	rddreg [dreg:$0x5];
	[sflag:s30] =	ssyncadd.s32 $0xFFFFC000  }
0x80: {  	[spmem:s3] =	stream.indirect.scatter.add.f32 [tilespmem:s24], [sflag:$0x4], $0x80, s19, s15, $0xb8;
	[tilespmem:$0x1C400] =	vst v63  }
0x81: {  	_ =	swait.ge [sflag:s31], $0x4000  }
0x82: {  	[sflag:s31] =	ssyncset.done $0x0  }
0x83: {  	[sflag:s31] =	ssyncadd.s32 $0xFFFFC000  }
0x84: {  	s9 =	sadd.s32 $0x40, s9;
	_ =	swait.ge [sflag:s0], $0x100  }
0x85: {  	p1 =	sne.s32 s9, $0x500;
	s10 =	sadd.s32 @!p2 s2, s10;
	[sflag:s0] =	ssyncset.done $0x0  }
.Ltmp0:
0x86: {  	s6 =	sand.u32 @!p2 $0xFFFFF80, s6;
	[sflag:s0] =	ssyncadd.s32 $0xFFFFFF00;
	(pc) =	sbr.rel @p1 .LBB2_2-.Ltmp0, $4  }
0x87: {  	[tilespmem:s24], [sflag:$0x2] =	stream.indirect.gather [hbm4b:s5+s15], $0x80, s25, s15, $0xb8;
	[tilespmem:$0x1C400] =	vst v63  }
0x88: {  	s6 =	sadd.s32 @!p2 s6, s10;
	s10 =	simm.s32 @!p2 $0x1C100  }
0x89: {  	[tilespmem:s10], [sflag:$0x6] =	stream.strided.gather @!p2 [hbm4b:s6+s11], $0x100, s7, s11, $0x38;
	[tilespmem:$0x1C400] =	vst v63  }
0x8a: {  	_ =	swait.ge [sflag:s26], $0x4000  }
0x8b: {  	[sflag:s26] =	ssyncset.done $0x0  }
0x8c: {  	s6 =	rddreg [dreg:$0x6];
	s7 =	simm.s32 @!p0 $0x3;
	[sflag:s26] =	ssyncadd.s32 $0xFFFFC000  }
0x8d: {  	[spmem:s3] =	stream.indirect.scatter.add.f32 [tilespmem:s21], [sflag:$0x3], $0x80, s6, s15, $0xb8;
	[tilespmem:$0x1C400] =	vst v63  }
0x8e: {  	_ =	swait.ge @!p0 [sflag:s7], $0x4000  }
0x8f: {  	[sflag:s7] =	ssyncset.done @!p0 $0x0  }
0x90: {  	[sflag:s7] =	ssyncadd.s32 @!p0 $0xFFFFC000  }
0x91: {  	s10 =	sadd.s32 s8, s13;
	s11 =	sand.u32 $0x40, s8;
	_ =	swait.ge [sflag:s20], $0x100  }
0x92: {  	s6 =	sand.u32 $0xFFFFF80, s10;
	s7 =	sadd.s32 s11, s2;
	[sflag:s20] =	ssyncset.done $0x0  }
0x93: {  	s6 =	sadd.s32 s6, s7;
	[sflag:s20] =	ssyncadd.s32 $0xFFFFFF00  }
0x94: {  	[tilespmem:s21], [sflag:$0x1] =	stream.indirect.gather [hbm4b:s5+s15], $0x80, s17, s15, $0xb8;
	[tilespmem:$0x1C400] =	vst v63  }
0x95: {  	s9 =	simm.s32 @!p0 $0x2;
	s7 =	sadd.s32 $0x20, s6  }
0x96: {  	[tilespmem:s22], [sflag:$0x7] =	stream.strided.gather [hbm4b:s7+s15], $0x100, s16, s15, $0x38;
	[tilespmem:$0x1C400] =	vst v63  }
0x97: {  	_ =	swait.ge @!p0 [sflag:s9], $0x4000  }
0x98: {  	s10 =	simm.s32 @!p0 $0x1C380;
	[sflag:s9] =	ssyncset.done @!p0 $0x0  }
0x99: {  	s7 =	simm.s32 @!p0 $0x18000;
	[sflag:s9] =	ssyncadd.s32 @!p0 $0xFFFFC000;
	s9 =	simm.s32 @!p0 $0x80  }
0x9a: {  	[spmem:s3] =	stream.indirect.scatter.add.f32 @!p0 [tilespmem:s7], [sflag:$0x4], $0x80, s10, s9, $0xb8;
	[tilespmem:$0x1C400] =	vst v63  }
0x9b: {  	s7 =	simm.s32 @!p0 $0x4  }
0x9c: {  	_ =	swait.ge @!p0 [sflag:s7], $0x4000  }
0x9d: {  	[sflag:s7] =	ssyncset.done @!p0 $0x0  }
0x9e: {  	[sflag:s7] =	ssyncadd.s32 @!p0 $0xFFFFC000  }
0x9f: {  	_ =	swait.ge [sflag:s23], $0x100  }
0xa0: {  	[sflag:s23] =	ssyncset.done $0x0  }
0xa1: {  	[sflag:s23] =	ssyncadd.s32 $0xFFFFFF00  }
0xa2: {  	[tilespmem:s24], [sflag:$0x2] =	stream.indirect.gather [hbm4b:s5+s15], $0x80, s18, s15, $0xb8;
	[tilespmem:$0x1C400] =	vst v63  }
0xa3: {  	s6 =	sadd.s32 $0x30, s6  }
0xa4: {  	[tilespmem:s25], [sflag:$0x8] =	stream.strided.gather [hbm4b:s6+s15], $0x100, s16, s15, $0x38;
	[tilespmem:$0x1C400] =	vst v63  }
0xa5: {  	_ =	swait.ge [sflag:s26], $0x4000  }
0xa6: {  	[sflag:s26] =	ssyncset.done $0x0  }
0xa7: {  	s12 =	rddreg [dreg:$0x4];
	[sflag:s26] =	ssyncadd.s32 $0xFFFFC000  }
0xa8: {  	[spmem:s3] =	stream.indirect.scatter.add.f32 [tilespmem:s21], [sflag:$0x3], $0x80, s12, s15, $0xb8;
	[tilespmem:$0x1C400] =	vst v63  }
0xa9: {  	_ =	swait.ge [sflag:s28], $0x4000  }
0xaa: {  	p0 =	seq.s32 s8, $0x4C0;
	[sflag:s28] =	ssyncset.done $0x0  }
0xab: {  	s7 =	simm.s32 @!p0 $0x50000;
	[sflag:s28] =	ssyncadd.s32 $0xFFFFC000  }
0xac: {  	s9 =	sxor.u32 @!p0 $0xFFFFFFFF, s8;
	s6 =	sadd.s32 @!p0 s8, s13;
	_ =	swait.ge [sflag:s29], $0x100  }
0xad: {  	s9 =	sand.u32 @!p0 $0x40, s9;
	s6 =	sadd.s32 @!p0 $0x40, s6;
	[sflag:s29] =	ssyncset.done $0x0  }
0xae: {  	s9 =	sadd.s32 @!p0 s2, s9;
	s6 =	sand.u32 @!p0 $0xFFFFF80, s6;
	[sflag:s29] =	ssyncadd.s32 $0xFFFFFF00  }
0xaf: {  	[tilespmem:s21], [sflag:$0x1] =	stream.indirect.gather [hbm4b:s5+s15], $0x80, s22, s15, $0xb8;
	[tilespmem:$0x1C400] =	vst v63  }
0xb0: {  	s10 =	simm.s32 @!p0 $0x1C000;
	s6 =	sadd.s32 @!p0 s6, s9;
	s9 =	simm.s32 @!p0 $0x80  }
0xb1: {  	[tilespmem:s10], [sflag:$0x5] =	stream.strided.gather @!p0 [hbm4b:s6+s9], $0x100, s7, s9, $0x38;
	[tilespmem:$0x1C400] =	vst v63  }
0xb2: {  	_ =	swait.ge [sflag:s30], $0x4000  }
0xb3: {  	[sflag:s30] =	ssyncset.done $0x0  }
0xb4: {  	s19 =	rddreg [dreg:$0x5];
	[sflag:s30] =	ssyncadd.s32 $0xFFFFC000  }
0xb5: {  	[spmem:s3] =	stream.indirect.scatter.add.f32 [tilespmem:s24], [sflag:$0x4], $0x80, s19, s15, $0xb8;
	[tilespmem:$0x1C400] =	vst v63  }
0xb6: {  	_ =	swait.ge [sflag:s31], $0x4000  }
0xb7: {  	[sflag:s31] =	ssyncset.done $0x0  }
0xb8: {  	[sflag:s31] =	ssyncadd.s32 $0xFFFFC000  }
0xb9: {  	s6 =	sadd.s32 @!p0 $0x50, s8;
	_ =	swait.ge [sflag:s0], $0x100  }
0xba: {  	s8 =	sadd.s32 @!p0 s13, s6;
	s6 =	sand.u32 @!p0 $0x50, s6;
	[sflag:s0] =	ssyncset.done $0x0  }
0xbb: {  	s8 =	sand.u32 @!p0 $0xFFFFF80, s8;
	s6 =	sadd.s32 @!p0 s2, s6;
	[sflag:s0] =	ssyncadd.s32 $0xFFFFFF00  }
0xbc: {  	[tilespmem:s24], [sflag:$0x2] =	stream.indirect.gather [hbm4b:s5+s15], $0x80, s25, s15, $0xb8;
	[tilespmem:$0x1C400] =	vst v63  }
0xbd: {  	s6 =	sadd.s32 @!p0 s8, s6;
	s8 =	simm.s32 @!p0 $0x1C100  }
0xbe: {  	[tilespmem:s8], [sflag:$0x6] =	stream.strided.gather @!p0 [hbm4b:s6+s9], $0x100, s7, s9, $0x38;
	[tilespmem:$0x1C400] =	vst v63  }
0xbf: {  	_ =	swait.ge [sflag:s26], $0x4000  }
0xc0: {  	[sflag:s26] =	ssyncset.done $0x0  }
0xc1: {  	s9 =	rddreg [dreg:$0x6];
	[sflag:s26] =	ssyncadd.s32 $0xFFFFC000  }
0xc2: {  	[spmem:s3] =	stream.indirect.scatter.add.f32 [tilespmem:s21], [sflag:$0x3], $0x80, s9, s15, $0xb8;
	[tilespmem:$0x1C400] =	vst v63  }
0xc3: {  	_ =	swait.ge [sflag:s30], $0x4000  }
0xc4: {  	[sflag:s30] =	ssyncset.done $0x0  }
0xc5: {  	s10 =	simm.s32 $0x1C380;
	[sflag:s30] =	ssyncadd.s32 $0xFFFFC000  }
0xc6: {  	[spmem:s3] =	stream.indirect.scatter.add.f32 [tilespmem:s24], [sflag:$0x4], $0x80, s10, s15, $0xb8;
	[tilespmem:$0x1C400] =	vst v63  }
0xc7: {  	_ =	swait.ge [sflag:s28], $0x4000  }
0xc8: {  	[sflag:s28] =	ssyncset.done $0x0  }
0xc9: {  	[sflag:s28] =	ssyncadd.s32 $0xFFFFC000  }
0xca: {  	_ =	swait.ge [sflag:s31], $0x4000  }
0xcb: {  	[sflag:s31] =	ssyncset.done $0x0  }
0xcc: {  	[sflag:s31] =	ssyncadd.s32 $0xFFFFC000  }
0xcd: {  	[bflag:$0x0] =	sbarrier.arrive $0xFFFF  }
0xce: {  	s11 =	rddreg [dreg:$0x7]  }
0xcf: {  	s12 =	rddreg [dreg:$0xc];
	s6 =	sor.u32 $0x1C0A, s11  }
0xd0: {  	[hbm:s12], [sflag:s6] =	dma.local [spmem:s14], $0x2800  }
0xd1: {  	_ =	swait.ge [sflag:s1], $0x2800  }
0xd2: {  	s4 =	sadd.s32 $0x1, s4;
	s19 =	rddreg [dreg:$0xd]  }
0xd3: {  	p0 =	sne.s32 s4, s19  }
.Ltmp1:
0xd4: {  	_ = 	snop;
	(pc) =	sbr.rel @p0 .LBB2_1-.Ltmp1, $3  }
0xd5: {  	_ =	sdelay $0x1  }
0xd6: {  	[sflag:s1] =	ssyncset.done $0x0  }
0xd7: {  	[sflag:s1] =	ssyncadd.s32 $0xFFFFD800  }
0xd8: {  	_ =	sfence.sel $0x180000  }
0xd9: {  	[bflag:$0x0] =	sbarrier.arrive $0xFFFF  }
0xda: {  	_ =	strace $0x9000004A  }
0xdb: {  	s0 =	stileid.u32;
	[bflag:$0x2] =	sbarrier.arrive $0xFFFF  }
0xdc: {  	p0 =	sne.s32 s0, $0x0;
	s0 =	rddreg [dreg:$0x3]  }
0xdd: {  	s0 =	sadd.s32 @!p0 $0x100000, s0  }
0xde: {  	[sflag:s0] =	ssyncadd.tile.s32 @!p0 $0x1;
	_ =	shalt  }
.Lfunc_end2:
_tile_overlayer_lowered:
.L_overlay_start_2:
0xdf: {  	(tag) =	ssettag $0x2  }
0xe0: {  	s0 =	rddreg [dreg:$0x0];
	s2 =	stileid.u32  }
0xe1: {  	s1 =	rddreg [dreg:$0x1];
	p0 =	sne.s32 s2, $0x0  }
0xe2: {  	s3 =	rddreg [dreg:$0x2];
	[bflag:$0x3] =	sbarrier.arrive $0xFFFF;
	s2 =	simm.s32 @!p0 $0x1C0A  }
0xe3: {  	[timem:s3], [sflag:s2] =	dma.local @!p0 [hbm:s0], s1  }
0xe4: {  	s0 =	simm.s32 @!p0 $0xA  }
0xe5: {  	_ =	swait.ge @!p0 [sflag:s0], s1  }
0xe6: {  	s1 =	ssub.s32 @!p0 $0x0, s1;
	[sflag:s0] =	ssyncset.done @!p0 $0x0  }
0xe7: {  	[sflag:s0] =	ssyncadd.s32 @!p0 s1  }
0xe8: {  	[bflag:$0x3] =	sbarrier.arrive $0xFFFF  }
0xe9: {  	_ =	shalt  }

// kernel: kernel.19.cloned.1.call-start
scs
__scs_entry_jumppad:
0x0: {  	(pc) =	sbr.rel $0x88, $3  }
0x1: {  	(tag) =	ssettag $0x0;
	lr =	simm.s32 $0x1  }
0x2: {  	[smem:$0x3F9E] =	sst lr;
	_ =	strace $0xD0000000  }
0x3: {  	_ = 	snop  }
0x4: {  	_ = 	snop  }
0x5: {  	_ = 	snop  }
0x6: {  	_ = 	snop  }
0x7: {  	_ = 	snop  }
__scs_overlays_trampoline_lowered:
0x8: {  	[smem:$0x3FAD] =	sst s0  }
0x9: {  	[smem:$0x3FAE] =	sst s1  }
0xa: {  	[smem:$0x3FAF] =	sst s2  }
0xb: {  	[smem:$0x3FB0] =	sst s3  }
0xc: {  	[smem:$0x3FB1] =	sst s4  }
0xd: {  	[smem:$0x3FB2] =	sst s5  }
0xe: {  	[smem:$0x3FB3] =	sst s6  }
0xf: {  	[smem:$0x3FB4] =	sst s7  }
0x10: {  	[smem:$0x3FB5] =	sst s8  }
0x11: {  	[smem:$0x3FB6] =	sst s9;
	s0 =	simm.s32 @!p0 $0x0  }
0x12: {  	s1 =	sld [smem:$0x3F9C];
	s0 =	simm.s32 @p0 $0x1  }
0x13: {  	[smem:$0x3FB7] =	sst s0;
	s0 =	simm.s32 @!p1 $0x0  }
0x14: {  	s2 =	sld [smem:$0x3F9B];
	s0 =	simm.s32 @p1 $0x1  }
0x15: {  	[smem:$0x3FB8] =	sst s0;
	s0 =	simm.s32 @!p2 $0x0  }
0x16: {  	s3 =	sld [smem:$0x3FDB];
	s0 =	simm.s32 @p2 $0x1  }
0x17: {  	s4 =	simm.s32 $0x1BF5;
	[smem:$0x3FBA] =	sst s0  }
0x18: {  	s0 =	sld [smem:$0x3F9D];
	_ =	swait.ge [sflag:s4], $0x0  }
0x19: {  	s7 =	sld [smem:$0x3F9E]  }
0x1a: {  	s8 =	sadd.s32 $0xFFFFE003, lr  }
0x1b: {  	s9 =	sadd.s32 $0xFFFFFEF7, lr;
	s5 =	simm.s32 $0xFFFFFFFF;
	p2 =	slt.u32 s8, $0xFFFFF086  }
0x1c: {  	p1 =	slt.u32 s9, $0xF7A;
	s5 =	simm.s32 @!p2 $0x0  }
0x1d: {  	s5 =	simm.s32 @p1 $0x1;
	p0 =	seq.s32 s7, s2  }
0x1e: {  	s7 =	smul.u32 @!p0 $0xF7A, s2;
	p2 =	seq.s32 @!p0 s5, $0x0  }
0x1f: {  	s9 =	smul.u32 $0xF7A, s1;
	s8 =	simm.s32 @!p0 $0x1BF5;
	p2 =	por !p2, p0  }
0x20: {  	[sflag:s8] =	ssyncset.s32 @!p0 $0xFFFFF086;
	s6 =	sadd.s32 @!p0 s3, s7;
	s7 =	simm.s32 @!p0 $0x108  }
0x21: {  	s3 =	sadd.s32 s3, s9;
	s6 =	sadd.s32 @!p0 $0x88, s6;
	s7 =	simm.s32 @p2 $0x1082  }
0x22: {  	[simem:s7], [sflag:s8] =	dma.local @!p0 [hbm:s6], $0xF7A  }
0x23: {  	s9 =	sor.u32 $0xD0000000, s2;
	s6 =	simm.s32 $0x108;
	_ =	swait.ge @!p0 [sflag:s8], $0x0  }
0x24: {  	s3 =	sadd.s32 $0x88, s3;
	s6 =	simm.s32 @!p1 $0x1082;
	[sflag:s4] =	ssyncset.s32 $0xFFFFF086  }
0x25: {  	[simem:s6], [sflag:s4] =	dma.local [hbm:s3], $0xF7A  }
0x26: {  	[smem:$0x3F9E] =	sst s1;
	(tag) =	ssettag s2;
	_ =	strace s9  }
0x27: {  	s1 =	sld [smem:$0x3FAE]  }
0x28: {  	s2 =	sld [smem:$0x3FAF]  }
0x29: {  	s4 =	sld [smem:$0x3FB1]  }
0x2a: {  	p0 =	seq.s32 s5, $0x0;
	s5 =	sld [smem:$0x3FB2]  }
0x2b: {  	s6 =	sld [smem:$0x3FB3]  }
0x2c: {  	s7 =	sld [smem:$0x3FB4]  }
0x2d: {  	s3 =	simm.s32 $0x108;
	s8 =	sld [smem:$0x3FB5]  }
0x2e: {  	s3 =	simm.s32 @!p0 $0x1082;
	s9 =	sld [smem:$0x3FB6]  }
0x2f: {  	lr =	sadd.s32 s0, s3;
	s0 =	sld [smem:$0x3FAD]  }
0x30: {  	s3 =	sld [smem:$0x3FB0]  }
0x31: {  	[smem:$0x3FB9] =	sst s10  }
0x32: {  	s10 =	sld [smem:$0x3FB7];
	_ =	sdelay $0x3  }
0x33: {  	p0 =	seq.s32 s10, $0x1;
	s10 =	sld [smem:$0x3FB9];
	_ =	sdelay $0x3  }
0x34: {  	[smem:$0x3FB9] =	sst s10  }
0x35: {  	s10 =	sld [smem:$0x3FB8];
	_ =	sdelay $0x3  }
0x36: {  	p1 =	seq.s32 s10, $0x1;
	s10 =	sld [smem:$0x3FB9];
	_ =	sdelay $0x3  }
0x37: {  	[smem:$0x3FB9] =	sst s10  }
0x38: {  	s10 =	sld [smem:$0x3FBA]  }
0x39: {  	_ = 	snop;
	(pc) =	sbr.ind lr, $3  }
0x3a: {  	_ = 	snop  }
0x3b: {  	_ = 	snop  }
0x3c: {  	p2 =	seq.s32 s10, $0x1;
	s10 =	sld [smem:$0x3FB9]  }
0x3d: {  	_ =	shalt  }
0x3e: {  	_ =	shalt  }
0x3f: {  	_ =	shalt  }
0x40: {  	_ =	shalt  }
0x41: {  	_ =	shalt  }
0x42: {  	_ =	shalt  }
0x43: {  	_ =	shalt  }
0x44: {  	_ =	shalt  }
0x45: {  	_ =	shalt  }
0x46: {  	_ =	shalt  }
0x47: {  	_ =	shalt  }
0x48: {  	_ =	shalt  }
0x49: {  	_ =	shalt  }
0x4a: {  	_ =	shalt  }
0x4b: {  	_ =	shalt  }
0x4c: {  	_ =	shalt  }
0x4d: {  	_ =	shalt  }
0x4e: {  	_ =	shalt  }
0x4f: {  	_ =	shalt  }
0x50: {  	_ =	shalt  }
0x51: {  	_ =	shalt  }
0x52: {  	_ =	shalt  }
0x53: {  	_ =	shalt  }
0x54: {  	_ =	shalt  }
0x55: {  	_ =	shalt  }
0x56: {  	_ =	shalt  }
0x57: {  	_ =	shalt  }
0x58: {  	_ =	shalt  }
0x59: {  	_ =	shalt  }
0x5a: {  	_ =	shalt  }
0x5b: {  	_ =	shalt  }
0x5c: {  	_ =	shalt  }
0x5d: {  	_ =	shalt  }
0x5e: {  	_ =	shalt  }
0x5f: {  	_ =	shalt  }
0x60: {  	_ =	shalt  }
0x61: {  	_ =	shalt  }
0x62: {  	_ =	shalt  }
0x63: {  	_ =	shalt  }
0x64: {  	_ =	shalt  }
0x65: {  	_ =	shalt  }
0x66: {  	_ =	shalt  }
0x67: {  	_ =	shalt  }
0x68: {  	_ =	shalt  }
0x69: {  	_ =	shalt  }
0x6a: {  	_ =	shalt  }
0x6b: {  	_ =	shalt  }
0x6c: {  	_ =	shalt  }
0x6d: {  	_ =	shalt  }
0x6e: {  	_ =	shalt  }
0x6f: {  	_ =	shalt  }
0x70: {  	_ =	shalt  }
0x71: {  	_ =	shalt  }
0x72: {  	_ =	shalt  }
0x73: {  	_ =	shalt  }
0x74: {  	_ =	shalt  }
0x75: {  	_ =	shalt  }
0x76: {  	_ =	shalt  }
0x77: {  	_ =	shalt  }
0x78: {  	_ =	shalt  }
0x79: {  	_ =	shalt  }
0x7a: {  	_ =	shalt  }
0x7b: {  	_ =	shalt  }
0x7c: {  	_ =	shalt  }
0x7d: {  	_ =	shalt  }
0x7e: {  	_ =	shalt  }
0x7f: {  	_ =	shalt  }
0x80: {  	_ =	shalt  }
0x81: {  	_ =	shalt  }
0x82: {  	_ =	shalt  }
0x83: {  	_ =	shalt  }
0x84: {  	_ =	shalt  }
0x85: {  	_ =	shalt  }
0x86: {  	_ =	shalt  }
0x87: {  	_ =	shalt  }
.Lfunc_end0:
.L_simem_size_0:
called_computation.2_lowered:
.L_overlay_start_0:
0x88: {  	s2 =	sld [smem:$0x3FD9]  }
0x89: {  	s3 =	sld [smem:$0x3FFE];
	_ =	sdelay $0x1  }
0x8a: {  	s1 =	srdreg.scid  }
0x8b: {  	s0 =	sand.u32 $0x1, s1  }
0x8c: {  	s14 =	sshll.u32 s0, $0xA;
	s2 =	sadd.s32 s3, s2  }
0x8d: {  	s2 =	sadd.s32 s2, s14  }
0x8e: {  	[smem:$0x3FC5] =	sst s2  }
0x8f: {  	_ = 	snop  }
0x90: {  	s2 =	sld [smem:$0x3FD0];
	_ =	sdelay $0x2  }
0x91: {  	s15 =	simm.s32 $0xA;
	s4 =	simm.s32 $0x10  }
0x92: {  	[smem:s4], [sflag:s15] =	dma.local [hbm:s2], $0x1  }
0x93: {  	_ =	swait.eq [sflag:s15], $0x1  }
0x94: {  	[sflag:s15] =	ssyncset.done $0x0  }
0x95: {  	[sflag:s15] =	ssyncadd.s32 $0xFFFFFFFF  }
0x96: {  	s16 =	sld [smem:$0x11];
	(tm) =	ssettm $0x1  }
0x97: {  	s17 =	sld [smem:$0x3FFB];
	_ =	sdelay $0x3  }
0x98: {  	_ =	strace s17  }
0x99: {  	s3 =	sld [smem:$0x3FFC];
	_ =	sdelay $0x3  }
0x9a: {  	_ =	strace s3  }
0x9b: {  	s3 =	sld [smem:$0x3FFD];
	_ =	sdelay $0x3  }
0x9c: {  	_ =	strace s3  }
0x9d: {  	_ =	strace $0x8FFFFFFF  }
0x9e: {  	s18 =	sld [smem:$0x3FDB];
	_ =	sdelay $0x1  }
0x9f: {  	s19 =	simm.s32 $_scs_section_size  }
0xa0: {  	s5 =	simm.s32 $_size__tile_overlayer_lowered;
	s6 =	simm.s32 $_tile_overlayer_lowered  }
0xa1: {  	s22 =	simm.s32 $0x1BFF;
	s21 =	sshll.u32 s6, $0x1;
	s3 =	sadd.s32 s19, s18  }
0xa2: {  	s7 =	simm.s32 $0x0;
	s20 =	sshll.u32 s5, $0x1;
	s5 =	sadd.s32 s21, s3  }
0xa3: {  	[timem:s7], [sflag:s22] =	dma.local [hbm:s5], s20  }
0xa4: {  	_ =	swait.ge [sflag:s22], s20  }
0xa5: {  	s4 =	ssub.s32 $0x0, s20;
	[sflag:s22] =	ssyncset.done $0x0  }
0xa6: {  	[sflag:s22] =	ssyncadd.s32 s4;
	_ =	sdelay $0x1  }
0xa7: {  	s23 =	simm.s32 $0x1B8B  }
0xa8: {  	_ =	swait.ge [sflag:s23], $0x1  }
0xa9: {  	[sflag:s23] =	ssyncset.done $0x0  }
0xaa: {  	s25 =	simm.s32 $0x1B8E;
	s24 =	sld [smem:$0x3FFE];
	[sflag:s23] =	ssyncadd.s32 $0xFFFFFFFF  }
0xab: {  	s26 =	simm.s32 $execute0_lowered;
	[smem:$0x3FD2] =	sst s25  }
0xac: {  	s5 =	sshll.u32 s26, $0x1;
	_ =	strace $0x8000004C;
	[dreg:$0x1] =	wrdreg $0xFFFFFFFF  }
0xad: {  	s28 =	simm.s32 $_size_execute0_lowered;
	s3 =	sadd.s32 s3, s5;
	[dreg:$0x0] =	wrdreg $0x0  }
0xae: {  	s5 =	sshll.u32 s28, $0x1;
	[dreg:$0x2] =	wrdreg s3  }
0xaf: {  	[dreg:$0x3] =	wrdreg s5  }
0xb0: {  	[dreg:$0x4] =	wrdreg $0xC0  }
0xb1: {  	_ =	task [dreg:s7], $0x5FFFF  }
0xb2: {  	[dreg:$0x1] =	wrdreg $0xFFFFFFFF  }
0xb3: {  	[dreg:$0x0] =	wrdreg $0x60  }
0xb4: {  	[dreg:$0x2] =	wrdreg s24  }
0xb5: {  	[dreg:$0x3] =	wrdreg s16  }
0xb6: {  	[dreg:$0x4] =	wrdreg $0x0  }
0xb7: {  	[dreg:$0x5] =	wrdreg $0x9  }
0xb8: {  	_ =	task.clear_ibuf [dreg:s7], $0x6FFFF;
	_ =	strace $0x9000004C  }
0xb9: {  	s29 =	simm.s32 $0x9;
	_ =	strace $0x8000004E  }
0xba: {  	_ =	swait.ge [sflag:s29], $0x1  }
0xbb: {  	[sflag:s29] =	ssyncadd.s32 $0xFFFFFFFF  }
0xbc: {  	_ =	strace $0x9000004E  }
0xbd: {  	_ =	sfence  }
0xbe: {  	s30 =	sld [smem:$0x0];
	_ =	sdelay $0x2  }
0xbf: {  	s31 =	sshll.u32 s1, $0xD;
	s1 =	sshrl.u32 s1, $0x2  }
0xc0: {  	s3 =	sand.u32 $0x4000, s31;
	s1 =	sadd.s32 s1, s30  }
0xc1: {  	s0 =	sor.u32 s3, s0;
	s1 =	sshll.u32 s1, $0x11  }
0xc2: {  	s0 =	sor.u32 s1, s0  }
0xc3: {  	s0 =	sadd.s32 $0x8F2B, s0  }
0xc4: {  	[sflag:s0] =	ssyncadd.remote.s32 $0x1  }
0xc5: {  	_ =	sfence.sel $0xFFFF  }
0xc6: {  	[dreg:$0x0] =	wrdreg $0xFFFFFFFF;
	(pc) =	sbr.abs _section_cstart, $3  }
0xc7: {  	[dreg:$0x1] =	wrdreg $0xFFFFFFFF  }
0xc8: {  	_ =	task.clear_ibuf [dreg:s7], $0x2FFFF;
	_ =	strace $0x9FFFFFFF  }
0xc9: {  	(tm) =	ssettm $0x7FFFFFFF  }
tec
execute0_lowered:
.L_overlay_start_1:
0x0: {  	(tag) =	ssettag $0x1  }
0x1: {  	s0 =	rddreg [dreg:$0x0]  }
0x2: {  	s2 =	rddreg [dreg:$0x1]  }
0x3: {  	s3 =	rddreg [dreg:$0x2]  }
0x4: {  	s11 =	stileid.u32;
	s1 =	srdreg.scid;
	s5 =	simm.s32 $0x0  }
0x5: {  	s15 =	simm.s32 $0x80;
	s24 =	simm.s32 $0x1C080;
	s25 =	simm.s32 $0x1C180  }
0x6: {  	s26 =	simm.s32 $0x1C280;
	s28 =	simm.s32 $0x3;
	s29 =	simm.s32 $0x7  }
0x7: {  	s30 =	simm.s32 $0x2;
	s31 =	simm.s32 $0x4;
	s4 =	smul.u32 $0x2800, s11  }
0x8: {  	s1 =	sand.u32 $0x1, s1;
	[smem:$0x7FF] =	sst s5;
	s7 =	smul.u32 $0x50000, s11  }
0x9: {  	s5 =	sadd.s32 $0x2200, s0;
	s19 =	sshll.u32 s11, $0x6;
	s21 =	smul.u32 $0x500, s11  }
0xa: {  	s6 =	smul.u32 $0x28000, s1;
	_ =	strace $0x8000004D;
	[dreg:$0x7] =	wrdreg s19  }
0xb: {  	s16 =	sshll.u32 s1, $0x4;
	s17 =	ssub.s32 $0x2, s1;
	[dreg:$0x4] =	wrdreg s24  }
0xc: {  	s1 =	smul.u32 $0x5000, s1;
	[dreg:$0x5] =	wrdreg s25;
	s24 =	simm.s32 $0x18000  }
0xd: {  	[dreg:$0x6] =	wrdreg s26;
	s25 =	simm.s32 $0x1C300;
	s26 =	simm.s32 $0x1  }
0xe: {  	s8 =	sadd.s32 s4, s0;
	s9 =	sshrl.u32 s17, $0x1;
	s7 =	sshrl.u32 s7, $0x2  }
0xf: {  	s4 =	sadd.s32 s4, s6;
	s6 =	sor.u32 s11, s16;
	s18 =	sadd.s32 s7, s3  }
0x10: {  	s8 =	sadd.s32 $0x2A200, s8;
	s13 =	sadd.s32 s21, s1;
	s16 =	simm.s32 $0x50000  }
0x11: {  	s21 =	simm.s32 $0x14000;
	s1 =	simm.s32 $0xA;
	s0 =	sadd.s32 s4, s0  }
0x12: {  	s10 =	smul.u32 $0x500, s6;
	s4 =	ssub.s32 s17, s9;
	[dreg:$0x9] =	wrdreg s8  }
0x13: {  	s6 =	sor.u32 $0x1C09, s19;
	s14 =	sshrl.u32 s18, $0x3;
	s17 =	simm.s32 $0x1C000  }
0x14: {  	s18 =	simm.s32 $0x1C100;
	[dreg:$0xa] =	wrdreg s6;
	s0 =	sadd.s32 $0xA2200, s0  }
0x15: {  	s23 =	smax.u32 s4, $0x1;
	s4 =	simm.s32 $0x0;
	[dreg:$0xc] =	wrdreg s0  }
0x16: {  	s20 =	sadd.s32 s2, s10;
	[dreg:$0xd] =	wrdreg s23;
	s23 =	simm.s32 $0x6  }
0x17: {  	s0 =	simm.s32 $0x8;
	[dreg:$0x8] =	wrdreg s20;
	s22 =	sadd.s32 $0x10, s20  }
0x18: {  	s20 =	simm.s32 $0x5;
	[dreg:$0xb] =	wrdreg s22;
	s22 =	simm.s32 $0x1C200  }
.LBB2_1:
0x19: {  	s6 =	rddreg [dreg:$0x9]  }
0x1a: {  	s7 =	rddreg [dreg:$0xa]  }
0x1b: {  	[spmem:s14], [sflag:s7] =	dma.local [hbm:s6], $0x2800  }
0x1c: {  	s6 =	rddreg [dreg:$0x8]  }
0x1d: {  	[tilespmem:s17], [sflag:$0x5] =	stream.strided.gather [hbm4b:s6+s15], $0x100, s16, s15, $0x38;
	[tilespmem:$0x1C400] =	vst v63  }
0x1e: {  	s10 =	simm.s32 $0x9;
	s9 =	rddreg [dreg:$0xb]  }
0x1f: {  	[tilespmem:s18], [sflag:$0x6] =	stream.strided.gather [hbm4b:s9+s15], $0x100, s16, s15, $0x38;
	[tilespmem:$0x1C400] =	vst v63  }
0x20: {  	_ =	swait.ge [sflag:s10], $0x2800  }
0x21: {  	p0 =	por $0x1, $0x1;
	[sflag:s10] =	ssyncset.done $0x0  }
0x22: {  	p0 =	por p0, p0;
	[sflag:s10] =	ssyncadd.s32 $0xFFFFD800  }
0x23: {  	s8 =	simm.s32 @!p0 $0x3;
	[bflag:$0x0] =	sbarrier.arrive $0xFFFF  }
0x24: {  	_ =	swait.ge @!p0 [sflag:s8], $0x4000  }
0x25: {  	[sflag:s8] =	ssyncset.done @!p0 $0x0  }
0x26: {  	s6 =	simm.s32 $0x0;
	[sflag:s8] =	ssyncadd.s32 @!p0 $0xFFFFC000  }
0x27: {  	s11 =	sadd.s32 $0x0, s13;
	s9 =	sand.u32 $0x40, s6;
	_ =	swait.ge [sflag:s20], $0x100  }
0x28: {  	s9 =	sadd.s32 s9, s2;
	s8 =	sand.u32 $0xFFFFF80, s11;
	[sflag:s20] =	ssyncset.done $0x0  }
0x29: {  	s8 =	sadd.s32 s8, s9;
	[sflag:s20] =	ssyncadd.s32 $0xFFFFFF00  }
0x2a: {  	[tilespmem:s21], [sflag:$0x1] =	stream.indirect.gather [hbm4b:s5+s15], $0x80, s17, s15, $0xb8;
	[tilespmem:$0x1C400] =	vst v63  }
0x2b: {  	s10 =	simm.s32 @!p0 $0x2;
	s9 =	sadd.s32 $0x20, s8  }
0x2c: {  	[tilespmem:s22], [sflag:$0x7] =	stream.strided.gather [hbm4b:s9+s15], $0x100, s16, s15, $0x38;
	[tilespmem:$0x1C400] =	vst v63  }
0x2d: {  	_ =	swait.ge @!p0 [sflag:s10], $0x4000  }
0x2e: {  	s11 =	simm.s32 @!p0 $0x1C380;
	[sflag:s10] =	ssyncset.done @!p0 $0x0  }
0x2f: {  	s9 =	simm.s32 @!p0 $0x18000;
	[sflag:s10] =	ssyncadd.s32 @!p0 $0xFFFFC000;
	s10 =	simm.s32 @!p0 $0x80  }
0x30: {  	[spmem:s3] =	stream.indirect.scatter.add.f32 @!p0 [tilespmem:s9], [sflag:$0x4], $0x80, s11, s10, $0xb8;
	[tilespmem:$0x1C400] =	vst v63  }
0x31: {  	s9 =	simm.s32 @!p0 $0x4  }
0x32: {  	_ =	swait.ge @!p0 [sflag:s9], $0x4000  }
0x33: {  	[sflag:s9] =	ssyncset.done @!p0 $0x0  }
0x34: {  	[sflag:s9] =	ssyncadd.s32 @!p0 $0xFFFFC000  }
0x35: {  	_ =	swait.ge [sflag:s23], $0x100  }
0x36: {  	[sflag:s23] =	ssyncset.done $0x0  }
0x37: {  	[sflag:s23] =	ssyncadd.s32 $0xFFFFFF00  }
0x38: {  	[tilespmem:s24], [sflag:$0x2] =	stream.indirect.gather [hbm4b:s5+s15], $0x80, s18, s15, $0xb8;
	[tilespmem:$0x1C400] =	vst v63  }
0x39: {  	s8 =	sadd.s32 $0x30, s8  }
0x3a: {  	[tilespmem:s25], [sflag:$0x8] =	stream.strided.gather [hbm4b:s8+s15], $0x100, s16, s15, $0x38;
	[tilespmem:$0x1C400] =	vst v63  }
0x3b: {  	_ =	swait.ge [sflag:s26], $0x4000  }
0x3c: {  	[sflag:s26] =	ssyncset.done $0x0  }
0x3d: {  	s12 =	rddreg [dreg:$0x4];
	[sflag:s26] =	ssyncadd.s32 $0xFFFFC000  }
0x3e: {  	[spmem:s3] =	stream.indirect.scatter.add.f32 [tilespmem:s21], [sflag:$0x3], $0x80, s12, s15, $0xb8;
	[tilespmem:$0x1C400] =	vst v63  }
0x3f: {  	_ =	swait.ge [sflag:s28], $0x4000  }
0x40: {  	p0 =	por $0x0, $0x0;
	[sflag:s28] =	ssyncset.done $0x0  }
0x41: {  	s9 =	simm.s32 @!p0 $0x50000;
	[sflag:s28] =	ssyncadd.s32 $0xFFFFC000  }
0x42: {  	s10 =	sxor.u32 @!p0 $0xFFFFFFFF, s6;
	s8 =	sadd.s32 @!p0 $0x0, s13;
	_ =	swait.ge [sflag:s29], $0x100  }
0x43: {  	s10 =	sand.u32 @!p0 $0x40, s10;
	s8 =	sadd.s32 @!p0 $0x40, s8;
	[sflag:s29] =	ssyncset.done $0x0  }
0x44: {  	s10 =	sadd.s32 @!p0 s2, s10;
	s8 =	sand.u32 @!p0 $0xFFFFF80, s8;
	[sflag:s29] =	ssyncadd.s32 $0xFFFFFF00  }
0x45: {  	[tilespmem:s21], [sflag:$0x1] =	stream.indirect.gather [hbm4b:s5+s15], $0x80, s22, s15, $0xb8;
	[tilespmem:$0x1C400] =	vst v63  }
0x46: {  	s11 =	simm.s32 @!p0 $0x1C000;
	s8 =	sadd.s32 @!p0 s8, s10;
	s10 =	simm.s32 @!p0 $0x80  }
0x47: {  	[tilespmem:s11], [sflag:$0x5] =	stream.strided.gather @!p0 [hbm4b:s8+s10], $0x100, s9, s10, $0x38;
	[tilespmem:$0x1C400] =	vst v63  }
0x48: {  	_ =	swait.ge [sflag:s30], $0x4000  }
0x49: {  	[sflag:s30] =	ssyncset.done $0x0  }
0x4a: {  	s19 =	rddreg [dreg:$0x5];
	[sflag:s30] =	ssyncadd.s32 $0xFFFFC000  }
0x4b: {  	[spmem:s3] =	stream.indirect.scatter.add.f32 [tilespmem:s24], [sflag:$0x4], $0x80, s19, s15, $0xb8;
	[tilespmem:$0x1C400] =	vst v63  }
0x4c: {  	_ =	swait.ge [sflag:s31], $0x4000  }
0x4d: {  	[sflag:s31] =	ssyncset.done $0x0  }
0x4e: {  	[sflag:s31] =	ssyncadd.s32 $0xFFFFC000  }
0x4f: {  	s8 =	simm.s32 @!p0 $0x50;
	_ =	swait.ge [sflag:s0], $0x100  }
0x50: {  	s11 =	sadd.s32 @!p0 $0x50, s13;
	s8 =	sand.u32 @!p0 $0x50, s8;
	[sflag:s0] =	ssyncset.done $0x0  }
0x51: {  	s11 =	sand.u32 @!p0 $0xFFFFF80, s11;
	s8 =	sadd.s32 @!p0 s2, s8;
	[sflag:s0] =	ssyncadd.s32 $0xFFFFFF00  }
0x52: {  	[tilespmem:s24], [sflag:$0x2] =	stream.indirect.gather [hbm4b:s5+s15], $0x80, s25, s15, $0xb8;
	[tilespmem:$0x1C400] =	vst v63  }
0x53: {  	s8 =	sadd.s32 @!p0 s11, s8;
	s11 =	simm.s32 @!p0 $0x1C100  }
0x54: {  	[tilespmem:s11], [sflag:$0x6] =	stream.strided.gather @!p0 [hbm4b:s8+s10], $0x100, s9, s10, $0x38;
	[tilespmem:$0x1C400] =	vst v63  }
0x55: {  	p6 =	por $0x0, $0x0;
	s8 =	simm.s32 $0x40  }
0x56: {  	s9 =	simm.s32 $0x80;
	p0 =	por p6, p6;
	_ =	swait.ge [sflag:s26], $0x4000  }
.LBB2_2:
0x57: {  	[sflag:s26] =	ssyncset.done $0x0  }
0x58: {  	s11 =	rddreg [dreg:$0x6];
	s12 =	simm.s32 @!p0 $0x3;
	[sflag:s26] =	ssyncadd.s32 $0xFFFFC000  }
0x59: {  	[spmem:s3] =	stream.indirect.scatter.add.f32 [tilespmem:s21], [sflag:$0x3], $0x80, s11, s15, $0xb8;
	[tilespmem:$0x1C400] =	vst v63  }
0x5a: {  	_ =	swait.ge @!p0 [sflag:s12], $0x4000  }
0x5b: {  	[sflag:s12] =	ssyncset.done @!p0 $0x0  }
0x5c: {  	[sflag:s12] =	ssyncadd.s32 @!p0 $0xFFFFC000  }
0x5d: {  	s6 =	sadd.s32 s8, s13;
	s7 =	sand.u32 $0x40, s8;
	_ =	swait.ge [sflag:s20], $0x100  }
0x5e: {  	s11 =	sand.u32 $0xFFFFF80, s6;
	s12 =	sadd.s32 s7, s2;
	[sflag:s20] =	ssyncset.done $0x0  }
0x5f: {  	s11 =	sadd.s32 s11, s12;
	[sflag:s20] =	ssyncadd.s32 $0xFFFFFF00  }
0x60: {  	[tilespmem:s21], [sflag:$0x1] =	stream.indirect.gather [hbm4b:s5+s15], $0x80, s17, s15, $0xb8;
	[tilespmem:$0x1C400] =	vst v63  }
0x61: {  	s6 =	simm.s32 @!p0 $0x2;
	s12 =	sadd.s32 $0x20, s11  }
0x62: {  	[tilespmem:s22], [sflag:$0x7] =	stream.strided.gather [hbm4b:s12+s15], $0x100, s16, s15, $0x38;
	[tilespmem:$0x1C400] =	vst v63  }
0x63: {  	_ =	swait.ge @!p0 [sflag:s6], $0x4000  }
0x64: {  	s19 =	simm.s32 @!p0 $0x1C380;
	s7 =	simm.s32 @!p0 $0x18000;
	[sflag:s6] =	ssyncset.done @!p0 $0x0  }
0x65: {  	s12 =	simm.s32 @!p0 $0x4;
	[sflag:s6] =	ssyncadd.s32 @!p0 $0xFFFFC000;
	s6 =	simm.s32 @!p0 $0x80  }
0x66: {  	[spmem:s3] =	stream.indirect.scatter.add.f32 @!p0 [tilespmem:s7], [sflag:$0x4], $0x80, s19, s6, $0xb8;
	[tilespmem:$0x1C400] =	vst v63  }
0x67: {  	_ =	swait.ge @!p0 [sflag:s12], $0x4000  }
0x68: {  	[sflag:s12] =	ssyncset.done @!p0 $0x0  }
0x69: {  	[sflag:s12] =	ssyncadd.s32 @!p0 $0xFFFFC000  }
0x6a: {  	_ =	swait.ge [sflag:s23], $0x100  }
0x6b: {  	[sflag:s23] =	ssyncset.done $0x0  }
0x6c: {  	[sflag:s23] =	ssyncadd.s32 $0xFFFFFF00  }
0x6d: {  	[tilespmem:s24], [sflag:$0x2] =	stream.indirect.gather [hbm4b:s5+s15], $0x80, s18, s15, $0xb8;
	[tilespmem:$0x1C400] =	vst v63  }
0x6e: {  	s11 =	sadd.s32 $0x30, s11  }
0x6f: {  	[tilespmem:s25], [sflag:$0x8] =	stream.strided.gather [hbm4b:s11+s15], $0x100, s16, s15, $0x38;
	[tilespmem:$0x1C400] =	vst v63  }
0x70: {  	_ =	swait.ge [sflag:s26], $0x4000  }
0x71: {  	[sflag:s26] =	ssyncset.done $0x0  }
0x72: {  	s12 =	rddreg [dreg:$0x4];
	[sflag:s26] =	ssyncadd.s32 $0xFFFFC000  }
0x73: {  	[spmem:s3] =	stream.indirect.scatter.add.f32 [tilespmem:s21], [sflag:$0x3], $0x80, s12, s15, $0xb8;
	[tilespmem:$0x1C400] =	vst v63  }
0x74: {  	p2 =	seq.s32 s9, $0x0;
	_ =	swait.ge [sflag:s28], $0x4000  }
0x75: {  	p0 =	por p2, p2;
	p2 =	seq.s32 s8, $0x4C0;
	[sflag:s28] =	ssyncset.done $0x0  }
0x76: {  	s6 =	sadd.s32 @!p2 s8, s13;
	[sflag:s28] =	ssyncadd.s32 $0xFFFFC000  }
0x77: {  	s7 =	simm.s32 @!p2 $0x50000;
	s11 =	sxor.u32 @!p2 $0xFFFFFFFF, s8;
	_ =	swait.ge [sflag:s29], $0x100  }
0x78: {  	s6 =	sadd.s32 @!p2 $0x40, s6;
	s11 =	sand.u32 @!p2 $0x40, s11;
	[sflag:s29] =	ssyncset.done $0x0  }
0x79: {  	s6 =	sand.u32 @!p2 $0xFFFFF80, s6;
	s11 =	sadd.s32 @!p2 s2, s11;
	[sflag:s29] =	ssyncadd.s32 $0xFFFFFF00  }
0x7a: {  	[tilespmem:s21], [sflag:$0x1] =	stream.indirect.gather [hbm4b:s5+s15], $0x80, s22, s15, $0xb8;
	[tilespmem:$0x1C400] =	vst v63  }
0x7b: {  	s6 =	sadd.s32 @!p2 s6, s11;
	s11 =	simm.s32 @!p2 $0x80;
	s12 =	simm.s32 @!p2 $0x1C000  }
0x7c: {  	[tilespmem:s12], [sflag:$0x5] =	stream.strided.gather @!p2 [hbm4b:s6+s11], $0x100, s7, s11, $0x38;
	[tilespmem:$0x1C400] =	vst v63  }
0x7d: {  	s10 =	smov.u32 s9;
	s19 =	sadd.s32 @!p2 $0x50, s8;
	_ =	swait.ge [sflag:s30], $0x4000  }
0x7e: {  	s8 =	smov.u32 s10;
	s10 =	sand.u32 @!p2 $0x50, s19;
	[sflag:s30] =	ssyncset.done $0x0  }
0x7f: {  	s6 =	sadd.s32 @!p2 s13, s19;
	s19 =	rddreg [dreg:$0x5];
	[sflag:s30] =	ssyncadd.s32 $0xFFFFC000  }
0x80: {  	[spmem:s3] =	stream.indirect.scatter.add.f32 [tilespmem:s24], [sflag:$0x4], $0x80, s19, s15, $0xb8;
	[tilespmem:$0x1C400] =	vst v63  }
0x81: {  	_ =	swait.ge [sflag:s31], $0x4000  }
0x82: {  	[sflag:s31] =	ssyncset.done $0x0  }
0x83: {  	[sflag:s31] =	ssyncadd.s32 $0xFFFFC000  }
0x84: {  	s9 =	sadd.s32 $0x40, s9;
	_ =	swait.ge [sflag:s0], $0x100  }
0x85: {  	p1 =	sne.s32 s9, $0x500;
	s10 =	sadd.s32 @!p2 s2, s10;
	[sflag:s0] =	ssyncset.done $0x0  }
.Ltmp0:
0x86: {  	s6 =	sand.u32 @!p2 $0xFFFFF80, s6;
	[sflag:s0] =	ssyncadd.s32 $0xFFFFFF00;
	(pc) =	sbr.rel @p1 .LBB2_2-.Ltmp0, $4  }
0x87: {  	[tilespmem:s24], [sflag:$0x2] =	stream.indirect.gather [hbm4b:s5+s15], $0x80, s25, s15, $0xb8;
	[tilespmem:$0x1C400] =	vst v63  }
0x88: {  	s6 =	sadd.s32 @!p2 s6, s10;
	s10 =	simm.s32 @!p2 $0x1C100  }
0x89: {  	[tilespmem:s10], [sflag:$0x6] =	stream.strided.gather @!p2 [hbm4b:s6+s11], $0x100, s7, s11, $0x38;
	[tilespmem:$0x1C400] =	vst v63  }
0x8a: {  	_ =	swait.ge [sflag:s26], $0x4000  }
0x8b: {  	[sflag:s26] =	ssyncset.done $0x0  }
0x8c: {  	s6 =	rddreg [dreg:$0x6];
	s7 =	simm.s32 @!p0 $0x3;
	[sflag:s26] =	ssyncadd.s32 $0xFFFFC000  }
0x8d: {  	[spmem:s3] =	stream.indirect.scatter.add.f32 [tilespmem:s21], [sflag:$0x3], $0x80, s6, s15, $0xb8;
	[tilespmem:$0x1C400] =	vst v63  }
0x8e: {  	_ =	swait.ge @!p0 [sflag:s7], $0x4000  }
0x8f: {  	[sflag:s7] =	ssyncset.done @!p0 $0x0  }
0x90: {  	[sflag:s7] =	ssyncadd.s32 @!p0 $0xFFFFC000  }
0x91: {  	s10 =	sadd.s32 s8, s13;
	s11 =	sand.u32 $0x40, s8;
	_ =	swait.ge [sflag:s20], $0x100  }
0x92: {  	s6 =	sand.u32 $0xFFFFF80, s10;
	s7 =	sadd.s32 s11, s2;
	[sflag:s20] =	ssyncset.done $0x0  }
0x93: {  	s6 =	sadd.s32 s6, s7;
	[sflag:s20] =	ssyncadd.s32 $0xFFFFFF00  }
0x94: {  	[tilespmem:s21], [sflag:$0x1] =	stream.indirect.gather [hbm4b:s5+s15], $0x80, s17, s15, $0xb8;
	[tilespmem:$0x1C400] =	vst v63  }
0x95: {  	s9 =	simm.s32 @!p0 $0x2;
	s7 =	sadd.s32 $0x20, s6  }
0x96: {  	[tilespmem:s22], [sflag:$0x7] =	stream.strided.gather [hbm4b:s7+s15], $0x100, s16, s15, $0x38;
	[tilespmem:$0x1C400] =	vst v63  }
0x97: {  	_ =	swait.ge @!p0 [sflag:s9], $0x4000  }
0x98: {  	s10 =	simm.s32 @!p0 $0x1C380;
	[sflag:s9] =	ssyncset.done @!p0 $0x0  }
0x99: {  	s7 =	simm.s32 @!p0 $0x18000;
	[sflag:s9] =	ssyncadd.s32 @!p0 $0xFFFFC000;
	s9 =	simm.s32 @!p0 $0x80  }
0x9a: {  	[spmem:s3] =	stream.indirect.scatter.add.f32 @!p0 [tilespmem:s7], [sflag:$0x4], $0x80, s10, s9, $0xb8;
	[tilespmem:$0x1C400] =	vst v63  }
0x9b: {  	s7 =	simm.s32 @!p0 $0x4  }
0x9c: {  	_ =	swait.ge @!p0 [sflag:s7], $0x4000  }
0x9d: {  	[sflag:s7] =	ssyncset.done @!p0 $0x0  }
0x9e: {  	[sflag:s7] =	ssyncadd.s32 @!p0 $0xFFFFC000  }
0x9f: {  	_ =	swait.ge [sflag:s23], $0x100  }
0xa0: {  	[sflag:s23] =	ssyncset.done $0x0  }
0xa1: {  	[sflag:s23] =	ssyncadd.s32 $0xFFFFFF00  }
0xa2: {  	[tilespmem:s24], [sflag:$0x2] =	stream.indirect.gather [hbm4b:s5+s15], $0x80, s18, s15, $0xb8;
	[tilespmem:$0x1C400] =	vst v63  }
0xa3: {  	s6 =	sadd.s32 $0x30, s6  }
0xa4: {  	[tilespmem:s25], [sflag:$0x8] =	stream.strided.gather [hbm4b:s6+s15], $0x100, s16, s15, $0x38;
	[tilespmem:$0x1C400] =	vst v63  }
0xa5: {  	_ =	swait.ge [sflag:s26], $0x4000  }
0xa6: {  	[sflag:s26] =	ssyncset.done $0x0  }
0xa7: {  	s12 =	rddreg [dreg:$0x4];
	[sflag:s26] =	ssyncadd.s32 $0xFFFFC000  }
0xa8: {  	[spmem:s3] =	stream.indirect.scatter.add.f32 [tilespmem:s21], [sflag:$0x3], $0x80, s12, s15, $0xb8;
	[tilespmem:$0x1C400] =	vst v63  }
0xa9: {  	_ =	swait.ge [sflag:s28], $0x4000  }
0xaa: {  	p0 =	seq.s32 s8, $0x4C0;
	[sflag:s28] =	ssyncset.done $0x0  }
0xab: {  	s7 =	simm.s32 @!p0 $0x50000;
	[sflag:s28] =	ssyncadd.s32 $0xFFFFC000  }
0xac: {  	s9 =	sxor.u32 @!p0 $0xFFFFFFFF, s8;
	s6 =	sadd.s32 @!p0 s8, s13;
	_ =	swait.ge [sflag:s29], $0x100  }
0xad: {  	s9 =	sand.u32 @!p0 $0x40, s9;
	s6 =	sadd.s32 @!p0 $0x40, s6;
	[sflag:s29] =	ssyncset.done $0x0  }
0xae: {  	s9 =	sadd.s32 @!p0 s2, s9;
	s6 =	sand.u32 @!p0 $0xFFFFF80, s6;
	[sflag:s29] =	ssyncadd.s32 $0xFFFFFF00  }
0xaf: {  	[tilespmem:s21], [sflag:$0x1] =	stream.indirect.gather [hbm4b:s5+s15], $0x80, s22, s15, $0xb8;
	[tilespmem:$0x1C400] =	vst v63  }
0xb0: {  	s10 =	simm.s32 @!p0 $0x1C000;
	s6 =	sadd.s32 @!p0 s6, s9;
	s9 =	simm.s32 @!p0 $0x80  }
0xb1: {  	[tilespmem:s10], [sflag:$0x5] =	stream.strided.gather @!p0 [hbm4b:s6+s9], $0x100, s7, s9, $0x38;
	[tilespmem:$0x1C400] =	vst v63  }
0xb2: {  	_ =	swait.ge [sflag:s30], $0x4000  }
0xb3: {  	[sflag:s30] =	ssyncset.done $0x0  }
0xb4: {  	s19 =	rddreg [dreg:$0x5];
	[sflag:s30] =	ssyncadd.s32 $0xFFFFC000  }
0xb5: {  	[spmem:s3] =	stream.indirect.scatter.add.f32 [tilespmem:s24], [sflag:$0x4], $0x80, s19, s15, $0xb8;
	[tilespmem:$0x1C400] =	vst v63  }
0xb6: {  	_ =	swait.ge [sflag:s31], $0x4000  }
0xb7: {  	[sflag:s31] =	ssyncset.done $0x0  }
0xb8: {  	[sflag:s31] =	ssyncadd.s32 $0xFFFFC000  }
0xb9: {  	s6 =	sadd.s32 @!p0 $0x50, s8;
	_ =	swait.ge [sflag:s0], $0x100  }
0xba: {  	s8 =	sadd.s32 @!p0 s13, s6;
	s6 =	sand.u32 @!p0 $0x50, s6;
	[sflag:s0] =	ssyncset.done $0x0  }
0xbb: {  	s8 =	sand.u32 @!p0 $0xFFFFF80, s8;
	s6 =	sadd.s32 @!p0 s2, s6;
	[sflag:s0] =	ssyncadd.s32 $0xFFFFFF00  }
0xbc: {  	[tilespmem:s24], [sflag:$0x2] =	stream.indirect.gather [hbm4b:s5+s15], $0x80, s25, s15, $0xb8;
	[tilespmem:$0x1C400] =	vst v63  }
0xbd: {  	s6 =	sadd.s32 @!p0 s8, s6;
	s8 =	simm.s32 @!p0 $0x1C100  }
0xbe: {  	[tilespmem:s8], [sflag:$0x6] =	stream.strided.gather @!p0 [hbm4b:s6+s9], $0x100, s7, s9, $0x38;
	[tilespmem:$0x1C400] =	vst v63  }
0xbf: {  	_ =	swait.ge [sflag:s26], $0x4000  }
0xc0: {  	[sflag:s26] =	ssyncset.done $0x0  }
0xc1: {  	s9 =	rddreg [dreg:$0x6];
	[sflag:s26] =	ssyncadd.s32 $0xFFFFC000  }
0xc2: {  	[spmem:s3] =	stream.indirect.scatter.add.f32 [tilespmem:s21], [sflag:$0x3], $0x80, s9, s15, $0xb8;
	[tilespmem:$0x1C400] =	vst v63  }
0xc3: {  	_ =	swait.ge [sflag:s30], $0x4000  }
0xc4: {  	[sflag:s30] =	ssyncset.done $0x0  }
0xc5: {  	s10 =	simm.s32 $0x1C380;
	[sflag:s30] =	ssyncadd.s32 $0xFFFFC000  }
0xc6: {  	[spmem:s3] =	stream.indirect.scatter.add.f32 [tilespmem:s24], [sflag:$0x4], $0x80, s10, s15, $0xb8;
	[tilespmem:$0x1C400] =	vst v63  }
0xc7: {  	_ =	swait.ge [sflag:s28], $0x4000  }
0xc8: {  	[sflag:s28] =	ssyncset.done $0x0  }
0xc9: {  	[sflag:s28] =	ssyncadd.s32 $0xFFFFC000  }
0xca: {  	_ =	swait.ge [sflag:s31], $0x4000  }
0xcb: {  	[sflag:s31] =	ssyncset.done $0x0  }
0xcc: {  	[sflag:s31] =	ssyncadd.s32 $0xFFFFC000  }
0xcd: {  	[bflag:$0x0] =	sbarrier.arrive $0xFFFF  }
0xce: {  	s11 =	rddreg [dreg:$0x7]  }
0xcf: {  	s12 =	rddreg [dreg:$0xc];
	s6 =	sor.u32 $0x1C0A, s11  }
0xd0: {  	[hbm:s12], [sflag:s6] =	dma.local [spmem:s14], $0x2800  }
0xd1: {  	_ =	swait.ge [sflag:s1], $0x2800  }
0xd2: {  	s4 =	sadd.s32 $0x1, s4;
	s19 =	rddreg [dreg:$0xd]  }
0xd3: {  	p0 =	sne.s32 s4, s19  }
.Ltmp1:
0xd4: {  	_ = 	snop;
	(pc) =	sbr.rel @p0 .LBB2_1-.Ltmp1, $3  }
0xd5: {  	_ =	sdelay $0x1  }
0xd6: {  	[sflag:s1] =	ssyncset.done $0x0  }
0xd7: {  	[sflag:s1] =	ssyncadd.s32 $0xFFFFD800  }
0xd8: {  	_ =	sfence.sel $0x180000  }
0xd9: {  	[bflag:$0x0] =	sbarrier.arrive $0xFFFF  }
0xda: {  	_ =	strace $0x9000004D  }
0xdb: {  	s0 =	stileid.u32;
	[bflag:$0x2] =	sbarrier.arrive $0xFFFF  }
0xdc: {  	p0 =	sne.s32 s0, $0x0;
	s0 =	rddreg [dreg:$0x3]  }
0xdd: {  	s0 =	sadd.s32 @!p0 $0x100000, s0  }
0xde: {  	[sflag:s0] =	ssyncadd.tile.s32 @!p0 $0x1;
	_ =	shalt  }
.Lfunc_end2:
_tile_overlayer_lowered:
.L_overlay_start_2:
0xdf: {  	(tag) =	ssettag $0x2  }
0xe0: {  	s0 =	rddreg [dreg:$0x0];
	s2 =	stileid.u32  }
0xe1: {  	s1 =	rddreg [dreg:$0x1];
	p0 =	sne.s32 s2, $0x0  }
0xe2: {  	s3 =	rddreg [dreg:$0x2];
	[bflag:$0x3] =	sbarrier.arrive $0xFFFF;
	s2 =	simm.s32 @!p0 $0x1C0A  }
0xe3: {  	[timem:s3], [sflag:s2] =	dma.local @!p0 [hbm:s0], s1  }
0xe4: {  	s0 =	simm.s32 @!p0 $0xA  }
0xe5: {  	_ =	swait.ge @!p0 [sflag:s0], s1  }
0xe6: {  	s1 =	ssub.s32 @!p0 $0x0, s1;
	[sflag:s0] =	ssyncset.done @!p0 $0x0  }
0xe7: {  	[sflag:s0] =	ssyncadd.s32 @!p0 s1  }
0xe8: {  	[bflag:$0x3] =	sbarrier.arrive $0xFFFF  }
0xe9: {  	_ =	shalt  }

// kernel: kernel.22.cloned.1.call-start
scs
__scs_entry_jumppad:
0x0: {  	(pc) =	sbr.rel $0x88, $3  }
0x1: {  	(tag) =	ssettag $0x0;
	lr =	simm.s32 $0x1  }
0x2: {  	[smem:$0x3F9E] =	sst lr;
	_ =	strace $0xD0000000  }
0x3: {  	_ = 	snop  }
0x4: {  	_ = 	snop  }
0x5: {  	_ = 	snop  }
0x6: {  	_ = 	snop  }
0x7: {  	_ = 	snop  }
__scs_overlays_trampoline_lowered:
0x8: {  	[smem:$0x3FAD] =	sst s0  }
0x9: {  	[smem:$0x3FAE] =	sst s1  }
0xa: {  	[smem:$0x3FAF] =	sst s2  }
0xb: {  	[smem:$0x3FB0] =	sst s3  }
0xc: {  	[smem:$0x3FB1] =	sst s4  }
0xd: {  	[smem:$0x3FB2] =	sst s5  }
0xe: {  	[smem:$0x3FB3] =	sst s6  }
0xf: {  	[smem:$0x3FB4] =	sst s7  }
0x10: {  	[smem:$0x3FB5] =	sst s8  }
0x11: {  	[smem:$0x3FB6] =	sst s9;
	s0 =	simm.s32 @!p0 $0x0  }
0x12: {  	s1 =	sld [smem:$0x3F9C];
	s0 =	simm.s32 @p0 $0x1  }
0x13: {  	[smem:$0x3FB7] =	sst s0;
	s0 =	simm.s32 @!p1 $0x0  }
0x14: {  	s2 =	sld [smem:$0x3F9B];
	s0 =	simm.s32 @p1 $0x1  }
0x15: {  	[smem:$0x3FB8] =	sst s0;
	s0 =	simm.s32 @!p2 $0x0  }
0x16: {  	s3 =	sld [smem:$0x3FDB];
	s0 =	simm.s32 @p2 $0x1  }
0x17: {  	s4 =	simm.s32 $0x1BF5;
	[smem:$0x3FBA] =	sst s0  }
0x18: {  	s0 =	sld [smem:$0x3F9D];
	_ =	swait.ge [sflag:s4], $0x0  }
0x19: {  	s7 =	sld [smem:$0x3F9E]  }
0x1a: {  	s8 =	sadd.s32 $0xFFFFE003, lr  }
0x1b: {  	s9 =	sadd.s32 $0xFFFFFEF7, lr;
	s5 =	simm.s32 $0xFFFFFFFF;
	p2 =	slt.u32 s8, $0xFFFFF086  }
0x1c: {  	p1 =	slt.u32 s9, $0xF7A;
	s5 =	simm.s32 @!p2 $0x0  }
0x1d: {  	s5 =	simm.s32 @p1 $0x1;
	p0 =	seq.s32 s7, s2  }
0x1e: {  	s7 =	smul.u32 @!p0 $0xF7A, s2;
	p2 =	seq.s32 @!p0 s5, $0x0  }
0x1f: {  	s9 =	smul.u32 $0xF7A, s1;
	s8 =	simm.s32 @!p0 $0x1BF5;
	p2 =	por !p2, p0  }
0x20: {  	[sflag:s8] =	ssyncset.s32 @!p0 $0xFFFFF086;
	s6 =	sadd.s32 @!p0 s3, s7;
	s7 =	simm.s32 @!p0 $0x108  }
0x21: {  	s3 =	sadd.s32 s3, s9;
	s6 =	sadd.s32 @!p0 $0x88, s6;
	s7 =	simm.s32 @p2 $0x1082  }
0x22: {  	[simem:s7], [sflag:s8] =	dma.local @!p0 [hbm:s6], $0xF7A  }
0x23: {  	s9 =	sor.u32 $0xD0000000, s2;
	s6 =	simm.s32 $0x108;
	_ =	swait.ge @!p0 [sflag:s8], $0x0  }
0x24: {  	s3 =	sadd.s32 $0x88, s3;
	s6 =	simm.s32 @!p1 $0x1082;
	[sflag:s4] =	ssyncset.s32 $0xFFFFF086  }
0x25: {  	[simem:s6], [sflag:s4] =	dma.local [hbm:s3], $0xF7A  }
0x26: {  	[smem:$0x3F9E] =	sst s1;
	(tag) =	ssettag s2;
	_ =	strace s9  }
0x27: {  	s1 =	sld [smem:$0x3FAE]  }
0x28: {  	s2 =	sld [smem:$0x3FAF]  }
0x29: {  	s4 =	sld [smem:$0x3FB1]  }
0x2a: {  	p0 =	seq.s32 s5, $0x0;
	s5 =	sld [smem:$0x3FB2]  }
0x2b: {  	s6 =	sld [smem:$0x3FB3]  }
0x2c: {  	s7 =	sld [smem:$0x3FB4]  }
0x2d: {  	s3 =	simm.s32 $0x108;
	s8 =	sld [smem:$0x3FB5]  }
0x2e: {  	s3 =	simm.s32 @!p0 $0x1082;
	s9 =	sld [smem:$0x3FB6]  }
0x2f: {  	lr =	sadd.s32 s0, s3;
	s0 =	sld [smem:$0x3FAD]  }
0x30: {  	s3 =	sld [smem:$0x3FB0]  }
0x31: {  	[smem:$0x3FB9] =	sst s10  }
0x32: {  	s10 =	sld [smem:$0x3FB7];
	_ =	sdelay $0x3  }
0x33: {  	p0 =	seq.s32 s10, $0x1;
	s10 =	sld [smem:$0x3FB9];
	_ =	sdelay $0x3  }
0x34: {  	[smem:$0x3FB9] =	sst s10  }
0x35: {  	s10 =	sld [smem:$0x3FB8];
	_ =	sdelay $0x3  }
0x36: {  	p1 =	seq.s32 s10, $0x1;
	s10 =	sld [smem:$0x3FB9];
	_ =	sdelay $0x3  }
0x37: {  	[smem:$0x3FB9] =	sst s10  }
0x38: {  	s10 =	sld [smem:$0x3FBA]  }
0x39: {  	_ = 	snop;
	(pc) =	sbr.ind lr, $3  }
0x3a: {  	_ = 	snop  }
0x3b: {  	_ = 	snop  }
0x3c: {  	p2 =	seq.s32 s10, $0x1;
	s10 =	sld [smem:$0x3FB9]  }
0x3d: {  	_ =	shalt  }
0x3e: {  	_ =	shalt  }
0x3f: {  	_ =	shalt  }
0x40: {  	_ =	shalt  }
0x41: {  	_ =	shalt  }
0x42: {  	_ =	shalt  }
0x43: {  	_ =	shalt  }
0x44: {  	_ =	shalt  }
0x45: {  	_ =	shalt  }
0x46: {  	_ =	shalt  }
0x47: {  	_ =	shalt  }
0x48: {  	_ =	shalt  }
0x49: {  	_ =	shalt  }
0x4a: {  	_ =	shalt  }
0x4b: {  	_ =	shalt  }
0x4c: {  	_ =	shalt  }
0x4d: {  	_ =	shalt  }
0x4e: {  	_ =	shalt  }
0x4f: {  	_ =	shalt  }
0x50: {  	_ =	shalt  }
0x51: {  	_ =	shalt  }
0x52: {  	_ =	shalt  }
0x53: {  	_ =	shalt  }
0x54: {  	_ =	shalt  }
0x55: {  	_ =	shalt  }
0x56: {  	_ =	shalt  }
0x57: {  	_ =	shalt  }
0x58: {  	_ =	shalt  }
0x59: {  	_ =	shalt  }
0x5a: {  	_ =	shalt  }
0x5b: {  	_ =	shalt  }
0x5c: {  	_ =	shalt  }
0x5d: {  	_ =	shalt  }
0x5e: {  	_ =	shalt  }
0x5f: {  	_ =	shalt  }
0x60: {  	_ =	shalt  }
0x61: {  	_ =	shalt  }
0x62: {  	_ =	shalt  }
0x63: {  	_ =	shalt  }
0x64: {  	_ =	shalt  }
0x65: {  	_ =	shalt  }
0x66: {  	_ =	shalt  }
0x67: {  	_ =	shalt  }
0x68: {  	_ =	shalt  }
0x69: {  	_ =	shalt  }
0x6a: {  	_ =	shalt  }
0x6b: {  	_ =	shalt  }
0x6c: {  	_ =	shalt  }
0x6d: {  	_ =	shalt  }
0x6e: {  	_ =	shalt  }
0x6f: {  	_ =	shalt  }
0x70: {  	_ =	shalt  }
0x71: {  	_ =	shalt  }
0x72: {  	_ =	shalt  }
0x73: {  	_ =	shalt  }
0x74: {  	_ =	shalt  }
0x75: {  	_ =	shalt  }
0x76: {  	_ =	shalt  }
0x77: {  	_ =	shalt  }
0x78: {  	_ =	shalt  }
0x79: {  	_ =	shalt  }
0x7a: {  	_ =	shalt  }
0x7b: {  	_ =	shalt  }
0x7c: {  	_ =	shalt  }
0x7d: {  	_ =	shalt  }
0x7e: {  	_ =	shalt  }
0x7f: {  	_ =	shalt  }
0x80: {  	_ =	shalt  }
0x81: {  	_ =	shalt  }
0x82: {  	_ =	shalt  }
0x83: {  	_ =	shalt  }
0x84: {  	_ =	shalt  }
0x85: {  	_ =	shalt  }
0x86: {  	_ =	shalt  }
0x87: {  	_ =	shalt  }
.Lfunc_end0:
.L_simem_size_0:
called_computation.3_lowered:
.L_overlay_start_0:
0x88: {  	s2 =	sld [smem:$0x3FD9]  }
0x89: {  	s3 =	sld [smem:$0x3FFE];
	_ =	sdelay $0x1  }
0x8a: {  	s1 =	srdreg.scid  }
0x8b: {  	s0 =	sand.u32 $0x1, s1  }
0x8c: {  	s14 =	sshll.u32 s0, $0xA;
	s2 =	sadd.s32 s3, s2  }
0x8d: {  	s2 =	sadd.s32 s2, s14  }
0x8e: {  	[smem:$0x3FC5] =	sst s2  }
0x8f: {  	_ = 	snop  }
0x90: {  	s2 =	sld [smem:$0x3FD0];
	_ =	sdelay $0x2  }
0x91: {  	s15 =	simm.s32 $0xA;
	s4 =	simm.s32 $0x10  }
0x92: {  	[smem:s4], [sflag:s15] =	dma.local [hbm:s2], $0x1  }
0x93: {  	_ =	swait.eq [sflag:s15], $0x1  }
0x94: {  	[sflag:s15] =	ssyncset.done $0x0  }
0x95: {  	[sflag:s15] =	ssyncadd.s32 $0xFFFFFFFF  }
0x96: {  	s16 =	sld [smem:$0x11];
	(tm) =	ssettm $0x1  }
0x97: {  	s17 =	sld [smem:$0x3FFB];
	_ =	sdelay $0x3  }
0x98: {  	_ =	strace s17  }
0x99: {  	s3 =	sld [smem:$0x3FFC];
	_ =	sdelay $0x3  }
0x9a: {  	_ =	strace s3  }
0x9b: {  	s3 =	sld [smem:$0x3FFD];
	_ =	sdelay $0x3  }
0x9c: {  	_ =	strace s3  }
0x9d: {  	_ =	strace $0x8FFFFFFF  }
0x9e: {  	s18 =	sld [smem:$0x3FDB];
	_ =	sdelay $0x1  }
0x9f: {  	s19 =	simm.s32 $_scs_section_size  }
0xa0: {  	s5 =	simm.s32 $_size__tile_overlayer_lowered;
	s6 =	simm.s32 $_tile_overlayer_lowered  }
0xa1: {  	s22 =	simm.s32 $0x1BFF;
	s21 =	sshll.u32 s6, $0x1;
	s3 =	sadd.s32 s19, s18  }
0xa2: {  	s7 =	simm.s32 $0x0;
	s20 =	sshll.u32 s5, $0x1;
	s5 =	sadd.s32 s21, s3  }
0xa3: {  	[timem:s7], [sflag:s22] =	dma.local [hbm:s5], s20  }
0xa4: {  	_ =	swait.ge [sflag:s22], s20  }
0xa5: {  	s4 =	ssub.s32 $0x0, s20;
	[sflag:s22] =	ssyncset.done $0x0  }
0xa6: {  	[sflag:s22] =	ssyncadd.s32 s4;
	_ =	sdelay $0x1  }
0xa7: {  	s23 =	simm.s32 $0x1B8B  }
0xa8: {  	_ =	swait.ge [sflag:s23], $0x1  }
0xa9: {  	[sflag:s23] =	ssyncset.done $0x0  }
0xaa: {  	s25 =	simm.s32 $0x1B8E;
	s24 =	sld [smem:$0x3FFE];
	[sflag:s23] =	ssyncadd.s32 $0xFFFFFFFF  }
0xab: {  	s26 =	simm.s32 $execute0_lowered;
	[smem:$0x3FD2] =	sst s25  }
0xac: {  	s5 =	sshll.u32 s26, $0x1;
	_ =	strace $0x8000004F;
	[dreg:$0x1] =	wrdreg $0xFFFFFFFF  }
0xad: {  	s28 =	simm.s32 $_size_execute0_lowered;
	s3 =	sadd.s32 s3, s5;
	[dreg:$0x0] =	wrdreg $0x0  }
0xae: {  	s5 =	sshll.u32 s28, $0x1;
	[dreg:$0x2] =	wrdreg s3  }
0xaf: {  	[dreg:$0x3] =	wrdreg s5  }
0xb0: {  	[dreg:$0x4] =	wrdreg $0xC0  }
0xb1: {  	_ =	task [dreg:s7], $0x5FFFF  }
0xb2: {  	[dreg:$0x1] =	wrdreg $0xFFFFFFFF  }
0xb3: {  	[dreg:$0x0] =	wrdreg $0x60  }
0xb4: {  	[dreg:$0x2] =	wrdreg s24  }
0xb5: {  	[dreg:$0x3] =	wrdreg s16  }
0xb6: {  	[dreg:$0x4] =	wrdreg $0x0  }
0xb7: {  	[dreg:$0x5] =	wrdreg $0x9  }
0xb8: {  	_ =	task.clear_ibuf [dreg:s7], $0x6FFFF;
	_ =	strace $0x9000004F  }
0xb9: {  	s29 =	simm.s32 $0x9;
	_ =	strace $0x80000051  }
0xba: {  	_ =	swait.ge [sflag:s29], $0x1  }
0xbb: {  	[sflag:s29] =	ssyncadd.s32 $0xFFFFFFFF  }
0xbc: {  	_ =	strace $0x90000051  }
0xbd: {  	_ =	sfence  }
0xbe: {  	s30 =	sld [smem:$0x0];
	_ =	sdelay $0x2  }
0xbf: {  	s31 =	sshll.u32 s1, $0xD;
	s1 =	sshrl.u32 s1, $0x2  }
0xc0: {  	s3 =	sand.u32 $0x4000, s31;
	s1 =	sadd.s32 s1, s30  }
0xc1: {  	s0 =	sor.u32 s3, s0;
	s1 =	sshll.u32 s1, $0x11  }
0xc2: {  	s0 =	sor.u32 s1, s0  }
0xc3: {  	s0 =	sadd.s32 $0x8F2B, s0  }
0xc4: {  	[sflag:s0] =	ssyncadd.remote.s32 $0x1  }
0xc5: {  	_ =	sfence.sel $0xFFFF  }
0xc6: {  	[dreg:$0x0] =	wrdreg $0xFFFFFFFF;
	(pc) =	sbr.abs _section_cstart, $3  }
0xc7: {  	[dreg:$0x1] =	wrdreg $0xFFFFFFFF  }
0xc8: {  	_ =	task.clear_ibuf [dreg:s7], $0x2FFFF;
	_ =	strace $0x9FFFFFFF  }
0xc9: {  	(tm) =	ssettm $0x7FFFFFFF  }
tec
execute0_lowered:
.L_overlay_start_1:
0x0: {  	(tag) =	ssettag $0x1  }
0x1: {  	s0 =	rddreg [dreg:$0x0]  }
0x2: {  	s2 =	rddreg [dreg:$0x1]  }
0x3: {  	s3 =	rddreg [dreg:$0x2]  }
0x4: {  	s11 =	stileid.u32;
	s1 =	srdreg.scid;
	s5 =	simm.s32 $0x0  }
0x5: {  	s15 =	simm.s32 $0x80;
	s24 =	simm.s32 $0x1C080;
	s25 =	simm.s32 $0x1C180  }
0x6: {  	s26 =	simm.s32 $0x1C280;
	s28 =	simm.s32 $0x3;
	s29 =	simm.s32 $0x7  }
0x7: {  	s30 =	simm.s32 $0x2;
	s31 =	simm.s32 $0x4;
	s4 =	smul.u32 $0x2800, s11  }
0x8: {  	s1 =	sand.u32 $0x1, s1;
	[smem:$0x7FF] =	sst s5;
	s7 =	smul.u32 $0x50000, s11  }
0x9: {  	s5 =	sadd.s32 $0x2200, s0;
	s19 =	sshll.u32 s11, $0x6;
	s21 =	smul.u32 $0x500, s11  }
0xa: {  	s6 =	smul.u32 $0x28000, s1;
	_ =	strace $0x80000050;
	[dreg:$0x7] =	wrdreg s19  }
0xb: {  	s16 =	sshll.u32 s1, $0x4;
	s17 =	ssub.s32 $0x2, s1;
	[dreg:$0x4] =	wrdreg s24  }
0xc: {  	s1 =	smul.u32 $0x5000, s1;
	[dreg:$0x5] =	wrdreg s25;
	s24 =	simm.s32 $0x18000  }
0xd: {  	[dreg:$0x6] =	wrdreg s26;
	s25 =	simm.s32 $0x1C300;
	s26 =	simm.s32 $0x1  }
0xe: {  	s8 =	sadd.s32 s4, s0;
	s9 =	sshrl.u32 s17, $0x1;
	s7 =	sshrl.u32 s7, $0x2  }
0xf: {  	s4 =	sadd.s32 s4, s6;
	s6 =	sor.u32 s11, s16;
	s18 =	sadd.s32 s7, s3  }
0x10: {  	s8 =	sadd.s32 $0x2A200, s8;
	s13 =	sadd.s32 s21, s1;
	s16 =	simm.s32 $0x50000  }
0x11: {  	s21 =	simm.s32 $0x14000;
	s1 =	simm.s32 $0xA;
	s0 =	sadd.s32 s4, s0  }
0x12: {  	s10 =	smul.u32 $0x500, s6;
	s4 =	ssub.s32 s17, s9;
	[dreg:$0x9] =	wrdreg s8  }
0x13: {  	s6 =	sor.u32 $0x1C09, s19;
	s14 =	sshrl.u32 s18, $0x3;
	s17 =	simm.s32 $0x1C000  }
0x14: {  	s18 =	simm.s32 $0x1C100;
	[dreg:$0xa] =	wrdreg s6;
	s0 =	sadd.s32 $0xF2200, s0  }
0x15: {  	s23 =	smax.u32 s4, $0x1;
	s4 =	simm.s32 $0x0;
	[dreg:$0xc] =	wrdreg s0  }
0x16: {  	s20 =	sadd.s32 s2, s10;
	[dreg:$0xd] =	wrdreg s23;
	s23 =	simm.s32 $0x6  }
0x17: {  	s0 =	simm.s32 $0x8;
	[dreg:$0x8] =	wrdreg s20;
	s22 =	sadd.s32 $0x10, s20  }
0x18: {  	s20 =	simm.s32 $0x5;
	[dreg:$0xb] =	wrdreg s22;
	s22 =	simm.s32 $0x1C200  }
.LBB2_1:
0x19: {  	s6 =	rddreg [dreg:$0x9]  }
0x1a: {  	s7 =	rddreg [dreg:$0xa]  }
0x1b: {  	[spmem:s14], [sflag:s7] =	dma.local [hbm:s6], $0x2800  }
0x1c: {  	s6 =	rddreg [dreg:$0x8]  }
0x1d: {  	[tilespmem:s17], [sflag:$0x5] =	stream.strided.gather [hbm4b:s6+s15], $0x100, s16, s15, $0x38;
	[tilespmem:$0x1C400] =	vst v63  }
0x1e: {  	s10 =	simm.s32 $0x9;
	s9 =	rddreg [dreg:$0xb]  }
0x1f: {  	[tilespmem:s18], [sflag:$0x6] =	stream.strided.gather [hbm4b:s9+s15], $0x100, s16, s15, $0x38;
	[tilespmem:$0x1C400] =	vst v63  }
0x20: {  	_ =	swait.ge [sflag:s10], $0x2800  }
0x21: {  	p0 =	por $0x1, $0x1;
	[sflag:s10] =	ssyncset.done $0x0  }
0x22: {  	p0 =	por p0, p0;
	[sflag:s10] =	ssyncadd.s32 $0xFFFFD800  }
0x23: {  	s8 =	simm.s32 @!p0 $0x3;
	[bflag:$0x0] =	sbarrier.arrive $0xFFFF  }
0x24: {  	_ =	swait.ge @!p0 [sflag:s8], $0x4000  }
0x25: {  	[sflag:s8] =	ssyncset.done @!p0 $0x0  }
0x26: {  	s6 =	simm.s32 $0x0;
	[sflag:s8] =	ssyncadd.s32 @!p0 $0xFFFFC000  }
0x27: {  	s11 =	sadd.s32 $0x0, s13;
	s9 =	sand.u32 $0x40, s6;
	_ =	swait.ge [sflag:s20], $0x100  }
0x28: {  	s9 =	sadd.s32 s9, s2;
	s8 =	sand.u32 $0xFFFFF80, s11;
	[sflag:s20] =	ssyncset.done $0x0  }
0x29: {  	s8 =	sadd.s32 s8, s9;
	[sflag:s20] =	ssyncadd.s32 $0xFFFFFF00  }
0x2a: {  	[tilespmem:s21], [sflag:$0x1] =	stream.indirect.gather [hbm4b:s5+s15], $0x80, s17, s15, $0xb8;
	[tilespmem:$0x1C400] =	vst v63  }
0x2b: {  	s10 =	simm.s32 @!p0 $0x2;
	s9 =	sadd.s32 $0x20, s8  }
0x2c: {  	[tilespmem:s22], [sflag:$0x7] =	stream.strided.gather [hbm4b:s9+s15], $0x100, s16, s15, $0x38;
	[tilespmem:$0x1C400] =	vst v63  }
0x2d: {  	_ =	swait.ge @!p0 [sflag:s10], $0x4000  }
0x2e: {  	s11 =	simm.s32 @!p0 $0x1C380;
	[sflag:s10] =	ssyncset.done @!p0 $0x0  }
0x2f: {  	s9 =	simm.s32 @!p0 $0x18000;
	[sflag:s10] =	ssyncadd.s32 @!p0 $0xFFFFC000;
	s10 =	simm.s32 @!p0 $0x80  }
0x30: {  	[spmem:s3] =	stream.indirect.scatter.add.f32 @!p0 [tilespmem:s9], [sflag:$0x4], $0x80, s11, s10, $0xb8;
	[tilespmem:$0x1C400] =	vst v63  }
0x31: {  	s9 =	simm.s32 @!p0 $0x4  }
0x32: {  	_ =	swait.ge @!p0 [sflag:s9], $0x4000  }
0x33: {  	[sflag:s9] =	ssyncset.done @!p0 $0x0  }
0x34: {  	[sflag:s9] =	ssyncadd.s32 @!p0 $0xFFFFC000  }
0x35: {  	_ =	swait.ge [sflag:s23], $0x100  }
0x36: {  	[sflag:s23] =	ssyncset.done $0x0  }
0x37: {  	[sflag:s23] =	ssyncadd.s32 $0xFFFFFF00  }
0x38: {  	[tilespmem:s24], [sflag:$0x2] =	stream.indirect.gather [hbm4b:s5+s15], $0x80, s18, s15, $0xb8;
	[tilespmem:$0x1C400] =	vst v63  }
0x39: {  	s8 =	sadd.s32 $0x30, s8  }
0x3a: {  	[tilespmem:s25], [sflag:$0x8] =	stream.strided.gather [hbm4b:s8+s15], $0x100, s16, s15, $0x38;
	[tilespmem:$0x1C400] =	vst v63  }
0x3b: {  	_ =	swait.ge [sflag:s26], $0x4000  }
0x3c: {  	[sflag:s26] =	ssyncset.done $0x0  }
0x3d: {  	s12 =	rddreg [dreg:$0x4];
	[sflag:s26] =	ssyncadd.s32 $0xFFFFC000  }
0x3e: {  	[spmem:s3] =	stream.indirect.scatter.add.f32 [tilespmem:s21], [sflag:$0x3], $0x80, s12, s15, $0xb8;
	[tilespmem:$0x1C400] =	vst v63  }
0x3f: {  	_ =	swait.ge [sflag:s28], $0x4000  }
0x40: {  	p0 =	por $0x0, $0x0;
	[sflag:s28] =	ssyncset.done $0x0  }
0x41: {  	s9 =	simm.s32 @!p0 $0x50000;
	[sflag:s28] =	ssyncadd.s32 $0xFFFFC000  }
0x42: {  	s10 =	sxor.u32 @!p0 $0xFFFFFFFF, s6;
	s8 =	sadd.s32 @!p0 $0x0, s13;
	_ =	swait.ge [sflag:s29], $0x100  }
0x43: {  	s10 =	sand.u32 @!p0 $0x40, s10;
	s8 =	sadd.s32 @!p0 $0x40, s8;
	[sflag:s29] =	ssyncset.done $0x0  }
0x44: {  	s10 =	sadd.s32 @!p0 s2, s10;
	s8 =	sand.u32 @!p0 $0xFFFFF80, s8;
	[sflag:s29] =	ssyncadd.s32 $0xFFFFFF00  }
0x45: {  	[tilespmem:s21], [sflag:$0x1] =	stream.indirect.gather [hbm4b:s5+s15], $0x80, s22, s15, $0xb8;
	[tilespmem:$0x1C400] =	vst v63  }
0x46: {  	s11 =	simm.s32 @!p0 $0x1C000;
	s8 =	sadd.s32 @!p0 s8, s10;
	s10 =	simm.s32 @!p0 $0x80  }
0x47: {  	[tilespmem:s11], [sflag:$0x5] =	stream.strided.gather @!p0 [hbm4b:s8+s10], $0x100, s9, s10, $0x38;
	[tilespmem:$0x1C400] =	vst v63  }
0x48: {  	_ =	swait.ge [sflag:s30], $0x4000  }
0x49: {  	[sflag:s30] =	ssyncset.done $0x0  }
0x4a: {  	s19 =	rddreg [dreg:$0x5];
	[sflag:s30] =	ssyncadd.s32 $0xFFFFC000  }
0x4b: {  	[spmem:s3] =	stream.indirect.scatter.add.f32 [tilespmem:s24], [sflag:$0x4], $0x80, s19, s15, $0xb8;
	[tilespmem:$0x1C400] =	vst v63  }
0x4c: {  	_ =	swait.ge [sflag:s31], $0x4000  }
0x4d: {  	[sflag:s31] =	ssyncset.done $0x0  }
0x4e: {  	[sflag:s31] =	ssyncadd.s32 $0xFFFFC000  }
0x4f: {  	s8 =	simm.s32 @!p0 $0x50;
	_ =	swait.ge [sflag:s0], $0x100  }
0x50: {  	s11 =	sadd.s32 @!p0 $0x50, s13;
	s8 =	sand.u32 @!p0 $0x50, s8;
	[sflag:s0] =	ssyncset.done $0x0  }
0x51: {  	s11 =	sand.u32 @!p0 $0xFFFFF80, s11;
	s8 =	sadd.s32 @!p0 s2, s8;
	[sflag:s0] =	ssyncadd.s32 $0xFFFFFF00  }
0x52: {  	[tilespmem:s24], [sflag:$0x2] =	stream.indirect.gather [hbm4b:s5+s15], $0x80, s25, s15, $0xb8;
	[tilespmem:$0x1C400] =	vst v63  }
0x53: {  	s8 =	sadd.s32 @!p0 s11, s8;
	s11 =	simm.s32 @!p0 $0x1C100  }
0x54: {  	[tilespmem:s11], [sflag:$0x6] =	stream.strided.gather @!p0 [hbm4b:s8+s10], $0x100, s9, s10, $0x38;
	[tilespmem:$0x1C400] =	vst v63  }
0x55: {  	p6 =	por $0x0, $0x0;
	s8 =	simm.s32 $0x40  }
0x56: {  	s9 =	simm.s32 $0x80;
	p0 =	por p6, p6;
	_ =	swait.ge [sflag:s26], $0x4000  }
.LBB2_2:
0x57: {  	[sflag:s26] =	ssyncset.done $0x0  }
0x58: {  	s11 =	rddreg [dreg:$0x6];
	s12 =	simm.s32 @!p0 $0x3;
	[sflag:s26] =	ssyncadd.s32 $0xFFFFC000  }
0x59: {  	[spmem:s3] =	stream.indirect.scatter.add.f32 [tilespmem:s21], [sflag:$0x3], $0x80, s11, s15, $0xb8;
	[tilespmem:$0x1C400] =	vst v63  }
0x5a: {  	_ =	swait.ge @!p0 [sflag:s12], $0x4000  }
0x5b: {  	[sflag:s12] =	ssyncset.done @!p0 $0x0  }
0x5c: {  	[sflag:s12] =	ssyncadd.s32 @!p0 $0xFFFFC000  }
0x5d: {  	s6 =	sadd.s32 s8, s13;
	s7 =	sand.u32 $0x40, s8;
	_ =	swait.ge [sflag:s20], $0x100  }
0x5e: {  	s11 =	sand.u32 $0xFFFFF80, s6;
	s12 =	sadd.s32 s7, s2;
	[sflag:s20] =	ssyncset.done $0x0  }
0x5f: {  	s11 =	sadd.s32 s11, s12;
	[sflag:s20] =	ssyncadd.s32 $0xFFFFFF00  }
0x60: {  	[tilespmem:s21], [sflag:$0x1] =	stream.indirect.gather [hbm4b:s5+s15], $0x80, s17, s15, $0xb8;
	[tilespmem:$0x1C400] =	vst v63  }
0x61: {  	s6 =	simm.s32 @!p0 $0x2;
	s12 =	sadd.s32 $0x20, s11  }
0x62: {  	[tilespmem:s22], [sflag:$0x7] =	stream.strided.gather [hbm4b:s12+s15], $0x100, s16, s15, $0x38;
	[tilespmem:$0x1C400] =	vst v63  }
0x63: {  	_ =	swait.ge @!p0 [sflag:s6], $0x4000  }
0x64: {  	s19 =	simm.s32 @!p0 $0x1C380;
	s7 =	simm.s32 @!p0 $0x18000;
	[sflag:s6] =	ssyncset.done @!p0 $0x0  }
0x65: {  	s12 =	simm.s32 @!p0 $0x4;
	[sflag:s6] =	ssyncadd.s32 @!p0 $0xFFFFC000;
	s6 =	simm.s32 @!p0 $0x80  }
0x66: {  	[spmem:s3] =	stream.indirect.scatter.add.f32 @!p0 [tilespmem:s7], [sflag:$0x4], $0x80, s19, s6, $0xb8;
	[tilespmem:$0x1C400] =	vst v63  }
0x67: {  	_ =	swait.ge @!p0 [sflag:s12], $0x4000  }
0x68: {  	[sflag:s12] =	ssyncset.done @!p0 $0x0  }
0x69: {  	[sflag:s12] =	ssyncadd.s32 @!p0 $0xFFFFC000  }
0x6a: {  	_ =	swait.ge [sflag:s23], $0x100  }
0x6b: {  	[sflag:s23] =	ssyncset.done $0x0  }
0x6c: {  	[sflag:s23] =	ssyncadd.s32 $0xFFFFFF00  }
0x6d: {  	[tilespmem:s24], [sflag:$0x2] =	stream.indirect.gather [hbm4b:s5+s15], $0x80, s18, s15, $0xb8;
	[tilespmem:$0x1C400] =	vst v63  }
0x6e: {  	s11 =	sadd.s32 $0x30, s11  }
0x6f: {  	[tilespmem:s25], [sflag:$0x8] =	stream.strided.gather [hbm4b:s11+s15], $0x100, s16, s15, $0x38;
	[tilespmem:$0x1C400] =	vst v63  }
0x70: {  	_ =	swait.ge [sflag:s26], $0x4000  }
0x71: {  	[sflag:s26] =	ssyncset.done $0x0  }
0x72: {  	s12 =	rddreg [dreg:$0x4];
	[sflag:s26] =	ssyncadd.s32 $0xFFFFC000  }
0x73: {  	[spmem:s3] =	stream.indirect.scatter.add.f32 [tilespmem:s21], [sflag:$0x3], $0x80, s12, s15, $0xb8;
	[tilespmem:$0x1C400] =	vst v63  }
0x74: {  	p2 =	seq.s32 s9, $0x0;
	_ =	swait.ge [sflag:s28], $0x4000  }
0x75: {  	p0 =	por p2, p2;
	p2 =	seq.s32 s8, $0x4C0;
	[sflag:s28] =	ssyncset.done $0x0  }
0x76: {  	s6 =	sadd.s32 @!p2 s8, s13;
	[sflag:s28] =	ssyncadd.s32 $0xFFFFC000  }
0x77: {  	s7 =	simm.s32 @!p2 $0x50000;
	s11 =	sxor.u32 @!p2 $0xFFFFFFFF, s8;
	_ =	swait.ge [sflag:s29], $0x100  }
0x78: {  	s6 =	sadd.s32 @!p2 $0x40, s6;
	s11 =	sand.u32 @!p2 $0x40, s11;
	[sflag:s29] =	ssyncset.done $0x0  }
0x79: {  	s6 =	sand.u32 @!p2 $0xFFFFF80, s6;
	s11 =	sadd.s32 @!p2 s2, s11;
	[sflag:s29] =	ssyncadd.s32 $0xFFFFFF00  }
0x7a: {  	[tilespmem:s21], [sflag:$0x1] =	stream.indirect.gather [hbm4b:s5+s15], $0x80, s22, s15, $0xb8;
	[tilespmem:$0x1C400] =	vst v63  }
0x7b: {  	s6 =	sadd.s32 @!p2 s6, s11;
	s11 =	simm.s32 @!p2 $0x80;
	s12 =	simm.s32 @!p2 $0x1C000  }
0x7c: {  	[tilespmem:s12], [sflag:$0x5] =	stream.strided.gather @!p2 [hbm4b:s6+s11], $0x100, s7, s11, $0x38;
	[tilespmem:$0x1C400] =	vst v63  }
0x7d: {  	s10 =	smov.u32 s9;
	s19 =	sadd.s32 @!p2 $0x50, s8;
	_ =	swait.ge [sflag:s30], $0x4000  }
0x7e: {  	s8 =	smov.u32 s10;
	s10 =	sand.u32 @!p2 $0x50, s19;
	[sflag:s30] =	ssyncset.done $0x0  }
0x7f: {  	s6 =	sadd.s32 @!p2 s13, s19;
	s19 =	rddreg [dreg:$0x5];
	[sflag:s30] =	ssyncadd.s32 $0xFFFFC000  }
0x80: {  	[spmem:s3] =	stream.indirect.scatter.add.f32 [tilespmem:s24], [sflag:$0x4], $0x80, s19, s15, $0xb8;
	[tilespmem:$0x1C400] =	vst v63  }
0x81: {  	_ =	swait.ge [sflag:s31], $0x4000  }
0x82: {  	[sflag:s31] =	ssyncset.done $0x0  }
0x83: {  	[sflag:s31] =	ssyncadd.s32 $0xFFFFC000  }
0x84: {  	s9 =	sadd.s32 $0x40, s9;
	_ =	swait.ge [sflag:s0], $0x100  }
0x85: {  	p1 =	sne.s32 s9, $0x500;
	s10 =	sadd.s32 @!p2 s2, s10;
	[sflag:s0] =	ssyncset.done $0x0  }
.Ltmp0:
0x86: {  	s6 =	sand.u32 @!p2 $0xFFFFF80, s6;
	[sflag:s0] =	ssyncadd.s32 $0xFFFFFF00;
	(pc) =	sbr.rel @p1 .LBB2_2-.Ltmp0, $4  }
0x87: {  	[tilespmem:s24], [sflag:$0x2] =	stream.indirect.gather [hbm4b:s5+s15], $0x80, s25, s15, $0xb8;
	[tilespmem:$0x1C400] =	vst v63  }
0x88: {  	s6 =	sadd.s32 @!p2 s6, s10;
	s10 =	simm.s32 @!p2 $0x1C100  }
0x89: {  	[tilespmem:s10], [sflag:$0x6] =	stream.strided.gather @!p2 [hbm4b:s6+s11], $0x100, s7, s11, $0x38;
	[tilespmem:$0x1C400] =	vst v63  }
0x8a: {  	_ =	swait.ge [sflag:s26], $0x4000  }
0x8b: {  	[sflag:s26] =	ssyncset.done $0x0  }
0x8c: {  	s6 =	rddreg [dreg:$0x6];
	s7 =	simm.s32 @!p0 $0x3;
	[sflag:s26] =	ssyncadd.s32 $0xFFFFC000  }
0x8d: {  	[spmem:s3] =	stream.indirect.scatter.add.f32 [tilespmem:s21], [sflag:$0x3], $0x80, s6, s15, $0xb8;
	[tilespmem:$0x1C400] =	vst v63  }
0x8e: {  	_ =	swait.ge @!p0 [sflag:s7], $0x4000  }
0x8f: {  	[sflag:s7] =	ssyncset.done @!p0 $0x0  }
0x90: {  	[sflag:s7] =	ssyncadd.s32 @!p0 $0xFFFFC000  }
0x91: {  	s10 =	sadd.s32 s8, s13;
	s11 =	sand.u32 $0x40, s8;
	_ =	swait.ge [sflag:s20], $0x100  }
0x92: {  	s6 =	sand.u32 $0xFFFFF80, s10;
	s7 =	sadd.s32 s11, s2;
	[sflag:s20] =	ssyncset.done $0x0  }
0x93: {  	s6 =	sadd.s32 s6, s7;
	[sflag:s20] =	ssyncadd.s32 $0xFFFFFF00  }
0x94: {  	[tilespmem:s21], [sflag:$0x1] =	stream.indirect.gather [hbm4b:s5+s15], $0x80, s17, s15, $0xb8;
	[tilespmem:$0x1C400] =	vst v63  }
0x95: {  	s9 =	simm.s32 @!p0 $0x2;
	s7 =	sadd.s32 $0x20, s6  }
0x96: {  	[tilespmem:s22], [sflag:$0x7] =	stream.strided.gather [hbm4b:s7+s15], $0x100, s16, s15, $0x38;
	[tilespmem:$0x1C400] =	vst v63  }
0x97: {  	_ =	swait.ge @!p0 [sflag:s9], $0x4000  }
0x98: {  	s10 =	simm.s32 @!p0 $0x1C380;
	[sflag:s9] =	ssyncset.done @!p0 $0x0  }
0x99: {  	s7 =	simm.s32 @!p0 $0x18000;
	[sflag:s9] =	ssyncadd.s32 @!p0 $0xFFFFC000;
	s9 =	simm.s32 @!p0 $0x80  }
0x9a: {  	[spmem:s3] =	stream.indirect.scatter.add.f32 @!p0 [tilespmem:s7], [sflag:$0x4], $0x80, s10, s9, $0xb8;
	[tilespmem:$0x1C400] =	vst v63  }
0x9b: {  	s7 =	simm.s32 @!p0 $0x4  }
0x9c: {  	_ =	swait.ge @!p0 [sflag:s7], $0x4000  }
0x9d: {  	[sflag:s7] =	ssyncset.done @!p0 $0x0  }
0x9e: {  	[sflag:s7] =	ssyncadd.s32 @!p0 $0xFFFFC000  }
0x9f: {  	_ =	swait.ge [sflag:s23], $0x100  }
0xa0: {  	[sflag:s23] =	ssyncset.done $0x0  }
0xa1: {  	[sflag:s23] =	ssyncadd.s32 $0xFFFFFF00  }
0xa2: {  	[tilespmem:s24], [sflag:$0x2] =	stream.indirect.gather [hbm4b:s5+s15], $0x80, s18, s15, $0xb8;
	[tilespmem:$0x1C400] =	vst v63  }
0xa3: {  	s6 =	sadd.s32 $0x30, s6  }
0xa4: {  	[tilespmem:s25], [sflag:$0x8] =	stream.strided.gather [hbm4b:s6+s15], $0x100, s16, s15, $0x38;
	[tilespmem:$0x1C400] =	vst v63  }
0xa5: {  	_ =	swait.ge [sflag:s26], $0x4000  }
0xa6: {  	[sflag:s26] =	ssyncset.done $0x0  }
0xa7: {  	s12 =	rddreg [dreg:$0x4];
	[sflag:s26] =	ssyncadd.s32 $0xFFFFC000  }
0xa8: {  	[spmem:s3] =	stream.indirect.scatter.add.f32 [tilespmem:s21], [sflag:$0x3], $0x80, s12, s15, $0xb8;
	[tilespmem:$0x1C400] =	vst v63  }
0xa9: {  	_ =	swait.ge [sflag:s28], $0x4000  }
0xaa: {  	p0 =	seq.s32 s8, $0x4C0;
	[sflag:s28] =	ssyncset.done $0x0  }
0xab: {  	s7 =	simm.s32 @!p0 $0x50000;
	[sflag:s28] =	ssyncadd.s32 $0xFFFFC000  }
0xac: {  	s9 =	sxor.u32 @!p0 $0xFFFFFFFF, s8;
	s6 =	sadd.s32 @!p0 s8, s13;
	_ =	swait.ge [sflag:s29], $0x100  }
0xad: {  	s9 =	sand.u32 @!p0 $0x40, s9;
	s6 =	sadd.s32 @!p0 $0x40, s6;
	[sflag:s29] =	ssyncset.done $0x0  }
0xae: {  	s9 =	sadd.s32 @!p0 s2, s9;
	s6 =	sand.u32 @!p0 $0xFFFFF80, s6;
	[sflag:s29] =	ssyncadd.s32 $0xFFFFFF00  }
0xaf: {  	[tilespmem:s21], [sflag:$0x1] =	stream.indirect.gather [hbm4b:s5+s15], $0x80, s22, s15, $0xb8;
	[tilespmem:$0x1C400] =	vst v63  }
0xb0: {  	s10 =	simm.s32 @!p0 $0x1C000;
	s6 =	sadd.s32 @!p0 s6, s9;
	s9 =	simm.s32 @!p0 $0x80  }
0xb1: {  	[tilespmem:s10], [sflag:$0x5] =	stream.strided.gather @!p0 [hbm4b:s6+s9], $0x100, s7, s9, $0x38;
	[tilespmem:$0x1C400] =	vst v63  }
0xb2: {  	_ =	swait.ge [sflag:s30], $0x4000  }
0xb3: {  	[sflag:s30] =	ssyncset.done $0x0  }
0xb4: {  	s19 =	rddreg [dreg:$0x5];
	[sflag:s30] =	ssyncadd.s32 $0xFFFFC000  }
0xb5: {  	[spmem:s3] =	stream.indirect.scatter.add.f32 [tilespmem:s24], [sflag:$0x4], $0x80, s19, s15, $0xb8;
	[tilespmem:$0x1C400] =	vst v63  }
0xb6: {  	_ =	swait.ge [sflag:s31], $0x4000  }
0xb7: {  	[sflag:s31] =	ssyncset.done $0x0  }
0xb8: {  	[sflag:s31] =	ssyncadd.s32 $0xFFFFC000  }
0xb9: {  	s6 =	sadd.s32 @!p0 $0x50, s8;
	_ =	swait.ge [sflag:s0], $0x100  }
0xba: {  	s8 =	sadd.s32 @!p0 s13, s6;
	s6 =	sand.u32 @!p0 $0x50, s6;
	[sflag:s0] =	ssyncset.done $0x0  }
0xbb: {  	s8 =	sand.u32 @!p0 $0xFFFFF80, s8;
	s6 =	sadd.s32 @!p0 s2, s6;
	[sflag:s0] =	ssyncadd.s32 $0xFFFFFF00  }
0xbc: {  	[tilespmem:s24], [sflag:$0x2] =	stream.indirect.gather [hbm4b:s5+s15], $0x80, s25, s15, $0xb8;
	[tilespmem:$0x1C400] =	vst v63  }
0xbd: {  	s6 =	sadd.s32 @!p0 s8, s6;
	s8 =	simm.s32 @!p0 $0x1C100  }
0xbe: {  	[tilespmem:s8], [sflag:$0x6] =	stream.strided.gather @!p0 [hbm4b:s6+s9], $0x100, s7, s9, $0x38;
	[tilespmem:$0x1C400] =	vst v63  }
0xbf: {  	_ =	swait.ge [sflag:s26], $0x4000  }
0xc0: {  	[sflag:s26] =	ssyncset.done $0x0  }
0xc1: {  	s9 =	rddreg [dreg:$0x6];
	[sflag:s26] =	ssyncadd.s32 $0xFFFFC000  }
0xc2: {  	[spmem:s3] =	stream.indirect.scatter.add.f32 [tilespmem:s21], [sflag:$0x3], $0x80, s9, s15, $0xb8;
	[tilespmem:$0x1C400] =	vst v63  }
0xc3: {  	_ =	swait.ge [sflag:s30], $0x4000  }
0xc4: {  	[sflag:s30] =	ssyncset.done $0x0  }
0xc5: {  	s10 =	simm.s32 $0x1C380;
	[sflag:s30] =	ssyncadd.s32 $0xFFFFC000  }
0xc6: {  	[spmem:s3] =	stream.indirect.scatter.add.f32 [tilespmem:s24], [sflag:$0x4], $0x80, s10, s15, $0xb8;
	[tilespmem:$0x1C400] =	vst v63  }
0xc7: {  	_ =	swait.ge [sflag:s28], $0x4000  }
0xc8: {  	[sflag:s28] =	ssyncset.done $0x0  }
0xc9: {  	[sflag:s28] =	ssyncadd.s32 $0xFFFFC000  }
0xca: {  	_ =	swait.ge [sflag:s31], $0x4000  }
0xcb: {  	[sflag:s31] =	ssyncset.done $0x0  }
0xcc: {  	[sflag:s31] =	ssyncadd.s32 $0xFFFFC000  }
0xcd: {  	[bflag:$0x0] =	sbarrier.arrive $0xFFFF  }
0xce: {  	s11 =	rddreg [dreg:$0x7]  }
0xcf: {  	s12 =	rddreg [dreg:$0xc];
	s6 =	sor.u32 $0x1C0A, s11  }
0xd0: {  	[hbm:s12], [sflag:s6] =	dma.local [spmem:s14], $0x2800  }
0xd1: {  	_ =	swait.ge [sflag:s1], $0x2800  }
0xd2: {  	s4 =	sadd.s32 $0x1, s4;
	s19 =	rddreg [dreg:$0xd]  }
0xd3: {  	p0 =	sne.s32 s4, s19  }
.Ltmp1:
0xd4: {  	_ = 	snop;
	(pc) =	sbr.rel @p0 .LBB2_1-.Ltmp1, $3  }
0xd5: {  	_ =	sdelay $0x1  }
0xd6: {  	[sflag:s1] =	ssyncset.done $0x0  }
0xd7: {  	[sflag:s1] =	ssyncadd.s32 $0xFFFFD800  }
0xd8: {  	_ =	sfence.sel $0x180000  }
0xd9: {  	[bflag:$0x0] =	sbarrier.arrive $0xFFFF  }
0xda: {  	_ =	strace $0x90000050  }
0xdb: {  	s0 =	stileid.u32;
	[bflag:$0x2] =	sbarrier.arrive $0xFFFF  }
0xdc: {  	p0 =	sne.s32 s0, $0x0;
	s0 =	rddreg [dreg:$0x3]  }
0xdd: {  	s0 =	sadd.s32 @!p0 $0x100000, s0  }
0xde: {  	[sflag:s0] =	ssyncadd.tile.s32 @!p0 $0x1;
	_ =	shalt  }
.Lfunc_end2:
_tile_overlayer_lowered:
.L_overlay_start_2:
0xdf: {  	(tag) =	ssettag $0x2  }
0xe0: {  	s0 =	rddreg [dreg:$0x0];
	s2 =	stileid.u32  }
0xe1: {  	s1 =	rddreg [dreg:$0x1];
	p0 =	sne.s32 s2, $0x0  }
0xe2: {  	s3 =	rddreg [dreg:$0x2];
	[bflag:$0x3] =	sbarrier.arrive $0xFFFF;
	s2 =	simm.s32 @!p0 $0x1C0A  }
0xe3: {  	[timem:s3], [sflag:s2] =	dma.local @!p0 [hbm:s0], s1  }
0xe4: {  	s0 =	simm.s32 @!p0 $0xA  }
0xe5: {  	_ =	swait.ge @!p0 [sflag:s0], s1  }
0xe6: {  	s1 =	ssub.s32 @!p0 $0x0, s1;
	[sflag:s0] =	ssyncset.done @!p0 $0x0  }
0xe7: {  	[sflag:s0] =	ssyncadd.s32 @!p0 s1  }
0xe8: {  	[bflag:$0x3] =	sbarrier.arrive $0xFFFF  }
0xe9: {  	_ =	shalt  }

</sc_bundles>
